<compile_context>
chip_gen: v7x
topology: tpu7x:2x2x1
jax: 0.10.2.dev20260603
libtpu: 0.0.44.dev20260713+nightly
codegen_flags: <defaults>
</compile_context>

<pallas_src>
import functools
import jax
import jax.numpy as jnp
from jax import lax
from jax.experimental import pallas as pl
from jax.experimental.pallas import tpu as pltpu
from jax.experimental.pallas import tpu_sc as plsc

B = 32
N = 1024
KNB = 16
BN = B * N
DPAD = 128

_F32 = jnp.float32
_BF16 = jnp.bfloat16
_BIG = 3.0e38


def _knn_body(q_ref, c_ref, idx_ref, *, rb, boff):
    q = q_ref[0]
    c = c_ref[0]
    csq = jnp.sum(c * c, axis=1, keepdims=True)
    dn = (((1,), (1,)), ((), ()))
    g = lax.dot_general(q.astype(_BF16), c.astype(_BF16), dn,
                        preferred_element_type=_F32)
    ones = jnp.ones((rb, 1), _F32)
    ccb = lax.dot_general(ones, csq, dn, precision=lax.Precision.HIGHEST,
                          preferred_element_type=_F32)
    work = ccb - 2.0 * g
    colid = lax.broadcasted_iota(jnp.int32, (rb, N), 1).astype(_F32)
    base = (pl.program_id(0) + boff) * N
    cols = []
    for _ in range(KNB):
        m = jnp.min(work, axis=1, keepdims=True)
        cand = jnp.where(work == m, colid, 1.0e9)
        a = jnp.min(cand, axis=1, keepdims=True)
        cols.append(a)
        work = jnp.where(cand == a, _BIG, work)
    idx_ref[0] = jnp.concatenate(cols, axis=1).astype(jnp.int32) + base


def _knn_topk(h3, boff, nb):
    d = h3.shape[2]
    rb = 512
    grid = (nb, N // rb)
    return pl.pallas_call(
        functools.partial(_knn_body, rb=rb, boff=boff),
        grid=grid,
        in_specs=[
            pl.BlockSpec((1, rb, d), lambda b, r: (b + boff, r, 0)),
            pl.BlockSpec((1, N, d), lambda b, r: (b + boff, 0, 0)),
        ],
        out_specs=pl.BlockSpec((1, rb, KNB), lambda b, r: (b, r, 0)),
        out_shape=jax.ShapeDtypeStruct((nb, N, KNB), jnp.int32),
    )(h3, h3)


_GC = 128


def _sc_gather_body(n_edges, tab_hbm, idx_hbm, out_hbm,
                    idx_a, idx_b, rows_a, rows_b, sem_a, sem_b):
    nc = 2
    wid = lax.axis_index("s") * nc + lax.axis_index("c")
    per_w = n_edges // 32
    base = wid * per_w
    nch = per_w // _GC
    slots = ((idx_a, rows_a, sem_a), (idx_b, rows_b, sem_b))

    pltpu.sync_copy(idx_hbm.at[pl.ds(base, _GC)], idx_a)
    pltpu.async_copy(tab_hbm.at[idx_a], rows_a, sem_a)

    def body(j, carry):
        for b in (0, 1):
            i = 2 * j + b
            idx_c, rows_c, sem_c = slots[b]
            idx_n, rows_n, sem_n = slots[1 - b]

            @pl.when(i + 1 < nch)
            def _():
                eb_n = base + (i + 1) * _GC
                pltpu.sync_copy(idx_hbm.at[pl.ds(eb_n, _GC)], idx_n)
                pltpu.async_copy(tab_hbm.at[idx_n], rows_n, sem_n)

            pltpu.make_async_copy(tab_hbm.at[idx_c], rows_c, sem_c).wait()
            pltpu.sync_copy(rows_c, out_hbm.at[pl.ds(base + i * _GC, _GC)])
        return carry

    lax.fori_loop(0, nch // 2, body, 0)


@functools.lru_cache(maxsize=None)
def _make_sc_gather(n_edges):
    mesh = plsc.VectorSubcoreMesh(core_axis_name="c", subcore_axis_name="s")
    return pl.kernel(
        functools.partial(_sc_gather_body, n_edges),
        out_type=jax.ShapeDtypeStruct((n_edges, DPAD), _F32),
        mesh=mesh,
        scratch_types=[
            pltpu.VMEM((_GC,), jnp.int32),
            pltpu.VMEM((_GC,), jnp.int32),
            pltpu.VMEM((_GC, DPAD), _F32),
            pltpu.VMEM((_GC, DPAD), _F32),
            pltpu.SemaphoreType.DMA,
            pltpu.SemaphoreType.DMA,
        ],
    )


def _sc_gather(table, idx_flat):
    return _make_sc_gather(idx_flat.shape[0])(table, idx_flat)


def _edgeconv_body(xj_ref, h_ref, th_ref, ph_ref, o_ref):
    xi = h_ref[...]
    thb = th_ref[...].astype(_BF16)
    phb = ph_ref[...].astype(_BF16)
    dn = (((1,), (1,)), ((), ()))
    p = lax.dot_general(xi.astype(_BF16), phb, dn, preferred_element_type=_F32)
    m = None
    for k in range(KNB):
        d = (xj_ref[k] - xi).astype(_BF16)
        mk = lax.dot_general(d, thb, dn, preferred_element_type=_F32)
        m = mk if m is None else jnp.maximum(m, mk)
    out = m + p
    o_ref[...] = jnp.where(out >= 0.0, out, 0.2 * out)


def _edgeconv(xj, h_pad, th_pad, ph_pad, roff, nrows):
    dout_pad = th_pad.shape[0]
    rb = 256
    grid = (nrows // rb,)
    ro = roff // rb
    xj3 = xj.reshape(KNB, nrows, DPAD)
    return pl.pallas_call(
        _edgeconv_body,
        grid=grid,
        in_specs=[
            pl.BlockSpec((KNB, rb, DPAD), lambda i: (0, i, 0)),
            pl.BlockSpec((rb, DPAD), lambda i: (i + ro, 0)),
            pl.BlockSpec((dout_pad, DPAD), lambda i: (0, 0)),
            pl.BlockSpec((dout_pad, DPAD), lambda i: (0, 0)),
        ],
        out_specs=pl.BlockSpec((rb, dout_pad), lambda i: (i, 0)),
        out_shape=jax.ShapeDtypeStruct((nrows, dout_pad), _F32),
    )(xj3, h_pad, th_pad, ph_pad)


def _proj_pool_body(h1_ref, h2_ref, h3_ref, h4_ref, w_ref, b_ref,
                    pmax_ref, pavg_ref):
    hcat = jnp.concatenate(
        [h1_ref[0][:, :64], h2_ref[0][:, :64], h3_ref[0], h4_ref[0]],
        axis=1)
    dn = (((1,), (1,)), ((), ()))
    pr = lax.dot_general(hcat.astype(_BF16), w_ref[...].astype(_BF16), dn,
                         preferred_element_type=_F32)
    pr = pr + b_ref[...]
    pmax_ref[0] = jnp.max(pr, axis=0, keepdims=True)
    pavg_ref[0] = jnp.sum(pr, axis=0, keepdims=True) * (1.0 / N)


def _proj_pool(hs, proj_w, proj_b):
    dproj, dcat = proj_w.shape
    nb = hs[0].shape[0]
    dims = [h.shape[2] for h in hs]
    specs = [pl.BlockSpec((1, N, d), lambda b: (b, 0, 0)) for d in dims]
    return pl.pallas_call(
        _proj_pool_body,
        grid=(nb,),
        in_specs=specs + [
            pl.BlockSpec((dproj, dcat), lambda b: (0, 0)),
            pl.BlockSpec((1, dproj), lambda b: (0, 0)),
        ],
        out_specs=[
            pl.BlockSpec((1, 1, dproj), lambda b: (b, 0, 0)),
            pl.BlockSpec((1, 1, dproj), lambda b: (b, 0, 0)),
        ],
        out_shape=[
            jax.ShapeDtypeStruct((nb, 1, dproj), _F32),
            jax.ShapeDtypeStruct((nb, 1, dproj), _F32),
        ],
    )(*hs, proj_w, proj_b.reshape(1, dproj))


def _mlp_body(pmax_ref, pavg_ref, w0_ref, b0_ref, g0_ref, bb0_ref,
              w1_ref, b1_ref, g1_ref, bb1_ref, wo_ref, bo_ref, out_ref):
    h = jnp.concatenate([pmax_ref[...], pavg_ref[...]], axis=1)
    dn = (((1,), (1,)), ((), ()))

    def block(h, w_ref, b_ref, g_ref, bb_ref):
        h = lax.dot_general(h.astype(_BF16), w_ref[...].astype(_BF16), dn,
                            preferred_element_type=_F32)
        h = h + b_ref[...]
        mean = jnp.sum(h, axis=0, keepdims=True) * (1.0 / B)
        d = h - mean
        var = jnp.sum(d * d, axis=0, keepdims=True) * (1.0 / B)
        h = d / jnp.sqrt(var + 1e-5) * g_ref[...] + bb_ref[...]
        return jnp.where(h >= 0.0, h, 0.2 * h)

    h = block(h, w0_ref, b0_ref, g0_ref, bb0_ref)
    h = block(h, w1_ref, b1_ref, g1_ref, bb1_ref)
    out = lax.dot_general(h.astype(_BF16), wo_ref[...].astype(_BF16), dn,
                          preferred_element_type=_F32)
    out_ref[...] = out + bo_ref[...]


def _mlp_head(pmax, pavg, emb_w_0, emb_b_0, bn_g_0, bn_b_0,
              emb_w_1, emb_b_1, bn_g_1, bn_b_1, out_w, out_b):
    args = [
        pmax, pavg,
        emb_w_0, emb_b_0.reshape(1, -1), bn_g_0.reshape(1, -1),
        bn_b_0.reshape(1, -1),
        emb_w_1, emb_b_1.reshape(1, -1), bn_g_1.reshape(1, -1),
        bn_b_1.reshape(1, -1),
        out_w, out_b.reshape(1, -1),
    ]
    nclass = out_w.shape[0]
    return pl.pallas_call(
        _mlp_body,
        out_shape=jax.ShapeDtypeStruct((B, nclass), _F32),
    )(*args)


def _pad_w(w):
    dout, din = w.shape
    dout_pad = 128 if dout < 128 else dout
    return jnp.pad(w, ((0, dout_pad - dout), (0, DPAD - din)))


@jax.jit
def kernel(x, theta_0, phi_0, theta_1, phi_1, theta_2, phi_2, theta_3, phi_3,
           proj_w, proj_b, emb_w_0, emb_b_0, bn_g_0, bn_b_0,
           emb_w_1, emb_b_1, bn_g_1, bn_b_1, out_w, out_b):
    thetas = [_pad_w(w) for w in (theta_0, theta_1, theta_2, theta_3)]
    phis = [_pad_w(w) for w in (phi_0, phi_1, phi_2, phi_3)]
    h_pad = jnp.pad(x.reshape(BN, 3), ((0, 0), (0, DPAD - 3)))
    hs = []
    hb = B // 2
    for li in range(4):
        h3 = h_pad.reshape(B, N, DPAD)
        idx0 = _knn_topk(h3, 0, hb)
        xj0 = _sc_gather(h_pad, idx0.transpose(2, 0, 1).reshape(-1))
        idx1 = _knn_topk(h3, hb, hb)
        xj1 = _sc_gather(h_pad, idx1.transpose(2, 0, 1).reshape(-1))
        ho0 = _edgeconv(xj0, h_pad, thetas[li], phis[li], 0, hb * N)
        ho1 = _edgeconv(xj1, h_pad, thetas[li], phis[li], hb * N, hb * N)
        h_out = jnp.concatenate([ho0, ho1], axis=0)
        hs.append(h_out.reshape(B, N, -1))
        if li < 3:
            h_pad = h_out[:, :DPAD] if h_out.shape[1] > DPAD else h_out
    pmax, pavg = _proj_pool(hs, proj_w, proj_b)
    pmax = pmax.reshape(B, -1)
    pavg = pavg.reshape(B, -1)
    return _mlp_head(pmax, pavg, emb_w_0, emb_b_0, bn_g_0, bn_b_0,
                     emb_w_1, emb_b_1, bn_g_1, bn_b_1, out_w, out_b)

# --- scband reference (transcript-rebuilt; emitter-appended) ---
"""Pipeline reference for scband-model-37529424232711 (READ-ONLY COPY).

The authoritative reference and input builder live on the scoring server;
editing this copy changes nothing except your own understanding.
"""

import jax, jax.numpy as jnp
import numpy as np
from functools import partial

K = 16
INPUT_DIMS = 3
FEATURE_DIMS = [64, 64, 128, 256]
EMB_DIMS = [1024, 512, 256]
OUTPUT_CLASSES = 40


def knn_graph(h, k):
    # h: [B, N, D] -> edge_index per batch flattened: src,dst int32 [B*N*k]
    # kNN by euclidean distance, self excluded is NOT done by dgl KNNGraph (it includes self),
    # dgl.nn KNNGraph includes the point itself among neighbors.
    B, N, D = h.shape
    d2 = jnp.sum(h * h, axis=-1, keepdims=True) - 2.0 * jnp.einsum('bnd,bmd->bnm', h, h) + jnp.sum(h * h, axis=-1)[:, None, :]
    # neighbors: for each dst node, top-k smallest distances -> sources
    neg = -d2
    _, idx = jax.lax.top_k(neg, k)  # [B, N, k] indices of neighbors (includes self)
    offsets = (jnp.arange(B) * N)[:, None, None]
    src = (idx + offsets).reshape(-1)
    dst = (jnp.broadcast_to(jnp.arange(N)[None, :, None], (B, N, k)) + offsets).reshape(-1)
    return src.astype(jnp.int32), dst.astype(jnp.int32)


def edge_conv(h_flat, src, dst, theta_w, phi_w, num_nodes):
    x_j = h_flat[src]
    x_i = h_flat[dst]
    msg = (x_j - x_i) @ theta_w.T + x_i @ phi_w.T
    out = jnp.full((num_nodes, msg.shape[-1]), -jnp.inf, dtype=msg.dtype)
    out = out.at[dst].max(msg)
    out = jnp.where(jnp.isneginf(out), 0.0, out)
    return out


def leaky_relu(x, slope=0.2):
    return jnp.where(x >= 0, x, slope * x)


def setup_inputs(seed: int = 0) -> dict:
    key = jax.random.key(seed)
    ks = jax.random.split(key, 32)
    inp = {"x": jax.random.normal(ks[0], (32, 1024, INPUT_DIMS), dtype=jnp.float32)}
    i = 1
    dims_in = [INPUT_DIMS] + FEATURE_DIMS[:-1]
    for li, (din, dout) in enumerate(zip(dims_in, FEATURE_DIMS)):
        inp[f"theta_{li}"] = jax.random.normal(ks[i], (dout, din), dtype=jnp.float32) * 0.05; i += 1
        inp[f"phi_{li}"] = jax.random.normal(ks[i], (dout, din), dtype=jnp.float32) * 0.05; i += 1
    inp["proj_w"] = jax.random.normal(ks[i], (EMB_DIMS[0], sum(FEATURE_DIMS)), dtype=jnp.float32) * 0.02; i += 1
    inp["proj_b"] = jnp.zeros((EMB_DIMS[0],), dtype=jnp.float32)
    emb_in = [EMB_DIMS[0] * 2] + EMB_DIMS[1:-1]
    for li, (din, dout) in enumerate(zip(emb_in, EMB_DIMS[1:])):
        inp[f"emb_w_{li}"] = jax.random.normal(ks[i], (dout, din), dtype=jnp.float32) * 0.02; i += 1
        inp[f"emb_b_{li}"] = jnp.zeros((dout,), dtype=jnp.float32)
        inp[f"bn_g_{li}"] = jnp.ones((dout,), dtype=jnp.float32)
        inp[f"bn_b_{li}"] = jnp.zeros((dout,), dtype=jnp.float32)
    inp["out_w"] = jax.random.normal(ks[i], (OUTPUT_CLASSES, EMB_DIMS[-1]), dtype=jnp.float32) * 0.02
    inp["out_b"] = jnp.zeros((OUTPUT_CLASSES,), dtype=jnp.float32)
    return inp


def reference(x, theta_0, phi_0, theta_1, phi_1, theta_2, phi_2, theta_3, phi_3,
              proj_w, proj_b, emb_w_0, emb_b_0, bn_g_0, bn_b_0,
              emb_w_1, emb_b_1, bn_g_1, bn_b_1, out_w, out_b):
    inp = dict(locals())
    x = inp["x"]
    B, N, _ = x.shape
    h = x
    hs = []
    for li in range(len(FEATURE_DIMS)):
        src, dst = knn_graph(h, K)
        h_flat = h.reshape(B * N, -1)
        h_flat = edge_conv(h_flat, src, dst, inp[f"theta_{li}"], inp[f"phi_{li}"], B * N)
        h_flat = leaky_relu(h_flat)
        h = h_flat.reshape(B, N, -1)
        hs.append(h)
    h = jnp.concatenate(hs, axis=2)
    h = h @ inp["proj_w"].T + inp["proj_b"]
    h_max = jnp.max(h, axis=1)
    h_avg = jnp.mean(h, axis=1)
    h = jnp.concatenate([h_max, h_avg], axis=1)
    for li in range(len(EMB_DIMS) - 1):
        h = h @ inp[f"emb_w_{li}"].T + inp[f"emb_b_{li}"]
        mean = jnp.mean(h, axis=0)
        var = jnp.var(h, axis=0)
        h = (h - mean) / jnp.sqrt(var + 1e-5) * inp[f"bn_g_{li}"] + inp[f"bn_b_{li}"]
        h = leaky_relu(h)
        # dropout: eval mode (identity)
    h = h @ inp["out_w"].T + inp["out_b"]
    return h

if __name__ == "__main__":
    import jax
    _d = setup_inputs()
    print(jax.jit(kernel)(*tuple(_d.values())))

</pallas_src>

<mosaic_0001>
#map = affine_map<(d0, d1) -> (0, 0)>
#map1 = affine_map<(d0, d1) -> (0)>
module attributes {stable_mosaic.version = 14 : i64} {
  func.func @_sc_gather_body(%arg0: i32, %arg1: i32, %arg2: memref<32768x128xf32, #tpu.memory_space<hbm>>, %arg3: memref<262144xi32, #tpu.memory_space<hbm>>, %arg4: memref<262144x128xf32, #tpu.memory_space<hbm>>, %arg5: memref<128xi32, #tpu.memory_space<vmem>>, %arg6: memref<128xi32, #tpu.memory_space<vmem>>, %arg7: memref<128x128xf32, #tpu.memory_space<vmem>>, %arg8: memref<128x128xf32, #tpu.memory_space<vmem>>, %arg9: memref<!tpu.dma_semaphore, #tpu.memory_space<semaphore_mem>>, %arg10: memref<!tpu.dma_semaphore, #tpu.memory_space<semaphore_mem>>) attributes {dimension_semantics = [#tpu.dimension_semantics<core_parallel>, #tpu.dimension_semantics<subcore_parallel>], iteration_bounds = array<i64: 2, 16>, scalar_prefetch = 0 : i64, scratch_operands = 6 : i64, tpu.core_type = #tpu.core_type<sc_vector_subcore>, window_params = [{transform_indices = #map}, {transform_indices = #map1}, {transform_indices = #map}]} {
    %mul3A = arith.constant 2 : i32
    %mul3A_0 = arith.muli %arg1, %mul3A : i32
    %add3A = arith.addi %mul3A_0, %arg0 : i32
    %mul3A_1 = arith.constant 8192 : i32
    %mul3A_2 = arith.muli %add3A, %mul3A_1 : i32
    "tpu.region"() ({
      %run_scoped3A = tpu.sem_alloc : memref<!tpu.dma_semaphore, #tpu.memory_space<semaphore_mem>>
      %dma_start3A_10 = tpu.memref_slice %arg3[%mul3A_2] : memref<262144xi32, #tpu.memory_space<hbm>> -> memref<128xi32, #tpu.memory_space<hbm>>
      %dma_start3A_11 = tpu.memref_slice %arg3[%mul3A_2] : memref<262144xi32, #tpu.memory_space<hbm>> -> memref<128xi32, #tpu.memory_space<hbm>>
      tpu.enqueue_dma source(%dma_start3A_11 : memref<128xi32, #tpu.memory_space<hbm>>) target(%arg5 : memref<128xi32, #tpu.memory_space<vmem>>) target_semaphore(%run_scoped3A : memref<!tpu.dma_semaphore, #tpu.memory_space<semaphore_mem>>)
      %dma_wait3A = tpu.memref_slice %arg3[%mul3A_2] : memref<262144xi32, #tpu.memory_space<hbm>> -> memref<128xi32, #tpu.memory_space<hbm>>
      %dma_wait3A_12 = tpu.memref_slice %arg3[%mul3A_2] : memref<262144xi32, #tpu.memory_space<hbm>> -> memref<128xi32, #tpu.memory_space<hbm>>
      tpu.wait_dma2 semaphore(%run_scoped3A : memref<!tpu.dma_semaphore, #tpu.memory_space<semaphore_mem>>) src(%dma_wait3A_12 : memref<128xi32, #tpu.memory_space<hbm>>) dst(%arg5 : memref<128xi32, #tpu.memory_space<vmem>>)
      tpu.yield
    }) : () -> ()
    %dma_start3A = arith.constant 0 : i32
    %dma_start3A_3 = arith.constant 0 : i32
    %dma_start3A_4 = tpu.memref_slice %arg2[%dma_start3A, %dma_start3A_3] : memref<32768x128xf32, #tpu.memory_space<hbm>> -> memref<32768x128xf32, #tpu.memory_space<hbm>>
    tpu.enqueue_indirect_dma source(%dma_start3A_4 : memref<32768x128xf32, #tpu.memory_space<hbm>>) target(%arg7 : memref<128x128xf32, #tpu.memory_space<vmem>>) offsets(%arg5 : memref<128xi32, #tpu.memory_space<vmem>>) semaphore(%arg9 : memref<!tpu.dma_semaphore, #tpu.memory_space<semaphore_mem>>)
    %scan3A = arith.constant 0 : i32
    %scan3A_5 = arith.constant 0 : i32
    %scan3A_6 = arith.constant 32 : i32
    %scan3A_7 = arith.addi %scan3A_5, %scan3A_6 : i32
    %scan3A_8 = arith.constant 1 : i32
    scf.for %scan3A_10 = %scan3A_5 to %scan3A_7 step %scan3A_8  : i32 {
      %mul3A_11 = arith.constant 2 : i32
      %mul3A_12 = arith.muli %mul3A_11, %scan3A_10 : i32
      %add3A_13 = arith.constant 0 : i32
      %add3A_14 = arith.addi %mul3A_12, %add3A_13 : i32
      %add3A_15 = arith.constant 1 : i32
      %add3A_16 = arith.addi %add3A_14, %add3A_15 : i32
      %lt3A = arith.constant 64 : i32
      %lt3A_17 = arith.cmpi slt, %add3A_16, %lt3A : i32
      %convert_element_type3A = arith.extui %lt3A_17 : i1 to i32
      %cond3A = arith.constant 0 : i32
      %cond3A_18 = arith.cmpi ne, %convert_element_type3A, %cond3A : i32
      scf.if %cond3A_18 {
        %add3A_41 = arith.constant 1 : i32
        %add3A_42 = arith.addi %add3A_14, %add3A_41 : i32
        %mul3A_43 = arith.constant 128 : i32
        %mul3A_44 = arith.muli %add3A_42, %mul3A_43 : i32
        %add3A_45 = arith.addi %mul3A_2, %mul3A_44 : i32
        "tpu.region"() ({
          %run_scoped3A = tpu.sem_alloc : memref<!tpu.dma_semaphore, #tpu.memory_space<semaphore_mem>>
          %dma_start3A_49 = tpu.memref_slice %arg3[%add3A_45] : memref<262144xi32, #tpu.memory_space<hbm>> -> memref<128xi32, #tpu.memory_space<hbm>>
          %dma_start3A_50 = tpu.memref_slice %arg3[%add3A_45] : memref<262144xi32, #tpu.memory_space<hbm>> -> memref<128xi32, #tpu.memory_space<hbm>>
          tpu.enqueue_dma source(%dma_start3A_50 : memref<128xi32, #tpu.memory_space<hbm>>) target(%arg6 : memref<128xi32, #tpu.memory_space<vmem>>) target_semaphore(%run_scoped3A : memref<!tpu.dma_semaphore, #tpu.memory_space<semaphore_mem>>)
          %dma_wait3A_51 = tpu.memref_slice %arg3[%add3A_45] : memref<262144xi32, #tpu.memory_space<hbm>> -> memref<128xi32, #tpu.memory_space<hbm>>
          %dma_wait3A_52 = tpu.memref_slice %arg3[%add3A_45] : memref<262144xi32, #tpu.memory_space<hbm>> -> memref<128xi32, #tpu.memory_space<hbm>>
          tpu.wait_dma2 semaphore(%run_scoped3A : memref<!tpu.dma_semaphore, #tpu.memory_space<semaphore_mem>>) src(%dma_wait3A_52 : memref<128xi32, #tpu.memory_space<hbm>>) dst(%arg6 : memref<128xi32, #tpu.memory_space<vmem>>)
          tpu.yield
        }) : () -> ()
        %dma_start3A_46 = arith.constant 0 : i32
        %dma_start3A_47 = arith.constant 0 : i32
        %dma_start3A_48 = tpu.memref_slice %arg2[%dma_start3A_46, %dma_start3A_47] : memref<32768x128xf32, #tpu.memory_space<hbm>> -> memref<32768x128xf32, #tpu.memory_space<hbm>>
        tpu.enqueue_indirect_dma source(%dma_start3A_48 : memref<32768x128xf32, #tpu.memory_space<hbm>>) target(%arg8 : memref<128x128xf32, #tpu.memory_space<vmem>>) offsets(%arg6 : memref<128xi32, #tpu.memory_space<vmem>>) semaphore(%arg10 : memref<!tpu.dma_semaphore, #tpu.memory_space<semaphore_mem>>)
      } else {
      }
      %dma_wait3A = arith.constant 0 : i32
      %dma_wait3A_19 = arith.constant 0 : i32
      %dma_wait3A_20 = tpu.memref_slice %arg2[%dma_wait3A, %dma_wait3A_19] : memref<32768x128xf32, #tpu.memory_space<hbm>> -> memref<32768x128xf32, #tpu.memory_space<hbm>>
      tpu.wait_indirect_dma semaphore(%arg9 : memref<!tpu.dma_semaphore, #tpu.memory_space<semaphore_mem>>) src(%dma_wait3A_20 : memref<32768x128xf32, #tpu.memory_space<hbm>>) dst(%arg7 : memref<128x128xf32, #tpu.memory_space<vmem>>)
      %mul3A_21 = arith.constant 128 : i32
      %mul3A_22 = arith.muli %add3A_14, %mul3A_21 : i32
      %add3A_23 = arith.addi %mul3A_2, %mul3A_22 : i32
      "tpu.region"() ({
        %run_scoped3A = tpu.sem_alloc : memref<!tpu.dma_semaphore, #tpu.memory_space<semaphore_mem>>
        %dma_start3A_41 = arith.constant 0 : i32
        %dma_start3A_42 = tpu.memref_slice %arg4[%add3A_23, %dma_start3A_41] : memref<262144x128xf32, #tpu.memory_space<hbm>> -> memref<128x128xf32, #tpu.memory_space<hbm>>
        %dma_start3A_43 = arith.constant 0 : i32
        %dma_start3A_44 = tpu.memref_slice %arg4[%add3A_23, %dma_start3A_43] : memref<262144x128xf32, #tpu.memory_space<hbm>> -> memref<128x128xf32, #tpu.memory_space<hbm>>
        tpu.enqueue_dma source(%arg7 : memref<128x128xf32, #tpu.memory_space<vmem>>) target(%dma_start3A_44 : memref<128x128xf32, #tpu.memory_space<hbm>>) target_semaphore(%run_scoped3A : memref<!tpu.dma_semaphore, #tpu.memory_space<semaphore_mem>>)
        %dma_wait3A_45 = arith.constant 0 : i32
        %dma_wait3A_46 = tpu.memref_slice %arg4[%add3A_23, %dma_wait3A_45] : memref<262144x128xf32, #tpu.memory_space<hbm>> -> memref<128x128xf32, #tpu.memory_space<hbm>>
        %dma_wait3A_47 = arith.constant 0 : i32
        %dma_wait3A_48 = tpu.memref_slice %arg4[%add3A_23, %dma_wait3A_47] : memref<262144x128xf32, #tpu.memory_space<hbm>> -> memref<128x128xf32, #tpu.memory_space<hbm>>
        tpu.wait_dma2 semaphore(%run_scoped3A : memref<!tpu.dma_semaphore, #tpu.memory_space<semaphore_mem>>) src(%arg7 : memref<128x128xf32, #tpu.memory_space<vmem>>) dst(%dma_wait3A_48 : memref<128x128xf32, #tpu.memory_space<hbm>>)
        tpu.yield
      }) : () -> ()
      %mul3A_24 = arith.constant 2 : i32
      %mul3A_25 = arith.muli %mul3A_24, %scan3A_10 : i32
      %add3A_26 = arith.constant 1 : i32
      %add3A_27 = arith.addi %mul3A_25, %add3A_26 : i32
      %add3A_28 = arith.constant 1 : i32
      %add3A_29 = arith.addi %add3A_27, %add3A_28 : i32
      %lt3A_30 = arith.constant 64 : i32
      %lt3A_31 = arith.cmpi slt, %add3A_29, %lt3A_30 : i32
      %convert_element_type3A_32 = arith.extui %lt3A_31 : i1 to i32
      %cond3A_33 = arith.constant 0 : i32
      %cond3A_34 = arith.cmpi ne, %convert_element_type3A_32, %cond3A_33 : i32
      scf.if %cond3A_34 {
        %add3A_41 = arith.constant 1 : i32
        %add3A_42 = arith.addi %add3A_27, %add3A_41 : i32
        %mul3A_43 = arith.constant 128 : i32
        %mul3A_44 = arith.muli %add3A_42, %mul3A_43 : i32
        %add3A_45 = arith.addi %mul3A_2, %mul3A_44 : i32
        "tpu.region"() ({
          %run_scoped3A = tpu.sem_alloc : memref<!tpu.dma_semaphore, #tpu.memory_space<semaphore_mem>>
          %dma_start3A_49 = tpu.memref_slice %arg3[%add3A_45] : memref<262144xi32, #tpu.memory_space<hbm>> -> memref<128xi32, #tpu.memory_space<hbm>>
          %dma_start3A_50 = tpu.memref_slice %arg3[%add3A_45] : memref<262144xi32, #tpu.memory_space<hbm>> -> memref<128xi32, #tpu.memory_space<hbm>>
          tpu.enqueue_dma source(%dma_start3A_50 : memref<128xi32, #tpu.memory_space<hbm>>) target(%arg5 : memref<128xi32, #tpu.memory_space<vmem>>) target_semaphore(%run_scoped3A : memref<!tpu.dma_semaphore, #tpu.memory_space<semaphore_mem>>)
          %dma_wait3A_51 = tpu.memref_slice %arg3[%add3A_45] : memref<262144xi32, #tpu.memory_space<hbm>> -> memref<128xi32, #tpu.memory_space<hbm>>
          %dma_wait3A_52 = tpu.memref_slice %arg3[%add3A_45] : memref<262144xi32, #tpu.memory_space<hbm>> -> memref<128xi32, #tpu.memory_space<hbm>>
          tpu.wait_dma2 semaphore(%run_scoped3A : memref<!tpu.dma_semaphore, #tpu.memory_space<semaphore_mem>>) src(%dma_wait3A_52 : memref<128xi32, #tpu.memory_space<hbm>>) dst(%arg5 : memref<128xi32, #tpu.memory_space<vmem>>)
          tpu.yield
        }) : () -> ()
        %dma_start3A_46 = arith.constant 0 : i32
        %dma_start3A_47 = arith.constant 0 : i32
        %dma_start3A_48 = tpu.memref_slice %arg2[%dma_start3A_46, %dma_start3A_47] : memref<32768x128xf32, #tpu.memory_space<hbm>> -> memref<32768x128xf32, #tpu.memory_space<hbm>>
        tpu.enqueue_indirect_dma source(%dma_start3A_48 : memref<32768x128xf32, #tpu.memory_space<hbm>>) target(%arg7 : memref<128x128xf32, #tpu.memory_space<vmem>>) offsets(%arg5 : memref<128xi32, #tpu.memory_space<vmem>>) semaphore(%arg9 : memref<!tpu.dma_semaphore, #tpu.memory_space<semaphore_mem>>)
      } else {
      }
      %dma_wait3A_35 = arith.constant 0 : i32
      %dma_wait3A_36 = arith.constant 0 : i32
      %dma_wait3A_37 = tpu.memref_slice %arg2[%dma_wait3A_35, %dma_wait3A_36] : memref<32768x128xf32, #tpu.memory_space<hbm>> -> memref<32768x128xf32, #tpu.memory_space<hbm>>
      tpu.wait_indirect_dma semaphore(%arg10 : memref<!tpu.dma_semaphore, #tpu.memory_space<semaphore_mem>>) src(%dma_wait3A_37 : memref<32768x128xf32, #tpu.memory_space<hbm>>) dst(%arg8 : memref<128x128xf32, #tpu.memory_space<vmem>>)
      %mul3A_38 = arith.constant 128 : i32
      %mul3A_39 = arith.muli %add3A_27, %mul3A_38 : i32
      %add3A_40 = arith.addi %mul3A_2, %mul3A_39 : i32
      "tpu.region"() ({
        %run_scoped3A = tpu.sem_alloc : memref<!tpu.dma_semaphore, #tpu.memory_space<semaphore_mem>>
        %dma_start3A_41 = arith.constant 0 : i32
        %dma_start3A_42 = tpu.memref_slice %arg4[%add3A_40, %dma_start3A_41] : memref<262144x128xf32, #tpu.memory_space<hbm>> -> memref<128x128xf32, #tpu.memory_space<hbm>>
        %dma_start3A_43 = arith.constant 0 : i32
        %dma_start3A_44 = tpu.memref_slice %arg4[%add3A_40, %dma_start3A_43] : memref<262144x128xf32, #tpu.memory_space<hbm>> -> memref<128x128xf32, #tpu.memory_space<hbm>>
        tpu.enqueue_dma source(%arg8 : memref<128x128xf32, #tpu.memory_space<vmem>>) target(%dma_start3A_44 : memref<128x128xf32, #tpu.memory_space<hbm>>) target_semaphore(%run_scoped3A : memref<!tpu.dma_semaphore, #tpu.memory_space<semaphore_mem>>)
        %dma_wait3A_45 = arith.constant 0 : i32
        %dma_wait3A_46 = tpu.memref_slice %arg4[%add3A_40, %dma_wait3A_45] : memref<262144x128xf32, #tpu.memory_space<hbm>> -> memref<128x128xf32, #tpu.memory_space<hbm>>
        %dma_wait3A_47 = arith.constant 0 : i32
        %dma_wait3A_48 = tpu.memref_slice %arg4[%add3A_40, %dma_wait3A_47] : memref<262144x128xf32, #tpu.memory_space<hbm>> -> memref<128x128xf32, #tpu.memory_space<hbm>>
        tpu.wait_dma2 semaphore(%run_scoped3A : memref<!tpu.dma_semaphore, #tpu.memory_space<semaphore_mem>>) src(%arg8 : memref<128x128xf32, #tpu.memory_space<vmem>>) dst(%dma_wait3A_48 : memref<128x128xf32, #tpu.memory_space<hbm>>)
        tpu.yield
      }) : () -> ()
    }
    %scan3A_9 = arith.constant 32 : i32
    return
  }
}

#map = affine_map<(d0, d1) -> (0, 0)>
#map1 = affine_map<(d0, d1) -> (0)>
module attributes {stable_mosaic.version = 14 : i64} {
  func.func @_sc_gather_body(%arg0: i32, %arg1: i32, %arg2: memref<32768x128xf32, #tpu.memory_space<hbm>>, %arg3: memref<262144xi32, #tpu.memory_space<hbm>>, %arg4: memref<262144x128xf32, #tpu.memory_space<hbm>>, %arg5: memref<128xi32, #tpu.memory_space<vmem>>, %arg6: memref<128xi32, #tpu.memory_space<vmem>>, %arg7: memref<128x128xf32, #tpu.memory_space<vmem>>, %arg8: memref<128x128xf32, #tpu.memory_space<vmem>>, %arg9: memref<!tpu.dma_semaphore, #tpu.memory_space<semaphore_mem>>, %arg10: memref<!tpu.dma_semaphore, #tpu.memory_space<semaphore_mem>>) attributes {dimension_semantics = [#tpu.dimension_semantics<core_parallel>, #tpu.dimension_semantics<subcore_parallel>], iteration_bounds = array<i64: 2, 16>, scalar_prefetch = 0 : i64, scratch_operands = 6 : i64, tpu.core_type = #tpu.core_type<sc_vector_subcore>, window_params = [{transform_indices = #map}, {transform_indices = #map1}, {transform_indices = #map}]} {
    %mul3A = arith.constant 2 : i32
    %mul3A_0 = arith.muli %arg1, %mul3A : i32
    %add3A = arith.addi %mul3A_0, %arg0 : i32
    %mul3A_1 = arith.constant 8192 : i32
    %mul3A_2 = arith.muli %add3A, %mul3A_1 : i32
    "tpu.region"() ({
      %run_scoped3A = tpu.sem_alloc : memref<!tpu.dma_semaphore, #tpu.memory_space<semaphore_mem>>
      %dma_start3A_10 = tpu.memref_slice %arg3[%mul3A_2] : memref<262144xi32, #tpu.memory_space<hbm>> -> memref<128xi32, #tpu.memory_space<hbm>>
      %dma_start3A_11 = tpu.memref_slice %arg3[%mul3A_2] : memref<262144xi32, #tpu.memory_space<hbm>> -> memref<128xi32, #tpu.memory_space<hbm>>
      tpu.enqueue_dma source(%dma_start3A_11 : memref<128xi32, #tpu.memory_space<hbm>>) target(%arg5 : memref<128xi32, #tpu.memory_space<vmem>>) target_semaphore(%run_scoped3A : memref<!tpu.dma_semaphore, #tpu.memory_space<semaphore_mem>>)
      %dma_wait3A = tpu.memref_slice %arg3[%mul3A_2] : memref<262144xi32, #tpu.memory_space<hbm>> -> memref<128xi32, #tpu.memory_space<hbm>>
      %dma_wait3A_12 = tpu.memref_slice %arg3[%mul3A_2] : memref<262144xi32, #tpu.memory_space<hbm>> -> memref<128xi32, #tpu.memory_space<hbm>>
      tpu.wait_dma2 semaphore(%run_scoped3A : memref<!tpu.dma_semaphore, #tpu.memory_space<semaphore_mem>>) src(%dma_wait3A_12 : memref<128xi32, #tpu.memory_space<hbm>>) dst(%arg5 : memref<128xi32, #tpu.memory_space<vmem>>)
      tpu.yield
    }) : () -> ()
    %dma_start3A = arith.constant 0 : i32
    %dma_start3A_3 = arith.constant 0 : i32
    %dma_start3A_4 = tpu.memref_slice %arg2[%dma_start3A, %dma_start3A_3] : memref<32768x128xf32, #tpu.memory_space<hbm>> -> memref<32768x128xf32, #tpu.memory_space<hbm>>
    tpu.enqueue_indirect_dma source(%dma_start3A_4 : memref<32768x128xf32, #tpu.memory_space<hbm>>) target(%arg7 : memref<128x128xf32, #tpu.memory_space<vmem>>) offsets(%arg5 : memref<128xi32, #tpu.memory_space<vmem>>) semaphore(%arg9 : memref<!tpu.dma_semaphore, #tpu.memory_space<semaphore_mem>>)
    %scan3A = arith.constant 0 : i32
    %scan3A_5 = arith.constant 0 : i32
    %scan3A_6 = arith.constant 32 : i32
    %scan3A_7 = arith.addi %scan3A_5, %scan3A_6 : i32
    %scan3A_8 = arith.constant 1 : i32
    scf.for %scan3A_10 = %scan3A_5 to %scan3A_7 step %scan3A_8  : i32 {
      %mul3A_11 = arith.constant 2 : i32
      %mul3A_12 = arith.muli %mul3A_11, %scan3A_10 : i32
      %add3A_13 = arith.constant 0 : i32
      %add3A_14 = arith.addi %mul3A_12, %add3A_13 : i32
      %add3A_15 = arith.constant 1 : i32
      %add3A_16 = arith.addi %add3A_14, %add3A_15 : i32
      %lt3A = arith.constant 64 : i32
      %lt3A_17 = arith.cmpi slt, %add3A_16, %lt3A : i32
      %convert_element_type3A = arith.extui %lt3A_17 : i1 to i32
      %cond3A = arith.constant 0 : i32
      %cond3A_18 = arith.cmpi ne, %convert_element_type3A, %cond3A : i32
      scf.if %cond3A_18 {
        %add3A_41 = arith.constant 1 : i32
        %add3A_42 = arith.addi %add3A_14, %add3A_41 : i32
        %mul3A_43 = arith.constant 128 : i32
        %mul3A_44 = arith.muli %add3A_42, %mul3A_43 : i32
        %add3A_45 = arith.addi %mul3A_2, %mul3A_44 : i32
        "tpu.region"() ({
          %run_scoped3A = tpu.sem_alloc : memref<!tpu.dma_semaphore, #tpu.memory_space<semaphore_mem>>
          %dma_start3A_49 = tpu.memref_slice %arg3[%add3A_45] : memref<262144xi32, #tpu.memory_space<hbm>> -> memref<128xi32, #tpu.memory_space<hbm>>
          %dma_start3A_50 = tpu.memref_slice %arg3[%add3A_45] : memref<262144xi32, #tpu.memory_space<hbm>> -> memref<128xi32, #tpu.memory_space<hbm>>
          tpu.enqueue_dma source(%dma_start3A_50 : memref<128xi32, #tpu.memory_space<hbm>>) target(%arg6 : memref<128xi32, #tpu.memory_space<vmem>>) target_semaphore(%run_scoped3A : memref<!tpu.dma_semaphore, #tpu.memory_space<semaphore_mem>>)
          %dma_wait3A_51 = tpu.memref_slice %arg3[%add3A_45] : memref<262144xi32, #tpu.memory_space<hbm>> -> memref<128xi32, #tpu.memory_space<hbm>>
          %dma_wait3A_52 = tpu.memref_slice %arg3[%add3A_45] : memref<262144xi32, #tpu.memory_space<hbm>> -> memref<128xi32, #tpu.memory_space<hbm>>
          tpu.wait_dma2 semaphore(%run_scoped3A : memref<!tpu.dma_semaphore, #tpu.memory_space<semaphore_mem>>) src(%dma_wait3A_52 : memref<128xi32, #tpu.memory_space<hbm>>) dst(%arg6 : memref<128xi32, #tpu.memory_space<vmem>>)
          tpu.yield
        }) : () -> ()
        %dma_start3A_46 = arith.constant 0 : i32
        %dma_start3A_47 = arith.constant 0 : i32
        %dma_start3A_48 = tpu.memref_slice %arg2[%dma_start3A_46, %dma_start3A_47] : memref<32768x128xf32, #tpu.memory_space<hbm>> -> memref<32768x128xf32, #tpu.memory_space<hbm>>
        tpu.enqueue_indirect_dma source(%dma_start3A_48 : memref<32768x128xf32, #tpu.memory_space<hbm>>) target(%arg8 : memref<128x128xf32, #tpu.memory_space<vmem>>) offsets(%arg6 : memref<128xi32, #tpu.memory_space<vmem>>) semaphore(%arg10 : memref<!tpu.dma_semaphore, #tpu.memory_space<semaphore_mem>>)
      } else {
      }
      %dma_wait3A = arith.constant 0 : i32
      %dma_wait3A_19 = arith.constant 0 : i32
      %dma_wait3A_20 = tpu.memref_slice %arg2[%dma_wait3A, %dma_wait3A_19] : memref<32768x128xf32, #tpu.memory_space<hbm>> -> memref<32768x128xf32, #tpu.memory_space<hbm>>
      tpu.wait_indirect_dma semaphore(%arg9 : memref<!tpu.dma_semaphore, #tpu.memory_space<semaphore_mem>>) src(%dma_wait3A_20 : memref<32768x128xf32, #tpu.memory_space<hbm>>) dst(%arg7 : memref<128x128xf32, #tpu.memory_space<vmem>>)
      %mul3A_21 = arith.constant 128 : i32
      %mul3A_22 = arith.muli %add3A_14, %mul3A_21 : i32
      %add3A_23 = arith.addi %mul3A_2, %mul3A_22 : i32
      "tpu.region"() ({
        %run_scoped3A = tpu.sem_alloc : memref<!tpu.dma_semaphore, #tpu.memory_space<semaphore_mem>>
        %dma_start3A_41 = arith.constant 0 : i32
        %dma_start3A_42 = tpu.memref_slice %arg4[%add3A_23, %dma_start3A_41] : memref<262144x128xf32, #tpu.memory_space<hbm>> -> memref<128x128xf32, #tpu.memory_space<hbm>>
        %dma_start3A_43 = arith.constant 0 : i32
        %dma_start3A_44 = tpu.memref_slice %arg4[%add3A_23, %dma_start3A_43] : memref<262144x128xf32, #tpu.memory_space<hbm>> -> memref<128x128xf32, #tpu.memory_space<hbm>>
        tpu.enqueue_dma source(%arg7 : memref<128x128xf32, #tpu.memory_space<vmem>>) target(%dma_start3A_44 : memref<128x128xf32, #tpu.memory_space<hbm>>) target_semaphore(%run_scoped3A : memref<!tpu.dma_semaphore, #tpu.memory_space<semaphore_mem>>)
        %dma_wait3A_45 = arith.constant 0 : i32
        %dma_wait3A_46 = tpu.memref_slice %arg4[%add3A_23, %dma_wait3A_45] : memref<262144x128xf32, #tpu.memory_space<hbm>> -> memref<128x128xf32, #tpu.memory_space<hbm>>
        %dma_wait3A_47 = arith.constant 0 : i32
        %dma_wait3A_48 = tpu.memref_slice %arg4[%add3A_23, %dma_wait3A_47] : memref<262144x128xf32, #tpu.memory_space<hbm>> -> memref<128x128xf32, #tpu.memory_space<hbm>>
        tpu.wait_dma2 semaphore(%run_scoped3A : memref<!tpu.dma_semaphore, #tpu.memory_space<semaphore_mem>>) src(%arg7 : memref<128x128xf32, #tpu.memory_space<vmem>>) dst(%dma_wait3A_48 : memref<128x128xf32, #tpu.memory_space<hbm>>)
        tpu.yield
      }) : () -> ()
      %mul3A_24 = arith.constant 2 : i32
      %mul3A_25 = arith.muli %mul3A_24, %scan3A_10 : i32
      %add3A_26 = arith.constant 1 : i32
      %add3A_27 = arith.addi %mul3A_25, %add3A_26 : i32
      %add3A_28 = arith.constant 1 : i32
      %add3A_29 = arith.addi %add3A_27, %add3A_28 : i32
      %lt3A_30 = arith.constant 64 : i32
      %lt3A_31 = arith.cmpi slt, %add3A_29, %lt3A_30 : i32
      %convert_element_type3A_32 = arith.extui %lt3A_31 : i1 to i32
      %cond3A_33 = arith.constant 0 : i32
      %cond3A_34 = arith.cmpi ne, %convert_element_type3A_32, %cond3A_33 : i32
      scf.if %cond3A_34 {
        %add3A_41 = arith.constant 1 : i32
        %add3A_42 = arith.addi %add3A_27, %add3A_41 : i32
        %mul3A_43 = arith.constant 128 : i32
        %mul3A_44 = arith.muli %add3A_42, %mul3A_43 : i32
        %add3A_45 = arith.addi %mul3A_2, %mul3A_44 : i32
        "tpu.region"() ({
          %run_scoped3A = tpu.sem_alloc : memref<!tpu.dma_semaphore, #tpu.memory_space<semaphore_mem>>
          %dma_start3A_49 = tpu.memref_slice %arg3[%add3A_45] : memref<262144xi32, #tpu.memory_space<hbm>> -> memref<128xi32, #tpu.memory_space<hbm>>
          %dma_start3A_50 = tpu.memref_slice %arg3[%add3A_45] : memref<262144xi32, #tpu.memory_space<hbm>> -> memref<128xi32, #tpu.memory_space<hbm>>
          tpu.enqueue_dma source(%dma_start3A_50 : memref<128xi32, #tpu.memory_space<hbm>>) target(%arg5 : memref<128xi32, #tpu.memory_space<vmem>>) target_semaphore(%run_scoped3A : memref<!tpu.dma_semaphore, #tpu.memory_space<semaphore_mem>>)
          %dma_wait3A_51 = tpu.memref_slice %arg3[%add3A_45] : memref<262144xi32, #tpu.memory_space<hbm>> -> memref<128xi32, #tpu.memory_space<hbm>>
          %dma_wait3A_52 = tpu.memref_slice %arg3[%add3A_45] : memref<262144xi32, #tpu.memory_space<hbm>> -> memref<128xi32, #tpu.memory_space<hbm>>
          tpu.wait_dma2 semaphore(%run_scoped3A : memref<!tpu.dma_semaphore, #tpu.memory_space<semaphore_mem>>) src(%dma_wait3A_52 : memref<128xi32, #tpu.memory_space<hbm>>) dst(%arg5 : memref<128xi32, #tpu.memory_space<vmem>>)
          tpu.yield
        }) : () -> ()
        %dma_start3A_46 = arith.constant 0 : i32
        %dma_start3A_47 = arith.constant 0 : i32
        %dma_start3A_48 = tpu.memref_slice %arg2[%dma_start3A_46, %dma_start3A_47] : memref<32768x128xf32, #tpu.memory_space<hbm>> -> memref<32768x128xf32, #tpu.memory_space<hbm>>
        tpu.enqueue_indirect_dma source(%dma_start3A_48 : memref<32768x128xf32, #tpu.memory_space<hbm>>) target(%arg7 : memref<128x128xf32, #tpu.memory_space<vmem>>) offsets(%arg5 : memref<128xi32, #tpu.memory_space<vmem>>) semaphore(%arg9 : memref<!tpu.dma_semaphore, #tpu.memory_space<semaphore_mem>>)
      } else {
      }
      %dma_wait3A_35 = arith.constant 0 : i32
      %dma_wait3A_36 = arith.constant 0 : i32
      %dma_wait3A_37 = tpu.memref_slice %arg2[%dma_wait3A_35, %dma_wait3A_36] : memref<32768x128xf32, #tpu.memory_space<hbm>> -> memref<32768x128xf32, #tpu.memory_space<hbm>>
      tpu.wait_indirect_dma semaphore(%arg10 : memref<!tpu.dma_semaphore, #tpu.memory_space<semaphore_mem>>) src(%dma_wait3A_37 : memref<32768x128xf32, #tpu.memory_space<hbm>>) dst(%arg8 : memref<128x128xf32, #tpu.memory_space<vmem>>)
      %mul3A_38 = arith.constant 128 : i32
      %mul3A_39 = arith.muli %add3A_27, %mul3A_38 : i32
      %add3A_40 = arith.addi %mul3A_2, %mul3A_39 : i32
      "tpu.region"() ({
        %run_scoped3A = tpu.sem_alloc : memref<!tpu.dma_semaphore, #tpu.memory_space<semaphore_mem>>
        %dma_start3A_41 = arith.constant 0 : i32
        %dma_start3A_42 = tpu.memref_slice %arg4[%add3A_40, %dma_start3A_41] : memref<262144x128xf32, #tpu.memory_space<hbm>> -> memref<128x128xf32, #tpu.memory_space<hbm>>
        %dma_start3A_43 = arith.constant 0 : i32
        %dma_start3A_44 = tpu.memref_slice %arg4[%add3A_40, %dma_start3A_43] : memref<262144x128xf32, #tpu.memory_space<hbm>> -> memref<128x128xf32, #tpu.memory_space<hbm>>
        tpu.enqueue_dma source(%arg8 : memref<128x128xf32, #tpu.memory_space<vmem>>) target(%dma_start3A_44 : memref<128x128xf32, #tpu.memory_space<hbm>>) target_semaphore(%run_scoped3A : memref<!tpu.dma_semaphore, #tpu.memory_space<semaphore_mem>>)
        %dma_wait3A_45 = arith.constant 0 : i32
        %dma_wait3A_46 = tpu.memref_slice %arg4[%add3A_40, %dma_wait3A_45] : memref<262144x128xf32, #tpu.memory_space<hbm>> -> memref<128x128xf32, #tpu.memory_space<hbm>>
        %dma_wait3A_47 = arith.constant 0 : i32
        %dma_wait3A_48 = tpu.memref_slice %arg4[%add3A_40, %dma_wait3A_47] : memref<262144x128xf32, #tpu.memory_space<hbm>> -> memref<128x128xf32, #tpu.memory_space<hbm>>
        tpu.wait_dma2 semaphore(%run_scoped3A : memref<!tpu.dma_semaphore, #tpu.memory_space<semaphore_mem>>) src(%arg8 : memref<128x128xf32, #tpu.memory_space<vmem>>) dst(%dma_wait3A_48 : memref<128x128xf32, #tpu.memory_space<hbm>>)
        tpu.yield
      }) : () -> ()
    }
    %scan3A_9 = arith.constant 32 : i32
    return
  }
}

#map = affine_map<(d0, d1) -> (0, 0)>
#map1 = affine_map<(d0, d1) -> (0)>
module attributes {stable_mosaic.version = 14 : i64} {
  func.func @_sc_gather_body(%arg0: i32, %arg1: i32, %arg2: memref<32768x128xf32, #tpu.memory_space<hbm>>, %arg3: memref<262144xi32, #tpu.memory_space<hbm>>, %arg4: memref<262144x128xf32, #tpu.memory_space<hbm>>, %arg5: memref<128xi32, #tpu.memory_space<vmem>>, %arg6: memref<128xi32, #tpu.memory_space<vmem>>, %arg7: memref<128x128xf32, #tpu.memory_space<vmem>>, %arg8: memref<128x128xf32, #tpu.memory_space<vmem>>, %arg9: memref<!tpu.dma_semaphore, #tpu.memory_space<semaphore_mem>>, %arg10: memref<!tpu.dma_semaphore, #tpu.memory_space<semaphore_mem>>) attributes {dimension_semantics = [#tpu.dimension_semantics<core_parallel>, #tpu.dimension_semantics<subcore_parallel>], iteration_bounds = array<i64: 2, 16>, scalar_prefetch = 0 : i64, scratch_operands = 6 : i64, tpu.core_type = #tpu.core_type<sc_vector_subcore>, window_params = [{transform_indices = #map}, {transform_indices = #map1}, {transform_indices = #map}]} {
    %mul3A = arith.constant 2 : i32
    %mul3A_0 = arith.muli %arg1, %mul3A : i32
    %add3A = arith.addi %mul3A_0, %arg0 : i32
    %mul3A_1 = arith.constant 8192 : i32
    %mul3A_2 = arith.muli %add3A, %mul3A_1 : i32
    "tpu.region"() ({
      %run_scoped3A = tpu.sem_alloc : memref<!tpu.dma_semaphore, #tpu.memory_space<semaphore_mem>>
      %dma_start3A_10 = tpu.memref_slice %arg3[%mul3A_2] : memref<262144xi32, #tpu.memory_space<hbm>> -> memref<128xi32, #tpu.memory_space<hbm>>
      %dma_start3A_11 = tpu.memref_slice %arg3[%mul3A_2] : memref<262144xi32, #tpu.memory_space<hbm>> -> memref<128xi32, #tpu.memory_space<hbm>>
      tpu.enqueue_dma source(%dma_start3A_11 : memref<128xi32, #tpu.memory_space<hbm>>) target(%arg5 : memref<128xi32, #tpu.memory_space<vmem>>) target_semaphore(%run_scoped3A : memref<!tpu.dma_semaphore, #tpu.memory_space<semaphore_mem>>)
      %dma_wait3A = tpu.memref_slice %arg3[%mul3A_2] : memref<262144xi32, #tpu.memory_space<hbm>> -> memref<128xi32, #tpu.memory_space<hbm>>
      %dma_wait3A_12 = tpu.memref_slice %arg3[%mul3A_2] : memref<262144xi32, #tpu.memory_space<hbm>> -> memref<128xi32, #tpu.memory_space<hbm>>
      tpu.wait_dma2 semaphore(%run_scoped3A : memref<!tpu.dma_semaphore, #tpu.memory_space<semaphore_mem>>) src(%dma_wait3A_12 : memref<128xi32, #tpu.memory_space<hbm>>) dst(%arg5 : memref<128xi32, #tpu.memory_space<vmem>>)
      tpu.yield
    }) : () -> ()
    %dma_start3A = arith.constant 0 : i32
    %dma_start3A_3 = arith.constant 0 : i32
    %dma_start3A_4 = tpu.memref_slice %arg2[%dma_start3A, %dma_start3A_3] : memref<32768x128xf32, #tpu.memory_space<hbm>> -> memref<32768x128xf32, #tpu.memory_space<hbm>>
    tpu.enqueue_indirect_dma source(%dma_start3A_4 : memref<32768x128xf32, #tpu.memory_space<hbm>>) target(%arg7 : memref<128x128xf32, #tpu.memory_space<vmem>>) offsets(%arg5 : memref<128xi32, #tpu.memory_space<vmem>>) semaphore(%arg9 : memref<!tpu.dma_semaphore, #tpu.memory_space<semaphore_mem>>)
    %scan3A = arith.constant 0 : i32
    %scan3A_5 = arith.constant 0 : i32
    %scan3A_6 = arith.constant 32 : i32
    %scan3A_7 = arith.addi %scan3A_5, %scan3A_6 : i32
    %scan3A_8 = arith.constant 1 : i32
    scf.for %scan3A_10 = %scan3A_5 to %scan3A_7 step %scan3A_8  : i32 {
      %mul3A_11 = arith.constant 2 : i32
      %mul3A_12 = arith.muli %mul3A_11, %scan3A_10 : i32
      %add3A_13 = arith.constant 0 : i32
      %add3A_14 = arith.addi %mul3A_12, %add3A_13 : i32
      %add3A_15 = arith.constant 1 : i32
      %add3A_16 = arith.addi %add3A_14, %add3A_15 : i32
      %lt3A = arith.constant 64 : i32
      %lt3A_17 = arith.cmpi slt, %add3A_16, %lt3A : i32
      %convert_element_type3A = arith.extui %lt3A_17 : i1 to i32
      %cond3A = arith.constant 0 : i32
      %cond3A_18 = arith.cmpi ne, %convert_element_type3A, %cond3A : i32
      scf.if %cond3A_18 {
        %add3A_41 = arith.constant 1 : i32
        %add3A_42 = arith.addi %add3A_14, %add3A_41 : i32
        %mul3A_43 = arith.constant 128 : i32
        %mul3A_44 = arith.muli %add3A_42, %mul3A_43 : i32
        %add3A_45 = arith.addi %mul3A_2, %mul3A_44 : i32
        "tpu.region"() ({
          %run_scoped3A = tpu.sem_alloc : memref<!tpu.dma_semaphore, #tpu.memory_space<semaphore_mem>>
          %dma_start3A_49 = tpu.memref_slice %arg3[%add3A_45] : memref<262144xi32, #tpu.memory_space<hbm>> -> memref<128xi32, #tpu.memory_space<hbm>>
          %dma_start3A_50 = tpu.memref_slice %arg3[%add3A_45] : memref<262144xi32, #tpu.memory_space<hbm>> -> memref<128xi32, #tpu.memory_space<hbm>>
          tpu.enqueue_dma source(%dma_start3A_50 : memref<128xi32, #tpu.memory_space<hbm>>) target(%arg6 : memref<128xi32, #tpu.memory_space<vmem>>) target_semaphore(%run_scoped3A : memref<!tpu.dma_semaphore, #tpu.memory_space<semaphore_mem>>)
          %dma_wait3A_51 = tpu.memref_slice %arg3[%add3A_45] : memref<262144xi32, #tpu.memory_space<hbm>> -> memref<128xi32, #tpu.memory_space<hbm>>
          %dma_wait3A_52 = tpu.memref_slice %arg3[%add3A_45] : memref<262144xi32, #tpu.memory_space<hbm>> -> memref<128xi32, #tpu.memory_space<hbm>>
          tpu.wait_dma2 semaphore(%run_scoped3A : memref<!tpu.dma_semaphore, #tpu.memory_space<semaphore_mem>>) src(%dma_wait3A_52 : memref<128xi32, #tpu.memory_space<hbm>>) dst(%arg6 : memref<128xi32, #tpu.memory_space<vmem>>)
          tpu.yield
        }) : () -> ()
        %dma_start3A_46 = arith.constant 0 : i32
        %dma_start3A_47 = arith.constant 0 : i32
        %dma_start3A_48 = tpu.memref_slice %arg2[%dma_start3A_46, %dma_start3A_47] : memref<32768x128xf32, #tpu.memory_space<hbm>> -> memref<32768x128xf32, #tpu.memory_space<hbm>>
        tpu.enqueue_indirect_dma source(%dma_start3A_48 : memref<32768x128xf32, #tpu.memory_space<hbm>>) target(%arg8 : memref<128x128xf32, #tpu.memory_space<vmem>>) offsets(%arg6 : memref<128xi32, #tpu.memory_space<vmem>>) semaphore(%arg10 : memref<!tpu.dma_semaphore, #tpu.memory_space<semaphore_mem>>)
      } else {
      }
      %dma_wait3A = arith.constant 0 : i32
      %dma_wait3A_19 = arith.constant 0 : i32
      %dma_wait3A_20 = tpu.memref_slice %arg2[%dma_wait3A, %dma_wait3A_19] : memref<32768x128xf32, #tpu.memory_space<hbm>> -> memref<32768x128xf32, #tpu.memory_space<hbm>>
      tpu.wait_indirect_dma semaphore(%arg9 : memref<!tpu.dma_semaphore, #tpu.memory_space<semaphore_mem>>) src(%dma_wait3A_20 : memref<32768x128xf32, #tpu.memory_space<hbm>>) dst(%arg7 : memref<128x128xf32, #tpu.memory_space<vmem>>)
      %mul3A_21 = arith.constant 128 : i32
      %mul3A_22 = arith.muli %add3A_14, %mul3A_21 : i32
      %add3A_23 = arith.addi %mul3A_2, %mul3A_22 : i32
      "tpu.region"() ({
        %run_scoped3A = tpu.sem_alloc : memref<!tpu.dma_semaphore, #tpu.memory_space<semaphore_mem>>
        %dma_start3A_41 = arith.constant 0 : i32
        %dma_start3A_42 = tpu.memref_slice %arg4[%add3A_23, %dma_start3A_41] : memref<262144x128xf32, #tpu.memory_space<hbm>> -> memref<128x128xf32, #tpu.memory_space<hbm>>
        %dma_start3A_43 = arith.constant 0 : i32
        %dma_start3A_44 = tpu.memref_slice %arg4[%add3A_23, %dma_start3A_43] : memref<262144x128xf32, #tpu.memory_space<hbm>> -> memref<128x128xf32, #tpu.memory_space<hbm>>
        tpu.enqueue_dma source(%arg7 : memref<128x128xf32, #tpu.memory_space<vmem>>) target(%dma_start3A_44 : memref<128x128xf32, #tpu.memory_space<hbm>>) target_semaphore(%run_scoped3A : memref<!tpu.dma_semaphore, #tpu.memory_space<semaphore_mem>>)
        %dma_wait3A_45 = arith.constant 0 : i32
        %dma_wait3A_46 = tpu.memref_slice %arg4[%add3A_23, %dma_wait3A_45] : memref<262144x128xf32, #tpu.memory_space<hbm>> -> memref<128x128xf32, #tpu.memory_space<hbm>>
        %dma_wait3A_47 = arith.constant 0 : i32
        %dma_wait3A_48 = tpu.memref_slice %arg4[%add3A_23, %dma_wait3A_47] : memref<262144x128xf32, #tpu.memory_space<hbm>> -> memref<128x128xf32, #tpu.memory_space<hbm>>
        tpu.wait_dma2 semaphore(%run_scoped3A : memref<!tpu.dma_semaphore, #tpu.memory_space<semaphore_mem>>) src(%arg7 : memref<128x128xf32, #tpu.memory_space<vmem>>) dst(%dma_wait3A_48 : memref<128x128xf32, #tpu.memory_space<hbm>>)
        tpu.yield
      }) : () -> ()
      %mul3A_24 = arith.constant 2 : i32
      %mul3A_25 = arith.muli %mul3A_24, %scan3A_10 : i32
      %add3A_26 = arith.constant 1 : i32
      %add3A_27 = arith.addi %mul3A_25, %add3A_26 : i32
      %add3A_28 = arith.constant 1 : i32
      %add3A_29 = arith.addi %add3A_27, %add3A_28 : i32
      %lt3A_30 = arith.constant 64 : i32
      %lt3A_31 = arith.cmpi slt, %add3A_29, %lt3A_30 : i32
      %convert_element_type3A_32 = arith.extui %lt3A_31 : i1 to i32
      %cond3A_33 = arith.constant 0 : i32
      %cond3A_34 = arith.cmpi ne, %convert_element_type3A_32, %cond3A_33 : i32
      scf.if %cond3A_34 {
        %add3A_41 = arith.constant 1 : i32
        %add3A_42 = arith.addi %add3A_27, %add3A_41 : i32
        %mul3A_43 = arith.constant 128 : i32
        %mul3A_44 = arith.muli %add3A_42, %mul3A_43 : i32
        %add3A_45 = arith.addi %mul3A_2, %mul3A_44 : i32
        "tpu.region"() ({
          %run_scoped3A = tpu.sem_alloc : memref<!tpu.dma_semaphore, #tpu.memory_space<semaphore_mem>>
          %dma_start3A_49 = tpu.memref_slice %arg3[%add3A_45] : memref<262144xi32, #tpu.memory_space<hbm>> -> memref<128xi32, #tpu.memory_space<hbm>>
          %dma_start3A_50 = tpu.memref_slice %arg3[%add3A_45] : memref<262144xi32, #tpu.memory_space<hbm>> -> memref<128xi32, #tpu.memory_space<hbm>>
          tpu.enqueue_dma source(%dma_start3A_50 : memref<128xi32, #tpu.memory_space<hbm>>) target(%arg5 : memref<128xi32, #tpu.memory_space<vmem>>) target_semaphore(%run_scoped3A : memref<!tpu.dma_semaphore, #tpu.memory_space<semaphore_mem>>)
          %dma_wait3A_51 = tpu.memref_slice %arg3[%add3A_45] : memref<262144xi32, #tpu.memory_space<hbm>> -> memref<128xi32, #tpu.memory_space<hbm>>
          %dma_wait3A_52 = tpu.memref_slice %arg3[%add3A_45] : memref<262144xi32, #tpu.memory_space<hbm>> -> memref<128xi32, #tpu.memory_space<hbm>>
          tpu.wait_dma2 semaphore(%run_scoped3A : memref<!tpu.dma_semaphore, #tpu.memory_space<semaphore_mem>>) src(%dma_wait3A_52 : memref<128xi32, #tpu.memory_space<hbm>>) dst(%arg5 : memref<128xi32, #tpu.memory_space<vmem>>)
          tpu.yield
        }) : () -> ()
        %dma_start3A_46 = arith.constant 0 : i32
        %dma_start3A_47 = arith.constant 0 : i32
        %dma_start3A_48 = tpu.memref_slice %arg2[%dma_start3A_46, %dma_start3A_47] : memref<32768x128xf32, #tpu.memory_space<hbm>> -> memref<32768x128xf32, #tpu.memory_space<hbm>>
        tpu.enqueue_indirect_dma source(%dma_start3A_48 : memref<32768x128xf32, #tpu.memory_space<hbm>>) target(%arg7 : memref<128x128xf32, #tpu.memory_space<vmem>>) offsets(%arg5 : memref<128xi32, #tpu.memory_space<vmem>>) semaphore(%arg9 : memref<!tpu.dma_semaphore, #tpu.memory_space<semaphore_mem>>)
      } else {
      }
      %dma_wait3A_35 = arith.constant 0 : i32
      %dma_wait3A_36 = arith.constant 0 : i32
      %dma_wait3A_37 = tpu.memref_slice %arg2[%dma_wait3A_35, %dma_wait3A_36] : memref<32768x128xf32, #tpu.memory_space<hbm>> -> memref<32768x128xf32, #tpu.memory_space<hbm>>
      tpu.wait_indirect_dma semaphore(%arg10 : memref<!tpu.dma_semaphore, #tpu.memory_space<semaphore_mem>>) src(%dma_wait3A_37 : memref<32768x128xf32, #tpu.memory_space<hbm>>) dst(%arg8 : memref<128x128xf32, #tpu.memory_space<vmem>>)
      %mul3A_38 = arith.constant 128 : i32
      %mul3A_39 = arith.muli %add3A_27, %mul3A_38 : i32
      %add3A_40 = arith.addi %mul3A_2, %mul3A_39 : i32
      "tpu.region"() ({
        %run_scoped3A = tpu.sem_alloc : memref<!tpu.dma_semaphore, #tpu.memory_space<semaphore_mem>>
        %dma_start3A_41 = arith.constant 0 : i32
        %dma_start3A_42 = tpu.memref_slice %arg4[%add3A_40, %dma_start3A_41] : memref<262144x128xf32, #tpu.memory_space<hbm>> -> memref<128x128xf32, #tpu.memory_space<hbm>>
        %dma_start3A_43 = arith.constant 0 : i32
        %dma_start3A_44 = tpu.memref_slice %arg4[%add3A_40, %dma_start3A_43] : memref<262144x128xf32, #tpu.memory_space<hbm>> -> memref<128x128xf32, #tpu.memory_space<hbm>>
        tpu.enqueue_dma source(%arg8 : memref<128x128xf32, #tpu.memory_space<vmem>>) target(%dma_start3A_44 : memref<128x128xf32, #tpu.memory_space<hbm>>) target_semaphore(%run_scoped3A : memref<!tpu.dma_semaphore, #tpu.memory_space<semaphore_mem>>)
        %dma_wait3A_45 = arith.constant 0 : i32
        %dma_wait3A_46 = tpu.memref_slice %arg4[%add3A_40, %dma_wait3A_45] : memref<262144x128xf32, #tpu.memory_space<hbm>> -> memref<128x128xf32, #tpu.memory_space<hbm>>
        %dma_wait3A_47 = arith.constant 0 : i32
        %dma_wait3A_48 = tpu.memref_slice %arg4[%add3A_40, %dma_wait3A_47] : memref<262144x128xf32, #tpu.memory_space<hbm>> -> memref<128x128xf32, #tpu.memory_space<hbm>>
        tpu.wait_dma2 semaphore(%run_scoped3A : memref<!tpu.dma_semaphore, #tpu.memory_space<semaphore_mem>>) src(%arg8 : memref<128x128xf32, #tpu.memory_space<vmem>>) dst(%dma_wait3A_48 : memref<128x128xf32, #tpu.memory_space<hbm>>)
        tpu.yield
      }) : () -> ()
    }
    %scan3A_9 = arith.constant 32 : i32
    return
  }
}

#map = affine_map<(d0, d1) -> (0, 0)>
#map1 = affine_map<(d0, d1) -> (0)>
module attributes {stable_mosaic.version = 14 : i64} {
  func.func @_sc_gather_body(%arg0: i32, %arg1: i32, %arg2: memref<32768x128xf32, #tpu.memory_space<hbm>>, %arg3: memref<262144xi32, #tpu.memory_space<hbm>>, %arg4: memref<262144x128xf32, #tpu.memory_space<hbm>>, %arg5: memref<128xi32, #tpu.memory_space<vmem>>, %arg6: memref<128xi32, #tpu.memory_space<vmem>>, %arg7: memref<128x128xf32, #tpu.memory_space<vmem>>, %arg8: memref<128x128xf32, #tpu.memory_space<vmem>>, %arg9: memref<!tpu.dma_semaphore, #tpu.memory_space<semaphore_mem>>, %arg10: memref<!tpu.dma_semaphore, #tpu.memory_space<semaphore_mem>>) attributes {dimension_semantics = [#tpu.dimension_semantics<core_parallel>, #tpu.dimension_semantics<subcore_parallel>], iteration_bounds = array<i64: 2, 16>, scalar_prefetch = 0 : i64, scratch_operands = 6 : i64, tpu.core_type = #tpu.core_type<sc_vector_subcore>, window_params = [{transform_indices = #map}, {transform_indices = #map1}, {transform_indices = #map}]} {
    %mul3A = arith.constant 2 : i32
    %mul3A_0 = arith.muli %arg1, %mul3A : i32
    %add3A = arith.addi %mul3A_0, %arg0 : i32
    %mul3A_1 = arith.constant 8192 : i32
    %mul3A_2 = arith.muli %add3A, %mul3A_1 : i32
    "tpu.region"() ({
      %run_scoped3A = tpu.sem_alloc : memref<!tpu.dma_semaphore, #tpu.memory_space<semaphore_mem>>
      %dma_start3A_10 = tpu.memref_slice %arg3[%mul3A_2] : memref<262144xi32, #tpu.memory_space<hbm>> -> memref<128xi32, #tpu.memory_space<hbm>>
      %dma_start3A_11 = tpu.memref_slice %arg3[%mul3A_2] : memref<262144xi32, #tpu.memory_space<hbm>> -> memref<128xi32, #tpu.memory_space<hbm>>
      tpu.enqueue_dma source(%dma_start3A_11 : memref<128xi32, #tpu.memory_space<hbm>>) target(%arg5 : memref<128xi32, #tpu.memory_space<vmem>>) target_semaphore(%run_scoped3A : memref<!tpu.dma_semaphore, #tpu.memory_space<semaphore_mem>>)
      %dma_wait3A = tpu.memref_slice %arg3[%mul3A_2] : memref<262144xi32, #tpu.memory_space<hbm>> -> memref<128xi32, #tpu.memory_space<hbm>>
      %dma_wait3A_12 = tpu.memref_slice %arg3[%mul3A_2] : memref<262144xi32, #tpu.memory_space<hbm>> -> memref<128xi32, #tpu.memory_space<hbm>>
      tpu.wait_dma2 semaphore(%run_scoped3A : memref<!tpu.dma_semaphore, #tpu.memory_space<semaphore_mem>>) src(%dma_wait3A_12 : memref<128xi32, #tpu.memory_space<hbm>>) dst(%arg5 : memref<128xi32, #tpu.memory_space<vmem>>)
      tpu.yield
    }) : () -> ()
    %dma_start3A = arith.constant 0 : i32
    %dma_start3A_3 = arith.constant 0 : i32
    %dma_start3A_4 = tpu.memref_slice %arg2[%dma_start3A, %dma_start3A_3] : memref<32768x128xf32, #tpu.memory_space<hbm>> -> memref<32768x128xf32, #tpu.memory_space<hbm>>
    tpu.enqueue_indirect_dma source(%dma_start3A_4 : memref<32768x128xf32, #tpu.memory_space<hbm>>) target(%arg7 : memref<128x128xf32, #tpu.memory_space<vmem>>) offsets(%arg5 : memref<128xi32, #tpu.memory_space<vmem>>) semaphore(%arg9 : memref<!tpu.dma_semaphore, #tpu.memory_space<semaphore_mem>>)
    %scan3A = arith.constant 0 : i32
    %scan3A_5 = arith.constant 0 : i32
    %scan3A_6 = arith.constant 32 : i32
    %scan3A_7 = arith.addi %scan3A_5, %scan3A_6 : i32
    %scan3A_8 = arith.constant 1 : i32
    scf.for %scan3A_10 = %scan3A_5 to %scan3A_7 step %scan3A_8  : i32 {
      %mul3A_11 = arith.constant 2 : i32
      %mul3A_12 = arith.muli %mul3A_11, %scan3A_10 : i32
      %add3A_13 = arith.constant 0 : i32
      %add3A_14 = arith.addi %mul3A_12, %add3A_13 : i32
      %add3A_15 = arith.constant 1 : i32
      %add3A_16 = arith.addi %add3A_14, %add3A_15 : i32
      %lt3A = arith.constant 64 : i32
      %lt3A_17 = arith.cmpi slt, %add3A_16, %lt3A : i32
      %convert_element_type3A = arith.extui %lt3A_17 : i1 to i32
      %cond3A = arith.constant 0 : i32
      %cond3A_18 = arith.cmpi ne, %convert_element_type3A, %cond3A : i32
      scf.if %cond3A_18 {
        %add3A_41 = arith.constant 1 : i32
        %add3A_42 = arith.addi %add3A_14, %add3A_41 : i32
        %mul3A_43 = arith.constant 128 : i32
        %mul3A_44 = arith.muli %add3A_42, %mul3A_43 : i32
        %add3A_45 = arith.addi %mul3A_2, %mul3A_44 : i32
        "tpu.region"() ({
          %run_scoped3A = tpu.sem_alloc : memref<!tpu.dma_semaphore, #tpu.memory_space<semaphore_mem>>
          %dma_start3A_49 = tpu.memref_slice %arg3[%add3A_45] : memref<262144xi32, #tpu.memory_space<hbm>> -> memref<128xi32, #tpu.memory_space<hbm>>
          %dma_start3A_50 = tpu.memref_slice %arg3[%add3A_45] : memref<262144xi32, #tpu.memory_space<hbm>> -> memref<128xi32, #tpu.memory_space<hbm>>
          tpu.enqueue_dma source(%dma_start3A_50 : memref<128xi32, #tpu.memory_space<hbm>>) target(%arg6 : memref<128xi32, #tpu.memory_space<vmem>>) target_semaphore(%run_scoped3A : memref<!tpu.dma_semaphore, #tpu.memory_space<semaphore_mem>>)
          %dma_wait3A_51 = tpu.memref_slice %arg3[%add3A_45] : memref<262144xi32, #tpu.memory_space<hbm>> -> memref<128xi32, #tpu.memory_space<hbm>>
          %dma_wait3A_52 = tpu.memref_slice %arg3[%add3A_45] : memref<262144xi32, #tpu.memory_space<hbm>> -> memref<128xi32, #tpu.memory_space<hbm>>
          tpu.wait_dma2 semaphore(%run_scoped3A : memref<!tpu.dma_semaphore, #tpu.memory_space<semaphore_mem>>) src(%dma_wait3A_52 : memref<128xi32, #tpu.memory_space<hbm>>) dst(%arg6 : memref<128xi32, #tpu.memory_space<vmem>>)
          tpu.yield
        }) : () -> ()
        %dma_start3A_46 = arith.constant 0 : i32
        %dma_start3A_47 = arith.constant 0 : i32
        %dma_start3A_48 = tpu.memref_slice %arg2[%dma_start3A_46, %dma_start3A_47] : memref<32768x128xf32, #tpu.memory_space<hbm>> -> memref<32768x128xf32, #tpu.memory_space<hbm>>
        tpu.enqueue_indirect_dma source(%dma_start3A_48 : memref<32768x128xf32, #tpu.memory_space<hbm>>) target(%arg8 : memref<128x128xf32, #tpu.memory_space<vmem>>) offsets(%arg6 : memref<128xi32, #tpu.memory_space<vmem>>) semaphore(%arg10 : memref<!tpu.dma_semaphore, #tpu.memory_space<semaphore_mem>>)
      } else {
      }
      %dma_wait3A = arith.constant 0 : i32
      %dma_wait3A_19 = arith.constant 0 : i32
      %dma_wait3A_20 = tpu.memref_slice %arg2[%dma_wait3A, %dma_wait3A_19] : memref<32768x128xf32, #tpu.memory_space<hbm>> -> memref<32768x128xf32, #tpu.memory_space<hbm>>
      tpu.wait_indirect_dma semaphore(%arg9 : memref<!tpu.dma_semaphore, #tpu.memory_space<semaphore_mem>>) src(%dma_wait3A_20 : memref<32768x128xf32, #tpu.memory_space<hbm>>) dst(%arg7 : memref<128x128xf32, #tpu.memory_space<vmem>>)
      %mul3A_21 = arith.constant 128 : i32
      %mul3A_22 = arith.muli %add3A_14, %mul3A_21 : i32
      %add3A_23 = arith.addi %mul3A_2, %mul3A_22 : i32
      "tpu.region"() ({
        %run_scoped3A = tpu.sem_alloc : memref<!tpu.dma_semaphore, #tpu.memory_space<semaphore_mem>>
        %dma_start3A_41 = arith.constant 0 : i32
        %dma_start3A_42 = tpu.memref_slice %arg4[%add3A_23, %dma_start3A_41] : memref<262144x128xf32, #tpu.memory_space<hbm>> -> memref<128x128xf32, #tpu.memory_space<hbm>>
        %dma_start3A_43 = arith.constant 0 : i32
        %dma_start3A_44 = tpu.memref_slice %arg4[%add3A_23, %dma_start3A_43] : memref<262144x128xf32, #tpu.memory_space<hbm>> -> memref<128x128xf32, #tpu.memory_space<hbm>>
        tpu.enqueue_dma source(%arg7 : memref<128x128xf32, #tpu.memory_space<vmem>>) target(%dma_start3A_44 : memref<128x128xf32, #tpu.memory_space<hbm>>) target_semaphore(%run_scoped3A : memref<!tpu.dma_semaphore, #tpu.memory_space<semaphore_mem>>)
        %dma_wait3A_45 = arith.constant 0 : i32
        %dma_wait3A_46 = tpu.memref_slice %arg4[%add3A_23, %dma_wait3A_45] : memref<262144x128xf32, #tpu.memory_space<hbm>> -> memref<128x128xf32, #tpu.memory_space<hbm>>
        %dma_wait3A_47 = arith.constant 0 : i32
        %dma_wait3A_48 = tpu.memref_slice %arg4[%add3A_23, %dma_wait3A_47] : memref<262144x128xf32, #tpu.memory_space<hbm>> -> memref<128x128xf32, #tpu.memory_space<hbm>>
        tpu.wait_dma2 semaphore(%run_scoped3A : memref<!tpu.dma_semaphore, #tpu.memory_space<semaphore_mem>>) src(%arg7 : memref<128x128xf32, #tpu.memory_space<vmem>>) dst(%dma_wait3A_48 : memref<128x128xf32, #tpu.memory_space<hbm>>)
        tpu.yield
      }) : () -> ()
      %mul3A_24 = arith.constant 2 : i32
      %mul3A_25 = arith.muli %mul3A_24, %scan3A_10 : i32
      %add3A_26 = arith.constant 1 : i32
      %add3A_27 = arith.addi %mul3A_25, %add3A_26 : i32
      %add3A_28 = arith.constant 1 : i32
      %add3A_29 = arith.addi %add3A_27, %add3A_28 : i32
      %lt3A_30 = arith.constant 64 : i32
      %lt3A_31 = arith.cmpi slt, %add3A_29, %lt3A_30 : i32
      %convert_element_type3A_32 = arith.extui %lt3A_31 : i1 to i32
      %cond3A_33 = arith.constant 0 : i32
      %cond3A_34 = arith.cmpi ne, %convert_element_type3A_32, %cond3A_33 : i32
      scf.if %cond3A_34 {
        %add3A_41 = arith.constant 1 : i32
        %add3A_42 = arith.addi %add3A_27, %add3A_41 : i32
        %mul3A_43 = arith.constant 128 : i32
        %mul3A_44 = arith.muli %add3A_42, %mul3A_43 : i32
        %add3A_45 = arith.addi %mul3A_2, %mul3A_44 : i32
        "tpu.region"() ({
          %run_scoped3A = tpu.sem_alloc : memref<!tpu.dma_semaphore, #tpu.memory_space<semaphore_mem>>
          %dma_start3A_49 = tpu.memref_slice %arg3[%add3A_45] : memref<262144xi32, #tpu.memory_space<hbm>> -> memref<128xi32, #tpu.memory_space<hbm>>
          %dma_start3A_50 = tpu.memref_slice %arg3[%add3A_45] : memref<262144xi32, #tpu.memory_space<hbm>> -> memref<128xi32, #tpu.memory_space<hbm>>
          tpu.enqueue_dma source(%dma_start3A_50 : memref<128xi32, #tpu.memory_space<hbm>>) target(%arg5 : memref<128xi32, #tpu.memory_space<vmem>>) target_semaphore(%run_scoped3A : memref<!tpu.dma_semaphore, #tpu.memory_space<semaphore_mem>>)
          %dma_wait3A_51 = tpu.memref_slice %arg3[%add3A_45] : memref<262144xi32, #tpu.memory_space<hbm>> -> memref<128xi32, #tpu.memory_space<hbm>>
          %dma_wait3A_52 = tpu.memref_slice %arg3[%add3A_45] : memref<262144xi32, #tpu.memory_space<hbm>> -> memref<128xi32, #tpu.memory_space<hbm>>
          tpu.wait_dma2 semaphore(%run_scoped3A : memref<!tpu.dma_semaphore, #tpu.memory_space<semaphore_mem>>) src(%dma_wait3A_52 : memref<128xi32, #tpu.memory_space<hbm>>) dst(%arg5 : memref<128xi32, #tpu.memory_space<vmem>>)
          tpu.yield
        }) : () -> ()
        %dma_start3A_46 = arith.constant 0 : i32
        %dma_start3A_47 = arith.constant 0 : i32
        %dma_start3A_48 = tpu.memref_slice %arg2[%dma_start3A_46, %dma_start3A_47] : memref<32768x128xf32, #tpu.memory_space<hbm>> -> memref<32768x128xf32, #tpu.memory_space<hbm>>
        tpu.enqueue_indirect_dma source(%dma_start3A_48 : memref<32768x128xf32, #tpu.memory_space<hbm>>) target(%arg7 : memref<128x128xf32, #tpu.memory_space<vmem>>) offsets(%arg5 : memref<128xi32, #tpu.memory_space<vmem>>) semaphore(%arg9 : memref<!tpu.dma_semaphore, #tpu.memory_space<semaphore_mem>>)
      } else {
      }
      %dma_wait3A_35 = arith.constant 0 : i32
      %dma_wait3A_36 = arith.constant 0 : i32
      %dma_wait3A_37 = tpu.memref_slice %arg2[%dma_wait3A_35, %dma_wait3A_36] : memref<32768x128xf32, #tpu.memory_space<hbm>> -> memref<32768x128xf32, #tpu.memory_space<hbm>>
      tpu.wait_indirect_dma semaphore(%arg10 : memref<!tpu.dma_semaphore, #tpu.memory_space<semaphore_mem>>) src(%dma_wait3A_37 : memref<32768x128xf32, #tpu.memory_space<hbm>>) dst(%arg8 : memref<128x128xf32, #tpu.memory_space<vmem>>)
      %mul3A_38 = arith.constant 128 : i32
      %mul3A_39 = arith.muli %add3A_27, %mul3A_38 : i32
      %add3A_40 = arith.addi %mul3A_2, %mul3A_39 : i32
      "tpu.region"() ({
        %run_scoped3A = tpu.sem_alloc : memref<!tpu.dma_semaphore, #tpu.memory_space<semaphore_mem>>
        %dma_start3A_41 = arith.constant 0 : i32
        %dma_start3A_42 = tpu.memref_slice %arg4[%add3A_40, %dma_start3A_41] : memref<262144x128xf32, #tpu.memory_space<hbm>> -> memref<128x128xf32, #tpu.memory_space<hbm>>
        %dma_start3A_43 = arith.constant 0 : i32
        %dma_start3A_44 = tpu.memref_slice %arg4[%add3A_40, %dma_start3A_43] : memref<262144x128xf32, #tpu.memory_space<hbm>> -> memref<128x128xf32, #tpu.memory_space<hbm>>
        tpu.enqueue_dma source(%arg8 : memref<128x128xf32, #tpu.memory_space<vmem>>) target(%dma_start3A_44 : memref<128x128xf32, #tpu.memory_space<hbm>>) target_semaphore(%run_scoped3A : memref<!tpu.dma_semaphore, #tpu.memory_space<semaphore_mem>>)
        %dma_wait3A_45 = arith.constant 0 : i32
        %dma_wait3A_46 = tpu.memref_slice %arg4[%add3A_40, %dma_wait3A_45] : memref<262144x128xf32, #tpu.memory_space<hbm>> -> memref<128x128xf32, #tpu.memory_space<hbm>>
        %dma_wait3A_47 = arith.constant 0 : i32
        %dma_wait3A_48 = tpu.memref_slice %arg4[%add3A_40, %dma_wait3A_47] : memref<262144x128xf32, #tpu.memory_space<hbm>> -> memref<128x128xf32, #tpu.memory_space<hbm>>
        tpu.wait_dma2 semaphore(%run_scoped3A : memref<!tpu.dma_semaphore, #tpu.memory_space<semaphore_mem>>) src(%arg8 : memref<128x128xf32, #tpu.memory_space<vmem>>) dst(%dma_wait3A_48 : memref<128x128xf32, #tpu.memory_space<hbm>>)
        tpu.yield
      }) : () -> ()
    }
    %scan3A_9 = arith.constant 32 : i32
    return
  }
}

#map = affine_map<(d0, d1) -> (0, 0)>
#map1 = affine_map<(d0, d1) -> (0)>
module attributes {stable_mosaic.version = 14 : i64} {
  func.func @_sc_gather_body(%arg0: i32, %arg1: i32, %arg2: memref<32768x128xf32, #tpu.memory_space<hbm>>, %arg3: memref<262144xi32, #tpu.memory_space<hbm>>, %arg4: memref<262144x128xf32, #tpu.memory_space<hbm>>, %arg5: memref<128xi32, #tpu.memory_space<vmem>>, %arg6: memref<128xi32, #tpu.memory_space<vmem>>, %arg7: memref<128x128xf32, #tpu.memory_space<vmem>>, %arg8: memref<128x128xf32, #tpu.memory_space<vmem>>, %arg9: memref<!tpu.dma_semaphore, #tpu.memory_space<semaphore_mem>>, %arg10: memref<!tpu.dma_semaphore, #tpu.memory_space<semaphore_mem>>) attributes {dimension_semantics = [#tpu.dimension_semantics<core_parallel>, #tpu.dimension_semantics<subcore_parallel>], iteration_bounds = array<i64: 2, 16>, scalar_prefetch = 0 : i64, scratch_operands = 6 : i64, tpu.core_type = #tpu.core_type<sc_vector_subcore>, window_params = [{transform_indices = #map}, {transform_indices = #map1}, {transform_indices = #map}]} {
    %mul3A = arith.constant 2 : i32
    %mul3A_0 = arith.muli %arg1, %mul3A : i32
    %add3A = arith.addi %mul3A_0, %arg0 : i32
    %mul3A_1 = arith.constant 8192 : i32
    %mul3A_2 = arith.muli %add3A, %mul3A_1 : i32
    "tpu.region"() ({
      %run_scoped3A = tpu.sem_alloc : memref<!tpu.dma_semaphore, #tpu.memory_space<semaphore_mem>>
      %dma_start3A_10 = tpu.memref_slice %arg3[%mul3A_2] : memref<262144xi32, #tpu.memory_space<hbm>> -> memref<128xi32, #tpu.memory_space<hbm>>
      %dma_start3A_11 = tpu.memref_slice %arg3[%mul3A_2] : memref<262144xi32, #tpu.memory_space<hbm>> -> memref<128xi32, #tpu.memory_space<hbm>>
      tpu.enqueue_dma source(%dma_start3A_11 : memref<128xi32, #tpu.memory_space<hbm>>) target(%arg5 : memref<128xi32, #tpu.memory_space<vmem>>) target_semaphore(%run_scoped3A : memref<!tpu.dma_semaphore, #tpu.memory_space<semaphore_mem>>)
      %dma_wait3A = tpu.memref_slice %arg3[%mul3A_2] : memref<262144xi32, #tpu.memory_space<hbm>> -> memref<128xi32, #tpu.memory_space<hbm>>
      %dma_wait3A_12 = tpu.memref_slice %arg3[%mul3A_2] : memref<262144xi32, #tpu.memory_space<hbm>> -> memref<128xi32, #tpu.memory_space<hbm>>
      tpu.wait_dma2 semaphore(%run_scoped3A : memref<!tpu.dma_semaphore, #tpu.memory_space<semaphore_mem>>) src(%dma_wait3A_12 : memref<128xi32, #tpu.memory_space<hbm>>) dst(%arg5 : memref<128xi32, #tpu.memory_space<vmem>>)
      tpu.yield
    }) : () -> ()
    %dma_start3A = arith.constant 0 : i32
    %dma_start3A_3 = arith.constant 0 : i32
    %dma_start3A_4 = tpu.memref_slice %arg2[%dma_start3A, %dma_start3A_3] : memref<32768x128xf32, #tpu.memory_space<hbm>> -> memref<32768x128xf32, #tpu.memory_space<hbm>>
    tpu.enqueue_indirect_dma source(%dma_start3A_4 : memref<32768x128xf32, #tpu.memory_space<hbm>>) target(%arg7 : memref<128x128xf32, #tpu.memory_space<vmem>>) offsets(%arg5 : memref<128xi32, #tpu.memory_space<vmem>>) semaphore(%arg9 : memref<!tpu.dma_semaphore, #tpu.memory_space<semaphore_mem>>)
    %scan3A = arith.constant 0 : i32
    %scan3A_5 = arith.constant 0 : i32
    %scan3A_6 = arith.constant 32 : i32
    %scan3A_7 = arith.addi %scan3A_5, %scan3A_6 : i32
    %scan3A_8 = arith.constant 1 : i32
    scf.for %scan3A_10 = %scan3A_5 to %scan3A_7 step %scan3A_8  : i32 {
      %mul3A_11 = arith.constant 2 : i32
      %mul3A_12 = arith.muli %mul3A_11, %scan3A_10 : i32
      %add3A_13 = arith.constant 0 : i32
      %add3A_14 = arith.addi %mul3A_12, %add3A_13 : i32
      %add3A_15 = arith.constant 1 : i32
      %add3A_16 = arith.addi %add3A_14, %add3A_15 : i32
      %lt3A = arith.constant 64 : i32
      %lt3A_17 = arith.cmpi slt, %add3A_16, %lt3A : i32
      %convert_element_type3A = arith.extui %lt3A_17 : i1 to i32
      %cond3A = arith.constant 0 : i32
      %cond3A_18 = arith.cmpi ne, %convert_element_type3A, %cond3A : i32
      scf.if %cond3A_18 {
        %add3A_41 = arith.constant 1 : i32
        %add3A_42 = arith.addi %add3A_14, %add3A_41 : i32
        %mul3A_43 = arith.constant 128 : i32
        %mul3A_44 = arith.muli %add3A_42, %mul3A_43 : i32
        %add3A_45 = arith.addi %mul3A_2, %mul3A_44 : i32
        "tpu.region"() ({
          %run_scoped3A = tpu.sem_alloc : memref<!tpu.dma_semaphore, #tpu.memory_space<semaphore_mem>>
          %dma_start3A_49 = tpu.memref_slice %arg3[%add3A_45] : memref<262144xi32, #tpu.memory_space<hbm>> -> memref<128xi32, #tpu.memory_space<hbm>>
          %dma_start3A_50 = tpu.memref_slice %arg3[%add3A_45] : memref<262144xi32, #tpu.memory_space<hbm>> -> memref<128xi32, #tpu.memory_space<hbm>>
          tpu.enqueue_dma source(%dma_start3A_50 : memref<128xi32, #tpu.memory_space<hbm>>) target(%arg6 : memref<128xi32, #tpu.memory_space<vmem>>) target_semaphore(%run_scoped3A : memref<!tpu.dma_semaphore, #tpu.memory_space<semaphore_mem>>)
          %dma_wait3A_51 = tpu.memref_slice %arg3[%add3A_45] : memref<262144xi32, #tpu.memory_space<hbm>> -> memref<128xi32, #tpu.memory_space<hbm>>
          %dma_wait3A_52 = tpu.memref_slice %arg3[%add3A_45] : memref<262144xi32, #tpu.memory_space<hbm>> -> memref<128xi32, #tpu.memory_space<hbm>>
          tpu.wait_dma2 semaphore(%run_scoped3A : memref<!tpu.dma_semaphore, #tpu.memory_space<semaphore_mem>>) src(%dma_wait3A_52 : memref<128xi32, #tpu.memory_space<hbm>>) dst(%arg6 : memref<128xi32, #tpu.memory_space<vmem>>)
          tpu.yield
        }) : () -> ()
        %dma_start3A_46 = arith.constant 0 : i32
        %dma_start3A_47 = arith.constant 0 : i32
        %dma_start3A_48 = tpu.memref_slice %arg2[%dma_start3A_46, %dma_start3A_47] : memref<32768x128xf32, #tpu.memory_space<hbm>> -> memref<32768x128xf32, #tpu.memory_space<hbm>>
        tpu.enqueue_indirect_dma source(%dma_start3A_48 : memref<32768x128xf32, #tpu.memory_space<hbm>>) target(%arg8 : memref<128x128xf32, #tpu.memory_space<vmem>>) offsets(%arg6 : memref<128xi32, #tpu.memory_space<vmem>>) semaphore(%arg10 : memref<!tpu.dma_semaphore, #tpu.memory_space<semaphore_mem>>)
      } else {
      }
      %dma_wait3A = arith.constant 0 : i32
      %dma_wait3A_19 = arith.constant 0 : i32
      %dma_wait3A_20 = tpu.memref_slice %arg2[%dma_wait3A, %dma_wait3A_19] : memref<32768x128xf32, #tpu.memory_space<hbm>> -> memref<32768x128xf32, #tpu.memory_space<hbm>>
      tpu.wait_indirect_dma semaphore(%arg9 : memref<!tpu.dma_semaphore, #tpu.memory_space<semaphore_mem>>) src(%dma_wait3A_20 : memref<32768x128xf32, #tpu.memory_space<hbm>>) dst(%arg7 : memref<128x128xf32, #tpu.memory_space<vmem>>)
      %mul3A_21 = arith.constant 128 : i32
      %mul3A_22 = arith.muli %add3A_14, %mul3A_21 : i32
      %add3A_23 = arith.addi %mul3A_2, %mul3A_22 : i32
      "tpu.region"() ({
        %run_scoped3A = tpu.sem_alloc : memref<!tpu.dma_semaphore, #tpu.memory_space<semaphore_mem>>
        %dma_start3A_41 = arith.constant 0 : i32
        %dma_start3A_42 = tpu.memref_slice %arg4[%add3A_23, %dma_start3A_41] : memref<262144x128xf32, #tpu.memory_space<hbm>> -> memref<128x128xf32, #tpu.memory_space<hbm>>
        %dma_start3A_43 = arith.constant 0 : i32
        %dma_start3A_44 = tpu.memref_slice %arg4[%add3A_23, %dma_start3A_43] : memref<262144x128xf32, #tpu.memory_space<hbm>> -> memref<128x128xf32, #tpu.memory_space<hbm>>
        tpu.enqueue_dma source(%arg7 : memref<128x128xf32, #tpu.memory_space<vmem>>) target(%dma_start3A_44 : memref<128x128xf32, #tpu.memory_space<hbm>>) target_semaphore(%run_scoped3A : memref<!tpu.dma_semaphore, #tpu.memory_space<semaphore_mem>>)
        %dma_wait3A_45 = arith.constant 0 : i32
        %dma_wait3A_46 = tpu.memref_slice %arg4[%add3A_23, %dma_wait3A_45] : memref<262144x128xf32, #tpu.memory_space<hbm>> -> memref<128x128xf32, #tpu.memory_space<hbm>>
        %dma_wait3A_47 = arith.constant 0 : i32
        %dma_wait3A_48 = tpu.memref_slice %arg4[%add3A_23, %dma_wait3A_47] : memref<262144x128xf32, #tpu.memory_space<hbm>> -> memref<128x128xf32, #tpu.memory_space<hbm>>
        tpu.wait_dma2 semaphore(%run_scoped3A : memref<!tpu.dma_semaphore, #tpu.memory_space<semaphore_mem>>) src(%arg7 : memref<128x128xf32, #tpu.memory_space<vmem>>) dst(%dma_wait3A_48 : memref<128x128xf32, #tpu.memory_space<hbm>>)
        tpu.yield
      }) : () -> ()
      %mul3A_24 = arith.constant 2 : i32
      %mul3A_25 = arith.muli %mul3A_24, %scan3A_10 : i32
      %add3A_26 = arith.constant 1 : i32
      %add3A_27 = arith.addi %mul3A_25, %add3A_26 : i32
      %add3A_28 = arith.constant 1 : i32
      %add3A_29 = arith.addi %add3A_27, %add3A_28 : i32
      %lt3A_30 = arith.constant 64 : i32
      %lt3A_31 = arith.cmpi slt, %add3A_29, %lt3A_30 : i32
      %convert_element_type3A_32 = arith.extui %lt3A_31 : i1 to i32
      %cond3A_33 = arith.constant 0 : i32
      %cond3A_34 = arith.cmpi ne, %convert_element_type3A_32, %cond3A_33 : i32
      scf.if %cond3A_34 {
        %add3A_41 = arith.constant 1 : i32
        %add3A_42 = arith.addi %add3A_27, %add3A_41 : i32
        %mul3A_43 = arith.constant 128 : i32
        %mul3A_44 = arith.muli %add3A_42, %mul3A_43 : i32
        %add3A_45 = arith.addi %mul3A_2, %mul3A_44 : i32
        "tpu.region"() ({
          %run_scoped3A = tpu.sem_alloc : memref<!tpu.dma_semaphore, #tpu.memory_space<semaphore_mem>>
          %dma_start3A_49 = tpu.memref_slice %arg3[%add3A_45] : memref<262144xi32, #tpu.memory_space<hbm>> -> memref<128xi32, #tpu.memory_space<hbm>>
          %dma_start3A_50 = tpu.memref_slice %arg3[%add3A_45] : memref<262144xi32, #tpu.memory_space<hbm>> -> memref<128xi32, #tpu.memory_space<hbm>>
          tpu.enqueue_dma source(%dma_start3A_50 : memref<128xi32, #tpu.memory_space<hbm>>) target(%arg5 : memref<128xi32, #tpu.memory_space<vmem>>) target_semaphore(%run_scoped3A : memref<!tpu.dma_semaphore, #tpu.memory_space<semaphore_mem>>)
          %dma_wait3A_51 = tpu.memref_slice %arg3[%add3A_45] : memref<262144xi32, #tpu.memory_space<hbm>> -> memref<128xi32, #tpu.memory_space<hbm>>
          %dma_wait3A_52 = tpu.memref_slice %arg3[%add3A_45] : memref<262144xi32, #tpu.memory_space<hbm>> -> memref<128xi32, #tpu.memory_space<hbm>>
          tpu.wait_dma2 semaphore(%run_scoped3A : memref<!tpu.dma_semaphore, #tpu.memory_space<semaphore_mem>>) src(%dma_wait3A_52 : memref<128xi32, #tpu.memory_space<hbm>>) dst(%arg5 : memref<128xi32, #tpu.memory_space<vmem>>)
          tpu.yield
        }) : () -> ()
        %dma_start3A_46 = arith.constant 0 : i32
        %dma_start3A_47 = arith.constant 0 : i32
        %dma_start3A_48 = tpu.memref_slice %arg2[%dma_start3A_46, %dma_start3A_47] : memref<32768x128xf32, #tpu.memory_space<hbm>> -> memref<32768x128xf32, #tpu.memory_space<hbm>>
        tpu.enqueue_indirect_dma source(%dma_start3A_48 : memref<32768x128xf32, #tpu.memory_space<hbm>>) target(%arg7 : memref<128x128xf32, #tpu.memory_space<vmem>>) offsets(%arg5 : memref<128xi32, #tpu.memory_space<vmem>>) semaphore(%arg9 : memref<!tpu.dma_semaphore, #tpu.memory_space<semaphore_mem>>)
      } else {
      }
      %dma_wait3A_35 = arith.constant 0 : i32
      %dma_wait3A_36 = arith.constant 0 : i32
      %dma_wait3A_37 = tpu.memref_slice %arg2[%dma_wait3A_35, %dma_wait3A_36] : memref<32768x128xf32, #tpu.memory_space<hbm>> -> memref<32768x128xf32, #tpu.memory_space<hbm>>
      tpu.wait_indirect_dma semaphore(%arg10 : memref<!tpu.dma_semaphore, #tpu.memory_space<semaphore_mem>>) src(%dma_wait3A_37 : memref<32768x128xf32, #tpu.memory_space<hbm>>) dst(%arg8 : memref<128x128xf32, #tpu.memory_space<vmem>>)
      %mul3A_38 = arith.constant 128 : i32
      %mul3A_39 = arith.muli %add3A_27, %mul3A_38 : i32
      %add3A_40 = arith.addi %mul3A_2, %mul3A_39 : i32
      "tpu.region"() ({
        %run_scoped3A = tpu.sem_alloc : memref<!tpu.dma_semaphore, #tpu.memory_space<semaphore_mem>>
        %dma_start3A_41 = arith.constant 0 : i32
        %dma_start3A_42 = tpu.memref_slice %arg4[%add3A_40, %dma_start3A_41] : memref<262144x128xf32, #tpu.memory_space<hbm>> -> memref<128x128xf32, #tpu.memory_space<hbm>>
        %dma_start3A_43 = arith.constant 0 : i32
        %dma_start3A_44 = tpu.memref_slice %arg4[%add3A_40, %dma_start3A_43] : memref<262144x128xf32, #tpu.memory_space<hbm>> -> memref<128x128xf32, #tpu.memory_space<hbm>>
        tpu.enqueue_dma source(%arg8 : memref<128x128xf32, #tpu.memory_space<vmem>>) target(%dma_start3A_44 : memref<128x128xf32, #tpu.memory_space<hbm>>) target_semaphore(%run_scoped3A : memref<!tpu.dma_semaphore, #tpu.memory_space<semaphore_mem>>)
        %dma_wait3A_45 = arith.constant 0 : i32
        %dma_wait3A_46 = tpu.memref_slice %arg4[%add3A_40, %dma_wait3A_45] : memref<262144x128xf32, #tpu.memory_space<hbm>> -> memref<128x128xf32, #tpu.memory_space<hbm>>
        %dma_wait3A_47 = arith.constant 0 : i32
        %dma_wait3A_48 = tpu.memref_slice %arg4[%add3A_40, %dma_wait3A_47] : memref<262144x128xf32, #tpu.memory_space<hbm>> -> memref<128x128xf32, #tpu.memory_space<hbm>>
        tpu.wait_dma2 semaphore(%run_scoped3A : memref<!tpu.dma_semaphore, #tpu.memory_space<semaphore_mem>>) src(%arg8 : memref<128x128xf32, #tpu.memory_space<vmem>>) dst(%dma_wait3A_48 : memref<128x128xf32, #tpu.memory_space<hbm>>)
        tpu.yield
      }) : () -> ()
    }
    %scan3A_9 = arith.constant 32 : i32
    return
  }
}

#map = affine_map<(d0, d1) -> (0, 0)>
#map1 = affine_map<(d0, d1) -> (0)>
module attributes {stable_mosaic.version = 14 : i64} {
  func.func @_sc_gather_body(%arg0: i32, %arg1: i32, %arg2: memref<32768x128xf32, #tpu.memory_space<hbm>>, %arg3: memref<262144xi32, #tpu.memory_space<hbm>>, %arg4: memref<262144x128xf32, #tpu.memory_space<hbm>>, %arg5: memref<128xi32, #tpu.memory_space<vmem>>, %arg6: memref<128xi32, #tpu.memory_space<vmem>>, %arg7: memref<128x128xf32, #tpu.memory_space<vmem>>, %arg8: memref<128x128xf32, #tpu.memory_space<vmem>>, %arg9: memref<!tpu.dma_semaphore, #tpu.memory_space<semaphore_mem>>, %arg10: memref<!tpu.dma_semaphore, #tpu.memory_space<semaphore_mem>>) attributes {dimension_semantics = [#tpu.dimension_semantics<core_parallel>, #tpu.dimension_semantics<subcore_parallel>], iteration_bounds = array<i64: 2, 16>, scalar_prefetch = 0 : i64, scratch_operands = 6 : i64, tpu.core_type = #tpu.core_type<sc_vector_subcore>, window_params = [{transform_indices = #map}, {transform_indices = #map1}, {transform_indices = #map}]} {
    %mul3A = arith.constant 2 : i32
    %mul3A_0 = arith.muli %arg1, %mul3A : i32
    %add3A = arith.addi %mul3A_0, %arg0 : i32
    %mul3A_1 = arith.constant 8192 : i32
    %mul3A_2 = arith.muli %add3A, %mul3A_1 : i32
    "tpu.region"() ({
      %run_scoped3A = tpu.sem_alloc : memref<!tpu.dma_semaphore, #tpu.memory_space<semaphore_mem>>
      %dma_start3A_10 = tpu.memref_slice %arg3[%mul3A_2] : memref<262144xi32, #tpu.memory_space<hbm>> -> memref<128xi32, #tpu.memory_space<hbm>>
      %dma_start3A_11 = tpu.memref_slice %arg3[%mul3A_2] : memref<262144xi32, #tpu.memory_space<hbm>> -> memref<128xi32, #tpu.memory_space<hbm>>
      tpu.enqueue_dma source(%dma_start3A_11 : memref<128xi32, #tpu.memory_space<hbm>>) target(%arg5 : memref<128xi32, #tpu.memory_space<vmem>>) target_semaphore(%run_scoped3A : memref<!tpu.dma_semaphore, #tpu.memory_space<semaphore_mem>>)
      %dma_wait3A = tpu.memref_slice %arg3[%mul3A_2] : memref<262144xi32, #tpu.memory_space<hbm>> -> memref<128xi32, #tpu.memory_space<hbm>>
      %dma_wait3A_12 = tpu.memref_slice %arg3[%mul3A_2] : memref<262144xi32, #tpu.memory_space<hbm>> -> memref<128xi32, #tpu.memory_space<hbm>>
      tpu.wait_dma2 semaphore(%run_scoped3A : memref<!tpu.dma_semaphore, #tpu.memory_space<semaphore_mem>>) src(%dma_wait3A_12 : memref<128xi32, #tpu.memory_space<hbm>>) dst(%arg5 : memref<128xi32, #tpu.memory_space<vmem>>)
      tpu.yield
    }) : () -> ()
    %dma_start3A = arith.constant 0 : i32
    %dma_start3A_3 = arith.constant 0 : i32
    %dma_start3A_4 = tpu.memref_slice %arg2[%dma_start3A, %dma_start3A_3] : memref<32768x128xf32, #tpu.memory_space<hbm>> -> memref<32768x128xf32, #tpu.memory_space<hbm>>
    tpu.enqueue_indirect_dma source(%dma_start3A_4 : memref<32768x128xf32, #tpu.memory_space<hbm>>) target(%arg7 : memref<128x128xf32, #tpu.memory_space<vmem>>) offsets(%arg5 : memref<128xi32, #tpu.memory_space<vmem>>) semaphore(%arg9 : memref<!tpu.dma_semaphore, #tpu.memory_space<semaphore_mem>>)
    %scan3A = arith.constant 0 : i32
    %scan3A_5 = arith.constant 0 : i32
    %scan3A_6 = arith.constant 32 : i32
    %scan3A_7 = arith.addi %scan3A_5, %scan3A_6 : i32
    %scan3A_8 = arith.constant 1 : i32
    scf.for %scan3A_10 = %scan3A_5 to %scan3A_7 step %scan3A_8  : i32 {
      %mul3A_11 = arith.constant 2 : i32
      %mul3A_12 = arith.muli %mul3A_11, %scan3A_10 : i32
      %add3A_13 = arith.constant 0 : i32
      %add3A_14 = arith.addi %mul3A_12, %add3A_13 : i32
      %add3A_15 = arith.constant 1 : i32
      %add3A_16 = arith.addi %add3A_14, %add3A_15 : i32
      %lt3A = arith.constant 64 : i32
      %lt3A_17 = arith.cmpi slt, %add3A_16, %lt3A : i32
      %convert_element_type3A = arith.extui %lt3A_17 : i1 to i32
      %cond3A = arith.constant 0 : i32
      %cond3A_18 = arith.cmpi ne, %convert_element_type3A, %cond3A : i32
      scf.if %cond3A_18 {
        %add3A_41 = arith.constant 1 : i32
        %add3A_42 = arith.addi %add3A_14, %add3A_41 : i32
        %mul3A_43 = arith.constant 128 : i32
        %mul3A_44 = arith.muli %add3A_42, %mul3A_43 : i32
        %add3A_45 = arith.addi %mul3A_2, %mul3A_44 : i32
        "tpu.region"() ({
          %run_scoped3A = tpu.sem_alloc : memref<!tpu.dma_semaphore, #tpu.memory_space<semaphore_mem>>
          %dma_start3A_49 = tpu.memref_slice %arg3[%add3A_45] : memref<262144xi32, #tpu.memory_space<hbm>> -> memref<128xi32, #tpu.memory_space<hbm>>
          %dma_start3A_50 = tpu.memref_slice %arg3[%add3A_45] : memref<262144xi32, #tpu.memory_space<hbm>> -> memref<128xi32, #tpu.memory_space<hbm>>
          tpu.enqueue_dma source(%dma_start3A_50 : memref<128xi32, #tpu.memory_space<hbm>>) target(%arg6 : memref<128xi32, #tpu.memory_space<vmem>>) target_semaphore(%run_scoped3A : memref<!tpu.dma_semaphore, #tpu.memory_space<semaphore_mem>>)
          %dma_wait3A_51 = tpu.memref_slice %arg3[%add3A_45] : memref<262144xi32, #tpu.memory_space<hbm>> -> memref<128xi32, #tpu.memory_space<hbm>>
          %dma_wait3A_52 = tpu.memref_slice %arg3[%add3A_45] : memref<262144xi32, #tpu.memory_space<hbm>> -> memref<128xi32, #tpu.memory_space<hbm>>
          tpu.wait_dma2 semaphore(%run_scoped3A : memref<!tpu.dma_semaphore, #tpu.memory_space<semaphore_mem>>) src(%dma_wait3A_52 : memref<128xi32, #tpu.memory_space<hbm>>) dst(%arg6 : memref<128xi32, #tpu.memory_space<vmem>>)
          tpu.yield
        }) : () -> ()
        %dma_start3A_46 = arith.constant 0 : i32
        %dma_start3A_47 = arith.constant 0 : i32
        %dma_start3A_48 = tpu.memref_slice %arg2[%dma_start3A_46, %dma_start3A_47] : memref<32768x128xf32, #tpu.memory_space<hbm>> -> memref<32768x128xf32, #tpu.memory_space<hbm>>
        tpu.enqueue_indirect_dma source(%dma_start3A_48 : memref<32768x128xf32, #tpu.memory_space<hbm>>) target(%arg8 : memref<128x128xf32, #tpu.memory_space<vmem>>) offsets(%arg6 : memref<128xi32, #tpu.memory_space<vmem>>) semaphore(%arg10 : memref<!tpu.dma_semaphore, #tpu.memory_space<semaphore_mem>>)
      } else {
      }
      %dma_wait3A = arith.constant 0 : i32
      %dma_wait3A_19 = arith.constant 0 : i32
      %dma_wait3A_20 = tpu.memref_slice %arg2[%dma_wait3A, %dma_wait3A_19] : memref<32768x128xf32, #tpu.memory_space<hbm>> -> memref<32768x128xf32, #tpu.memory_space<hbm>>
      tpu.wait_indirect_dma semaphore(%arg9 : memref<!tpu.dma_semaphore, #tpu.memory_space<semaphore_mem>>) src(%dma_wait3A_20 : memref<32768x128xf32, #tpu.memory_space<hbm>>) dst(%arg7 : memref<128x128xf32, #tpu.memory_space<vmem>>)
      %mul3A_21 = arith.constant 128 : i32
      %mul3A_22 = arith.muli %add3A_14, %mul3A_21 : i32
      %add3A_23 = arith.addi %mul3A_2, %mul3A_22 : i32
      "tpu.region"() ({
        %run_scoped3A = tpu.sem_alloc : memref<!tpu.dma_semaphore, #tpu.memory_space<semaphore_mem>>
        %dma_start3A_41 = arith.constant 0 : i32
        %dma_start3A_42 = tpu.memref_slice %arg4[%add3A_23, %dma_start3A_41] : memref<262144x128xf32, #tpu.memory_space<hbm>> -> memref<128x128xf32, #tpu.memory_space<hbm>>
        %dma_start3A_43 = arith.constant 0 : i32
        %dma_start3A_44 = tpu.memref_slice %arg4[%add3A_23, %dma_start3A_43] : memref<262144x128xf32, #tpu.memory_space<hbm>> -> memref<128x128xf32, #tpu.memory_space<hbm>>
        tpu.enqueue_dma source(%arg7 : memref<128x128xf32, #tpu.memory_space<vmem>>) target(%dma_start3A_44 : memref<128x128xf32, #tpu.memory_space<hbm>>) target_semaphore(%run_scoped3A : memref<!tpu.dma_semaphore, #tpu.memory_space<semaphore_mem>>)
        %dma_wait3A_45 = arith.constant 0 : i32
        %dma_wait3A_46 = tpu.memref_slice %arg4[%add3A_23, %dma_wait3A_45] : memref<262144x128xf32, #tpu.memory_space<hbm>> -> memref<128x128xf32, #tpu.memory_space<hbm>>
        %dma_wait3A_47 = arith.constant 0 : i32
        %dma_wait3A_48 = tpu.memref_slice %arg4[%add3A_23, %dma_wait3A_47] : memref<262144x128xf32, #tpu.memory_space<hbm>> -> memref<128x128xf32, #tpu.memory_space<hbm>>
        tpu.wait_dma2 semaphore(%run_scoped3A : memref<!tpu.dma_semaphore, #tpu.memory_space<semaphore_mem>>) src(%arg7 : memref<128x128xf32, #tpu.memory_space<vmem>>) dst(%dma_wait3A_48 : memref<128x128xf32, #tpu.memory_space<hbm>>)
        tpu.yield
      }) : () -> ()
      %mul3A_24 = arith.constant 2 : i32
      %mul3A_25 = arith.muli %mul3A_24, %scan3A_10 : i32
      %add3A_26 = arith.constant 1 : i32
      %add3A_27 = arith.addi %mul3A_25, %add3A_26 : i32
      %add3A_28 = arith.constant 1 : i32
      %add3A_29 = arith.addi %add3A_27, %add3A_28 : i32
      %lt3A_30 = arith.constant 64 : i32
      %lt3A_31 = arith.cmpi slt, %add3A_29, %lt3A_30 : i32
      %convert_element_type3A_32 = arith.extui %lt3A_31 : i1 to i32
      %cond3A_33 = arith.constant 0 : i32
      %cond3A_34 = arith.cmpi ne, %convert_element_type3A_32, %cond3A_33 : i32
      scf.if %cond3A_34 {
        %add3A_41 = arith.constant 1 : i32
        %add3A_42 = arith.addi %add3A_27, %add3A_41 : i32
        %mul3A_43 = arith.constant 128 : i32
        %mul3A_44 = arith.muli %add3A_42, %mul3A_43 : i32
        %add3A_45 = arith.addi %mul3A_2, %mul3A_44 : i32
        "tpu.region"() ({
          %run_scoped3A = tpu.sem_alloc : memref<!tpu.dma_semaphore, #tpu.memory_space<semaphore_mem>>
          %dma_start3A_49 = tpu.memref_slice %arg3[%add3A_45] : memref<262144xi32, #tpu.memory_space<hbm>> -> memref<128xi32, #tpu.memory_space<hbm>>
          %dma_start3A_50 = tpu.memref_slice %arg3[%add3A_45] : memref<262144xi32, #tpu.memory_space<hbm>> -> memref<128xi32, #tpu.memory_space<hbm>>
          tpu.enqueue_dma source(%dma_start3A_50 : memref<128xi32, #tpu.memory_space<hbm>>) target(%arg5 : memref<128xi32, #tpu.memory_space<vmem>>) target_semaphore(%run_scoped3A : memref<!tpu.dma_semaphore, #tpu.memory_space<semaphore_mem>>)
          %dma_wait3A_51 = tpu.memref_slice %arg3[%add3A_45] : memref<262144xi32, #tpu.memory_space<hbm>> -> memref<128xi32, #tpu.memory_space<hbm>>
          %dma_wait3A_52 = tpu.memref_slice %arg3[%add3A_45] : memref<262144xi32, #tpu.memory_space<hbm>> -> memref<128xi32, #tpu.memory_space<hbm>>
          tpu.wait_dma2 semaphore(%run_scoped3A : memref<!tpu.dma_semaphore, #tpu.memory_space<semaphore_mem>>) src(%dma_wait3A_52 : memref<128xi32, #tpu.memory_space<hbm>>) dst(%arg5 : memref<128xi32, #tpu.memory_space<vmem>>)
          tpu.yield
        }) : () -> ()
        %dma_start3A_46 = arith.constant 0 : i32
        %dma_start3A_47 = arith.constant 0 : i32
        %dma_start3A_48 = tpu.memref_slice %arg2[%dma_start3A_46, %dma_start3A_47] : memref<32768x128xf32, #tpu.memory_space<hbm>> -> memref<32768x128xf32, #tpu.memory_space<hbm>>
        tpu.enqueue_indirect_dma source(%dma_start3A_48 : memref<32768x128xf32, #tpu.memory_space<hbm>>) target(%arg7 : memref<128x128xf32, #tpu.memory_space<vmem>>) offsets(%arg5 : memref<128xi32, #tpu.memory_space<vmem>>) semaphore(%arg9 : memref<!tpu.dma_semaphore, #tpu.memory_space<semaphore_mem>>)
      } else {
      }
      %dma_wait3A_35 = arith.constant 0 : i32
      %dma_wait3A_36 = arith.constant 0 : i32
      %dma_wait3A_37 = tpu.memref_slice %arg2[%dma_wait3A_35, %dma_wait3A_36] : memref<32768x128xf32, #tpu.memory_space<hbm>> -> memref<32768x128xf32, #tpu.memory_space<hbm>>
      tpu.wait_indirect_dma semaphore(%arg10 : memref<!tpu.dma_semaphore, #tpu.memory_space<semaphore_mem>>) src(%dma_wait3A_37 : memref<32768x128xf32, #tpu.memory_space<hbm>>) dst(%arg8 : memref<128x128xf32, #tpu.memory_space<vmem>>)
      %mul3A_38 = arith.constant 128 : i32
      %mul3A_39 = arith.muli %add3A_27, %mul3A_38 : i32
      %add3A_40 = arith.addi %mul3A_2, %mul3A_39 : i32
      "tpu.region"() ({
        %run_scoped3A = tpu.sem_alloc : memref<!tpu.dma_semaphore, #tpu.memory_space<semaphore_mem>>
        %dma_start3A_41 = arith.constant 0 : i32
        %dma_start3A_42 = tpu.memref_slice %arg4[%add3A_40, %dma_start3A_41] : memref<262144x128xf32, #tpu.memory_space<hbm>> -> memref<128x128xf32, #tpu.memory_space<hbm>>
        %dma_start3A_43 = arith.constant 0 : i32
        %dma_start3A_44 = tpu.memref_slice %arg4[%add3A_40, %dma_start3A_43] : memref<262144x128xf32, #tpu.memory_space<hbm>> -> memref<128x128xf32, #tpu.memory_space<hbm>>
        tpu.enqueue_dma source(%arg8 : memref<128x128xf32, #tpu.memory_space<vmem>>) target(%dma_start3A_44 : memref<128x128xf32, #tpu.memory_space<hbm>>) target_semaphore(%run_scoped3A : memref<!tpu.dma_semaphore, #tpu.memory_space<semaphore_mem>>)
        %dma_wait3A_45 = arith.constant 0 : i32
        %dma_wait3A_46 = tpu.memref_slice %arg4[%add3A_40, %dma_wait3A_45] : memref<262144x128xf32, #tpu.memory_space<hbm>> -> memref<128x128xf32, #tpu.memory_space<hbm>>
        %dma_wait3A_47 = arith.constant 0 : i32
        %dma_wait3A_48 = tpu.memref_slice %arg4[%add3A_40, %dma_wait3A_47] : memref<262144x128xf32, #tpu.memory_space<hbm>> -> memref<128x128xf32, #tpu.memory_space<hbm>>
        tpu.wait_dma2 semaphore(%run_scoped3A : memref<!tpu.dma_semaphore, #tpu.memory_space<semaphore_mem>>) src(%arg8 : memref<128x128xf32, #tpu.memory_space<vmem>>) dst(%dma_wait3A_48 : memref<128x128xf32, #tpu.memory_space<hbm>>)
        tpu.yield
      }) : () -> ()
    }
    %scan3A_9 = arith.constant 32 : i32
    return
  }
}

#map = affine_map<(d0, d1) -> (0, 0)>
#map1 = affine_map<(d0, d1) -> (0)>
module attributes {stable_mosaic.version = 14 : i64} {
  func.func @_sc_gather_body(%arg0: i32, %arg1: i32, %arg2: memref<32768x128xf32, #tpu.memory_space<hbm>>, %arg3: memref<262144xi32, #tpu.memory_space<hbm>>, %arg4: memref<262144x128xf32, #tpu.memory_space<hbm>>, %arg5: memref<128xi32, #tpu.memory_space<vmem>>, %arg6: memref<128xi32, #tpu.memory_space<vmem>>, %arg7: memref<128x128xf32, #tpu.memory_space<vmem>>, %arg8: memref<128x128xf32, #tpu.memory_space<vmem>>, %arg9: memref<!tpu.dma_semaphore, #tpu.memory_space<semaphore_mem>>, %arg10: memref<!tpu.dma_semaphore, #tpu.memory_space<semaphore_mem>>) attributes {dimension_semantics = [#tpu.dimension_semantics<core_parallel>, #tpu.dimension_semantics<subcore_parallel>], iteration_bounds = array<i64: 2, 16>, scalar_prefetch = 0 : i64, scratch_operands = 6 : i64, tpu.core_type = #tpu.core_type<sc_vector_subcore>, window_params = [{transform_indices = #map}, {transform_indices = #map1}, {transform_indices = #map}]} {
    %mul3A = arith.constant 2 : i32
    %mul3A_0 = arith.muli %arg1, %mul3A : i32
    %add3A = arith.addi %mul3A_0, %arg0 : i32
    %mul3A_1 = arith.constant 8192 : i32
    %mul3A_2 = arith.muli %add3A, %mul3A_1 : i32
    "tpu.region"() ({
      %run_scoped3A = tpu.sem_alloc : memref<!tpu.dma_semaphore, #tpu.memory_space<semaphore_mem>>
      %dma_start3A_10 = tpu.memref_slice %arg3[%mul3A_2] : memref<262144xi32, #tpu.memory_space<hbm>> -> memref<128xi32, #tpu.memory_space<hbm>>
      %dma_start3A_11 = tpu.memref_slice %arg3[%mul3A_2] : memref<262144xi32, #tpu.memory_space<hbm>> -> memref<128xi32, #tpu.memory_space<hbm>>
      tpu.enqueue_dma source(%dma_start3A_11 : memref<128xi32, #tpu.memory_space<hbm>>) target(%arg5 : memref<128xi32, #tpu.memory_space<vmem>>) target_semaphore(%run_scoped3A : memref<!tpu.dma_semaphore, #tpu.memory_space<semaphore_mem>>)
      %dma_wait3A = tpu.memref_slice %arg3[%mul3A_2] : memref<262144xi32, #tpu.memory_space<hbm>> -> memref<128xi32, #tpu.memory_space<hbm>>
      %dma_wait3A_12 = tpu.memref_slice %arg3[%mul3A_2] : memref<262144xi32, #tpu.memory_space<hbm>> -> memref<128xi32, #tpu.memory_space<hbm>>
      tpu.wait_dma2 semaphore(%run_scoped3A : memref<!tpu.dma_semaphore, #tpu.memory_space<semaphore_mem>>) src(%dma_wait3A_12 : memref<128xi32, #tpu.memory_space<hbm>>) dst(%arg5 : memref<128xi32, #tpu.memory_space<vmem>>)
      tpu.yield
    }) : () -> ()
    %dma_start3A = arith.constant 0 : i32
    %dma_start3A_3 = arith.constant 0 : i32
    %dma_start3A_4 = tpu.memref_slice %arg2[%dma_start3A, %dma_start3A_3] : memref<32768x128xf32, #tpu.memory_space<hbm>> -> memref<32768x128xf32, #tpu.memory_space<hbm>>
    tpu.enqueue_indirect_dma source(%dma_start3A_4 : memref<32768x128xf32, #tpu.memory_space<hbm>>) target(%arg7 : memref<128x128xf32, #tpu.memory_space<vmem>>) offsets(%arg5 : memref<128xi32, #tpu.memory_space<vmem>>) semaphore(%arg9 : memref<!tpu.dma_semaphore, #tpu.memory_space<semaphore_mem>>)
    %scan3A = arith.constant 0 : i32
    %scan3A_5 = arith.constant 0 : i32
    %scan3A_6 = arith.constant 32 : i32
    %scan3A_7 = arith.addi %scan3A_5, %scan3A_6 : i32
    %scan3A_8 = arith.constant 1 : i32
    scf.for %scan3A_10 = %scan3A_5 to %scan3A_7 step %scan3A_8  : i32 {
      %mul3A_11 = arith.constant 2 : i32
      %mul3A_12 = arith.muli %mul3A_11, %scan3A_10 : i32
      %add3A_13 = arith.constant 0 : i32
      %add3A_14 = arith.addi %mul3A_12, %add3A_13 : i32
      %add3A_15 = arith.constant 1 : i32
      %add3A_16 = arith.addi %add3A_14, %add3A_15 : i32
      %lt3A = arith.constant 64 : i32
      %lt3A_17 = arith.cmpi slt, %add3A_16, %lt3A : i32
      %convert_element_type3A = arith.extui %lt3A_17 : i1 to i32
      %cond3A = arith.constant 0 : i32
      %cond3A_18 = arith.cmpi ne, %convert_element_type3A, %cond3A : i32
      scf.if %cond3A_18 {
        %add3A_41 = arith.constant 1 : i32
        %add3A_42 = arith.addi %add3A_14, %add3A_41 : i32
        %mul3A_43 = arith.constant 128 : i32
        %mul3A_44 = arith.muli %add3A_42, %mul3A_43 : i32
        %add3A_45 = arith.addi %mul3A_2, %mul3A_44 : i32
        "tpu.region"() ({
          %run_scoped3A = tpu.sem_alloc : memref<!tpu.dma_semaphore, #tpu.memory_space<semaphore_mem>>
          %dma_start3A_49 = tpu.memref_slice %arg3[%add3A_45] : memref<262144xi32, #tpu.memory_space<hbm>> -> memref<128xi32, #tpu.memory_space<hbm>>
          %dma_start3A_50 = tpu.memref_slice %arg3[%add3A_45] : memref<262144xi32, #tpu.memory_space<hbm>> -> memref<128xi32, #tpu.memory_space<hbm>>
          tpu.enqueue_dma source(%dma_start3A_50 : memref<128xi32, #tpu.memory_space<hbm>>) target(%arg6 : memref<128xi32, #tpu.memory_space<vmem>>) target_semaphore(%run_scoped3A : memref<!tpu.dma_semaphore, #tpu.memory_space<semaphore_mem>>)
          %dma_wait3A_51 = tpu.memref_slice %arg3[%add3A_45] : memref<262144xi32, #tpu.memory_space<hbm>> -> memref<128xi32, #tpu.memory_space<hbm>>
          %dma_wait3A_52 = tpu.memref_slice %arg3[%add3A_45] : memref<262144xi32, #tpu.memory_space<hbm>> -> memref<128xi32, #tpu.memory_space<hbm>>
          tpu.wait_dma2 semaphore(%run_scoped3A : memref<!tpu.dma_semaphore, #tpu.memory_space<semaphore_mem>>) src(%dma_wait3A_52 : memref<128xi32, #tpu.memory_space<hbm>>) dst(%arg6 : memref<128xi32, #tpu.memory_space<vmem>>)
          tpu.yield
        }) : () -> ()
        %dma_start3A_46 = arith.constant 0 : i32
        %dma_start3A_47 = arith.constant 0 : i32
        %dma_start3A_48 = tpu.memref_slice %arg2[%dma_start3A_46, %dma_start3A_47] : memref<32768x128xf32, #tpu.memory_space<hbm>> -> memref<32768x128xf32, #tpu.memory_space<hbm>>
        tpu.enqueue_indirect_dma source(%dma_start3A_48 : memref<32768x128xf32, #tpu.memory_space<hbm>>) target(%arg8 : memref<128x128xf32, #tpu.memory_space<vmem>>) offsets(%arg6 : memref<128xi32, #tpu.memory_space<vmem>>) semaphore(%arg10 : memref<!tpu.dma_semaphore, #tpu.memory_space<semaphore_mem>>)
      } else {
      }
      %dma_wait3A = arith.constant 0 : i32
      %dma_wait3A_19 = arith.constant 0 : i32
      %dma_wait3A_20 = tpu.memref_slice %arg2[%dma_wait3A, %dma_wait3A_19] : memref<32768x128xf32, #tpu.memory_space<hbm>> -> memref<32768x128xf32, #tpu.memory_space<hbm>>
      tpu.wait_indirect_dma semaphore(%arg9 : memref<!tpu.dma_semaphore, #tpu.memory_space<semaphore_mem>>) src(%dma_wait3A_20 : memref<32768x128xf32, #tpu.memory_space<hbm>>) dst(%arg7 : memref<128x128xf32, #tpu.memory_space<vmem>>)
      %mul3A_21 = arith.constant 128 : i32
      %mul3A_22 = arith.muli %add3A_14, %mul3A_21 : i32
      %add3A_23 = arith.addi %mul3A_2, %mul3A_22 : i32
      "tpu.region"() ({
        %run_scoped3A = tpu.sem_alloc : memref<!tpu.dma_semaphore, #tpu.memory_space<semaphore_mem>>
        %dma_start3A_41 = arith.constant 0 : i32
        %dma_start3A_42 = tpu.memref_slice %arg4[%add3A_23, %dma_start3A_41] : memref<262144x128xf32, #tpu.memory_space<hbm>> -> memref<128x128xf32, #tpu.memory_space<hbm>>
        %dma_start3A_43 = arith.constant 0 : i32
        %dma_start3A_44 = tpu.memref_slice %arg4[%add3A_23, %dma_start3A_43] : memref<262144x128xf32, #tpu.memory_space<hbm>> -> memref<128x128xf32, #tpu.memory_space<hbm>>
        tpu.enqueue_dma source(%arg7 : memref<128x128xf32, #tpu.memory_space<vmem>>) target(%dma_start3A_44 : memref<128x128xf32, #tpu.memory_space<hbm>>) target_semaphore(%run_scoped3A : memref<!tpu.dma_semaphore, #tpu.memory_space<semaphore_mem>>)
        %dma_wait3A_45 = arith.constant 0 : i32
        %dma_wait3A_46 = tpu.memref_slice %arg4[%add3A_23, %dma_wait3A_45] : memref<262144x128xf32, #tpu.memory_space<hbm>> -> memref<128x128xf32, #tpu.memory_space<hbm>>
        %dma_wait3A_47 = arith.constant 0 : i32
        %dma_wait3A_48 = tpu.memref_slice %arg4[%add3A_23, %dma_wait3A_47] : memref<262144x128xf32, #tpu.memory_space<hbm>> -> memref<128x128xf32, #tpu.memory_space<hbm>>
        tpu.wait_dma2 semaphore(%run_scoped3A : memref<!tpu.dma_semaphore, #tpu.memory_space<semaphore_mem>>) src(%arg7 : memref<128x128xf32, #tpu.memory_space<vmem>>) dst(%dma_wait3A_48 : memref<128x128xf32, #tpu.memory_space<hbm>>)
        tpu.yield
      }) : () -> ()
      %mul3A_24 = arith.constant 2 : i32
      %mul3A_25 = arith.muli %mul3A_24, %scan3A_10 : i32
      %add3A_26 = arith.constant 1 : i32
      %add3A_27 = arith.addi %mul3A_25, %add3A_26 : i32
      %add3A_28 = arith.constant 1 : i32
      %add3A_29 = arith.addi %add3A_27, %add3A_28 : i32
      %lt3A_30 = arith.constant 64 : i32
      %lt3A_31 = arith.cmpi slt, %add3A_29, %lt3A_30 : i32
      %convert_element_type3A_32 = arith.extui %lt3A_31 : i1 to i32
      %cond3A_33 = arith.constant 0 : i32
      %cond3A_34 = arith.cmpi ne, %convert_element_type3A_32, %cond3A_33 : i32
      scf.if %cond3A_34 {
        %add3A_41 = arith.constant 1 : i32
        %add3A_42 = arith.addi %add3A_27, %add3A_41 : i32
        %mul3A_43 = arith.constant 128 : i32
        %mul3A_44 = arith.muli %add3A_42, %mul3A_43 : i32
        %add3A_45 = arith.addi %mul3A_2, %mul3A_44 : i32
        "tpu.region"() ({
          %run_scoped3A = tpu.sem_alloc : memref<!tpu.dma_semaphore, #tpu.memory_space<semaphore_mem>>
          %dma_start3A_49 = tpu.memref_slice %arg3[%add3A_45] : memref<262144xi32, #tpu.memory_space<hbm>> -> memref<128xi32, #tpu.memory_space<hbm>>
          %dma_start3A_50 = tpu.memref_slice %arg3[%add3A_45] : memref<262144xi32, #tpu.memory_space<hbm>> -> memref<128xi32, #tpu.memory_space<hbm>>
          tpu.enqueue_dma source(%dma_start3A_50 : memref<128xi32, #tpu.memory_space<hbm>>) target(%arg5 : memref<128xi32, #tpu.memory_space<vmem>>) target_semaphore(%run_scoped3A : memref<!tpu.dma_semaphore, #tpu.memory_space<semaphore_mem>>)
          %dma_wait3A_51 = tpu.memref_slice %arg3[%add3A_45] : memref<262144xi32, #tpu.memory_space<hbm>> -> memref<128xi32, #tpu.memory_space<hbm>>
          %dma_wait3A_52 = tpu.memref_slice %arg3[%add3A_45] : memref<262144xi32, #tpu.memory_space<hbm>> -> memref<128xi32, #tpu.memory_space<hbm>>
          tpu.wait_dma2 semaphore(%run_scoped3A : memref<!tpu.dma_semaphore, #tpu.memory_space<semaphore_mem>>) src(%dma_wait3A_52 : memref<128xi32, #tpu.memory_space<hbm>>) dst(%arg5 : memref<128xi32, #tpu.memory_space<vmem>>)
          tpu.yield
        }) : () -> ()
        %dma_start3A_46 = arith.constant 0 : i32
        %dma_start3A_47 = arith.constant 0 : i32
        %dma_start3A_48 = tpu.memref_slice %arg2[%dma_start3A_46, %dma_start3A_47] : memref<32768x128xf32, #tpu.memory_space<hbm>> -> memref<32768x128xf32, #tpu.memory_space<hbm>>
        tpu.enqueue_indirect_dma source(%dma_start3A_48 : memref<32768x128xf32, #tpu.memory_space<hbm>>) target(%arg7 : memref<128x128xf32, #tpu.memory_space<vmem>>) offsets(%arg5 : memref<128xi32, #tpu.memory_space<vmem>>) semaphore(%arg9 : memref<!tpu.dma_semaphore, #tpu.memory_space<semaphore_mem>>)
      } else {
      }
      %dma_wait3A_35 = arith.constant 0 : i32
      %dma_wait3A_36 = arith.constant 0 : i32
      %dma_wait3A_37 = tpu.memref_slice %arg2[%dma_wait3A_35, %dma_wait3A_36] : memref<32768x128xf32, #tpu.memory_space<hbm>> -> memref<32768x128xf32, #tpu.memory_space<hbm>>
      tpu.wait_indirect_dma semaphore(%arg10 : memref<!tpu.dma_semaphore, #tpu.memory_space<semaphore_mem>>) src(%dma_wait3A_37 : memref<32768x128xf32, #tpu.memory_space<hbm>>) dst(%arg8 : memref<128x128xf32, #tpu.memory_space<vmem>>)
      %mul3A_38 = arith.constant 128 : i32
      %mul3A_39 = arith.muli %add3A_27, %mul3A_38 : i32
      %add3A_40 = arith.addi %mul3A_2, %mul3A_39 : i32
      "tpu.region"() ({
        %run_scoped3A = tpu.sem_alloc : memref<!tpu.dma_semaphore, #tpu.memory_space<semaphore_mem>>
        %dma_start3A_41 = arith.constant 0 : i32
        %dma_start3A_42 = tpu.memref_slice %arg4[%add3A_40, %dma_start3A_41] : memref<262144x128xf32, #tpu.memory_space<hbm>> -> memref<128x128xf32, #tpu.memory_space<hbm>>
        %dma_start3A_43 = arith.constant 0 : i32
        %dma_start3A_44 = tpu.memref_slice %arg4[%add3A_40, %dma_start3A_43] : memref<262144x128xf32, #tpu.memory_space<hbm>> -> memref<128x128xf32, #tpu.memory_space<hbm>>
        tpu.enqueue_dma source(%arg8 : memref<128x128xf32, #tpu.memory_space<vmem>>) target(%dma_start3A_44 : memref<128x128xf32, #tpu.memory_space<hbm>>) target_semaphore(%run_scoped3A : memref<!tpu.dma_semaphore, #tpu.memory_space<semaphore_mem>>)
        %dma_wait3A_45 = arith.constant 0 : i32
        %dma_wait3A_46 = tpu.memref_slice %arg4[%add3A_40, %dma_wait3A_45] : memref<262144x128xf32, #tpu.memory_space<hbm>> -> memref<128x128xf32, #tpu.memory_space<hbm>>
        %dma_wait3A_47 = arith.constant 0 : i32
        %dma_wait3A_48 = tpu.memref_slice %arg4[%add3A_40, %dma_wait3A_47] : memref<262144x128xf32, #tpu.memory_space<hbm>> -> memref<128x128xf32, #tpu.memory_space<hbm>>
        tpu.wait_dma2 semaphore(%run_scoped3A : memref<!tpu.dma_semaphore, #tpu.memory_space<semaphore_mem>>) src(%arg8 : memref<128x128xf32, #tpu.memory_space<vmem>>) dst(%dma_wait3A_48 : memref<128x128xf32, #tpu.memory_space<hbm>>)
        tpu.yield
      }) : () -> ()
    }
    %scan3A_9 = arith.constant 32 : i32
    return
  }
}

#map = affine_map<(d0, d1) -> (0, 0)>
#map1 = affine_map<(d0, d1) -> (0)>
module attributes {stable_mosaic.version = 14 : i64} {
  func.func @_sc_gather_body(%arg0: i32, %arg1: i32, %arg2: memref<32768x128xf32, #tpu.memory_space<hbm>>, %arg3: memref<262144xi32, #tpu.memory_space<hbm>>, %arg4: memref<262144x128xf32, #tpu.memory_space<hbm>>, %arg5: memref<128xi32, #tpu.memory_space<vmem>>, %arg6: memref<128xi32, #tpu.memory_space<vmem>>, %arg7: memref<128x128xf32, #tpu.memory_space<vmem>>, %arg8: memref<128x128xf32, #tpu.memory_space<vmem>>, %arg9: memref<!tpu.dma_semaphore, #tpu.memory_space<semaphore_mem>>, %arg10: memref<!tpu.dma_semaphore, #tpu.memory_space<semaphore_mem>>) attributes {dimension_semantics = [#tpu.dimension_semantics<core_parallel>, #tpu.dimension_semantics<subcore_parallel>], iteration_bounds = array<i64: 2, 16>, scalar_prefetch = 0 : i64, scratch_operands = 6 : i64, tpu.core_type = #tpu.core_type<sc_vector_subcore>, window_params = [{transform_indices = #map}, {transform_indices = #map1}, {transform_indices = #map}]} {
    %mul3A = arith.constant 2 : i32
    %mul3A_0 = arith.muli %arg1, %mul3A : i32
    %add3A = arith.addi %mul3A_0, %arg0 : i32
    %mul3A_1 = arith.constant 8192 : i32
    %mul3A_2 = arith.muli %add3A, %mul3A_1 : i32
    "tpu.region"() ({
      %run_scoped3A = tpu.sem_alloc : memref<!tpu.dma_semaphore, #tpu.memory_space<semaphore_mem>>
      %dma_start3A_10 = tpu.memref_slice %arg3[%mul3A_2] : memref<262144xi32, #tpu.memory_space<hbm>> -> memref<128xi32, #tpu.memory_space<hbm>>
      %dma_start3A_11 = tpu.memref_slice %arg3[%mul3A_2] : memref<262144xi32, #tpu.memory_space<hbm>> -> memref<128xi32, #tpu.memory_space<hbm>>
      tpu.enqueue_dma source(%dma_start3A_11 : memref<128xi32, #tpu.memory_space<hbm>>) target(%arg5 : memref<128xi32, #tpu.memory_space<vmem>>) target_semaphore(%run_scoped3A : memref<!tpu.dma_semaphore, #tpu.memory_space<semaphore_mem>>)
      %dma_wait3A = tpu.memref_slice %arg3[%mul3A_2] : memref<262144xi32, #tpu.memory_space<hbm>> -> memref<128xi32, #tpu.memory_space<hbm>>
      %dma_wait3A_12 = tpu.memref_slice %arg3[%mul3A_2] : memref<262144xi32, #tpu.memory_space<hbm>> -> memref<128xi32, #tpu.memory_space<hbm>>
      tpu.wait_dma2 semaphore(%run_scoped3A : memref<!tpu.dma_semaphore, #tpu.memory_space<semaphore_mem>>) src(%dma_wait3A_12 : memref<128xi32, #tpu.memory_space<hbm>>) dst(%arg5 : memref<128xi32, #tpu.memory_space<vmem>>)
      tpu.yield
    }) : () -> ()
    %dma_start3A = arith.constant 0 : i32
    %dma_start3A_3 = arith.constant 0 : i32
    %dma_start3A_4 = tpu.memref_slice %arg2[%dma_start3A, %dma_start3A_3] : memref<32768x128xf32, #tpu.memory_space<hbm>> -> memref<32768x128xf32, #tpu.memory_space<hbm>>
    tpu.enqueue_indirect_dma source(%dma_start3A_4 : memref<32768x128xf32, #tpu.memory_space<hbm>>) target(%arg7 : memref<128x128xf32, #tpu.memory_space<vmem>>) offsets(%arg5 : memref<128xi32, #tpu.memory_space<vmem>>) semaphore(%arg9 : memref<!tpu.dma_semaphore, #tpu.memory_space<semaphore_mem>>)
    %scan3A = arith.constant 0 : i32
    %scan3A_5 = arith.constant 0 : i32
    %scan3A_6 = arith.constant 32 : i32
    %scan3A_7 = arith.addi %scan3A_5, %scan3A_6 : i32
    %scan3A_8 = arith.constant 1 : i32
    scf.for %scan3A_10 = %scan3A_5 to %scan3A_7 step %scan3A_8  : i32 {
      %mul3A_11 = arith.constant 2 : i32
      %mul3A_12 = arith.muli %mul3A_11, %scan3A_10 : i32
      %add3A_13 = arith.constant 0 : i32
      %add3A_14 = arith.addi %mul3A_12, %add3A_13 : i32
      %add3A_15 = arith.constant 1 : i32
      %add3A_16 = arith.addi %add3A_14, %add3A_15 : i32
      %lt3A = arith.constant 64 : i32
      %lt3A_17 = arith.cmpi slt, %add3A_16, %lt3A : i32
      %convert_element_type3A = arith.extui %lt3A_17 : i1 to i32
      %cond3A = arith.constant 0 : i32
      %cond3A_18 = arith.cmpi ne, %convert_element_type3A, %cond3A : i32
      scf.if %cond3A_18 {
        %add3A_41 = arith.constant 1 : i32
        %add3A_42 = arith.addi %add3A_14, %add3A_41 : i32
        %mul3A_43 = arith.constant 128 : i32
        %mul3A_44 = arith.muli %add3A_42, %mul3A_43 : i32
        %add3A_45 = arith.addi %mul3A_2, %mul3A_44 : i32
        "tpu.region"() ({
          %run_scoped3A = tpu.sem_alloc : memref<!tpu.dma_semaphore, #tpu.memory_space<semaphore_mem>>
          %dma_start3A_49 = tpu.memref_slice %arg3[%add3A_45] : memref<262144xi32, #tpu.memory_space<hbm>> -> memref<128xi32, #tpu.memory_space<hbm>>
          %dma_start3A_50 = tpu.memref_slice %arg3[%add3A_45] : memref<262144xi32, #tpu.memory_space<hbm>> -> memref<128xi32, #tpu.memory_space<hbm>>
          tpu.enqueue_dma source(%dma_start3A_50 : memref<128xi32, #tpu.memory_space<hbm>>) target(%arg6 : memref<128xi32, #tpu.memory_space<vmem>>) target_semaphore(%run_scoped3A : memref<!tpu.dma_semaphore, #tpu.memory_space<semaphore_mem>>)
          %dma_wait3A_51 = tpu.memref_slice %arg3[%add3A_45] : memref<262144xi32, #tpu.memory_space<hbm>> -> memref<128xi32, #tpu.memory_space<hbm>>
          %dma_wait3A_52 = tpu.memref_slice %arg3[%add3A_45] : memref<262144xi32, #tpu.memory_space<hbm>> -> memref<128xi32, #tpu.memory_space<hbm>>
          tpu.wait_dma2 semaphore(%run_scoped3A : memref<!tpu.dma_semaphore, #tpu.memory_space<semaphore_mem>>) src(%dma_wait3A_52 : memref<128xi32, #tpu.memory_space<hbm>>) dst(%arg6 : memref<128xi32, #tpu.memory_space<vmem>>)
          tpu.yield
        }) : () -> ()
        %dma_start3A_46 = arith.constant 0 : i32
        %dma_start3A_47 = arith.constant 0 : i32
        %dma_start3A_48 = tpu.memref_slice %arg2[%dma_start3A_46, %dma_start3A_47] : memref<32768x128xf32, #tpu.memory_space<hbm>> -> memref<32768x128xf32, #tpu.memory_space<hbm>>
        tpu.enqueue_indirect_dma source(%dma_start3A_48 : memref<32768x128xf32, #tpu.memory_space<hbm>>) target(%arg8 : memref<128x128xf32, #tpu.memory_space<vmem>>) offsets(%arg6 : memref<128xi32, #tpu.memory_space<vmem>>) semaphore(%arg10 : memref<!tpu.dma_semaphore, #tpu.memory_space<semaphore_mem>>)
      } else {
      }
      %dma_wait3A = arith.constant 0 : i32
      %dma_wait3A_19 = arith.constant 0 : i32
      %dma_wait3A_20 = tpu.memref_slice %arg2[%dma_wait3A, %dma_wait3A_19] : memref<32768x128xf32, #tpu.memory_space<hbm>> -> memref<32768x128xf32, #tpu.memory_space<hbm>>
      tpu.wait_indirect_dma semaphore(%arg9 : memref<!tpu.dma_semaphore, #tpu.memory_space<semaphore_mem>>) src(%dma_wait3A_20 : memref<32768x128xf32, #tpu.memory_space<hbm>>) dst(%arg7 : memref<128x128xf32, #tpu.memory_space<vmem>>)
      %mul3A_21 = arith.constant 128 : i32
      %mul3A_22 = arith.muli %add3A_14, %mul3A_21 : i32
      %add3A_23 = arith.addi %mul3A_2, %mul3A_22 : i32
      "tpu.region"() ({
        %run_scoped3A = tpu.sem_alloc : memref<!tpu.dma_semaphore, #tpu.memory_space<semaphore_mem>>
        %dma_start3A_41 = arith.constant 0 : i32
        %dma_start3A_42 = tpu.memref_slice %arg4[%add3A_23, %dma_start3A_41] : memref<262144x128xf32, #tpu.memory_space<hbm>> -> memref<128x128xf32, #tpu.memory_space<hbm>>
        %dma_start3A_43 = arith.constant 0 : i32
        %dma_start3A_44 = tpu.memref_slice %arg4[%add3A_23, %dma_start3A_43] : memref<262144x128xf32, #tpu.memory_space<hbm>> -> memref<128x128xf32, #tpu.memory_space<hbm>>
        tpu.enqueue_dma source(%arg7 : memref<128x128xf32, #tpu.memory_space<vmem>>) target(%dma_start3A_44 : memref<128x128xf32, #tpu.memory_space<hbm>>) target_semaphore(%run_scoped3A : memref<!tpu.dma_semaphore, #tpu.memory_space<semaphore_mem>>)
        %dma_wait3A_45 = arith.constant 0 : i32
        %dma_wait3A_46 = tpu.memref_slice %arg4[%add3A_23, %dma_wait3A_45] : memref<262144x128xf32, #tpu.memory_space<hbm>> -> memref<128x128xf32, #tpu.memory_space<hbm>>
        %dma_wait3A_47 = arith.constant 0 : i32
        %dma_wait3A_48 = tpu.memref_slice %arg4[%add3A_23, %dma_wait3A_47] : memref<262144x128xf32, #tpu.memory_space<hbm>> -> memref<128x128xf32, #tpu.memory_space<hbm>>
        tpu.wait_dma2 semaphore(%run_scoped3A : memref<!tpu.dma_semaphore, #tpu.memory_space<semaphore_mem>>) src(%arg7 : memref<128x128xf32, #tpu.memory_space<vmem>>) dst(%dma_wait3A_48 : memref<128x128xf32, #tpu.memory_space<hbm>>)
        tpu.yield
      }) : () -> ()
      %mul3A_24 = arith.constant 2 : i32
      %mul3A_25 = arith.muli %mul3A_24, %scan3A_10 : i32
      %add3A_26 = arith.constant 1 : i32
      %add3A_27 = arith.addi %mul3A_25, %add3A_26 : i32
      %add3A_28 = arith.constant 1 : i32
      %add3A_29 = arith.addi %add3A_27, %add3A_28 : i32
      %lt3A_30 = arith.constant 64 : i32
      %lt3A_31 = arith.cmpi slt, %add3A_29, %lt3A_30 : i32
      %convert_element_type3A_32 = arith.extui %lt3A_31 : i1 to i32
      %cond3A_33 = arith.constant 0 : i32
      %cond3A_34 = arith.cmpi ne, %convert_element_type3A_32, %cond3A_33 : i32
      scf.if %cond3A_34 {
        %add3A_41 = arith.constant 1 : i32
        %add3A_42 = arith.addi %add3A_27, %add3A_41 : i32
        %mul3A_43 = arith.constant 128 : i32
        %mul3A_44 = arith.muli %add3A_42, %mul3A_43 : i32
        %add3A_45 = arith.addi %mul3A_2, %mul3A_44 : i32
        "tpu.region"() ({
          %run_scoped3A = tpu.sem_alloc : memref<!tpu.dma_semaphore, #tpu.memory_space<semaphore_mem>>
          %dma_start3A_49 = tpu.memref_slice %arg3[%add3A_45] : memref<262144xi32, #tpu.memory_space<hbm>> -> memref<128xi32, #tpu.memory_space<hbm>>
          %dma_start3A_50 = tpu.memref_slice %arg3[%add3A_45] : memref<262144xi32, #tpu.memory_space<hbm>> -> memref<128xi32, #tpu.memory_space<hbm>>
          tpu.enqueue_dma source(%dma_start3A_50 : memref<128xi32, #tpu.memory_space<hbm>>) target(%arg5 : memref<128xi32, #tpu.memory_space<vmem>>) target_semaphore(%run_scoped3A : memref<!tpu.dma_semaphore, #tpu.memory_space<semaphore_mem>>)
          %dma_wait3A_51 = tpu.memref_slice %arg3[%add3A_45] : memref<262144xi32, #tpu.memory_space<hbm>> -> memref<128xi32, #tpu.memory_space<hbm>>
          %dma_wait3A_52 = tpu.memref_slice %arg3[%add3A_45] : memref<262144xi32, #tpu.memory_space<hbm>> -> memref<128xi32, #tpu.memory_space<hbm>>
          tpu.wait_dma2 semaphore(%run_scoped3A : memref<!tpu.dma_semaphore, #tpu.memory_space<semaphore_mem>>) src(%dma_wait3A_52 : memref<128xi32, #tpu.memory_space<hbm>>) dst(%arg5 : memref<128xi32, #tpu.memory_space<vmem>>)
          tpu.yield
        }) : () -> ()
        %dma_start3A_46 = arith.constant 0 : i32
        %dma_start3A_47 = arith.constant 0 : i32
        %dma_start3A_48 = tpu.memref_slice %arg2[%dma_start3A_46, %dma_start3A_47] : memref<32768x128xf32, #tpu.memory_space<hbm>> -> memref<32768x128xf32, #tpu.memory_space<hbm>>
        tpu.enqueue_indirect_dma source(%dma_start3A_48 : memref<32768x128xf32, #tpu.memory_space<hbm>>) target(%arg7 : memref<128x128xf32, #tpu.memory_space<vmem>>) offsets(%arg5 : memref<128xi32, #tpu.memory_space<vmem>>) semaphore(%arg9 : memref<!tpu.dma_semaphore, #tpu.memory_space<semaphore_mem>>)
      } else {
      }
      %dma_wait3A_35 = arith.constant 0 : i32
      %dma_wait3A_36 = arith.constant 0 : i32
      %dma_wait3A_37 = tpu.memref_slice %arg2[%dma_wait3A_35, %dma_wait3A_36] : memref<32768x128xf32, #tpu.memory_space<hbm>> -> memref<32768x128xf32, #tpu.memory_space<hbm>>
      tpu.wait_indirect_dma semaphore(%arg10 : memref<!tpu.dma_semaphore, #tpu.memory_space<semaphore_mem>>) src(%dma_wait3A_37 : memref<32768x128xf32, #tpu.memory_space<hbm>>) dst(%arg8 : memref<128x128xf32, #tpu.memory_space<vmem>>)
      %mul3A_38 = arith.constant 128 : i32
      %mul3A_39 = arith.muli %add3A_27, %mul3A_38 : i32
      %add3A_40 = arith.addi %mul3A_2, %mul3A_39 : i32
      "tpu.region"() ({
        %run_scoped3A = tpu.sem_alloc : memref<!tpu.dma_semaphore, #tpu.memory_space<semaphore_mem>>
        %dma_start3A_41 = arith.constant 0 : i32
        %dma_start3A_42 = tpu.memref_slice %arg4[%add3A_40, %dma_start3A_41] : memref<262144x128xf32, #tpu.memory_space<hbm>> -> memref<128x128xf32, #tpu.memory_space<hbm>>
        %dma_start3A_43 = arith.constant 0 : i32
        %dma_start3A_44 = tpu.memref_slice %arg4[%add3A_40, %dma_start3A_43] : memref<262144x128xf32, #tpu.memory_space<hbm>> -> memref<128x128xf32, #tpu.memory_space<hbm>>
        tpu.enqueue_dma source(%arg8 : memref<128x128xf32, #tpu.memory_space<vmem>>) target(%dma_start3A_44 : memref<128x128xf32, #tpu.memory_space<hbm>>) target_semaphore(%run_scoped3A : memref<!tpu.dma_semaphore, #tpu.memory_space<semaphore_mem>>)
        %dma_wait3A_45 = arith.constant 0 : i32
        %dma_wait3A_46 = tpu.memref_slice %arg4[%add3A_40, %dma_wait3A_45] : memref<262144x128xf32, #tpu.memory_space<hbm>> -> memref<128x128xf32, #tpu.memory_space<hbm>>
        %dma_wait3A_47 = arith.constant 0 : i32
        %dma_wait3A_48 = tpu.memref_slice %arg4[%add3A_40, %dma_wait3A_47] : memref<262144x128xf32, #tpu.memory_space<hbm>> -> memref<128x128xf32, #tpu.memory_space<hbm>>
        tpu.wait_dma2 semaphore(%run_scoped3A : memref<!tpu.dma_semaphore, #tpu.memory_space<semaphore_mem>>) src(%arg8 : memref<128x128xf32, #tpu.memory_space<vmem>>) dst(%dma_wait3A_48 : memref<128x128xf32, #tpu.memory_space<hbm>>)
        tpu.yield
      }) : () -> ()
    }
    %scan3A_9 = arith.constant 32 : i32
    return
  }
}

module attributes {stable_mosaic.version = 14 : i64} {
  func.func @_knn_body(%arg0: i32, %arg1: i32, %arg2: memref<1x512x128xf32, #tpu.memory_space<vmem>>, %arg3: memref<1x1024x128xf32, #tpu.memory_space<vmem>>, %arg4: memref<1x512x16xi32, #tpu.memory_space<vmem>>) attributes {dimension_semantics = [#tpu.dimension_semantics<arbitrary>, #tpu.dimension_semantics<arbitrary>], iteration_bounds = array<i64: 16, 2>, scalar_prefetch = 0 : i64, scratch_operands = 0 : i64, tpu.core_type = #tpu.core_type<tc>, window_params = [{transform_indices = @transform_0, window_bounds = array<i64: 1, 512, 128>}, {transform_indices = @transform_1, window_bounds = array<i64: 1, 1024, 128>}, {transform_indices = @transform_2, window_bounds = array<i64: 1, 512, 16>}]} {
    %get3A = arith.constant 0 : index
    %get3A_0 = arith.constant 0 : index
    %get3A_1 = arith.constant 0 : index
    %get3A_2 = vector.load %arg2[%get3A, %get3A_0, %get3A_1] : memref<1x512x128xf32, #tpu.memory_space<vmem>>, vector<1x512x128xf32>
    %get3A_3 = vector.shape_cast %get3A_2 : vector<1x512x128xf32> to vector<512x128xf32>
    %get3A_4 = arith.constant 0 : index
    %get3A_5 = arith.constant 0 : index
    %get3A_6 = arith.constant 0 : index
    %get3A_7 = vector.load %arg3[%get3A_4, %get3A_5, %get3A_6] : memref<1x1024x128xf32, #tpu.memory_space<vmem>>, vector<1x1024x128xf32>
    %get3A_8 = vector.shape_cast %get3A_7 : vector<1x1024x128xf32> to vector<1024x128xf32>
    %mul3A = arith.mulf %get3A_8, %get3A_8 : vector<1024x128xf32>
    %reduce_sum3A = arith.constant dense<0.000000e+00> : vector<1024xf32>
    %reduce_sum3A_9 = vector.multi_reduction <add>, %mul3A, %reduce_sum3A [1] : vector<1024x128xf32> to vector<1024xf32>
    %broadcast_in_dim3A = vector.shape_cast %reduce_sum3A_9 : vector<1024xf32> to vector<1024x1xf32>
    %convert_element_type3A = arith.truncf %get3A_3 : vector<512x128xf32> to vector<512x128xbf16>
    %convert_element_type3A_10 = arith.truncf %get3A_8 : vector<1024x128xf32> to vector<1024x128xbf16>
    %dot_general3A = arith.constant dense<0.000000e+00> : vector<512x1024xf32>
    %dot_general3A_11 = tpu.matmul %convert_element_type3A, %convert_element_type3A_10, %dot_general3A {dimension_numbers = #tpu.dot_dimension_numbers<[1], [1], [0], [0], [0, 0, 1, 0], [], []>, transpose_lhs_hint = false} : vector<512x128xbf16>, vector<1024x128xbf16>, vector<512x1024xf32> -> vector<512x1024xf32>
    %broadcast_in_dim3A_12 = arith.constant 1.000000e+00 : f32
    %broadcast_in_dim3A_13 = vector.broadcast %broadcast_in_dim3A_12 : f32 to vector<512x1xf32>
    %dot_general3A_14 = arith.constant dense<0.000000e+00> : vector<512x1024xf32>
    %dot_general3A_15 = tpu.matmul %broadcast_in_dim3A_13, %broadcast_in_dim3A, %dot_general3A_14 {dimension_numbers = #tpu.dot_dimension_numbers<[1], [1], [0], [0], [0, 0, 1, 0], [], []>, precision = #tpu.contract_precision<fp32>, transpose_lhs_hint = false} : vector<512x1xf32>, vector<1024x1xf32>, vector<512x1024xf32> -> vector<512x1024xf32>
    %mul3A_16 = arith.constant 2.000000e+00 : f32
    %mul3A_17 = vector.broadcast %mul3A_16 : f32 to vector<512x1024xf32>
    %mul3A_18 = arith.mulf %mul3A_17, %dot_general3A_11 : vector<512x1024xf32>
    %sub3A = arith.subf %dot_general3A_15, %mul3A_18 : vector<512x1024xf32>
    %iota3A = tpu.iota {dimensions = array<i32: 1>} : vector<512x1024xi32>
    %convert_element_type3A_19 = arith.sitofp %iota3A : vector<512x1024xi32> to vector<512x1024xf32>
    %add3A = arith.constant 0 : i32
    %add3A_20 = arith.addi %arg0, %add3A : i32
    %mul3A_21 = arith.constant 1024 : i32
    %mul3A_22 = arith.muli %add3A_20, %mul3A_21 : i32
    %reduce_min3A = arith.constant dense<0x7F800000> : vector<512xf32>
    %reduce_min3A_23 = vector.multi_reduction <minimumf>, %sub3A, %reduce_min3A [1] : vector<512x1024xf32> to vector<512xf32>
    %broadcast_in_dim3A_24 = vector.shape_cast %reduce_min3A_23 : vector<512xf32> to vector<512x1xf32>
    %eq3A = vector.broadcast %broadcast_in_dim3A_24 : vector<512x1xf32> to vector<512x1024xf32>
    %eq3A_25 = arith.cmpf oeq, %sub3A, %eq3A : vector<512x1024xf32>
    %jit3A = arith.constant 1.000000e+09 : f32
    %broadcast_in_dim3A_26 = vector.broadcast %jit3A : f32 to vector<512x1024xf32>
    %select_n3A = arith.select %eq3A_25, %convert_element_type3A_19, %broadcast_in_dim3A_26 : vector<512x1024xi1>, vector<512x1024xf32>
    %reduce_min3A_27 = arith.constant dense<0x7F800000> : vector<512xf32>
    %reduce_min3A_28 = vector.multi_reduction <minimumf>, %select_n3A, %reduce_min3A_27 [1] : vector<512x1024xf32> to vector<512xf32>
    %broadcast_in_dim3A_29 = vector.shape_cast %reduce_min3A_28 : vector<512xf32> to vector<512x1xf32>
    %eq3A_30 = vector.broadcast %broadcast_in_dim3A_29 : vector<512x1xf32> to vector<512x1024xf32>
    %eq3A_31 = arith.cmpf oeq, %select_n3A, %eq3A_30 : vector<512x1024xf32>
    %jit3A_32 = arith.constant 3.000000e+38 : f32
    %broadcast_in_dim3A_33 = vector.broadcast %jit3A_32 : f32 to vector<512x1024xf32>
    %select_n3A_34 = arith.select %eq3A_31, %broadcast_in_dim3A_33, %sub3A : vector<512x1024xi1>, vector<512x1024xf32>
    %reduce_min3A_35 = arith.constant dense<0x7F800000> : vector<512xf32>
    %reduce_min3A_36 = vector.multi_reduction <minimumf>, %select_n3A_34, %reduce_min3A_35 [1] : vector<512x1024xf32> to vector<512xf32>
    %broadcast_in_dim3A_37 = vector.shape_cast %reduce_min3A_36 : vector<512xf32> to vector<512x1xf32>
    %eq3A_38 = vector.broadcast %broadcast_in_dim3A_37 : vector<512x1xf32> to vector<512x1024xf32>
    %eq3A_39 = arith.cmpf oeq, %select_n3A_34, %eq3A_38 : vector<512x1024xf32>
    %jit3A_40 = arith.constant 1.000000e+09 : f32
    %broadcast_in_dim3A_41 = vector.broadcast %jit3A_40 : f32 to vector<512x1024xf32>
    %select_n3A_42 = arith.select %eq3A_39, %convert_element_type3A_19, %broadcast_in_dim3A_41 : vector<512x1024xi1>, vector<512x1024xf32>
    %reduce_min3A_43 = arith.constant dense<0x7F800000> : vector<512xf32>
    %reduce_min3A_44 = vector.multi_reduction <minimumf>, %select_n3A_42, %reduce_min3A_43 [1] : vector<512x1024xf32> to vector<512xf32>
    %broadcast_in_dim3A_45 = vector.shape_cast %reduce_min3A_44 : vector<512xf32> to vector<512x1xf32>
    %eq3A_46 = vector.broadcast %broadcast_in_dim3A_45 : vector<512x1xf32> to vector<512x1024xf32>
    %eq3A_47 = arith.cmpf oeq, %select_n3A_42, %eq3A_46 : vector<512x1024xf32>
    %jit3A_48 = arith.constant 3.000000e+38 : f32
    %broadcast_in_dim3A_49 = vector.broadcast %jit3A_48 : f32 to vector<512x1024xf32>
    %select_n3A_50 = arith.select %eq3A_47, %broadcast_in_dim3A_49, %select_n3A_34 : vector<512x1024xi1>, vector<512x1024xf32>
    %reduce_min3A_51 = arith.constant dense<0x7F800000> : vector<512xf32>
    %reduce_min3A_52 = vector.multi_reduction <minimumf>, %select_n3A_50, %reduce_min3A_51 [1] : vector<512x1024xf32> to vector<512xf32>
    %broadcast_in_dim3A_53 = vector.shape_cast %reduce_min3A_52 : vector<512xf32> to vector<512x1xf32>
    %eq3A_54 = vector.broadcast %broadcast_in_dim3A_53 : vector<512x1xf32> to vector<512x1024xf32>
    %eq3A_55 = arith.cmpf oeq, %select_n3A_50, %eq3A_54 : vector<512x1024xf32>
    %jit3A_56 = arith.constant 1.000000e+09 : f32
    %broadcast_in_dim3A_57 = vector.broadcast %jit3A_56 : f32 to vector<512x1024xf32>
    %select_n3A_58 = arith.select %eq3A_55, %convert_element_type3A_19, %broadcast_in_dim3A_57 : vector<512x1024xi1>, vector<512x1024xf32>
    %reduce_min3A_59 = arith.constant dense<0x7F800000> : vector<512xf32>
    %reduce_min3A_60 = vector.multi_reduction <minimumf>, %select_n3A_58, %reduce_min3A_59 [1] : vector<512x1024xf32> to vector<512xf32>
    %broadcast_in_dim3A_61 = vector.shape_cast %reduce_min3A_60 : vector<512xf32> to vector<512x1xf32>
    %eq3A_62 = vector.broadcast %broadcast_in_dim3A_61 : vector<512x1xf32> to vector<512x1024xf32>
    %eq3A_63 = arith.cmpf oeq, %select_n3A_58, %eq3A_62 : vector<512x1024xf32>
    %jit3A_64 = arith.constant 3.000000e+38 : f32
    %broadcast_in_dim3A_65 = vector.broadcast %jit3A_64 : f32 to vector<512x1024xf32>
    %select_n3A_66 = arith.select %eq3A_63, %broadcast_in_dim3A_65, %select_n3A_50 : vector<512x1024xi1>, vector<512x1024xf32>
    %reduce_min3A_67 = arith.constant dense<0x7F800000> : vector<512xf32>
    %reduce_min3A_68 = vector.multi_reduction <minimumf>, %select_n3A_66, %reduce_min3A_67 [1] : vector<512x1024xf32> to vector<512xf32>
    %broadcast_in_dim3A_69 = vector.shape_cast %reduce_min3A_68 : vector<512xf32> to vector<512x1xf32>
    %eq3A_70 = vector.broadcast %broadcast_in_dim3A_69 : vector<512x1xf32> to vector<512x1024xf32>
    %eq3A_71 = arith.cmpf oeq, %select_n3A_66, %eq3A_70 : vector<512x1024xf32>
    %jit3A_72 = arith.constant 1.000000e+09 : f32
    %broadcast_in_dim3A_73 = vector.broadcast %jit3A_72 : f32 to vector<512x1024xf32>
    %select_n3A_74 = arith.select %eq3A_71, %convert_element_type3A_19, %broadcast_in_dim3A_73 : vector<512x1024xi1>, vector<512x1024xf32>
    %reduce_min3A_75 = arith.constant dense<0x7F800000> : vector<512xf32>
    %reduce_min3A_76 = vector.multi_reduction <minimumf>, %select_n3A_74, %reduce_min3A_75 [1] : vector<512x1024xf32> to vector<512xf32>
    %broadcast_in_dim3A_77 = vector.shape_cast %reduce_min3A_76 : vector<512xf32> to vector<512x1xf32>
    %eq3A_78 = vector.broadcast %broadcast_in_dim3A_77 : vector<512x1xf32> to vector<512x1024xf32>
    %eq3A_79 = arith.cmpf oeq, %select_n3A_74, %eq3A_78 : vector<512x1024xf32>
    %jit3A_80 = arith.constant 3.000000e+38 : f32
    %broadcast_in_dim3A_81 = vector.broadcast %jit3A_80 : f32 to vector<512x1024xf32>
    %select_n3A_82 = arith.select %eq3A_79, %broadcast_in_dim3A_81, %select_n3A_66 : vector<512x1024xi1>, vector<512x1024xf32>
    %reduce_min3A_83 = arith.constant dense<0x7F800000> : vector<512xf32>
    %reduce_min3A_84 = vector.multi_reduction <minimumf>, %select_n3A_82, %reduce_min3A_83 [1] : vector<512x1024xf32> to vector<512xf32>
    %broadcast_in_dim3A_85 = vector.shape_cast %reduce_min3A_84 : vector<512xf32> to vector<512x1xf32>
    %eq3A_86 = vector.broadcast %broadcast_in_dim3A_85 : vector<512x1xf32> to vector<512x1024xf32>
    %eq3A_87 = arith.cmpf oeq, %select_n3A_82, %eq3A_86 : vector<512x1024xf32>
    %jit3A_88 = arith.constant 1.000000e+09 : f32
    %broadcast_in_dim3A_89 = vector.broadcast %jit3A_88 : f32 to vector<512x1024xf32>
    %select_n3A_90 = arith.select %eq3A_87, %convert_element_type3A_19, %broadcast_in_dim3A_89 : vector<512x1024xi1>, vector<512x1024xf32>
    %reduce_min3A_91 = arith.constant dense<0x7F800000> : vector<512xf32>
    %reduce_min3A_92 = vector.multi_reduction <minimumf>, %select_n3A_90, %reduce_min3A_91 [1] : vector<512x1024xf32> to vector<512xf32>
    %broadcast_in_dim3A_93 = vector.shape_cast %reduce_min3A_92 : vector<512xf32> to vector<512x1xf32>
    %eq3A_94 = vector.broadcast %broadcast_in_dim3A_93 : vector<512x1xf32> to vector<512x1024xf32>
    %eq3A_95 = arith.cmpf oeq, %select_n3A_90, %eq3A_94 : vector<512x1024xf32>
    %jit3A_96 = arith.constant 3.000000e+38 : f32
    %broadcast_in_dim3A_97 = vector.broadcast %jit3A_96 : f32 to vector<512x1024xf32>
    %select_n3A_98 = arith.select %eq3A_95, %broadcast_in_dim3A_97, %select_n3A_82 : vector<512x1024xi1>, vector<512x1024xf32>
    %reduce_min3A_99 = arith.constant dense<0x7F800000> : vector<512xf32>
    %reduce_min3A_100 = vector.multi_reduction <minimumf>, %select_n3A_98, %reduce_min3A_99 [1] : vector<512x1024xf32> to vector<512xf32>
    %broadcast_in_dim3A_101 = vector.shape_cast %reduce_min3A_100 : vector<512xf32> to vector<512x1xf32>
    %eq3A_102 = vector.broadcast %broadcast_in_dim3A_101 : vector<512x1xf32> to vector<512x1024xf32>
    %eq3A_103 = arith.cmpf oeq, %select_n3A_98, %eq3A_102 : vector<512x1024xf32>
    %jit3A_104 = arith.constant 1.000000e+09 : f32
    %broadcast_in_dim3A_105 = vector.broadcast %jit3A_104 : f32 to vector<512x1024xf32>
    %select_n3A_106 = arith.select %eq3A_103, %convert_element_type3A_19, %broadcast_in_dim3A_105 : vector<512x1024xi1>, vector<512x1024xf32>
    %reduce_min3A_107 = arith.constant dense<0x7F800000> : vector<512xf32>
    %reduce_min3A_108 = vector.multi_reduction <minimumf>, %select_n3A_106, %reduce_min3A_107 [1] : vector<512x1024xf32> to vector<512xf32>
    %broadcast_in_dim3A_109 = vector.shape_cast %reduce_min3A_108 : vector<512xf32> to vector<512x1xf32>
    %eq3A_110 = vector.broadcast %broadcast_in_dim3A_109 : vector<512x1xf32> to vector<512x1024xf32>
    %eq3A_111 = arith.cmpf oeq, %select_n3A_106, %eq3A_110 : vector<512x1024xf32>
    %jit3A_112 = arith.constant 3.000000e+38 : f32
    %broadcast_in_dim3A_113 = vector.broadcast %jit3A_112 : f32 to vector<512x1024xf32>
    %select_n3A_114 = arith.select %eq3A_111, %broadcast_in_dim3A_113, %select_n3A_98 : vector<512x1024xi1>, vector<512x1024xf32>
    %reduce_min3A_115 = arith.constant dense<0x7F800000> : vector<512xf32>
    %reduce_min3A_116 = vector.multi_reduction <minimumf>, %select_n3A_114, %reduce_min3A_115 [1] : vector<512x1024xf32> to vector<512xf32>
    %broadcast_in_dim3A_117 = vector.shape_cast %reduce_min3A_116 : vector<512xf32> to vector<512x1xf32>
    %eq3A_118 = vector.broadcast %broadcast_in_dim3A_117 : vector<512x1xf32> to vector<512x1024xf32>
    %eq3A_119 = arith.cmpf oeq, %select_n3A_114, %eq3A_118 : vector<512x1024xf32>
    %jit3A_120 = arith.constant 1.000000e+09 : f32
    %broadcast_in_dim3A_121 = vector.broadcast %jit3A_120 : f32 to vector<512x1024xf32>
    %select_n3A_122 = arith.select %eq3A_119, %convert_element_type3A_19, %broadcast_in_dim3A_121 : vector<512x1024xi1>, vector<512x1024xf32>
    %reduce_min3A_123 = arith.constant dense<0x7F800000> : vector<512xf32>
    %reduce_min3A_124 = vector.multi_reduction <minimumf>, %select_n3A_122, %reduce_min3A_123 [1] : vector<512x1024xf32> to vector<512xf32>
    %broadcast_in_dim3A_125 = vector.shape_cast %reduce_min3A_124 : vector<512xf32> to vector<512x1xf32>
    %eq3A_126 = vector.broadcast %broadcast_in_dim3A_125 : vector<512x1xf32> to vector<512x1024xf32>
    %eq3A_127 = arith.cmpf oeq, %select_n3A_122, %eq3A_126 : vector<512x1024xf32>
    %jit3A_128 = arith.constant 3.000000e+38 : f32
    %broadcast_in_dim3A_129 = vector.broadcast %jit3A_128 : f32 to vector<512x1024xf32>
    %select_n3A_130 = arith.select %eq3A_127, %broadcast_in_dim3A_129, %select_n3A_114 : vector<512x1024xi1>, vector<512x1024xf32>
    %reduce_min3A_131 = arith.constant dense<0x7F800000> : vector<512xf32>
    %reduce_min3A_132 = vector.multi_reduction <minimumf>, %select_n3A_130, %reduce_min3A_131 [1] : vector<512x1024xf32> to vector<512xf32>
    %broadcast_in_dim3A_133 = vector.shape_cast %reduce_min3A_132 : vector<512xf32> to vector<512x1xf32>
    %eq3A_134 = vector.broadcast %broadcast_in_dim3A_133 : vector<512x1xf32> to vector<512x1024xf32>
    %eq3A_135 = arith.cmpf oeq, %select_n3A_130, %eq3A_134 : vector<512x1024xf32>
    %jit3A_136 = arith.constant 1.000000e+09 : f32
    %broadcast_in_dim3A_137 = vector.broadcast %jit3A_136 : f32 to vector<512x1024xf32>
    %select_n3A_138 = arith.select %eq3A_135, %convert_element_type3A_19, %broadcast_in_dim3A_137 : vector<512x1024xi1>, vector<512x1024xf32>
    %reduce_min3A_139 = arith.constant dense<0x7F800000> : vector<512xf32>
    %reduce_min3A_140 = vector.multi_reduction <minimumf>, %select_n3A_138, %reduce_min3A_139 [1] : vector<512x1024xf32> to vector<512xf32>
    %broadcast_in_dim3A_141 = vector.shape_cast %reduce_min3A_140 : vector<512xf32> to vector<512x1xf32>
    %eq3A_142 = vector.broadcast %broadcast_in_dim3A_141 : vector<512x1xf32> to vector<512x1024xf32>
    %eq3A_143 = arith.cmpf oeq, %select_n3A_138, %eq3A_142 : vector<512x1024xf32>
    %jit3A_144 = arith.constant 3.000000e+38 : f32
    %broadcast_in_dim3A_145 = vector.broadcast %jit3A_144 : f32 to vector<512x1024xf32>
    %select_n3A_146 = arith.select %eq3A_143, %broadcast_in_dim3A_145, %select_n3A_130 : vector<512x1024xi1>, vector<512x1024xf32>
    %reduce_min3A_147 = arith.constant dense<0x7F800000> : vector<512xf32>
    %reduce_min3A_148 = vector.multi_reduction <minimumf>, %select_n3A_146, %reduce_min3A_147 [1] : vector<512x1024xf32> to vector<512xf32>
    %broadcast_in_dim3A_149 = vector.shape_cast %reduce_min3A_148 : vector<512xf32> to vector<512x1xf32>
    %eq3A_150 = vector.broadcast %broadcast_in_dim3A_149 : vector<512x1xf32> to vector<512x1024xf32>
    %eq3A_151 = arith.cmpf oeq, %select_n3A_146, %eq3A_150 : vector<512x1024xf32>
    %jit3A_152 = arith.constant 1.000000e+09 : f32
    %broadcast_in_dim3A_153 = vector.broadcast %jit3A_152 : f32 to vector<512x1024xf32>
    %select_n3A_154 = arith.select %eq3A_151, %convert_element_type3A_19, %broadcast_in_dim3A_153 : vector<512x1024xi1>, vector<512x1024xf32>
    %reduce_min3A_155 = arith.constant dense<0x7F800000> : vector<512xf32>
    %reduce_min3A_156 = vector.multi_reduction <minimumf>, %select_n3A_154, %reduce_min3A_155 [1] : vector<512x1024xf32> to vector<512xf32>
    %broadcast_in_dim3A_157 = vector.shape_cast %reduce_min3A_156 : vector<512xf32> to vector<512x1xf32>
    %eq3A_158 = vector.broadcast %broadcast_in_dim3A_157 : vector<512x1xf32> to vector<512x1024xf32>
    %eq3A_159 = arith.cmpf oeq, %select_n3A_154, %eq3A_158 : vector<512x1024xf32>
    %jit3A_160 = arith.constant 3.000000e+38 : f32
    %broadcast_in_dim3A_161 = vector.broadcast %jit3A_160 : f32 to vector<512x1024xf32>
    %select_n3A_162 = arith.select %eq3A_159, %broadcast_in_dim3A_161, %select_n3A_146 : vector<512x1024xi1>, vector<512x1024xf32>
    %reduce_min3A_163 = arith.constant dense<0x7F800000> : vector<512xf32>
    %reduce_min3A_164 = vector.multi_reduction <minimumf>, %select_n3A_162, %reduce_min3A_163 [1] : vector<512x1024xf32> to vector<512xf32>
    %broadcast_in_dim3A_165 = vector.shape_cast %reduce_min3A_164 : vector<512xf32> to vector<512x1xf32>
    %eq3A_166 = vector.broadcast %broadcast_in_dim3A_165 : vector<512x1xf32> to vector<512x1024xf32>
    %eq3A_167 = arith.cmpf oeq, %select_n3A_162, %eq3A_166 : vector<512x1024xf32>
    %jit3A_168 = arith.constant 1.000000e+09 : f32
    %broadcast_in_dim3A_169 = vector.broadcast %jit3A_168 : f32 to vector<512x1024xf32>
    %select_n3A_170 = arith.select %eq3A_167, %convert_element_type3A_19, %broadcast_in_dim3A_169 : vector<512x1024xi1>, vector<512x1024xf32>
    %reduce_min3A_171 = arith.constant dense<0x7F800000> : vector<512xf32>
    %reduce_min3A_172 = vector.multi_reduction <minimumf>, %select_n3A_170, %reduce_min3A_171 [1] : vector<512x1024xf32> to vector<512xf32>
    %broadcast_in_dim3A_173 = vector.shape_cast %reduce_min3A_172 : vector<512xf32> to vector<512x1xf32>
    %eq3A_174 = vector.broadcast %broadcast_in_dim3A_173 : vector<512x1xf32> to vector<512x1024xf32>
    %eq3A_175 = arith.cmpf oeq, %select_n3A_170, %eq3A_174 : vector<512x1024xf32>
    %jit3A_176 = arith.constant 3.000000e+38 : f32
    %broadcast_in_dim3A_177 = vector.broadcast %jit3A_176 : f32 to vector<512x1024xf32>
    %select_n3A_178 = arith.select %eq3A_175, %broadcast_in_dim3A_177, %select_n3A_162 : vector<512x1024xi1>, vector<512x1024xf32>
    %reduce_min3A_179 = arith.constant dense<0x7F800000> : vector<512xf32>
    %reduce_min3A_180 = vector.multi_reduction <minimumf>, %select_n3A_178, %reduce_min3A_179 [1] : vector<512x1024xf32> to vector<512xf32>
    %broadcast_in_dim3A_181 = vector.shape_cast %reduce_min3A_180 : vector<512xf32> to vector<512x1xf32>
    %eq3A_182 = vector.broadcast %broadcast_in_dim3A_181 : vector<512x1xf32> to vector<512x1024xf32>
    %eq3A_183 = arith.cmpf oeq, %select_n3A_178, %eq3A_182 : vector<512x1024xf32>
    %jit3A_184 = arith.constant 1.000000e+09 : f32
    %broadcast_in_dim3A_185 = vector.broadcast %jit3A_184 : f32 to vector<512x1024xf32>
    %select_n3A_186 = arith.select %eq3A_183, %convert_element_type3A_19, %broadcast_in_dim3A_185 : vector<512x1024xi1>, vector<512x1024xf32>
    %reduce_min3A_187 = arith.constant dense<0x7F800000> : vector<512xf32>
    %reduce_min3A_188 = vector.multi_reduction <minimumf>, %select_n3A_186, %reduce_min3A_187 [1] : vector<512x1024xf32> to vector<512xf32>
    %broadcast_in_dim3A_189 = vector.shape_cast %reduce_min3A_188 : vector<512xf32> to vector<512x1xf32>
    %eq3A_190 = vector.broadcast %broadcast_in_dim3A_189 : vector<512x1xf32> to vector<512x1024xf32>
    %eq3A_191 = arith.cmpf oeq, %select_n3A_186, %eq3A_190 : vector<512x1024xf32>
    %jit3A_192 = arith.constant 3.000000e+38 : f32
    %broadcast_in_dim3A_193 = vector.broadcast %jit3A_192 : f32 to vector<512x1024xf32>
    %select_n3A_194 = arith.select %eq3A_191, %broadcast_in_dim3A_193, %select_n3A_178 : vector<512x1024xi1>, vector<512x1024xf32>
    %reduce_min3A_195 = arith.constant dense<0x7F800000> : vector<512xf32>
    %reduce_min3A_196 = vector.multi_reduction <minimumf>, %select_n3A_194, %reduce_min3A_195 [1] : vector<512x1024xf32> to vector<512xf32>
    %broadcast_in_dim3A_197 = vector.shape_cast %reduce_min3A_196 : vector<512xf32> to vector<512x1xf32>
    %eq3A_198 = vector.broadcast %broadcast_in_dim3A_197 : vector<512x1xf32> to vector<512x1024xf32>
    %eq3A_199 = arith.cmpf oeq, %select_n3A_194, %eq3A_198 : vector<512x1024xf32>
    %jit3A_200 = arith.constant 1.000000e+09 : f32
    %broadcast_in_dim3A_201 = vector.broadcast %jit3A_200 : f32 to vector<512x1024xf32>
    %select_n3A_202 = arith.select %eq3A_199, %convert_element_type3A_19, %broadcast_in_dim3A_201 : vector<512x1024xi1>, vector<512x1024xf32>
    %reduce_min3A_203 = arith.constant dense<0x7F800000> : vector<512xf32>
    %reduce_min3A_204 = vector.multi_reduction <minimumf>, %select_n3A_202, %reduce_min3A_203 [1] : vector<512x1024xf32> to vector<512xf32>
    %broadcast_in_dim3A_205 = vector.shape_cast %reduce_min3A_204 : vector<512xf32> to vector<512x1xf32>
    %eq3A_206 = vector.broadcast %broadcast_in_dim3A_205 : vector<512x1xf32> to vector<512x1024xf32>
    %eq3A_207 = arith.cmpf oeq, %select_n3A_202, %eq3A_206 : vector<512x1024xf32>
    %jit3A_208 = arith.constant 3.000000e+38 : f32
    %broadcast_in_dim3A_209 = vector.broadcast %jit3A_208 : f32 to vector<512x1024xf32>
    %select_n3A_210 = arith.select %eq3A_207, %broadcast_in_dim3A_209, %select_n3A_194 : vector<512x1024xi1>, vector<512x1024xf32>
    %reduce_min3A_211 = arith.constant dense<0x7F800000> : vector<512xf32>
    %reduce_min3A_212 = vector.multi_reduction <minimumf>, %select_n3A_210, %reduce_min3A_211 [1] : vector<512x1024xf32> to vector<512xf32>
    %broadcast_in_dim3A_213 = vector.shape_cast %reduce_min3A_212 : vector<512xf32> to vector<512x1xf32>
    %eq3A_214 = vector.broadcast %broadcast_in_dim3A_213 : vector<512x1xf32> to vector<512x1024xf32>
    %eq3A_215 = arith.cmpf oeq, %select_n3A_210, %eq3A_214 : vector<512x1024xf32>
    %jit3A_216 = arith.constant 1.000000e+09 : f32
    %broadcast_in_dim3A_217 = vector.broadcast %jit3A_216 : f32 to vector<512x1024xf32>
    %select_n3A_218 = arith.select %eq3A_215, %convert_element_type3A_19, %broadcast_in_dim3A_217 : vector<512x1024xi1>, vector<512x1024xf32>
    %reduce_min3A_219 = arith.constant dense<0x7F800000> : vector<512xf32>
    %reduce_min3A_220 = vector.multi_reduction <minimumf>, %select_n3A_218, %reduce_min3A_219 [1] : vector<512x1024xf32> to vector<512xf32>
    %broadcast_in_dim3A_221 = vector.shape_cast %reduce_min3A_220 : vector<512xf32> to vector<512x1xf32>
    %eq3A_222 = vector.broadcast %broadcast_in_dim3A_221 : vector<512x1xf32> to vector<512x1024xf32>
    %eq3A_223 = arith.cmpf oeq, %select_n3A_218, %eq3A_222 : vector<512x1024xf32>
    %jit3A_224 = arith.constant 3.000000e+38 : f32
    %broadcast_in_dim3A_225 = vector.broadcast %jit3A_224 : f32 to vector<512x1024xf32>
    %select_n3A_226 = arith.select %eq3A_223, %broadcast_in_dim3A_225, %select_n3A_210 : vector<512x1024xi1>, vector<512x1024xf32>
    %reduce_min3A_227 = arith.constant dense<0x7F800000> : vector<512xf32>
    %reduce_min3A_228 = vector.multi_reduction <minimumf>, %select_n3A_226, %reduce_min3A_227 [1] : vector<512x1024xf32> to vector<512xf32>
    %broadcast_in_dim3A_229 = vector.shape_cast %reduce_min3A_228 : vector<512xf32> to vector<512x1xf32>
    %eq3A_230 = vector.broadcast %broadcast_in_dim3A_229 : vector<512x1xf32> to vector<512x1024xf32>
    %eq3A_231 = arith.cmpf oeq, %select_n3A_226, %eq3A_230 : vector<512x1024xf32>
    %jit3A_232 = arith.constant 1.000000e+09 : f32
    %broadcast_in_dim3A_233 = vector.broadcast %jit3A_232 : f32 to vector<512x1024xf32>
    %select_n3A_234 = arith.select %eq3A_231, %convert_element_type3A_19, %broadcast_in_dim3A_233 : vector<512x1024xi1>, vector<512x1024xf32>
    %reduce_min3A_235 = arith.constant dense<0x7F800000> : vector<512xf32>
    %reduce_min3A_236 = vector.multi_reduction <minimumf>, %select_n3A_234, %reduce_min3A_235 [1] : vector<512x1024xf32> to vector<512xf32>
    %broadcast_in_dim3A_237 = vector.shape_cast %reduce_min3A_236 : vector<512xf32> to vector<512x1xf32>
    %eq3A_238 = vector.broadcast %broadcast_in_dim3A_237 : vector<512x1xf32> to vector<512x1024xf32>
    %eq3A_239 = arith.cmpf oeq, %select_n3A_234, %eq3A_238 : vector<512x1024xf32>
    %jit3A_240 = arith.constant 3.000000e+38 : f32
    %broadcast_in_dim3A_241 = vector.broadcast %jit3A_240 : f32 to vector<512x1024xf32>
    %select_n3A_242 = arith.select %eq3A_239, %broadcast_in_dim3A_241, %select_n3A_226 : vector<512x1024xi1>, vector<512x1024xf32>
    %reduce_min3A_243 = arith.constant dense<0x7F800000> : vector<512xf32>
    %reduce_min3A_244 = vector.multi_reduction <minimumf>, %select_n3A_242, %reduce_min3A_243 [1] : vector<512x1024xf32> to vector<512xf32>
    %broadcast_in_dim3A_245 = vector.shape_cast %reduce_min3A_244 : vector<512xf32> to vector<512x1xf32>
    %eq3A_246 = vector.broadcast %broadcast_in_dim3A_245 : vector<512x1xf32> to vector<512x1024xf32>
    %eq3A_247 = arith.cmpf oeq, %select_n3A_242, %eq3A_246 : vector<512x1024xf32>
    %jit3A_248 = arith.constant 1.000000e+09 : f32
    %broadcast_in_dim3A_249 = vector.broadcast %jit3A_248 : f32 to vector<512x1024xf32>
    %select_n3A_250 = arith.select %eq3A_247, %convert_element_type3A_19, %broadcast_in_dim3A_249 : vector<512x1024xi1>, vector<512x1024xf32>
    %reduce_min3A_251 = arith.constant dense<0x7F800000> : vector<512xf32>
    %reduce_min3A_252 = vector.multi_reduction <minimumf>, %select_n3A_250, %reduce_min3A_251 [1] : vector<512x1024xf32> to vector<512xf32>
    %broadcast_in_dim3A_253 = vector.shape_cast %reduce_min3A_252 : vector<512xf32> to vector<512x1xf32>
    %eq3A_254 = vector.broadcast %broadcast_in_dim3A_253 : vector<512x1xf32> to vector<512x1024xf32>
    %eq3A_255 = arith.cmpf oeq, %select_n3A_250, %eq3A_254 : vector<512x1024xf32>
    %jit3A_256 = arith.constant 3.000000e+38 : f32
    %broadcast_in_dim3A_257 = vector.broadcast %jit3A_256 : f32 to vector<512x1024xf32>
    %select_n3A_258 = arith.select %eq3A_255, %broadcast_in_dim3A_257, %select_n3A_242 : vector<512x1024xi1>, vector<512x1024xf32>
    %reduce_min3A_259 = arith.constant dense<0x7F800000> : vector<512xf32>
    %reduce_min3A_260 = vector.multi_reduction <minimumf>, %select_n3A_258, %reduce_min3A_259 [1] : vector<512x1024xf32> to vector<512xf32>
    %broadcast_in_dim3A_261 = vector.shape_cast %reduce_min3A_260 : vector<512xf32> to vector<512x1xf32>
    %eq3A_262 = vector.broadcast %broadcast_in_dim3A_261 : vector<512x1xf32> to vector<512x1024xf32>
    %eq3A_263 = arith.cmpf oeq, %select_n3A_258, %eq3A_262 : vector<512x1024xf32>
    %jit3A_264 = arith.constant 1.000000e+09 : f32
    %broadcast_in_dim3A_265 = vector.broadcast %jit3A_264 : f32 to vector<512x1024xf32>
    %select_n3A_266 = arith.select %eq3A_263, %convert_element_type3A_19, %broadcast_in_dim3A_265 : vector<512x1024xi1>, vector<512x1024xf32>
    %reduce_min3A_267 = arith.constant dense<0x7F800000> : vector<512xf32>
    %reduce_min3A_268 = vector.multi_reduction <minimumf>, %select_n3A_266, %reduce_min3A_267 [1] : vector<512x1024xf32> to vector<512xf32>
    %broadcast_in_dim3A_269 = vector.shape_cast %reduce_min3A_268 : vector<512xf32> to vector<512x1xf32>
    %concatenate3A = tpu.concatenate %broadcast_in_dim3A_29, %broadcast_in_dim3A_45, %broadcast_in_dim3A_61, %broadcast_in_dim3A_77, %broadcast_in_dim3A_93, %broadcast_in_dim3A_109, %broadcast_in_dim3A_125, %broadcast_in_dim3A_141, %broadcast_in_dim3A_157, %broadcast_in_dim3A_173, %broadcast_in_dim3A_189, %broadcast_in_dim3A_205, %broadcast_in_dim3A_221, %broadcast_in_dim3A_237, %broadcast_in_dim3A_253, %broadcast_in_dim3A_269 in 1 : vector<512x1xf32>, vector<512x1xf32>, vector<512x1xf32>, vector<512x1xf32>, vector<512x1xf32>, vector<512x1xf32>, vector<512x1xf32>, vector<512x1xf32>, vector<512x1xf32>, vector<512x1xf32>, vector<512x1xf32>, vector<512x1xf32>, vector<512x1xf32>, vector<512x1xf32>, vector<512x1xf32>, vector<512x1xf32> -> vector<512x16xf32>
    %convert_element_type3A_270 = arith.fptosi %concatenate3A : vector<512x16xf32> to vector<512x16xi32>
    %add3A_271 = vector.broadcast %mul3A_22 : i32 to vector<512x16xi32>
    %add3A_272 = arith.addi %convert_element_type3A_270, %add3A_271 : vector<512x16xi32>
    %swap3A = arith.constant 0 : index
    %swap3A_273 = arith.constant 0 : index
    %swap3A_274 = arith.constant 0 : index
    %swap3A_275 = vector.load %arg4[%swap3A, %swap3A_273, %swap3A_274] : memref<1x512x16xi32, #tpu.memory_space<vmem>>, vector<1x512x16xi32>
    %swap3A_276 = vector.shape_cast %swap3A_275 : vector<1x512x16xi32> to vector<512x16xi32>
    %swap3A_277 = vector.shape_cast %add3A_272 : vector<512x16xi32> to vector<1x512x16xi32>
    tpu.vector_store %arg4[%swap3A, %swap3A_273, %swap3A_274], %swap3A_277 {strides = array<i32>} : memref<1x512x16xi32, #tpu.memory_space<vmem>>, vector<1x512x16xi32>,
    return
  }
  func.func @transform_0(%arg0: i32, %arg1: i32) -> (i32, i32, i32) {
    %add3A = arith.constant 0 : i32
    %add3A_0 = arith.addi %arg0, %add3A : i32
    %c0_i32 = arith.constant 0 : i32
    %c0_i32_1 = arith.constant 0 : i32
    return %add3A_0, %arg1, %c0_i32 : i32, i32, i32
  }
  func.func @transform_1(%arg0: i32, %arg1: i32) -> (i32, i32, i32) {
    %add3A = arith.constant 0 : i32
    %add3A_0 = arith.addi %arg0, %add3A : i32
    %c0_i32 = arith.constant 0 : i32
    %c0_i32_1 = arith.constant 0 : i32
    %c0_i32_2 = arith.constant 0 : i32
    return %add3A_0, %c0_i32, %c0_i32_1 : i32, i32, i32
  }
  func.func @transform_2(%arg0: i32, %arg1: i32) -> (i32, i32, i32) {
    %c0_i32 = arith.constant 0 : i32
    %c0_i32_0 = arith.constant 0 : i32
    return %arg0, %arg1, %c0_i32 : i32, i32, i32
  }
}

module attributes {stable_mosaic.version = 14 : i64} {
  func.func @_knn_body(%arg0: i32, %arg1: i32, %arg2: memref<1x512x128xf32, #tpu.memory_space<vmem>>, %arg3: memref<1x1024x128xf32, #tpu.memory_space<vmem>>, %arg4: memref<1x512x16xi32, #tpu.memory_space<vmem>>) attributes {dimension_semantics = [#tpu.dimension_semantics<arbitrary>, #tpu.dimension_semantics<arbitrary>], iteration_bounds = array<i64: 16, 2>, scalar_prefetch = 0 : i64, scratch_operands = 0 : i64, tpu.core_type = #tpu.core_type<tc>, window_params = [{transform_indices = @transform_0, window_bounds = array<i64: 1, 512, 128>}, {transform_indices = @transform_1, window_bounds = array<i64: 1, 1024, 128>}, {transform_indices = @transform_2, window_bounds = array<i64: 1, 512, 16>}]} {
    %get3A = arith.constant 0 : index
    %get3A_0 = arith.constant 0 : index
    %get3A_1 = arith.constant 0 : index
    %get3A_2 = vector.load %arg2[%get3A, %get3A_0, %get3A_1] : memref<1x512x128xf32, #tpu.memory_space<vmem>>, vector<1x512x128xf32>
    %get3A_3 = vector.shape_cast %get3A_2 : vector<1x512x128xf32> to vector<512x128xf32>
    %get3A_4 = arith.constant 0 : index
    %get3A_5 = arith.constant 0 : index
    %get3A_6 = arith.constant 0 : index
    %get3A_7 = vector.load %arg3[%get3A_4, %get3A_5, %get3A_6] : memref<1x1024x128xf32, #tpu.memory_space<vmem>>, vector<1x1024x128xf32>
    %get3A_8 = vector.shape_cast %get3A_7 : vector<1x1024x128xf32> to vector<1024x128xf32>
    %mul3A = arith.mulf %get3A_8, %get3A_8 : vector<1024x128xf32>
    %reduce_sum3A = arith.constant dense<0.000000e+00> : vector<1024xf32>
    %reduce_sum3A_9 = vector.multi_reduction <add>, %mul3A, %reduce_sum3A [1] : vector<1024x128xf32> to vector<1024xf32>
    %broadcast_in_dim3A = vector.shape_cast %reduce_sum3A_9 : vector<1024xf32> to vector<1024x1xf32>
    %convert_element_type3A = arith.truncf %get3A_3 : vector<512x128xf32> to vector<512x128xbf16>
    %convert_element_type3A_10 = arith.truncf %get3A_8 : vector<1024x128xf32> to vector<1024x128xbf16>
    %dot_general3A = arith.constant dense<0.000000e+00> : vector<512x1024xf32>
    %dot_general3A_11 = tpu.matmul %convert_element_type3A, %convert_element_type3A_10, %dot_general3A {dimension_numbers = #tpu.dot_dimension_numbers<[1], [1], [0], [0], [0, 0, 1, 0], [], []>, transpose_lhs_hint = false} : vector<512x128xbf16>, vector<1024x128xbf16>, vector<512x1024xf32> -> vector<512x1024xf32>
    %broadcast_in_dim3A_12 = arith.constant 1.000000e+00 : f32
    %broadcast_in_dim3A_13 = vector.broadcast %broadcast_in_dim3A_12 : f32 to vector<512x1xf32>
    %dot_general3A_14 = arith.constant dense<0.000000e+00> : vector<512x1024xf32>
    %dot_general3A_15 = tpu.matmul %broadcast_in_dim3A_13, %broadcast_in_dim3A, %dot_general3A_14 {dimension_numbers = #tpu.dot_dimension_numbers<[1], [1], [0], [0], [0, 0, 1, 0], [], []>, precision = #tpu.contract_precision<fp32>, transpose_lhs_hint = false} : vector<512x1xf32>, vector<1024x1xf32>, vector<512x1024xf32> -> vector<512x1024xf32>
    %mul3A_16 = arith.constant 2.000000e+00 : f32
    %mul3A_17 = vector.broadcast %mul3A_16 : f32 to vector<512x1024xf32>
    %mul3A_18 = arith.mulf %mul3A_17, %dot_general3A_11 : vector<512x1024xf32>
    %sub3A = arith.subf %dot_general3A_15, %mul3A_18 : vector<512x1024xf32>
    %iota3A = tpu.iota {dimensions = array<i32: 1>} : vector<512x1024xi32>
    %convert_element_type3A_19 = arith.sitofp %iota3A : vector<512x1024xi32> to vector<512x1024xf32>
    %add3A = arith.constant 16 : i32
    %add3A_20 = arith.addi %arg0, %add3A : i32
    %mul3A_21 = arith.constant 1024 : i32
    %mul3A_22 = arith.muli %add3A_20, %mul3A_21 : i32
    %reduce_min3A = arith.constant dense<0x7F800000> : vector<512xf32>
    %reduce_min3A_23 = vector.multi_reduction <minimumf>, %sub3A, %reduce_min3A [1] : vector<512x1024xf32> to vector<512xf32>
    %broadcast_in_dim3A_24 = vector.shape_cast %reduce_min3A_23 : vector<512xf32> to vector<512x1xf32>
    %eq3A = vector.broadcast %broadcast_in_dim3A_24 : vector<512x1xf32> to vector<512x1024xf32>
    %eq3A_25 = arith.cmpf oeq, %sub3A, %eq3A : vector<512x1024xf32>
    %jit3A = arith.constant 1.000000e+09 : f32
    %broadcast_in_dim3A_26 = vector.broadcast %jit3A : f32 to vector<512x1024xf32>
    %select_n3A = arith.select %eq3A_25, %convert_element_type3A_19, %broadcast_in_dim3A_26 : vector<512x1024xi1>, vector<512x1024xf32>
    %reduce_min3A_27 = arith.constant dense<0x7F800000> : vector<512xf32>
    %reduce_min3A_28 = vector.multi_reduction <minimumf>, %select_n3A, %reduce_min3A_27 [1] : vector<512x1024xf32> to vector<512xf32>
    %broadcast_in_dim3A_29 = vector.shape_cast %reduce_min3A_28 : vector<512xf32> to vector<512x1xf32>
    %eq3A_30 = vector.broadcast %broadcast_in_dim3A_29 : vector<512x1xf32> to vector<512x1024xf32>
    %eq3A_31 = arith.cmpf oeq, %select_n3A, %eq3A_30 : vector<512x1024xf32>
    %jit3A_32 = arith.constant 3.000000e+38 : f32
    %broadcast_in_dim3A_33 = vector.broadcast %jit3A_32 : f32 to vector<512x1024xf32>
    %select_n3A_34 = arith.select %eq3A_31, %broadcast_in_dim3A_33, %sub3A : vector<512x1024xi1>, vector<512x1024xf32>
    %reduce_min3A_35 = arith.constant dense<0x7F800000> : vector<512xf32>
    %reduce_min3A_36 = vector.multi_reduction <minimumf>, %select_n3A_34, %reduce_min3A_35 [1] : vector<512x1024xf32> to vector<512xf32>
    %broadcast_in_dim3A_37 = vector.shape_cast %reduce_min3A_36 : vector<512xf32> to vector<512x1xf32>
    %eq3A_38 = vector.broadcast %broadcast_in_dim3A_37 : vector<512x1xf32> to vector<512x1024xf32>
    %eq3A_39 = arith.cmpf oeq, %select_n3A_34, %eq3A_38 : vector<512x1024xf32>
    %jit3A_40 = arith.constant 1.000000e+09 : f32
    %broadcast_in_dim3A_41 = vector.broadcast %jit3A_40 : f32 to vector<512x1024xf32>
    %select_n3A_42 = arith.select %eq3A_39, %convert_element_type3A_19, %broadcast_in_dim3A_41 : vector<512x1024xi1>, vector<512x1024xf32>
    %reduce_min3A_43 = arith.constant dense<0x7F800000> : vector<512xf32>
    %reduce_min3A_44 = vector.multi_reduction <minimumf>, %select_n3A_42, %reduce_min3A_43 [1] : vector<512x1024xf32> to vector<512xf32>
    %broadcast_in_dim3A_45 = vector.shape_cast %reduce_min3A_44 : vector<512xf32> to vector<512x1xf32>
    %eq3A_46 = vector.broadcast %broadcast_in_dim3A_45 : vector<512x1xf32> to vector<512x1024xf32>
    %eq3A_47 = arith.cmpf oeq, %select_n3A_42, %eq3A_46 : vector<512x1024xf32>
    %jit3A_48 = arith.constant 3.000000e+38 : f32
    %broadcast_in_dim3A_49 = vector.broadcast %jit3A_48 : f32 to vector<512x1024xf32>
    %select_n3A_50 = arith.select %eq3A_47, %broadcast_in_dim3A_49, %select_n3A_34 : vector<512x1024xi1>, vector<512x1024xf32>
    %reduce_min3A_51 = arith.constant dense<0x7F800000> : vector<512xf32>
    %reduce_min3A_52 = vector.multi_reduction <minimumf>, %select_n3A_50, %reduce_min3A_51 [1] : vector<512x1024xf32> to vector<512xf32>
    %broadcast_in_dim3A_53 = vector.shape_cast %reduce_min3A_52 : vector<512xf32> to vector<512x1xf32>
    %eq3A_54 = vector.broadcast %broadcast_in_dim3A_53 : vector<512x1xf32> to vector<512x1024xf32>
    %eq3A_55 = arith.cmpf oeq, %select_n3A_50, %eq3A_54 : vector<512x1024xf32>
    %jit3A_56 = arith.constant 1.000000e+09 : f32
    %broadcast_in_dim3A_57 = vector.broadcast %jit3A_56 : f32 to vector<512x1024xf32>
    %select_n3A_58 = arith.select %eq3A_55, %convert_element_type3A_19, %broadcast_in_dim3A_57 : vector<512x1024xi1>, vector<512x1024xf32>
    %reduce_min3A_59 = arith.constant dense<0x7F800000> : vector<512xf32>
    %reduce_min3A_60 = vector.multi_reduction <minimumf>, %select_n3A_58, %reduce_min3A_59 [1] : vector<512x1024xf32> to vector<512xf32>
    %broadcast_in_dim3A_61 = vector.shape_cast %reduce_min3A_60 : vector<512xf32> to vector<512x1xf32>
    %eq3A_62 = vector.broadcast %broadcast_in_dim3A_61 : vector<512x1xf32> to vector<512x1024xf32>
    %eq3A_63 = arith.cmpf oeq, %select_n3A_58, %eq3A_62 : vector<512x1024xf32>
    %jit3A_64 = arith.constant 3.000000e+38 : f32
    %broadcast_in_dim3A_65 = vector.broadcast %jit3A_64 : f32 to vector<512x1024xf32>
    %select_n3A_66 = arith.select %eq3A_63, %broadcast_in_dim3A_65, %select_n3A_50 : vector<512x1024xi1>, vector<512x1024xf32>
    %reduce_min3A_67 = arith.constant dense<0x7F800000> : vector<512xf32>
    %reduce_min3A_68 = vector.multi_reduction <minimumf>, %select_n3A_66, %reduce_min3A_67 [1] : vector<512x1024xf32> to vector<512xf32>
    %broadcast_in_dim3A_69 = vector.shape_cast %reduce_min3A_68 : vector<512xf32> to vector<512x1xf32>
    %eq3A_70 = vector.broadcast %broadcast_in_dim3A_69 : vector<512x1xf32> to vector<512x1024xf32>
    %eq3A_71 = arith.cmpf oeq, %select_n3A_66, %eq3A_70 : vector<512x1024xf32>
    %jit3A_72 = arith.constant 1.000000e+09 : f32
    %broadcast_in_dim3A_73 = vector.broadcast %jit3A_72 : f32 to vector<512x1024xf32>
    %select_n3A_74 = arith.select %eq3A_71, %convert_element_type3A_19, %broadcast_in_dim3A_73 : vector<512x1024xi1>, vector<512x1024xf32>
    %reduce_min3A_75 = arith.constant dense<0x7F800000> : vector<512xf32>
    %reduce_min3A_76 = vector.multi_reduction <minimumf>, %select_n3A_74, %reduce_min3A_75 [1] : vector<512x1024xf32> to vector<512xf32>
    %broadcast_in_dim3A_77 = vector.shape_cast %reduce_min3A_76 : vector<512xf32> to vector<512x1xf32>
    %eq3A_78 = vector.broadcast %broadcast_in_dim3A_77 : vector<512x1xf32> to vector<512x1024xf32>
    %eq3A_79 = arith.cmpf oeq, %select_n3A_74, %eq3A_78 : vector<512x1024xf32>
    %jit3A_80 = arith.constant 3.000000e+38 : f32
    %broadcast_in_dim3A_81 = vector.broadcast %jit3A_80 : f32 to vector<512x1024xf32>
    %select_n3A_82 = arith.select %eq3A_79, %broadcast_in_dim3A_81, %select_n3A_66 : vector<512x1024xi1>, vector<512x1024xf32>
    %reduce_min3A_83 = arith.constant dense<0x7F800000> : vector<512xf32>
    %reduce_min3A_84 = vector.multi_reduction <minimumf>, %select_n3A_82, %reduce_min3A_83 [1] : vector<512x1024xf32> to vector<512xf32>
    %broadcast_in_dim3A_85 = vector.shape_cast %reduce_min3A_84 : vector<512xf32> to vector<512x1xf32>
    %eq3A_86 = vector.broadcast %broadcast_in_dim3A_85 : vector<512x1xf32> to vector<512x1024xf32>
    %eq3A_87 = arith.cmpf oeq, %select_n3A_82, %eq3A_86 : vector<512x1024xf32>
    %jit3A_88 = arith.constant 1.000000e+09 : f32
    %broadcast_in_dim3A_89 = vector.broadcast %jit3A_88 : f32 to vector<512x1024xf32>
    %select_n3A_90 = arith.select %eq3A_87, %convert_element_type3A_19, %broadcast_in_dim3A_89 : vector<512x1024xi1>, vector<512x1024xf32>
    %reduce_min3A_91 = arith.constant dense<0x7F800000> : vector<512xf32>
    %reduce_min3A_92 = vector.multi_reduction <minimumf>, %select_n3A_90, %reduce_min3A_91 [1] : vector<512x1024xf32> to vector<512xf32>
    %broadcast_in_dim3A_93 = vector.shape_cast %reduce_min3A_92 : vector<512xf32> to vector<512x1xf32>
    %eq3A_94 = vector.broadcast %broadcast_in_dim3A_93 : vector<512x1xf32> to vector<512x1024xf32>
    %eq3A_95 = arith.cmpf oeq, %select_n3A_90, %eq3A_94 : vector<512x1024xf32>
    %jit3A_96 = arith.constant 3.000000e+38 : f32
    %broadcast_in_dim3A_97 = vector.broadcast %jit3A_96 : f32 to vector<512x1024xf32>
    %select_n3A_98 = arith.select %eq3A_95, %broadcast_in_dim3A_97, %select_n3A_82 : vector<512x1024xi1>, vector<512x1024xf32>
    %reduce_min3A_99 = arith.constant dense<0x7F800000> : vector<512xf32>
    %reduce_min3A_100 = vector.multi_reduction <minimumf>, %select_n3A_98, %reduce_min3A_99 [1] : vector<512x1024xf32> to vector<512xf32>
    %broadcast_in_dim3A_101 = vector.shape_cast %reduce_min3A_100 : vector<512xf32> to vector<512x1xf32>
    %eq3A_102 = vector.broadcast %broadcast_in_dim3A_101 : vector<512x1xf32> to vector<512x1024xf32>
    %eq3A_103 = arith.cmpf oeq, %select_n3A_98, %eq3A_102 : vector<512x1024xf32>
    %jit3A_104 = arith.constant 1.000000e+09 : f32
    %broadcast_in_dim3A_105 = vector.broadcast %jit3A_104 : f32 to vector<512x1024xf32>
    %select_n3A_106 = arith.select %eq3A_103, %convert_element_type3A_19, %broadcast_in_dim3A_105 : vector<512x1024xi1>, vector<512x1024xf32>
    %reduce_min3A_107 = arith.constant dense<0x7F800000> : vector<512xf32>
    %reduce_min3A_108 = vector.multi_reduction <minimumf>, %select_n3A_106, %reduce_min3A_107 [1] : vector<512x1024xf32> to vector<512xf32>
    %broadcast_in_dim3A_109 = vector.shape_cast %reduce_min3A_108 : vector<512xf32> to vector<512x1xf32>
    %eq3A_110 = vector.broadcast %broadcast_in_dim3A_109 : vector<512x1xf32> to vector<512x1024xf32>
    %eq3A_111 = arith.cmpf oeq, %select_n3A_106, %eq3A_110 : vector<512x1024xf32>
    %jit3A_112 = arith.constant 3.000000e+38 : f32
    %broadcast_in_dim3A_113 = vector.broadcast %jit3A_112 : f32 to vector<512x1024xf32>
    %select_n3A_114 = arith.select %eq3A_111, %broadcast_in_dim3A_113, %select_n3A_98 : vector<512x1024xi1>, vector<512x1024xf32>
    %reduce_min3A_115 = arith.constant dense<0x7F800000> : vector<512xf32>
    %reduce_min3A_116 = vector.multi_reduction <minimumf>, %select_n3A_114, %reduce_min3A_115 [1] : vector<512x1024xf32> to vector<512xf32>
    %broadcast_in_dim3A_117 = vector.shape_cast %reduce_min3A_116 : vector<512xf32> to vector<512x1xf32>
    %eq3A_118 = vector.broadcast %broadcast_in_dim3A_117 : vector<512x1xf32> to vector<512x1024xf32>
    %eq3A_119 = arith.cmpf oeq, %select_n3A_114, %eq3A_118 : vector<512x1024xf32>
    %jit3A_120 = arith.constant 1.000000e+09 : f32
    %broadcast_in_dim3A_121 = vector.broadcast %jit3A_120 : f32 to vector<512x1024xf32>
    %select_n3A_122 = arith.select %eq3A_119, %convert_element_type3A_19, %broadcast_in_dim3A_121 : vector<512x1024xi1>, vector<512x1024xf32>
    %reduce_min3A_123 = arith.constant dense<0x7F800000> : vector<512xf32>
    %reduce_min3A_124 = vector.multi_reduction <minimumf>, %select_n3A_122, %reduce_min3A_123 [1] : vector<512x1024xf32> to vector<512xf32>
    %broadcast_in_dim3A_125 = vector.shape_cast %reduce_min3A_124 : vector<512xf32> to vector<512x1xf32>
    %eq3A_126 = vector.broadcast %broadcast_in_dim3A_125 : vector<512x1xf32> to vector<512x1024xf32>
    %eq3A_127 = arith.cmpf oeq, %select_n3A_122, %eq3A_126 : vector<512x1024xf32>
    %jit3A_128 = arith.constant 3.000000e+38 : f32
    %broadcast_in_dim3A_129 = vector.broadcast %jit3A_128 : f32 to vector<512x1024xf32>
    %select_n3A_130 = arith.select %eq3A_127, %broadcast_in_dim3A_129, %select_n3A_114 : vector<512x1024xi1>, vector<512x1024xf32>
    %reduce_min3A_131 = arith.constant dense<0x7F800000> : vector<512xf32>
    %reduce_min3A_132 = vector.multi_reduction <minimumf>, %select_n3A_130, %reduce_min3A_131 [1] : vector<512x1024xf32> to vector<512xf32>
    %broadcast_in_dim3A_133 = vector.shape_cast %reduce_min3A_132 : vector<512xf32> to vector<512x1xf32>
    %eq3A_134 = vector.broadcast %broadcast_in_dim3A_133 : vector<512x1xf32> to vector<512x1024xf32>
    %eq3A_135 = arith.cmpf oeq, %select_n3A_130, %eq3A_134 : vector<512x1024xf32>
    %jit3A_136 = arith.constant 1.000000e+09 : f32
    %broadcast_in_dim3A_137 = vector.broadcast %jit3A_136 : f32 to vector<512x1024xf32>
    %select_n3A_138 = arith.select %eq3A_135, %convert_element_type3A_19, %broadcast_in_dim3A_137 : vector<512x1024xi1>, vector<512x1024xf32>
    %reduce_min3A_139 = arith.constant dense<0x7F800000> : vector<512xf32>
    %reduce_min3A_140 = vector.multi_reduction <minimumf>, %select_n3A_138, %reduce_min3A_139 [1] : vector<512x1024xf32> to vector<512xf32>
    %broadcast_in_dim3A_141 = vector.shape_cast %reduce_min3A_140 : vector<512xf32> to vector<512x1xf32>
    %eq3A_142 = vector.broadcast %broadcast_in_dim3A_141 : vector<512x1xf32> to vector<512x1024xf32>
    %eq3A_143 = arith.cmpf oeq, %select_n3A_138, %eq3A_142 : vector<512x1024xf32>
    %jit3A_144 = arith.constant 3.000000e+38 : f32
    %broadcast_in_dim3A_145 = vector.broadcast %jit3A_144 : f32 to vector<512x1024xf32>
    %select_n3A_146 = arith.select %eq3A_143, %broadcast_in_dim3A_145, %select_n3A_130 : vector<512x1024xi1>, vector<512x1024xf32>
    %reduce_min3A_147 = arith.constant dense<0x7F800000> : vector<512xf32>
    %reduce_min3A_148 = vector.multi_reduction <minimumf>, %select_n3A_146, %reduce_min3A_147 [1] : vector<512x1024xf32> to vector<512xf32>
    %broadcast_in_dim3A_149 = vector.shape_cast %reduce_min3A_148 : vector<512xf32> to vector<512x1xf32>
    %eq3A_150 = vector.broadcast %broadcast_in_dim3A_149 : vector<512x1xf32> to vector<512x1024xf32>
    %eq3A_151 = arith.cmpf oeq, %select_n3A_146, %eq3A_150 : vector<512x1024xf32>
    %jit3A_152 = arith.constant 1.000000e+09 : f32
    %broadcast_in_dim3A_153 = vector.broadcast %jit3A_152 : f32 to vector<512x1024xf32>
    %select_n3A_154 = arith.select %eq3A_151, %convert_element_type3A_19, %broadcast_in_dim3A_153 : vector<512x1024xi1>, vector<512x1024xf32>
    %reduce_min3A_155 = arith.constant dense<0x7F800000> : vector<512xf32>
    %reduce_min3A_156 = vector.multi_reduction <minimumf>, %select_n3A_154, %reduce_min3A_155 [1] : vector<512x1024xf32> to vector<512xf32>
    %broadcast_in_dim3A_157 = vector.shape_cast %reduce_min3A_156 : vector<512xf32> to vector<512x1xf32>
    %eq3A_158 = vector.broadcast %broadcast_in_dim3A_157 : vector<512x1xf32> to vector<512x1024xf32>
    %eq3A_159 = arith.cmpf oeq, %select_n3A_154, %eq3A_158 : vector<512x1024xf32>
    %jit3A_160 = arith.constant 3.000000e+38 : f32
    %broadcast_in_dim3A_161 = vector.broadcast %jit3A_160 : f32 to vector<512x1024xf32>
    %select_n3A_162 = arith.select %eq3A_159, %broadcast_in_dim3A_161, %select_n3A_146 : vector<512x1024xi1>, vector<512x1024xf32>
    %reduce_min3A_163 = arith.constant dense<0x7F800000> : vector<512xf32>
    %reduce_min3A_164 = vector.multi_reduction <minimumf>, %select_n3A_162, %reduce_min3A_163 [1] : vector<512x1024xf32> to vector<512xf32>
    %broadcast_in_dim3A_165 = vector.shape_cast %reduce_min3A_164 : vector<512xf32> to vector<512x1xf32>
    %eq3A_166 = vector.broadcast %broadcast_in_dim3A_165 : vector<512x1xf32> to vector<512x1024xf32>
    %eq3A_167 = arith.cmpf oeq, %select_n3A_162, %eq3A_166 : vector<512x1024xf32>
    %jit3A_168 = arith.constant 1.000000e+09 : f32
    %broadcast_in_dim3A_169 = vector.broadcast %jit3A_168 : f32 to vector<512x1024xf32>
    %select_n3A_170 = arith.select %eq3A_167, %convert_element_type3A_19, %broadcast_in_dim3A_169 : vector<512x1024xi1>, vector<512x1024xf32>
    %reduce_min3A_171 = arith.constant dense<0x7F800000> : vector<512xf32>
    %reduce_min3A_172 = vector.multi_reduction <minimumf>, %select_n3A_170, %reduce_min3A_171 [1] : vector<512x1024xf32> to vector<512xf32>
    %broadcast_in_dim3A_173 = vector.shape_cast %reduce_min3A_172 : vector<512xf32> to vector<512x1xf32>
    %eq3A_174 = vector.broadcast %broadcast_in_dim3A_173 : vector<512x1xf32> to vector<512x1024xf32>
    %eq3A_175 = arith.cmpf oeq, %select_n3A_170, %eq3A_174 : vector<512x1024xf32>
    %jit3A_176 = arith.constant 3.000000e+38 : f32
    %broadcast_in_dim3A_177 = vector.broadcast %jit3A_176 : f32 to vector<512x1024xf32>
    %select_n3A_178 = arith.select %eq3A_175, %broadcast_in_dim3A_177, %select_n3A_162 : vector<512x1024xi1>, vector<512x1024xf32>
    %reduce_min3A_179 = arith.constant dense<0x7F800000> : vector<512xf32>
    %reduce_min3A_180 = vector.multi_reduction <minimumf>, %select_n3A_178, %reduce_min3A_179 [1] : vector<512x1024xf32> to vector<512xf32>
    %broadcast_in_dim3A_181 = vector.shape_cast %reduce_min3A_180 : vector<512xf32> to vector<512x1xf32>
    %eq3A_182 = vector.broadcast %broadcast_in_dim3A_181 : vector<512x1xf32> to vector<512x1024xf32>
    %eq3A_183 = arith.cmpf oeq, %select_n3A_178, %eq3A_182 : vector<512x1024xf32>
    %jit3A_184 = arith.constant 1.000000e+09 : f32
    %broadcast_in_dim3A_185 = vector.broadcast %jit3A_184 : f32 to vector<512x1024xf32>
    %select_n3A_186 = arith.select %eq3A_183, %convert_element_type3A_19, %broadcast_in_dim3A_185 : vector<512x1024xi1>, vector<512x1024xf32>
    %reduce_min3A_187 = arith.constant dense<0x7F800000> : vector<512xf32>
    %reduce_min3A_188 = vector.multi_reduction <minimumf>, %select_n3A_186, %reduce_min3A_187 [1] : vector<512x1024xf32> to vector<512xf32>
    %broadcast_in_dim3A_189 = vector.shape_cast %reduce_min3A_188 : vector<512xf32> to vector<512x1xf32>
    %eq3A_190 = vector.broadcast %broadcast_in_dim3A_189 : vector<512x1xf32> to vector<512x1024xf32>
    %eq3A_191 = arith.cmpf oeq, %select_n3A_186, %eq3A_190 : vector<512x1024xf32>
    %jit3A_192 = arith.constant 3.000000e+38 : f32
    %broadcast_in_dim3A_193 = vector.broadcast %jit3A_192 : f32 to vector<512x1024xf32>
    %select_n3A_194 = arith.select %eq3A_191, %broadcast_in_dim3A_193, %select_n3A_178 : vector<512x1024xi1>, vector<512x1024xf32>
    %reduce_min3A_195 = arith.constant dense<0x7F800000> : vector<512xf32>
    %reduce_min3A_196 = vector.multi_reduction <minimumf>, %select_n3A_194, %reduce_min3A_195 [1] : vector<512x1024xf32> to vector<512xf32>
    %broadcast_in_dim3A_197 = vector.shape_cast %reduce_min3A_196 : vector<512xf32> to vector<512x1xf32>
    %eq3A_198 = vector.broadcast %broadcast_in_dim3A_197 : vector<512x1xf32> to vector<512x1024xf32>
    %eq3A_199 = arith.cmpf oeq, %select_n3A_194, %eq3A_198 : vector<512x1024xf32>
    %jit3A_200 = arith.constant 1.000000e+09 : f32
    %broadcast_in_dim3A_201 = vector.broadcast %jit3A_200 : f32 to vector<512x1024xf32>
    %select_n3A_202 = arith.select %eq3A_199, %convert_element_type3A_19, %broadcast_in_dim3A_201 : vector<512x1024xi1>, vector<512x1024xf32>
    %reduce_min3A_203 = arith.constant dense<0x7F800000> : vector<512xf32>
    %reduce_min3A_204 = vector.multi_reduction <minimumf>, %select_n3A_202, %reduce_min3A_203 [1] : vector<512x1024xf32> to vector<512xf32>
    %broadcast_in_dim3A_205 = vector.shape_cast %reduce_min3A_204 : vector<512xf32> to vector<512x1xf32>
    %eq3A_206 = vector.broadcast %broadcast_in_dim3A_205 : vector<512x1xf32> to vector<512x1024xf32>
    %eq3A_207 = arith.cmpf oeq, %select_n3A_202, %eq3A_206 : vector<512x1024xf32>
    %jit3A_208 = arith.constant 3.000000e+38 : f32
    %broadcast_in_dim3A_209 = vector.broadcast %jit3A_208 : f32 to vector<512x1024xf32>
    %select_n3A_210 = arith.select %eq3A_207, %broadcast_in_dim3A_209, %select_n3A_194 : vector<512x1024xi1>, vector<512x1024xf32>
    %reduce_min3A_211 = arith.constant dense<0x7F800000> : vector<512xf32>
    %reduce_min3A_212 = vector.multi_reduction <minimumf>, %select_n3A_210, %reduce_min3A_211 [1] : vector<512x1024xf32> to vector<512xf32>
    %broadcast_in_dim3A_213 = vector.shape_cast %reduce_min3A_212 : vector<512xf32> to vector<512x1xf32>
    %eq3A_214 = vector.broadcast %broadcast_in_dim3A_213 : vector<512x1xf32> to vector<512x1024xf32>
    %eq3A_215 = arith.cmpf oeq, %select_n3A_210, %eq3A_214 : vector<512x1024xf32>
    %jit3A_216 = arith.constant 1.000000e+09 : f32
    %broadcast_in_dim3A_217 = vector.broadcast %jit3A_216 : f32 to vector<512x1024xf32>
    %select_n3A_218 = arith.select %eq3A_215, %convert_element_type3A_19, %broadcast_in_dim3A_217 : vector<512x1024xi1>, vector<512x1024xf32>
    %reduce_min3A_219 = arith.constant dense<0x7F800000> : vector<512xf32>
    %reduce_min3A_220 = vector.multi_reduction <minimumf>, %select_n3A_218, %reduce_min3A_219 [1] : vector<512x1024xf32> to vector<512xf32>
    %broadcast_in_dim3A_221 = vector.shape_cast %reduce_min3A_220 : vector<512xf32> to vector<512x1xf32>
    %eq3A_222 = vector.broadcast %broadcast_in_dim3A_221 : vector<512x1xf32> to vector<512x1024xf32>
    %eq3A_223 = arith.cmpf oeq, %select_n3A_218, %eq3A_222 : vector<512x1024xf32>
    %jit3A_224 = arith.constant 3.000000e+38 : f32
    %broadcast_in_dim3A_225 = vector.broadcast %jit3A_224 : f32 to vector<512x1024xf32>
    %select_n3A_226 = arith.select %eq3A_223, %broadcast_in_dim3A_225, %select_n3A_210 : vector<512x1024xi1>, vector<512x1024xf32>
    %reduce_min3A_227 = arith.constant dense<0x7F800000> : vector<512xf32>
    %reduce_min3A_228 = vector.multi_reduction <minimumf>, %select_n3A_226, %reduce_min3A_227 [1] : vector<512x1024xf32> to vector<512xf32>
    %broadcast_in_dim3A_229 = vector.shape_cast %reduce_min3A_228 : vector<512xf32> to vector<512x1xf32>
    %eq3A_230 = vector.broadcast %broadcast_in_dim3A_229 : vector<512x1xf32> to vector<512x1024xf32>
    %eq3A_231 = arith.cmpf oeq, %select_n3A_226, %eq3A_230 : vector<512x1024xf32>
    %jit3A_232 = arith.constant 1.000000e+09 : f32
    %broadcast_in_dim3A_233 = vector.broadcast %jit3A_232 : f32 to vector<512x1024xf32>
    %select_n3A_234 = arith.select %eq3A_231, %convert_element_type3A_19, %broadcast_in_dim3A_233 : vector<512x1024xi1>, vector<512x1024xf32>
    %reduce_min3A_235 = arith.constant dense<0x7F800000> : vector<512xf32>
    %reduce_min3A_236 = vector.multi_reduction <minimumf>, %select_n3A_234, %reduce_min3A_235 [1] : vector<512x1024xf32> to vector<512xf32>
    %broadcast_in_dim3A_237 = vector.shape_cast %reduce_min3A_236 : vector<512xf32> to vector<512x1xf32>
    %eq3A_238 = vector.broadcast %broadcast_in_dim3A_237 : vector<512x1xf32> to vector<512x1024xf32>
    %eq3A_239 = arith.cmpf oeq, %select_n3A_234, %eq3A_238 : vector<512x1024xf32>
    %jit3A_240 = arith.constant 3.000000e+38 : f32
    %broadcast_in_dim3A_241 = vector.broadcast %jit3A_240 : f32 to vector<512x1024xf32>
    %select_n3A_242 = arith.select %eq3A_239, %broadcast_in_dim3A_241, %select_n3A_226 : vector<512x1024xi1>, vector<512x1024xf32>
    %reduce_min3A_243 = arith.constant dense<0x7F800000> : vector<512xf32>
    %reduce_min3A_244 = vector.multi_reduction <minimumf>, %select_n3A_242, %reduce_min3A_243 [1] : vector<512x1024xf32> to vector<512xf32>
    %broadcast_in_dim3A_245 = vector.shape_cast %reduce_min3A_244 : vector<512xf32> to vector<512x1xf32>
    %eq3A_246 = vector.broadcast %broadcast_in_dim3A_245 : vector<512x1xf32> to vector<512x1024xf32>
    %eq3A_247 = arith.cmpf oeq, %select_n3A_242, %eq3A_246 : vector<512x1024xf32>
    %jit3A_248 = arith.constant 1.000000e+09 : f32
    %broadcast_in_dim3A_249 = vector.broadcast %jit3A_248 : f32 to vector<512x1024xf32>
    %select_n3A_250 = arith.select %eq3A_247, %convert_element_type3A_19, %broadcast_in_dim3A_249 : vector<512x1024xi1>, vector<512x1024xf32>
    %reduce_min3A_251 = arith.constant dense<0x7F800000> : vector<512xf32>
    %reduce_min3A_252 = vector.multi_reduction <minimumf>, %select_n3A_250, %reduce_min3A_251 [1] : vector<512x1024xf32> to vector<512xf32>
    %broadcast_in_dim3A_253 = vector.shape_cast %reduce_min3A_252 : vector<512xf32> to vector<512x1xf32>
    %eq3A_254 = vector.broadcast %broadcast_in_dim3A_253 : vector<512x1xf32> to vector<512x1024xf32>
    %eq3A_255 = arith.cmpf oeq, %select_n3A_250, %eq3A_254 : vector<512x1024xf32>
    %jit3A_256 = arith.constant 3.000000e+38 : f32
    %broadcast_in_dim3A_257 = vector.broadcast %jit3A_256 : f32 to vector<512x1024xf32>
    %select_n3A_258 = arith.select %eq3A_255, %broadcast_in_dim3A_257, %select_n3A_242 : vector<512x1024xi1>, vector<512x1024xf32>
    %reduce_min3A_259 = arith.constant dense<0x7F800000> : vector<512xf32>
    %reduce_min3A_260 = vector.multi_reduction <minimumf>, %select_n3A_258, %reduce_min3A_259 [1] : vector<512x1024xf32> to vector<512xf32>
    %broadcast_in_dim3A_261 = vector.shape_cast %reduce_min3A_260 : vector<512xf32> to vector<512x1xf32>
    %eq3A_262 = vector.broadcast %broadcast_in_dim3A_261 : vector<512x1xf32> to vector<512x1024xf32>
    %eq3A_263 = arith.cmpf oeq, %select_n3A_258, %eq3A_262 : vector<512x1024xf32>
    %jit3A_264 = arith.constant 1.000000e+09 : f32
    %broadcast_in_dim3A_265 = vector.broadcast %jit3A_264 : f32 to vector<512x1024xf32>
    %select_n3A_266 = arith.select %eq3A_263, %convert_element_type3A_19, %broadcast_in_dim3A_265 : vector<512x1024xi1>, vector<512x1024xf32>
    %reduce_min3A_267 = arith.constant dense<0x7F800000> : vector<512xf32>
    %reduce_min3A_268 = vector.multi_reduction <minimumf>, %select_n3A_266, %reduce_min3A_267 [1] : vector<512x1024xf32> to vector<512xf32>
    %broadcast_in_dim3A_269 = vector.shape_cast %reduce_min3A_268 : vector<512xf32> to vector<512x1xf32>
    %concatenate3A = tpu.concatenate %broadcast_in_dim3A_29, %broadcast_in_dim3A_45, %broadcast_in_dim3A_61, %broadcast_in_dim3A_77, %broadcast_in_dim3A_93, %broadcast_in_dim3A_109, %broadcast_in_dim3A_125, %broadcast_in_dim3A_141, %broadcast_in_dim3A_157, %broadcast_in_dim3A_173, %broadcast_in_dim3A_189, %broadcast_in_dim3A_205, %broadcast_in_dim3A_221, %broadcast_in_dim3A_237, %broadcast_in_dim3A_253, %broadcast_in_dim3A_269 in 1 : vector<512x1xf32>, vector<512x1xf32>, vector<512x1xf32>, vector<512x1xf32>, vector<512x1xf32>, vector<512x1xf32>, vector<512x1xf32>, vector<512x1xf32>, vector<512x1xf32>, vector<512x1xf32>, vector<512x1xf32>, vector<512x1xf32>, vector<512x1xf32>, vector<512x1xf32>, vector<512x1xf32>, vector<512x1xf32> -> vector<512x16xf32>
    %convert_element_type3A_270 = arith.fptosi %concatenate3A : vector<512x16xf32> to vector<512x16xi32>
    %add3A_271 = vector.broadcast %mul3A_22 : i32 to vector<512x16xi32>
    %add3A_272 = arith.addi %convert_element_type3A_270, %add3A_271 : vector<512x16xi32>
    %swap3A = arith.constant 0 : index
    %swap3A_273 = arith.constant 0 : index
    %swap3A_274 = arith.constant 0 : index
    %swap3A_275 = vector.load %arg4[%swap3A, %swap3A_273, %swap3A_274] : memref<1x512x16xi32, #tpu.memory_space<vmem>>, vector<1x512x16xi32>
    %swap3A_276 = vector.shape_cast %swap3A_275 : vector<1x512x16xi32> to vector<512x16xi32>
    %swap3A_277 = vector.shape_cast %add3A_272 : vector<512x16xi32> to vector<1x512x16xi32>
    tpu.vector_store %arg4[%swap3A, %swap3A_273, %swap3A_274], %swap3A_277 {strides = array<i32>} : memref<1x512x16xi32, #tpu.memory_space<vmem>>, vector<1x512x16xi32>,
    return
  }
  func.func @transform_0(%arg0: i32, %arg1: i32) -> (i32, i32, i32) {
    %add3A = arith.constant 16 : i32
    %add3A_0 = arith.addi %arg0, %add3A : i32
    %c0_i32 = arith.constant 0 : i32
    %c0_i32_1 = arith.constant 0 : i32
    return %add3A_0, %arg1, %c0_i32 : i32, i32, i32
  }
  func.func @transform_1(%arg0: i32, %arg1: i32) -> (i32, i32, i32) {
    %add3A = arith.constant 16 : i32
    %add3A_0 = arith.addi %arg0, %add3A : i32
    %c0_i32 = arith.constant 0 : i32
    %c0_i32_1 = arith.constant 0 : i32
    %c0_i32_2 = arith.constant 0 : i32
    return %add3A_0, %c0_i32, %c0_i32_1 : i32, i32, i32
  }
  func.func @transform_2(%arg0: i32, %arg1: i32) -> (i32, i32, i32) {
    %c0_i32 = arith.constant 0 : i32
    %c0_i32_0 = arith.constant 0 : i32
    return %arg0, %arg1, %c0_i32 : i32, i32, i32
  }
}

module attributes {stable_mosaic.version = 14 : i64} {
  func.func @_edgeconv_body(%arg0: i32, %arg1: memref<16x256x128xf32, #tpu.memory_space<vmem>>, %arg2: memref<256x128xf32, #tpu.memory_space<vmem>>, %arg3: memref<128x128xf32, #tpu.memory_space<vmem>>, %arg4: memref<128x128xf32, #tpu.memory_space<vmem>>, %arg5: memref<256x128xf32, #tpu.memory_space<vmem>>) attributes {dimension_semantics = [#tpu.dimension_semantics<arbitrary>], iteration_bounds = array<i64: 64>, scalar_prefetch = 0 : i64, scratch_operands = 0 : i64, tpu.core_type = #tpu.core_type<tc>, window_params = [{transform_indices = @transform_0, window_bounds = array<i64: 16, 256, 128>}, {transform_indices = @transform_1, window_bounds = array<i64: 256, 128>}, {pipeline_mode = #tpu.pipeline_mode<synchronous>, transform_indices = @transform_2, window_bounds = array<i64: 128, 128>}, {pipeline_mode = #tpu.pipeline_mode<synchronous>, transform_indices = @transform_3, window_bounds = array<i64: 128, 128>}, {transform_indices = @transform_4, window_bounds = array<i64: 256, 128>}]} {
    %get3A = arith.constant 0 : index
    %get3A_0 = arith.constant 0 : index
    %get3A_1 = vector.load %arg2[%get3A, %get3A_0] : memref<256x128xf32, #tpu.memory_space<vmem>>, vector<256x128xf32>
    %get3A_2 = arith.constant 0 : index
    %get3A_3 = arith.constant 0 : index
    %get3A_4 = vector.load %arg3[%get3A_2, %get3A_3] : memref<128x128xf32, #tpu.memory_space<vmem>>, vector<128x128xf32>
    %convert_element_type3A = arith.truncf %get3A_4 : vector<128x128xf32> to vector<128x128xbf16>
    %get3A_5 = arith.constant 0 : index
    %get3A_6 = arith.constant 0 : index
    %get3A_7 = vector.load %arg4[%get3A_5, %get3A_6] : memref<128x128xf32, #tpu.memory_space<vmem>>, vector<128x128xf32>
    %convert_element_type3A_8 = arith.truncf %get3A_7 : vector<128x128xf32> to vector<128x128xbf16>
    %convert_element_type3A_9 = arith.truncf %get3A_1 : vector<256x128xf32> to vector<256x128xbf16>
    %dot_general3A = arith.constant dense<0.000000e+00> : vector<256x128xf32>
    %dot_general3A_10 = tpu.matmul %convert_element_type3A_9, %convert_element_type3A_8, %dot_general3A {dimension_numbers = #tpu.dot_dimension_numbers<[1], [1], [0], [0], [0, 0, 1, 0], [], []>, transpose_lhs_hint = false} : vector<256x128xbf16>, vector<128x128xbf16>, vector<256x128xf32> -> vector<256x128xf32>
    %get3A_11 = arith.constant 0 : index
    %get3A_12 = arith.constant 0 : index
    %get3A_13 = arith.constant 0 : index
    %get3A_14 = vector.load %arg1[%get3A_11, %get3A_12, %get3A_13] : memref<16x256x128xf32, #tpu.memory_space<vmem>>, vector<1x256x128xf32>
    %get3A_15 = vector.shape_cast %get3A_14 : vector<1x256x128xf32> to vector<256x128xf32>
    %sub3A = arith.subf %get3A_15, %get3A_1 : vector<256x128xf32>
    %convert_element_type3A_16 = arith.truncf %sub3A : vector<256x128xf32> to vector<256x128xbf16>
    %dot_general3A_17 = arith.constant dense<0.000000e+00> : vector<256x128xf32>
    %dot_general3A_18 = tpu.matmul %convert_element_type3A_16, %convert_element_type3A, %dot_general3A_17 {dimension_numbers = #tpu.dot_dimension_numbers<[1], [1], [0], [0], [0, 0, 1, 0], [], []>, transpose_lhs_hint = false} : vector<256x128xbf16>, vector<128x128xbf16>, vector<256x128xf32> -> vector<256x128xf32>
    %get3A_19 = arith.constant 1 : index
    %get3A_20 = arith.constant 0 : index
    %get3A_21 = arith.constant 0 : index
    %get3A_22 = vector.load %arg1[%get3A_19, %get3A_20, %get3A_21] : memref<16x256x128xf32, #tpu.memory_space<vmem>>, vector<1x256x128xf32>
    %get3A_23 = vector.shape_cast %get3A_22 : vector<1x256x128xf32> to vector<256x128xf32>
    %sub3A_24 = arith.subf %get3A_23, %get3A_1 : vector<256x128xf32>
    %convert_element_type3A_25 = arith.truncf %sub3A_24 : vector<256x128xf32> to vector<256x128xbf16>
    %dot_general3A_26 = arith.constant dense<0.000000e+00> : vector<256x128xf32>
    %dot_general3A_27 = tpu.matmul %convert_element_type3A_25, %convert_element_type3A, %dot_general3A_26 {dimension_numbers = #tpu.dot_dimension_numbers<[1], [1], [0], [0], [0, 0, 1, 0], [], []>, transpose_lhs_hint = false} : vector<256x128xbf16>, vector<128x128xbf16>, vector<256x128xf32> -> vector<256x128xf32>
    %max3A = arith.maximumf %dot_general3A_18, %dot_general3A_27 : vector<256x128xf32>
    %get3A_28 = arith.constant 2 : index
    %get3A_29 = arith.constant 0 : index
    %get3A_30 = arith.constant 0 : index
    %get3A_31 = vector.load %arg1[%get3A_28, %get3A_29, %get3A_30] : memref<16x256x128xf32, #tpu.memory_space<vmem>>, vector<1x256x128xf32>
    %get3A_32 = vector.shape_cast %get3A_31 : vector<1x256x128xf32> to vector<256x128xf32>
    %sub3A_33 = arith.subf %get3A_32, %get3A_1 : vector<256x128xf32>
    %convert_element_type3A_34 = arith.truncf %sub3A_33 : vector<256x128xf32> to vector<256x128xbf16>
    %dot_general3A_35 = arith.constant dense<0.000000e+00> : vector<256x128xf32>
    %dot_general3A_36 = tpu.matmul %convert_element_type3A_34, %convert_element_type3A, %dot_general3A_35 {dimension_numbers = #tpu.dot_dimension_numbers<[1], [1], [0], [0], [0, 0, 1, 0], [], []>, transpose_lhs_hint = false} : vector<256x128xbf16>, vector<128x128xbf16>, vector<256x128xf32> -> vector<256x128xf32>
    %max3A_37 = arith.maximumf %max3A, %dot_general3A_36 : vector<256x128xf32>
    %get3A_38 = arith.constant 3 : index
    %get3A_39 = arith.constant 0 : index
    %get3A_40 = arith.constant 0 : index
    %get3A_41 = vector.load %arg1[%get3A_38, %get3A_39, %get3A_40] : memref<16x256x128xf32, #tpu.memory_space<vmem>>, vector<1x256x128xf32>
    %get3A_42 = vector.shape_cast %get3A_41 : vector<1x256x128xf32> to vector<256x128xf32>
    %sub3A_43 = arith.subf %get3A_42, %get3A_1 : vector<256x128xf32>
    %convert_element_type3A_44 = arith.truncf %sub3A_43 : vector<256x128xf32> to vector<256x128xbf16>
    %dot_general3A_45 = arith.constant dense<0.000000e+00> : vector<256x128xf32>
    %dot_general3A_46 = tpu.matmul %convert_element_type3A_44, %convert_element_type3A, %dot_general3A_45 {dimension_numbers = #tpu.dot_dimension_numbers<[1], [1], [0], [0], [0, 0, 1, 0], [], []>, transpose_lhs_hint = false} : vector<256x128xbf16>, vector<128x128xbf16>, vector<256x128xf32> -> vector<256x128xf32>
    %max3A_47 = arith.maximumf %max3A_37, %dot_general3A_46 : vector<256x128xf32>
    %get3A_48 = arith.constant 4 : index
    %get3A_49 = arith.constant 0 : index
    %get3A_50 = arith.constant 0 : index
    %get3A_51 = vector.load %arg1[%get3A_48, %get3A_49, %get3A_50] : memref<16x256x128xf32, #tpu.memory_space<vmem>>, vector<1x256x128xf32>
    %get3A_52 = vector.shape_cast %get3A_51 : vector<1x256x128xf32> to vector<256x128xf32>
    %sub3A_53 = arith.subf %get3A_52, %get3A_1 : vector<256x128xf32>
    %convert_element_type3A_54 = arith.truncf %sub3A_53 : vector<256x128xf32> to vector<256x128xbf16>
    %dot_general3A_55 = arith.constant dense<0.000000e+00> : vector<256x128xf32>
    %dot_general3A_56 = tpu.matmul %convert_element_type3A_54, %convert_element_type3A, %dot_general3A_55 {dimension_numbers = #tpu.dot_dimension_numbers<[1], [1], [0], [0], [0, 0, 1, 0], [], []>, transpose_lhs_hint = false} : vector<256x128xbf16>, vector<128x128xbf16>, vector<256x128xf32> -> vector<256x128xf32>
    %max3A_57 = arith.maximumf %max3A_47, %dot_general3A_56 : vector<256x128xf32>
    %get3A_58 = arith.constant 5 : index
    %get3A_59 = arith.constant 0 : index
    %get3A_60 = arith.constant 0 : index
    %get3A_61 = vector.load %arg1[%get3A_58, %get3A_59, %get3A_60] : memref<16x256x128xf32, #tpu.memory_space<vmem>>, vector<1x256x128xf32>
    %get3A_62 = vector.shape_cast %get3A_61 : vector<1x256x128xf32> to vector<256x128xf32>
    %sub3A_63 = arith.subf %get3A_62, %get3A_1 : vector<256x128xf32>
    %convert_element_type3A_64 = arith.truncf %sub3A_63 : vector<256x128xf32> to vector<256x128xbf16>
    %dot_general3A_65 = arith.constant dense<0.000000e+00> : vector<256x128xf32>
    %dot_general3A_66 = tpu.matmul %convert_element_type3A_64, %convert_element_type3A, %dot_general3A_65 {dimension_numbers = #tpu.dot_dimension_numbers<[1], [1], [0], [0], [0, 0, 1, 0], [], []>, transpose_lhs_hint = false} : vector<256x128xbf16>, vector<128x128xbf16>, vector<256x128xf32> -> vector<256x128xf32>
    %max3A_67 = arith.maximumf %max3A_57, %dot_general3A_66 : vector<256x128xf32>
    %get3A_68 = arith.constant 6 : index
    %get3A_69 = arith.constant 0 : index
    %get3A_70 = arith.constant 0 : index
    %get3A_71 = vector.load %arg1[%get3A_68, %get3A_69, %get3A_70] : memref<16x256x128xf32, #tpu.memory_space<vmem>>, vector<1x256x128xf32>
    %get3A_72 = vector.shape_cast %get3A_71 : vector<1x256x128xf32> to vector<256x128xf32>
    %sub3A_73 = arith.subf %get3A_72, %get3A_1 : vector<256x128xf32>
    %convert_element_type3A_74 = arith.truncf %sub3A_73 : vector<256x128xf32> to vector<256x128xbf16>
    %dot_general3A_75 = arith.constant dense<0.000000e+00> : vector<256x128xf32>
    %dot_general3A_76 = tpu.matmul %convert_element_type3A_74, %convert_element_type3A, %dot_general3A_75 {dimension_numbers = #tpu.dot_dimension_numbers<[1], [1], [0], [0], [0, 0, 1, 0], [], []>, transpose_lhs_hint = false} : vector<256x128xbf16>, vector<128x128xbf16>, vector<256x128xf32> -> vector<256x128xf32>
    %max3A_77 = arith.maximumf %max3A_67, %dot_general3A_76 : vector<256x128xf32>
    %get3A_78 = arith.constant 7 : index
    %get3A_79 = arith.constant 0 : index
    %get3A_80 = arith.constant 0 : index
    %get3A_81 = vector.load %arg1[%get3A_78, %get3A_79, %get3A_80] : memref<16x256x128xf32, #tpu.memory_space<vmem>>, vector<1x256x128xf32>
    %get3A_82 = vector.shape_cast %get3A_81 : vector<1x256x128xf32> to vector<256x128xf32>
    %sub3A_83 = arith.subf %get3A_82, %get3A_1 : vector<256x128xf32>
    %convert_element_type3A_84 = arith.truncf %sub3A_83 : vector<256x128xf32> to vector<256x128xbf16>
    %dot_general3A_85 = arith.constant dense<0.000000e+00> : vector<256x128xf32>
    %dot_general3A_86 = tpu.matmul %convert_element_type3A_84, %convert_element_type3A, %dot_general3A_85 {dimension_numbers = #tpu.dot_dimension_numbers<[1], [1], [0], [0], [0, 0, 1, 0], [], []>, transpose_lhs_hint = false} : vector<256x128xbf16>, vector<128x128xbf16>, vector<256x128xf32> -> vector<256x128xf32>
    %max3A_87 = arith.maximumf %max3A_77, %dot_general3A_86 : vector<256x128xf32>
    %get3A_88 = arith.constant 8 : index
    %get3A_89 = arith.constant 0 : index
    %get3A_90 = arith.constant 0 : index
    %get3A_91 = vector.load %arg1[%get3A_88, %get3A_89, %get3A_90] : memref<16x256x128xf32, #tpu.memory_space<vmem>>, vector<1x256x128xf32>
    %get3A_92 = vector.shape_cast %get3A_91 : vector<1x256x128xf32> to vector<256x128xf32>
    %sub3A_93 = arith.subf %get3A_92, %get3A_1 : vector<256x128xf32>
    %convert_element_type3A_94 = arith.truncf %sub3A_93 : vector<256x128xf32> to vector<256x128xbf16>
    %dot_general3A_95 = arith.constant dense<0.000000e+00> : vector<256x128xf32>
    %dot_general3A_96 = tpu.matmul %convert_element_type3A_94, %convert_element_type3A, %dot_general3A_95 {dimension_numbers = #tpu.dot_dimension_numbers<[1], [1], [0], [0], [0, 0, 1, 0], [], []>, transpose_lhs_hint = false} : vector<256x128xbf16>, vector<128x128xbf16>, vector<256x128xf32> -> vector<256x128xf32>
    %max3A_97 = arith.maximumf %max3A_87, %dot_general3A_96 : vector<256x128xf32>
    %get3A_98 = arith.constant 9 : index
    %get3A_99 = arith.constant 0 : index
    %get3A_100 = arith.constant 0 : index
    %get3A_101 = vector.load %arg1[%get3A_98, %get3A_99, %get3A_100] : memref<16x256x128xf32, #tpu.memory_space<vmem>>, vector<1x256x128xf32>
    %get3A_102 = vector.shape_cast %get3A_101 : vector<1x256x128xf32> to vector<256x128xf32>
    %sub3A_103 = arith.subf %get3A_102, %get3A_1 : vector<256x128xf32>
    %convert_element_type3A_104 = arith.truncf %sub3A_103 : vector<256x128xf32> to vector<256x128xbf16>
    %dot_general3A_105 = arith.constant dense<0.000000e+00> : vector<256x128xf32>
    %dot_general3A_106 = tpu.matmul %convert_element_type3A_104, %convert_element_type3A, %dot_general3A_105 {dimension_numbers = #tpu.dot_dimension_numbers<[1], [1], [0], [0], [0, 0, 1, 0], [], []>, transpose_lhs_hint = false} : vector<256x128xbf16>, vector<128x128xbf16>, vector<256x128xf32> -> vector<256x128xf32>
    %max3A_107 = arith.maximumf %max3A_97, %dot_general3A_106 : vector<256x128xf32>
    %get3A_108 = arith.constant 10 : index
    %get3A_109 = arith.constant 0 : index
    %get3A_110 = arith.constant 0 : index
    %get3A_111 = vector.load %arg1[%get3A_108, %get3A_109, %get3A_110] : memref<16x256x128xf32, #tpu.memory_space<vmem>>, vector<1x256x128xf32>
    %get3A_112 = vector.shape_cast %get3A_111 : vector<1x256x128xf32> to vector<256x128xf32>
    %sub3A_113 = arith.subf %get3A_112, %get3A_1 : vector<256x128xf32>
    %convert_element_type3A_114 = arith.truncf %sub3A_113 : vector<256x128xf32> to vector<256x128xbf16>
    %dot_general3A_115 = arith.constant dense<0.000000e+00> : vector<256x128xf32>
    %dot_general3A_116 = tpu.matmul %convert_element_type3A_114, %convert_element_type3A, %dot_general3A_115 {dimension_numbers = #tpu.dot_dimension_numbers<[1], [1], [0], [0], [0, 0, 1, 0], [], []>, transpose_lhs_hint = false} : vector<256x128xbf16>, vector<128x128xbf16>, vector<256x128xf32> -> vector<256x128xf32>
    %max3A_117 = arith.maximumf %max3A_107, %dot_general3A_116 : vector<256x128xf32>
    %get3A_118 = arith.constant 11 : index
    %get3A_119 = arith.constant 0 : index
    %get3A_120 = arith.constant 0 : index
    %get3A_121 = vector.load %arg1[%get3A_118, %get3A_119, %get3A_120] : memref<16x256x128xf32, #tpu.memory_space<vmem>>, vector<1x256x128xf32>
    %get3A_122 = vector.shape_cast %get3A_121 : vector<1x256x128xf32> to vector<256x128xf32>
    %sub3A_123 = arith.subf %get3A_122, %get3A_1 : vector<256x128xf32>
    %convert_element_type3A_124 = arith.truncf %sub3A_123 : vector<256x128xf32> to vector<256x128xbf16>
    %dot_general3A_125 = arith.constant dense<0.000000e+00> : vector<256x128xf32>
    %dot_general3A_126 = tpu.matmul %convert_element_type3A_124, %convert_element_type3A, %dot_general3A_125 {dimension_numbers = #tpu.dot_dimension_numbers<[1], [1], [0], [0], [0, 0, 1, 0], [], []>, transpose_lhs_hint = false} : vector<256x128xbf16>, vector<128x128xbf16>, vector<256x128xf32> -> vector<256x128xf32>
    %max3A_127 = arith.maximumf %max3A_117, %dot_general3A_126 : vector<256x128xf32>
    %get3A_128 = arith.constant 12 : index
    %get3A_129 = arith.constant 0 : index
    %get3A_130 = arith.constant 0 : index
    %get3A_131 = vector.load %arg1[%get3A_128, %get3A_129, %get3A_130] : memref<16x256x128xf32, #tpu.memory_space<vmem>>, vector<1x256x128xf32>
    %get3A_132 = vector.shape_cast %get3A_131 : vector<1x256x128xf32> to vector<256x128xf32>
    %sub3A_133 = arith.subf %get3A_132, %get3A_1 : vector<256x128xf32>
    %convert_element_type3A_134 = arith.truncf %sub3A_133 : vector<256x128xf32> to vector<256x128xbf16>
    %dot_general3A_135 = arith.constant dense<0.000000e+00> : vector<256x128xf32>
    %dot_general3A_136 = tpu.matmul %convert_element_type3A_134, %convert_element_type3A, %dot_general3A_135 {dimension_numbers = #tpu.dot_dimension_numbers<[1], [1], [0], [0], [0, 0, 1, 0], [], []>, transpose_lhs_hint = false} : vector<256x128xbf16>, vector<128x128xbf16>, vector<256x128xf32> -> vector<256x128xf32>
    %max3A_137 = arith.maximumf %max3A_127, %dot_general3A_136 : vector<256x128xf32>
    %get3A_138 = arith.constant 13 : index
    %get3A_139 = arith.constant 0 : index
    %get3A_140 = arith.constant 0 : index
    %get3A_141 = vector.load %arg1[%get3A_138, %get3A_139, %get3A_140] : memref<16x256x128xf32, #tpu.memory_space<vmem>>, vector<1x256x128xf32>
    %get3A_142 = vector.shape_cast %get3A_141 : vector<1x256x128xf32> to vector<256x128xf32>
    %sub3A_143 = arith.subf %get3A_142, %get3A_1 : vector<256x128xf32>
    %convert_element_type3A_144 = arith.truncf %sub3A_143 : vector<256x128xf32> to vector<256x128xbf16>
    %dot_general3A_145 = arith.constant dense<0.000000e+00> : vector<256x128xf32>
    %dot_general3A_146 = tpu.matmul %convert_element_type3A_144, %convert_element_type3A, %dot_general3A_145 {dimension_numbers = #tpu.dot_dimension_numbers<[1], [1], [0], [0], [0, 0, 1, 0], [], []>, transpose_lhs_hint = false} : vector<256x128xbf16>, vector<128x128xbf16>, vector<256x128xf32> -> vector<256x128xf32>
    %max3A_147 = arith.maximumf %max3A_137, %dot_general3A_146 : vector<256x128xf32>
    %get3A_148 = arith.constant 14 : index
    %get3A_149 = arith.constant 0 : index
    %get3A_150 = arith.constant 0 : index
    %get3A_151 = vector.load %arg1[%get3A_148, %get3A_149, %get3A_150] : memref<16x256x128xf32, #tpu.memory_space<vmem>>, vector<1x256x128xf32>
    %get3A_152 = vector.shape_cast %get3A_151 : vector<1x256x128xf32> to vector<256x128xf32>
    %sub3A_153 = arith.subf %get3A_152, %get3A_1 : vector<256x128xf32>
    %convert_element_type3A_154 = arith.truncf %sub3A_153 : vector<256x128xf32> to vector<256x128xbf16>
    %dot_general3A_155 = arith.constant dense<0.000000e+00> : vector<256x128xf32>
    %dot_general3A_156 = tpu.matmul %convert_element_type3A_154, %convert_element_type3A, %dot_general3A_155 {dimension_numbers = #tpu.dot_dimension_numbers<[1], [1], [0], [0], [0, 0, 1, 0], [], []>, transpose_lhs_hint = false} : vector<256x128xbf16>, vector<128x128xbf16>, vector<256x128xf32> -> vector<256x128xf32>
    %max3A_157 = arith.maximumf %max3A_147, %dot_general3A_156 : vector<256x128xf32>
    %get3A_158 = arith.constant 15 : index
    %get3A_159 = arith.constant 0 : index
    %get3A_160 = arith.constant 0 : index
    %get3A_161 = vector.load %arg1[%get3A_158, %get3A_159, %get3A_160] : memref<16x256x128xf32, #tpu.memory_space<vmem>>, vector<1x256x128xf32>
    %get3A_162 = vector.shape_cast %get3A_161 : vector<1x256x128xf32> to vector<256x128xf32>
    %sub3A_163 = arith.subf %get3A_162, %get3A_1 : vector<256x128xf32>
    %convert_element_type3A_164 = arith.truncf %sub3A_163 : vector<256x128xf32> to vector<256x128xbf16>
    %dot_general3A_165 = arith.constant dense<0.000000e+00> : vector<256x128xf32>
    %dot_general3A_166 = tpu.matmul %convert_element_type3A_164, %convert_element_type3A, %dot_general3A_165 {dimension_numbers = #tpu.dot_dimension_numbers<[1], [1], [0], [0], [0, 0, 1, 0], [], []>, transpose_lhs_hint = false} : vector<256x128xbf16>, vector<128x128xbf16>, vector<256x128xf32> -> vector<256x128xf32>
    %max3A_167 = arith.maximumf %max3A_157, %dot_general3A_166 : vector<256x128xf32>
    %add3A = arith.addf %max3A_167, %dot_general3A_10 : vector<256x128xf32>
    %ge3A = arith.constant 0.000000e+00 : f32
    %ge3A_168 = vector.broadcast %ge3A : f32 to vector<256x128xf32>
    %ge3A_169 = arith.cmpf oge, %add3A, %ge3A_168 : vector<256x128xf32>
    %mul3A = arith.constant 2.000000e-01 : f32
    %mul3A_170 = vector.broadcast %mul3A : f32 to vector<256x128xf32>
    %mul3A_171 = arith.mulf %mul3A_170, %add3A : vector<256x128xf32>
    %select_n3A = arith.select %ge3A_169, %add3A, %mul3A_171 : vector<256x128xi1>, vector<256x128xf32>
    %swap3A = arith.constant 0 : index
    %swap3A_172 = arith.constant 0 : index
    %swap3A_173 = vector.load %arg5[%swap3A, %swap3A_172] : memref<256x128xf32, #tpu.memory_space<vmem>>, vector<256x128xf32>
    tpu.vector_store %arg5[%swap3A, %swap3A_172], %select_n3A {strides = array<i32>} : memref<256x128xf32, #tpu.memory_space<vmem>>, vector<256x128xf32>,
    return
  }
  func.func @transform_0(%arg0: i32) -> (i32, i32, i32) {
    %c0_i32 = arith.constant 0 : i32
    %c0_i32_0 = arith.constant 0 : i32
    %c0_i32_1 = arith.constant 0 : i32
    return %c0_i32, %arg0, %c0_i32_0 : i32, i32, i32
  }
  func.func @transform_1(%arg0: i32) -> (i32, i32) {
    %add3A = arith.constant 0 : i32
    %add3A_0 = arith.addi %arg0, %add3A : i32
    %c0_i32 = arith.constant 0 : i32
    %c0_i32_1 = arith.constant 0 : i32
    return %add3A_0, %c0_i32 : i32, i32
  }
  func.func @transform_2(%arg0: i32) -> (i32, i32) {
    %c0_i32 = arith.constant 0 : i32
    %c0_i32_0 = arith.constant 0 : i32
    %c0_i32_1 = arith.constant 0 : i32
    return %c0_i32, %c0_i32_0 : i32, i32
  }
  func.func @transform_3(%arg0: i32) -> (i32, i32) {
    %c0_i32 = arith.constant 0 : i32
    %c0_i32_0 = arith.constant 0 : i32
    %c0_i32_1 = arith.constant 0 : i32
    return %c0_i32, %c0_i32_0 : i32, i32
  }
  func.func @transform_4(%arg0: i32) -> (i32, i32) {
    %c0_i32 = arith.constant 0 : i32
    %c0_i32_0 = arith.constant 0 : i32
    return %arg0, %c0_i32 : i32, i32
  }
}

module attributes {stable_mosaic.version = 14 : i64} {
  func.func @_edgeconv_body(%arg0: i32, %arg1: memref<16x256x128xf32, #tpu.memory_space<vmem>>, %arg2: memref<256x128xf32, #tpu.memory_space<vmem>>, %arg3: memref<128x128xf32, #tpu.memory_space<vmem>>, %arg4: memref<128x128xf32, #tpu.memory_space<vmem>>, %arg5: memref<256x128xf32, #tpu.memory_space<vmem>>) attributes {dimension_semantics = [#tpu.dimension_semantics<arbitrary>], iteration_bounds = array<i64: 64>, scalar_prefetch = 0 : i64, scratch_operands = 0 : i64, tpu.core_type = #tpu.core_type<tc>, window_params = [{transform_indices = @transform_0, window_bounds = array<i64: 16, 256, 128>}, {transform_indices = @transform_1, window_bounds = array<i64: 256, 128>}, {pipeline_mode = #tpu.pipeline_mode<synchronous>, transform_indices = @transform_2, window_bounds = array<i64: 128, 128>}, {pipeline_mode = #tpu.pipeline_mode<synchronous>, transform_indices = @transform_3, window_bounds = array<i64: 128, 128>}, {transform_indices = @transform_4, window_bounds = array<i64: 256, 128>}]} {
    %get3A = arith.constant 0 : index
    %get3A_0 = arith.constant 0 : index
    %get3A_1 = vector.load %arg2[%get3A, %get3A_0] : memref<256x128xf32, #tpu.memory_space<vmem>>, vector<256x128xf32>
    %get3A_2 = arith.constant 0 : index
    %get3A_3 = arith.constant 0 : index
    %get3A_4 = vector.load %arg3[%get3A_2, %get3A_3] : memref<128x128xf32, #tpu.memory_space<vmem>>, vector<128x128xf32>
    %convert_element_type3A = arith.truncf %get3A_4 : vector<128x128xf32> to vector<128x128xbf16>
    %get3A_5 = arith.constant 0 : index
    %get3A_6 = arith.constant 0 : index
    %get3A_7 = vector.load %arg4[%get3A_5, %get3A_6] : memref<128x128xf32, #tpu.memory_space<vmem>>, vector<128x128xf32>
    %convert_element_type3A_8 = arith.truncf %get3A_7 : vector<128x128xf32> to vector<128x128xbf16>
    %convert_element_type3A_9 = arith.truncf %get3A_1 : vector<256x128xf32> to vector<256x128xbf16>
    %dot_general3A = arith.constant dense<0.000000e+00> : vector<256x128xf32>
    %dot_general3A_10 = tpu.matmul %convert_element_type3A_9, %convert_element_type3A_8, %dot_general3A {dimension_numbers = #tpu.dot_dimension_numbers<[1], [1], [0], [0], [0, 0, 1, 0], [], []>, transpose_lhs_hint = false} : vector<256x128xbf16>, vector<128x128xbf16>, vector<256x128xf32> -> vector<256x128xf32>
    %get3A_11 = arith.constant 0 : index
    %get3A_12 = arith.constant 0 : index
    %get3A_13 = arith.constant 0 : index
    %get3A_14 = vector.load %arg1[%get3A_11, %get3A_12, %get3A_13] : memref<16x256x128xf32, #tpu.memory_space<vmem>>, vector<1x256x128xf32>
    %get3A_15 = vector.shape_cast %get3A_14 : vector<1x256x128xf32> to vector<256x128xf32>
    %sub3A = arith.subf %get3A_15, %get3A_1 : vector<256x128xf32>
    %convert_element_type3A_16 = arith.truncf %sub3A : vector<256x128xf32> to vector<256x128xbf16>
    %dot_general3A_17 = arith.constant dense<0.000000e+00> : vector<256x128xf32>
    %dot_general3A_18 = tpu.matmul %convert_element_type3A_16, %convert_element_type3A, %dot_general3A_17 {dimension_numbers = #tpu.dot_dimension_numbers<[1], [1], [0], [0], [0, 0, 1, 0], [], []>, transpose_lhs_hint = false} : vector<256x128xbf16>, vector<128x128xbf16>, vector<256x128xf32> -> vector<256x128xf32>
    %get3A_19 = arith.constant 1 : index
    %get3A_20 = arith.constant 0 : index
    %get3A_21 = arith.constant 0 : index
    %get3A_22 = vector.load %arg1[%get3A_19, %get3A_20, %get3A_21] : memref<16x256x128xf32, #tpu.memory_space<vmem>>, vector<1x256x128xf32>
    %get3A_23 = vector.shape_cast %get3A_22 : vector<1x256x128xf32> to vector<256x128xf32>
    %sub3A_24 = arith.subf %get3A_23, %get3A_1 : vector<256x128xf32>
    %convert_element_type3A_25 = arith.truncf %sub3A_24 : vector<256x128xf32> to vector<256x128xbf16>
    %dot_general3A_26 = arith.constant dense<0.000000e+00> : vector<256x128xf32>
    %dot_general3A_27 = tpu.matmul %convert_element_type3A_25, %convert_element_type3A, %dot_general3A_26 {dimension_numbers = #tpu.dot_dimension_numbers<[1], [1], [0], [0], [0, 0, 1, 0], [], []>, transpose_lhs_hint = false} : vector<256x128xbf16>, vector<128x128xbf16>, vector<256x128xf32> -> vector<256x128xf32>
    %max3A = arith.maximumf %dot_general3A_18, %dot_general3A_27 : vector<256x128xf32>
    %get3A_28 = arith.constant 2 : index
    %get3A_29 = arith.constant 0 : index
    %get3A_30 = arith.constant 0 : index
    %get3A_31 = vector.load %arg1[%get3A_28, %get3A_29, %get3A_30] : memref<16x256x128xf32, #tpu.memory_space<vmem>>, vector<1x256x128xf32>
    %get3A_32 = vector.shape_cast %get3A_31 : vector<1x256x128xf32> to vector<256x128xf32>
    %sub3A_33 = arith.subf %get3A_32, %get3A_1 : vector<256x128xf32>
    %convert_element_type3A_34 = arith.truncf %sub3A_33 : vector<256x128xf32> to vector<256x128xbf16>
    %dot_general3A_35 = arith.constant dense<0.000000e+00> : vector<256x128xf32>
    %dot_general3A_36 = tpu.matmul %convert_element_type3A_34, %convert_element_type3A, %dot_general3A_35 {dimension_numbers = #tpu.dot_dimension_numbers<[1], [1], [0], [0], [0, 0, 1, 0], [], []>, transpose_lhs_hint = false} : vector<256x128xbf16>, vector<128x128xbf16>, vector<256x128xf32> -> vector<256x128xf32>
    %max3A_37 = arith.maximumf %max3A, %dot_general3A_36 : vector<256x128xf32>
    %get3A_38 = arith.constant 3 : index
    %get3A_39 = arith.constant 0 : index
    %get3A_40 = arith.constant 0 : index
    %get3A_41 = vector.load %arg1[%get3A_38, %get3A_39, %get3A_40] : memref<16x256x128xf32, #tpu.memory_space<vmem>>, vector<1x256x128xf32>
    %get3A_42 = vector.shape_cast %get3A_41 : vector<1x256x128xf32> to vector<256x128xf32>
    %sub3A_43 = arith.subf %get3A_42, %get3A_1 : vector<256x128xf32>
    %convert_element_type3A_44 = arith.truncf %sub3A_43 : vector<256x128xf32> to vector<256x128xbf16>
    %dot_general3A_45 = arith.constant dense<0.000000e+00> : vector<256x128xf32>
    %dot_general3A_46 = tpu.matmul %convert_element_type3A_44, %convert_element_type3A, %dot_general3A_45 {dimension_numbers = #tpu.dot_dimension_numbers<[1], [1], [0], [0], [0, 0, 1, 0], [], []>, transpose_lhs_hint = false} : vector<256x128xbf16>, vector<128x128xbf16>, vector<256x128xf32> -> vector<256x128xf32>
    %max3A_47 = arith.maximumf %max3A_37, %dot_general3A_46 : vector<256x128xf32>
    %get3A_48 = arith.constant 4 : index
    %get3A_49 = arith.constant 0 : index
    %get3A_50 = arith.constant 0 : index
    %get3A_51 = vector.load %arg1[%get3A_48, %get3A_49, %get3A_50] : memref<16x256x128xf32, #tpu.memory_space<vmem>>, vector<1x256x128xf32>
    %get3A_52 = vector.shape_cast %get3A_51 : vector<1x256x128xf32> to vector<256x128xf32>
    %sub3A_53 = arith.subf %get3A_52, %get3A_1 : vector<256x128xf32>
    %convert_element_type3A_54 = arith.truncf %sub3A_53 : vector<256x128xf32> to vector<256x128xbf16>
    %dot_general3A_55 = arith.constant dense<0.000000e+00> : vector<256x128xf32>
    %dot_general3A_56 = tpu.matmul %convert_element_type3A_54, %convert_element_type3A, %dot_general3A_55 {dimension_numbers = #tpu.dot_dimension_numbers<[1], [1], [0], [0], [0, 0, 1, 0], [], []>, transpose_lhs_hint = false} : vector<256x128xbf16>, vector<128x128xbf16>, vector<256x128xf32> -> vector<256x128xf32>
    %max3A_57 = arith.maximumf %max3A_47, %dot_general3A_56 : vector<256x128xf32>
    %get3A_58 = arith.constant 5 : index
    %get3A_59 = arith.constant 0 : index
    %get3A_60 = arith.constant 0 : index
    %get3A_61 = vector.load %arg1[%get3A_58, %get3A_59, %get3A_60] : memref<16x256x128xf32, #tpu.memory_space<vmem>>, vector<1x256x128xf32>
    %get3A_62 = vector.shape_cast %get3A_61 : vector<1x256x128xf32> to vector<256x128xf32>
    %sub3A_63 = arith.subf %get3A_62, %get3A_1 : vector<256x128xf32>
    %convert_element_type3A_64 = arith.truncf %sub3A_63 : vector<256x128xf32> to vector<256x128xbf16>
    %dot_general3A_65 = arith.constant dense<0.000000e+00> : vector<256x128xf32>
    %dot_general3A_66 = tpu.matmul %convert_element_type3A_64, %convert_element_type3A, %dot_general3A_65 {dimension_numbers = #tpu.dot_dimension_numbers<[1], [1], [0], [0], [0, 0, 1, 0], [], []>, transpose_lhs_hint = false} : vector<256x128xbf16>, vector<128x128xbf16>, vector<256x128xf32> -> vector<256x128xf32>
    %max3A_67 = arith.maximumf %max3A_57, %dot_general3A_66 : vector<256x128xf32>
    %get3A_68 = arith.constant 6 : index
    %get3A_69 = arith.constant 0 : index
    %get3A_70 = arith.constant 0 : index
    %get3A_71 = vector.load %arg1[%get3A_68, %get3A_69, %get3A_70] : memref<16x256x128xf32, #tpu.memory_space<vmem>>, vector<1x256x128xf32>
    %get3A_72 = vector.shape_cast %get3A_71 : vector<1x256x128xf32> to vector<256x128xf32>
    %sub3A_73 = arith.subf %get3A_72, %get3A_1 : vector<256x128xf32>
    %convert_element_type3A_74 = arith.truncf %sub3A_73 : vector<256x128xf32> to vector<256x128xbf16>
    %dot_general3A_75 = arith.constant dense<0.000000e+00> : vector<256x128xf32>
    %dot_general3A_76 = tpu.matmul %convert_element_type3A_74, %convert_element_type3A, %dot_general3A_75 {dimension_numbers = #tpu.dot_dimension_numbers<[1], [1], [0], [0], [0, 0, 1, 0], [], []>, transpose_lhs_hint = false} : vector<256x128xbf16>, vector<128x128xbf16>, vector<256x128xf32> -> vector<256x128xf32>
    %max3A_77 = arith.maximumf %max3A_67, %dot_general3A_76 : vector<256x128xf32>
    %get3A_78 = arith.constant 7 : index
    %get3A_79 = arith.constant 0 : index
    %get3A_80 = arith.constant 0 : index
    %get3A_81 = vector.load %arg1[%get3A_78, %get3A_79, %get3A_80] : memref<16x256x128xf32, #tpu.memory_space<vmem>>, vector<1x256x128xf32>
    %get3A_82 = vector.shape_cast %get3A_81 : vector<1x256x128xf32> to vector<256x128xf32>
    %sub3A_83 = arith.subf %get3A_82, %get3A_1 : vector<256x128xf32>
    %convert_element_type3A_84 = arith.truncf %sub3A_83 : vector<256x128xf32> to vector<256x128xbf16>
    %dot_general3A_85 = arith.constant dense<0.000000e+00> : vector<256x128xf32>
    %dot_general3A_86 = tpu.matmul %convert_element_type3A_84, %convert_element_type3A, %dot_general3A_85 {dimension_numbers = #tpu.dot_dimension_numbers<[1], [1], [0], [0], [0, 0, 1, 0], [], []>, transpose_lhs_hint = false} : vector<256x128xbf16>, vector<128x128xbf16>, vector<256x128xf32> -> vector<256x128xf32>
    %max3A_87 = arith.maximumf %max3A_77, %dot_general3A_86 : vector<256x128xf32>
    %get3A_88 = arith.constant 8 : index
    %get3A_89 = arith.constant 0 : index
    %get3A_90 = arith.constant 0 : index
    %get3A_91 = vector.load %arg1[%get3A_88, %get3A_89, %get3A_90] : memref<16x256x128xf32, #tpu.memory_space<vmem>>, vector<1x256x128xf32>
    %get3A_92 = vector.shape_cast %get3A_91 : vector<1x256x128xf32> to vector<256x128xf32>
    %sub3A_93 = arith.subf %get3A_92, %get3A_1 : vector<256x128xf32>
    %convert_element_type3A_94 = arith.truncf %sub3A_93 : vector<256x128xf32> to vector<256x128xbf16>
    %dot_general3A_95 = arith.constant dense<0.000000e+00> : vector<256x128xf32>
    %dot_general3A_96 = tpu.matmul %convert_element_type3A_94, %convert_element_type3A, %dot_general3A_95 {dimension_numbers = #tpu.dot_dimension_numbers<[1], [1], [0], [0], [0, 0, 1, 0], [], []>, transpose_lhs_hint = false} : vector<256x128xbf16>, vector<128x128xbf16>, vector<256x128xf32> -> vector<256x128xf32>
    %max3A_97 = arith.maximumf %max3A_87, %dot_general3A_96 : vector<256x128xf32>
    %get3A_98 = arith.constant 9 : index
    %get3A_99 = arith.constant 0 : index
    %get3A_100 = arith.constant 0 : index
    %get3A_101 = vector.load %arg1[%get3A_98, %get3A_99, %get3A_100] : memref<16x256x128xf32, #tpu.memory_space<vmem>>, vector<1x256x128xf32>
    %get3A_102 = vector.shape_cast %get3A_101 : vector<1x256x128xf32> to vector<256x128xf32>
    %sub3A_103 = arith.subf %get3A_102, %get3A_1 : vector<256x128xf32>
    %convert_element_type3A_104 = arith.truncf %sub3A_103 : vector<256x128xf32> to vector<256x128xbf16>
    %dot_general3A_105 = arith.constant dense<0.000000e+00> : vector<256x128xf32>
    %dot_general3A_106 = tpu.matmul %convert_element_type3A_104, %convert_element_type3A, %dot_general3A_105 {dimension_numbers = #tpu.dot_dimension_numbers<[1], [1], [0], [0], [0, 0, 1, 0], [], []>, transpose_lhs_hint = false} : vector<256x128xbf16>, vector<128x128xbf16>, vector<256x128xf32> -> vector<256x128xf32>
    %max3A_107 = arith.maximumf %max3A_97, %dot_general3A_106 : vector<256x128xf32>
    %get3A_108 = arith.constant 10 : index
    %get3A_109 = arith.constant 0 : index
    %get3A_110 = arith.constant 0 : index
    %get3A_111 = vector.load %arg1[%get3A_108, %get3A_109, %get3A_110] : memref<16x256x128xf32, #tpu.memory_space<vmem>>, vector<1x256x128xf32>
    %get3A_112 = vector.shape_cast %get3A_111 : vector<1x256x128xf32> to vector<256x128xf32>
    %sub3A_113 = arith.subf %get3A_112, %get3A_1 : vector<256x128xf32>
    %convert_element_type3A_114 = arith.truncf %sub3A_113 : vector<256x128xf32> to vector<256x128xbf16>
    %dot_general3A_115 = arith.constant dense<0.000000e+00> : vector<256x128xf32>
    %dot_general3A_116 = tpu.matmul %convert_element_type3A_114, %convert_element_type3A, %dot_general3A_115 {dimension_numbers = #tpu.dot_dimension_numbers<[1], [1], [0], [0], [0, 0, 1, 0], [], []>, transpose_lhs_hint = false} : vector<256x128xbf16>, vector<128x128xbf16>, vector<256x128xf32> -> vector<256x128xf32>
    %max3A_117 = arith.maximumf %max3A_107, %dot_general3A_116 : vector<256x128xf32>
    %get3A_118 = arith.constant 11 : index
    %get3A_119 = arith.constant 0 : index
    %get3A_120 = arith.constant 0 : index
    %get3A_121 = vector.load %arg1[%get3A_118, %get3A_119, %get3A_120] : memref<16x256x128xf32, #tpu.memory_space<vmem>>, vector<1x256x128xf32>
    %get3A_122 = vector.shape_cast %get3A_121 : vector<1x256x128xf32> to vector<256x128xf32>
    %sub3A_123 = arith.subf %get3A_122, %get3A_1 : vector<256x128xf32>
    %convert_element_type3A_124 = arith.truncf %sub3A_123 : vector<256x128xf32> to vector<256x128xbf16>
    %dot_general3A_125 = arith.constant dense<0.000000e+00> : vector<256x128xf32>
    %dot_general3A_126 = tpu.matmul %convert_element_type3A_124, %convert_element_type3A, %dot_general3A_125 {dimension_numbers = #tpu.dot_dimension_numbers<[1], [1], [0], [0], [0, 0, 1, 0], [], []>, transpose_lhs_hint = false} : vector<256x128xbf16>, vector<128x128xbf16>, vector<256x128xf32> -> vector<256x128xf32>
    %max3A_127 = arith.maximumf %max3A_117, %dot_general3A_126 : vector<256x128xf32>
    %get3A_128 = arith.constant 12 : index
    %get3A_129 = arith.constant 0 : index
    %get3A_130 = arith.constant 0 : index
    %get3A_131 = vector.load %arg1[%get3A_128, %get3A_129, %get3A_130] : memref<16x256x128xf32, #tpu.memory_space<vmem>>, vector<1x256x128xf32>
    %get3A_132 = vector.shape_cast %get3A_131 : vector<1x256x128xf32> to vector<256x128xf32>
    %sub3A_133 = arith.subf %get3A_132, %get3A_1 : vector<256x128xf32>
    %convert_element_type3A_134 = arith.truncf %sub3A_133 : vector<256x128xf32> to vector<256x128xbf16>
    %dot_general3A_135 = arith.constant dense<0.000000e+00> : vector<256x128xf32>
    %dot_general3A_136 = tpu.matmul %convert_element_type3A_134, %convert_element_type3A, %dot_general3A_135 {dimension_numbers = #tpu.dot_dimension_numbers<[1], [1], [0], [0], [0, 0, 1, 0], [], []>, transpose_lhs_hint = false} : vector<256x128xbf16>, vector<128x128xbf16>, vector<256x128xf32> -> vector<256x128xf32>
    %max3A_137 = arith.maximumf %max3A_127, %dot_general3A_136 : vector<256x128xf32>
    %get3A_138 = arith.constant 13 : index
    %get3A_139 = arith.constant 0 : index
    %get3A_140 = arith.constant 0 : index
    %get3A_141 = vector.load %arg1[%get3A_138, %get3A_139, %get3A_140] : memref<16x256x128xf32, #tpu.memory_space<vmem>>, vector<1x256x128xf32>
    %get3A_142 = vector.shape_cast %get3A_141 : vector<1x256x128xf32> to vector<256x128xf32>
    %sub3A_143 = arith.subf %get3A_142, %get3A_1 : vector<256x128xf32>
    %convert_element_type3A_144 = arith.truncf %sub3A_143 : vector<256x128xf32> to vector<256x128xbf16>
    %dot_general3A_145 = arith.constant dense<0.000000e+00> : vector<256x128xf32>
    %dot_general3A_146 = tpu.matmul %convert_element_type3A_144, %convert_element_type3A, %dot_general3A_145 {dimension_numbers = #tpu.dot_dimension_numbers<[1], [1], [0], [0], [0, 0, 1, 0], [], []>, transpose_lhs_hint = false} : vector<256x128xbf16>, vector<128x128xbf16>, vector<256x128xf32> -> vector<256x128xf32>
    %max3A_147 = arith.maximumf %max3A_137, %dot_general3A_146 : vector<256x128xf32>
    %get3A_148 = arith.constant 14 : index
    %get3A_149 = arith.constant 0 : index
    %get3A_150 = arith.constant 0 : index
    %get3A_151 = vector.load %arg1[%get3A_148, %get3A_149, %get3A_150] : memref<16x256x128xf32, #tpu.memory_space<vmem>>, vector<1x256x128xf32>
    %get3A_152 = vector.shape_cast %get3A_151 : vector<1x256x128xf32> to vector<256x128xf32>
    %sub3A_153 = arith.subf %get3A_152, %get3A_1 : vector<256x128xf32>
    %convert_element_type3A_154 = arith.truncf %sub3A_153 : vector<256x128xf32> to vector<256x128xbf16>
    %dot_general3A_155 = arith.constant dense<0.000000e+00> : vector<256x128xf32>
    %dot_general3A_156 = tpu.matmul %convert_element_type3A_154, %convert_element_type3A, %dot_general3A_155 {dimension_numbers = #tpu.dot_dimension_numbers<[1], [1], [0], [0], [0, 0, 1, 0], [], []>, transpose_lhs_hint = false} : vector<256x128xbf16>, vector<128x128xbf16>, vector<256x128xf32> -> vector<256x128xf32>
    %max3A_157 = arith.maximumf %max3A_147, %dot_general3A_156 : vector<256x128xf32>
    %get3A_158 = arith.constant 15 : index
    %get3A_159 = arith.constant 0 : index
    %get3A_160 = arith.constant 0 : index
    %get3A_161 = vector.load %arg1[%get3A_158, %get3A_159, %get3A_160] : memref<16x256x128xf32, #tpu.memory_space<vmem>>, vector<1x256x128xf32>
    %get3A_162 = vector.shape_cast %get3A_161 : vector<1x256x128xf32> to vector<256x128xf32>
    %sub3A_163 = arith.subf %get3A_162, %get3A_1 : vector<256x128xf32>
    %convert_element_type3A_164 = arith.truncf %sub3A_163 : vector<256x128xf32> to vector<256x128xbf16>
    %dot_general3A_165 = arith.constant dense<0.000000e+00> : vector<256x128xf32>
    %dot_general3A_166 = tpu.matmul %convert_element_type3A_164, %convert_element_type3A, %dot_general3A_165 {dimension_numbers = #tpu.dot_dimension_numbers<[1], [1], [0], [0], [0, 0, 1, 0], [], []>, transpose_lhs_hint = false} : vector<256x128xbf16>, vector<128x128xbf16>, vector<256x128xf32> -> vector<256x128xf32>
    %max3A_167 = arith.maximumf %max3A_157, %dot_general3A_166 : vector<256x128xf32>
    %add3A = arith.addf %max3A_167, %dot_general3A_10 : vector<256x128xf32>
    %ge3A = arith.constant 0.000000e+00 : f32
    %ge3A_168 = vector.broadcast %ge3A : f32 to vector<256x128xf32>
    %ge3A_169 = arith.cmpf oge, %add3A, %ge3A_168 : vector<256x128xf32>
    %mul3A = arith.constant 2.000000e-01 : f32
    %mul3A_170 = vector.broadcast %mul3A : f32 to vector<256x128xf32>
    %mul3A_171 = arith.mulf %mul3A_170, %add3A : vector<256x128xf32>
    %select_n3A = arith.select %ge3A_169, %add3A, %mul3A_171 : vector<256x128xi1>, vector<256x128xf32>
    %swap3A = arith.constant 0 : index
    %swap3A_172 = arith.constant 0 : index
    %swap3A_173 = vector.load %arg5[%swap3A, %swap3A_172] : memref<256x128xf32, #tpu.memory_space<vmem>>, vector<256x128xf32>
    tpu.vector_store %arg5[%swap3A, %swap3A_172], %select_n3A {strides = array<i32>} : memref<256x128xf32, #tpu.memory_space<vmem>>, vector<256x128xf32>,
    return
  }
  func.func @transform_0(%arg0: i32) -> (i32, i32, i32) {
    %c0_i32 = arith.constant 0 : i32
    %c0_i32_0 = arith.constant 0 : i32
    %c0_i32_1 = arith.constant 0 : i32
    return %c0_i32, %arg0, %c0_i32_0 : i32, i32, i32
  }
  func.func @transform_1(%arg0: i32) -> (i32, i32) {
    %add3A = arith.constant 64 : i32
    %add3A_0 = arith.addi %arg0, %add3A : i32
    %c0_i32 = arith.constant 0 : i32
    %c0_i32_1 = arith.constant 0 : i32
    return %add3A_0, %c0_i32 : i32, i32
  }
  func.func @transform_2(%arg0: i32) -> (i32, i32) {
    %c0_i32 = arith.constant 0 : i32
    %c0_i32_0 = arith.constant 0 : i32
    %c0_i32_1 = arith.constant 0 : i32
    return %c0_i32, %c0_i32_0 : i32, i32
  }
  func.func @transform_3(%arg0: i32) -> (i32, i32) {
    %c0_i32 = arith.constant 0 : i32
    %c0_i32_0 = arith.constant 0 : i32
    %c0_i32_1 = arith.constant 0 : i32
    return %c0_i32, %c0_i32_0 : i32, i32
  }
  func.func @transform_4(%arg0: i32) -> (i32, i32) {
    %c0_i32 = arith.constant 0 : i32
    %c0_i32_0 = arith.constant 0 : i32
    return %arg0, %c0_i32 : i32, i32
  }
}

module attributes {stable_mosaic.version = 14 : i64} {
  func.func @_edgeconv_body(%arg0: i32, %arg1: memref<16x256x128xf32, #tpu.memory_space<vmem>>, %arg2: memref<256x128xf32, #tpu.memory_space<vmem>>, %arg3: memref<256x128xf32, #tpu.memory_space<vmem>>, %arg4: memref<256x128xf32, #tpu.memory_space<vmem>>, %arg5: memref<256x256xf32, #tpu.memory_space<vmem>>) attributes {dimension_semantics = [#tpu.dimension_semantics<arbitrary>], iteration_bounds = array<i64: 64>, scalar_prefetch = 0 : i64, scratch_operands = 0 : i64, tpu.core_type = #tpu.core_type<tc>, window_params = [{transform_indices = @transform_0, window_bounds = array<i64: 16, 256, 128>}, {transform_indices = @transform_1, window_bounds = array<i64: 256, 128>}, {pipeline_mode = #tpu.pipeline_mode<synchronous>, transform_indices = @transform_2, window_bounds = array<i64: 256, 128>}, {pipeline_mode = #tpu.pipeline_mode<synchronous>, transform_indices = @transform_3, window_bounds = array<i64: 256, 128>}, {transform_indices = @transform_4, window_bounds = array<i64: 256, 256>}]} {
    %get3A = arith.constant 0 : index
    %get3A_0 = arith.constant 0 : index
    %get3A_1 = vector.load %arg2[%get3A, %get3A_0] : memref<256x128xf32, #tpu.memory_space<vmem>>, vector<256x128xf32>
    %get3A_2 = arith.constant 0 : index
    %get3A_3 = arith.constant 0 : index
    %get3A_4 = vector.load %arg3[%get3A_2, %get3A_3] : memref<256x128xf32, #tpu.memory_space<vmem>>, vector<256x128xf32>
    %convert_element_type3A = arith.truncf %get3A_4 : vector<256x128xf32> to vector<256x128xbf16>
    %get3A_5 = arith.constant 0 : index
    %get3A_6 = arith.constant 0 : index
    %get3A_7 = vector.load %arg4[%get3A_5, %get3A_6] : memref<256x128xf32, #tpu.memory_space<vmem>>, vector<256x128xf32>
    %convert_element_type3A_8 = arith.truncf %get3A_7 : vector<256x128xf32> to vector<256x128xbf16>
    %convert_element_type3A_9 = arith.truncf %get3A_1 : vector<256x128xf32> to vector<256x128xbf16>
    %dot_general3A = arith.constant dense<0.000000e+00> : vector<256x256xf32>
    %dot_general3A_10 = tpu.matmul %convert_element_type3A_9, %convert_element_type3A_8, %dot_general3A {dimension_numbers = #tpu.dot_dimension_numbers<[1], [1], [0], [0], [0, 0, 1, 0], [], []>, transpose_lhs_hint = false} : vector<256x128xbf16>, vector<256x128xbf16>, vector<256x256xf32> -> vector<256x256xf32>
    %get3A_11 = arith.constant 0 : index
    %get3A_12 = arith.constant 0 : index
    %get3A_13 = arith.constant 0 : index
    %get3A_14 = vector.load %arg1[%get3A_11, %get3A_12, %get3A_13] : memref<16x256x128xf32, #tpu.memory_space<vmem>>, vector<1x256x128xf32>
    %get3A_15 = vector.shape_cast %get3A_14 : vector<1x256x128xf32> to vector<256x128xf32>
    %sub3A = arith.subf %get3A_15, %get3A_1 : vector<256x128xf32>
    %convert_element_type3A_16 = arith.truncf %sub3A : vector<256x128xf32> to vector<256x128xbf16>
    %dot_general3A_17 = arith.constant dense<0.000000e+00> : vector<256x256xf32>
    %dot_general3A_18 = tpu.matmul %convert_element_type3A_16, %convert_element_type3A, %dot_general3A_17 {dimension_numbers = #tpu.dot_dimension_numbers<[1], [1], [0], [0], [0, 0, 1, 0], [], []>, transpose_lhs_hint = false} : vector<256x128xbf16>, vector<256x128xbf16>, vector<256x256xf32> -> vector<256x256xf32>
    %get3A_19 = arith.constant 1 : index
    %get3A_20 = arith.constant 0 : index
    %get3A_21 = arith.constant 0 : index
    %get3A_22 = vector.load %arg1[%get3A_19, %get3A_20, %get3A_21] : memref<16x256x128xf32, #tpu.memory_space<vmem>>, vector<1x256x128xf32>
    %get3A_23 = vector.shape_cast %get3A_22 : vector<1x256x128xf32> to vector<256x128xf32>
    %sub3A_24 = arith.subf %get3A_23, %get3A_1 : vector<256x128xf32>
    %convert_element_type3A_25 = arith.truncf %sub3A_24 : vector<256x128xf32> to vector<256x128xbf16>
    %dot_general3A_26 = arith.constant dense<0.000000e+00> : vector<256x256xf32>
    %dot_general3A_27 = tpu.matmul %convert_element_type3A_25, %convert_element_type3A, %dot_general3A_26 {dimension_numbers = #tpu.dot_dimension_numbers<[1], [1], [0], [0], [0, 0, 1, 0], [], []>, transpose_lhs_hint = false} : vector<256x128xbf16>, vector<256x128xbf16>, vector<256x256xf32> -> vector<256x256xf32>
    %max3A = arith.maximumf %dot_general3A_18, %dot_general3A_27 : vector<256x256xf32>
    %get3A_28 = arith.constant 2 : index
    %get3A_29 = arith.constant 0 : index
    %get3A_30 = arith.constant 0 : index
    %get3A_31 = vector.load %arg1[%get3A_28, %get3A_29, %get3A_30] : memref<16x256x128xf32, #tpu.memory_space<vmem>>, vector<1x256x128xf32>
    %get3A_32 = vector.shape_cast %get3A_31 : vector<1x256x128xf32> to vector<256x128xf32>
    %sub3A_33 = arith.subf %get3A_32, %get3A_1 : vector<256x128xf32>
    %convert_element_type3A_34 = arith.truncf %sub3A_33 : vector<256x128xf32> to vector<256x128xbf16>
    %dot_general3A_35 = arith.constant dense<0.000000e+00> : vector<256x256xf32>
    %dot_general3A_36 = tpu.matmul %convert_element_type3A_34, %convert_element_type3A, %dot_general3A_35 {dimension_numbers = #tpu.dot_dimension_numbers<[1], [1], [0], [0], [0, 0, 1, 0], [], []>, transpose_lhs_hint = false} : vector<256x128xbf16>, vector<256x128xbf16>, vector<256x256xf32> -> vector<256x256xf32>
    %max3A_37 = arith.maximumf %max3A, %dot_general3A_36 : vector<256x256xf32>
    %get3A_38 = arith.constant 3 : index
    %get3A_39 = arith.constant 0 : index
    %get3A_40 = arith.constant 0 : index
    %get3A_41 = vector.load %arg1[%get3A_38, %get3A_39, %get3A_40] : memref<16x256x128xf32, #tpu.memory_space<vmem>>, vector<1x256x128xf32>
    %get3A_42 = vector.shape_cast %get3A_41 : vector<1x256x128xf32> to vector<256x128xf32>
    %sub3A_43 = arith.subf %get3A_42, %get3A_1 : vector<256x128xf32>
    %convert_element_type3A_44 = arith.truncf %sub3A_43 : vector<256x128xf32> to vector<256x128xbf16>
    %dot_general3A_45 = arith.constant dense<0.000000e+00> : vector<256x256xf32>
    %dot_general3A_46 = tpu.matmul %convert_element_type3A_44, %convert_element_type3A, %dot_general3A_45 {dimension_numbers = #tpu.dot_dimension_numbers<[1], [1], [0], [0], [0, 0, 1, 0], [], []>, transpose_lhs_hint = false} : vector<256x128xbf16>, vector<256x128xbf16>, vector<256x256xf32> -> vector<256x256xf32>
    %max3A_47 = arith.maximumf %max3A_37, %dot_general3A_46 : vector<256x256xf32>
    %get3A_48 = arith.constant 4 : index
    %get3A_49 = arith.constant 0 : index
    %get3A_50 = arith.constant 0 : index
    %get3A_51 = vector.load %arg1[%get3A_48, %get3A_49, %get3A_50] : memref<16x256x128xf32, #tpu.memory_space<vmem>>, vector<1x256x128xf32>
    %get3A_52 = vector.shape_cast %get3A_51 : vector<1x256x128xf32> to vector<256x128xf32>
    %sub3A_53 = arith.subf %get3A_52, %get3A_1 : vector<256x128xf32>
    %convert_element_type3A_54 = arith.truncf %sub3A_53 : vector<256x128xf32> to vector<256x128xbf16>
    %dot_general3A_55 = arith.constant dense<0.000000e+00> : vector<256x256xf32>
    %dot_general3A_56 = tpu.matmul %convert_element_type3A_54, %convert_element_type3A, %dot_general3A_55 {dimension_numbers = #tpu.dot_dimension_numbers<[1], [1], [0], [0], [0, 0, 1, 0], [], []>, transpose_lhs_hint = false} : vector<256x128xbf16>, vector<256x128xbf16>, vector<256x256xf32> -> vector<256x256xf32>
    %max3A_57 = arith.maximumf %max3A_47, %dot_general3A_56 : vector<256x256xf32>
    %get3A_58 = arith.constant 5 : index
    %get3A_59 = arith.constant 0 : index
    %get3A_60 = arith.constant 0 : index
    %get3A_61 = vector.load %arg1[%get3A_58, %get3A_59, %get3A_60] : memref<16x256x128xf32, #tpu.memory_space<vmem>>, vector<1x256x128xf32>
    %get3A_62 = vector.shape_cast %get3A_61 : vector<1x256x128xf32> to vector<256x128xf32>
    %sub3A_63 = arith.subf %get3A_62, %get3A_1 : vector<256x128xf32>
    %convert_element_type3A_64 = arith.truncf %sub3A_63 : vector<256x128xf32> to vector<256x128xbf16>
    %dot_general3A_65 = arith.constant dense<0.000000e+00> : vector<256x256xf32>
    %dot_general3A_66 = tpu.matmul %convert_element_type3A_64, %convert_element_type3A, %dot_general3A_65 {dimension_numbers = #tpu.dot_dimension_numbers<[1], [1], [0], [0], [0, 0, 1, 0], [], []>, transpose_lhs_hint = false} : vector<256x128xbf16>, vector<256x128xbf16>, vector<256x256xf32> -> vector<256x256xf32>
    %max3A_67 = arith.maximumf %max3A_57, %dot_general3A_66 : vector<256x256xf32>
    %get3A_68 = arith.constant 6 : index
    %get3A_69 = arith.constant 0 : index
    %get3A_70 = arith.constant 0 : index
    %get3A_71 = vector.load %arg1[%get3A_68, %get3A_69, %get3A_70] : memref<16x256x128xf32, #tpu.memory_space<vmem>>, vector<1x256x128xf32>
    %get3A_72 = vector.shape_cast %get3A_71 : vector<1x256x128xf32> to vector<256x128xf32>
    %sub3A_73 = arith.subf %get3A_72, %get3A_1 : vector<256x128xf32>
    %convert_element_type3A_74 = arith.truncf %sub3A_73 : vector<256x128xf32> to vector<256x128xbf16>
    %dot_general3A_75 = arith.constant dense<0.000000e+00> : vector<256x256xf32>
    %dot_general3A_76 = tpu.matmul %convert_element_type3A_74, %convert_element_type3A, %dot_general3A_75 {dimension_numbers = #tpu.dot_dimension_numbers<[1], [1], [0], [0], [0, 0, 1, 0], [], []>, transpose_lhs_hint = false} : vector<256x128xbf16>, vector<256x128xbf16>, vector<256x256xf32> -> vector<256x256xf32>
    %max3A_77 = arith.maximumf %max3A_67, %dot_general3A_76 : vector<256x256xf32>
    %get3A_78 = arith.constant 7 : index
    %get3A_79 = arith.constant 0 : index
    %get3A_80 = arith.constant 0 : index
    %get3A_81 = vector.load %arg1[%get3A_78, %get3A_79, %get3A_80] : memref<16x256x128xf32, #tpu.memory_space<vmem>>, vector<1x256x128xf32>
    %get3A_82 = vector.shape_cast %get3A_81 : vector<1x256x128xf32> to vector<256x128xf32>
    %sub3A_83 = arith.subf %get3A_82, %get3A_1 : vector<256x128xf32>
    %convert_element_type3A_84 = arith.truncf %sub3A_83 : vector<256x128xf32> to vector<256x128xbf16>
    %dot_general3A_85 = arith.constant dense<0.000000e+00> : vector<256x256xf32>
    %dot_general3A_86 = tpu.matmul %convert_element_type3A_84, %convert_element_type3A, %dot_general3A_85 {dimension_numbers = #tpu.dot_dimension_numbers<[1], [1], [0], [0], [0, 0, 1, 0], [], []>, transpose_lhs_hint = false} : vector<256x128xbf16>, vector<256x128xbf16>, vector<256x256xf32> -> vector<256x256xf32>
    %max3A_87 = arith.maximumf %max3A_77, %dot_general3A_86 : vector<256x256xf32>
    %get3A_88 = arith.constant 8 : index
    %get3A_89 = arith.constant 0 : index
    %get3A_90 = arith.constant 0 : index
    %get3A_91 = vector.load %arg1[%get3A_88, %get3A_89, %get3A_90] : memref<16x256x128xf32, #tpu.memory_space<vmem>>, vector<1x256x128xf32>
    %get3A_92 = vector.shape_cast %get3A_91 : vector<1x256x128xf32> to vector<256x128xf32>
    %sub3A_93 = arith.subf %get3A_92, %get3A_1 : vector<256x128xf32>
    %convert_element_type3A_94 = arith.truncf %sub3A_93 : vector<256x128xf32> to vector<256x128xbf16>
    %dot_general3A_95 = arith.constant dense<0.000000e+00> : vector<256x256xf32>
    %dot_general3A_96 = tpu.matmul %convert_element_type3A_94, %convert_element_type3A, %dot_general3A_95 {dimension_numbers = #tpu.dot_dimension_numbers<[1], [1], [0], [0], [0, 0, 1, 0], [], []>, transpose_lhs_hint = false} : vector<256x128xbf16>, vector<256x128xbf16>, vector<256x256xf32> -> vector<256x256xf32>
    %max3A_97 = arith.maximumf %max3A_87, %dot_general3A_96 : vector<256x256xf32>
    %get3A_98 = arith.constant 9 : index
    %get3A_99 = arith.constant 0 : index
    %get3A_100 = arith.constant 0 : index
    %get3A_101 = vector.load %arg1[%get3A_98, %get3A_99, %get3A_100] : memref<16x256x128xf32, #tpu.memory_space<vmem>>, vector<1x256x128xf32>
    %get3A_102 = vector.shape_cast %get3A_101 : vector<1x256x128xf32> to vector<256x128xf32>
    %sub3A_103 = arith.subf %get3A_102, %get3A_1 : vector<256x128xf32>
    %convert_element_type3A_104 = arith.truncf %sub3A_103 : vector<256x128xf32> to vector<256x128xbf16>
    %dot_general3A_105 = arith.constant dense<0.000000e+00> : vector<256x256xf32>
    %dot_general3A_106 = tpu.matmul %convert_element_type3A_104, %convert_element_type3A, %dot_general3A_105 {dimension_numbers = #tpu.dot_dimension_numbers<[1], [1], [0], [0], [0, 0, 1, 0], [], []>, transpose_lhs_hint = false} : vector<256x128xbf16>, vector<256x128xbf16>, vector<256x256xf32> -> vector<256x256xf32>
    %max3A_107 = arith.maximumf %max3A_97, %dot_general3A_106 : vector<256x256xf32>
    %get3A_108 = arith.constant 10 : index
    %get3A_109 = arith.constant 0 : index
    %get3A_110 = arith.constant 0 : index
    %get3A_111 = vector.load %arg1[%get3A_108, %get3A_109, %get3A_110] : memref<16x256x128xf32, #tpu.memory_space<vmem>>, vector<1x256x128xf32>
    %get3A_112 = vector.shape_cast %get3A_111 : vector<1x256x128xf32> to vector<256x128xf32>
    %sub3A_113 = arith.subf %get3A_112, %get3A_1 : vector<256x128xf32>
    %convert_element_type3A_114 = arith.truncf %sub3A_113 : vector<256x128xf32> to vector<256x128xbf16>
    %dot_general3A_115 = arith.constant dense<0.000000e+00> : vector<256x256xf32>
    %dot_general3A_116 = tpu.matmul %convert_element_type3A_114, %convert_element_type3A, %dot_general3A_115 {dimension_numbers = #tpu.dot_dimension_numbers<[1], [1], [0], [0], [0, 0, 1, 0], [], []>, transpose_lhs_hint = false} : vector<256x128xbf16>, vector<256x128xbf16>, vector<256x256xf32> -> vector<256x256xf32>
    %max3A_117 = arith.maximumf %max3A_107, %dot_general3A_116 : vector<256x256xf32>
    %get3A_118 = arith.constant 11 : index
    %get3A_119 = arith.constant 0 : index
    %get3A_120 = arith.constant 0 : index
    %get3A_121 = vector.load %arg1[%get3A_118, %get3A_119, %get3A_120] : memref<16x256x128xf32, #tpu.memory_space<vmem>>, vector<1x256x128xf32>
    %get3A_122 = vector.shape_cast %get3A_121 : vector<1x256x128xf32> to vector<256x128xf32>
    %sub3A_123 = arith.subf %get3A_122, %get3A_1 : vector<256x128xf32>
    %convert_element_type3A_124 = arith.truncf %sub3A_123 : vector<256x128xf32> to vector<256x128xbf16>
    %dot_general3A_125 = arith.constant dense<0.000000e+00> : vector<256x256xf32>
    %dot_general3A_126 = tpu.matmul %convert_element_type3A_124, %convert_element_type3A, %dot_general3A_125 {dimension_numbers = #tpu.dot_dimension_numbers<[1], [1], [0], [0], [0, 0, 1, 0], [], []>, transpose_lhs_hint = false} : vector<256x128xbf16>, vector<256x128xbf16>, vector<256x256xf32> -> vector<256x256xf32>
    %max3A_127 = arith.maximumf %max3A_117, %dot_general3A_126 : vector<256x256xf32>
    %get3A_128 = arith.constant 12 : index
    %get3A_129 = arith.constant 0 : index
    %get3A_130 = arith.constant 0 : index
    %get3A_131 = vector.load %arg1[%get3A_128, %get3A_129, %get3A_130] : memref<16x256x128xf32, #tpu.memory_space<vmem>>, vector<1x256x128xf32>
    %get3A_132 = vector.shape_cast %get3A_131 : vector<1x256x128xf32> to vector<256x128xf32>
    %sub3A_133 = arith.subf %get3A_132, %get3A_1 : vector<256x128xf32>
    %convert_element_type3A_134 = arith.truncf %sub3A_133 : vector<256x128xf32> to vector<256x128xbf16>
    %dot_general3A_135 = arith.constant dense<0.000000e+00> : vector<256x256xf32>
    %dot_general3A_136 = tpu.matmul %convert_element_type3A_134, %convert_element_type3A, %dot_general3A_135 {dimension_numbers = #tpu.dot_dimension_numbers<[1], [1], [0], [0], [0, 0, 1, 0], [], []>, transpose_lhs_hint = false} : vector<256x128xbf16>, vector<256x128xbf16>, vector<256x256xf32> -> vector<256x256xf32>
    %max3A_137 = arith.maximumf %max3A_127, %dot_general3A_136 : vector<256x256xf32>
    %get3A_138 = arith.constant 13 : index
    %get3A_139 = arith.constant 0 : index
    %get3A_140 = arith.constant 0 : index
    %get3A_141 = vector.load %arg1[%get3A_138, %get3A_139, %get3A_140] : memref<16x256x128xf32, #tpu.memory_space<vmem>>, vector<1x256x128xf32>
    %get3A_142 = vector.shape_cast %get3A_141 : vector<1x256x128xf32> to vector<256x128xf32>
    %sub3A_143 = arith.subf %get3A_142, %get3A_1 : vector<256x128xf32>
    %convert_element_type3A_144 = arith.truncf %sub3A_143 : vector<256x128xf32> to vector<256x128xbf16>
    %dot_general3A_145 = arith.constant dense<0.000000e+00> : vector<256x256xf32>
    %dot_general3A_146 = tpu.matmul %convert_element_type3A_144, %convert_element_type3A, %dot_general3A_145 {dimension_numbers = #tpu.dot_dimension_numbers<[1], [1], [0], [0], [0, 0, 1, 0], [], []>, transpose_lhs_hint = false} : vector<256x128xbf16>, vector<256x128xbf16>, vector<256x256xf32> -> vector<256x256xf32>
    %max3A_147 = arith.maximumf %max3A_137, %dot_general3A_146 : vector<256x256xf32>
    %get3A_148 = arith.constant 14 : index
    %get3A_149 = arith.constant 0 : index
    %get3A_150 = arith.constant 0 : index
    %get3A_151 = vector.load %arg1[%get3A_148, %get3A_149, %get3A_150] : memref<16x256x128xf32, #tpu.memory_space<vmem>>, vector<1x256x128xf32>
    %get3A_152 = vector.shape_cast %get3A_151 : vector<1x256x128xf32> to vector<256x128xf32>
    %sub3A_153 = arith.subf %get3A_152, %get3A_1 : vector<256x128xf32>
    %convert_element_type3A_154 = arith.truncf %sub3A_153 : vector<256x128xf32> to vector<256x128xbf16>
    %dot_general3A_155 = arith.constant dense<0.000000e+00> : vector<256x256xf32>
    %dot_general3A_156 = tpu.matmul %convert_element_type3A_154, %convert_element_type3A, %dot_general3A_155 {dimension_numbers = #tpu.dot_dimension_numbers<[1], [1], [0], [0], [0, 0, 1, 0], [], []>, transpose_lhs_hint = false} : vector<256x128xbf16>, vector<256x128xbf16>, vector<256x256xf32> -> vector<256x256xf32>
    %max3A_157 = arith.maximumf %max3A_147, %dot_general3A_156 : vector<256x256xf32>
    %get3A_158 = arith.constant 15 : index
    %get3A_159 = arith.constant 0 : index
    %get3A_160 = arith.constant 0 : index
    %get3A_161 = vector.load %arg1[%get3A_158, %get3A_159, %get3A_160] : memref<16x256x128xf32, #tpu.memory_space<vmem>>, vector<1x256x128xf32>
    %get3A_162 = vector.shape_cast %get3A_161 : vector<1x256x128xf32> to vector<256x128xf32>
    %sub3A_163 = arith.subf %get3A_162, %get3A_1 : vector<256x128xf32>
    %convert_element_type3A_164 = arith.truncf %sub3A_163 : vector<256x128xf32> to vector<256x128xbf16>
    %dot_general3A_165 = arith.constant dense<0.000000e+00> : vector<256x256xf32>
    %dot_general3A_166 = tpu.matmul %convert_element_type3A_164, %convert_element_type3A, %dot_general3A_165 {dimension_numbers = #tpu.dot_dimension_numbers<[1], [1], [0], [0], [0, 0, 1, 0], [], []>, transpose_lhs_hint = false} : vector<256x128xbf16>, vector<256x128xbf16>, vector<256x256xf32> -> vector<256x256xf32>
    %max3A_167 = arith.maximumf %max3A_157, %dot_general3A_166 : vector<256x256xf32>
    %add3A = arith.addf %max3A_167, %dot_general3A_10 : vector<256x256xf32>
    %ge3A = arith.constant 0.000000e+00 : f32
    %ge3A_168 = vector.broadcast %ge3A : f32 to vector<256x256xf32>
    %ge3A_169 = arith.cmpf oge, %add3A, %ge3A_168 : vector<256x256xf32>
    %mul3A = arith.constant 2.000000e-01 : f32
    %mul3A_170 = vector.broadcast %mul3A : f32 to vector<256x256xf32>
    %mul3A_171 = arith.mulf %mul3A_170, %add3A : vector<256x256xf32>
    %select_n3A = arith.select %ge3A_169, %add3A, %mul3A_171 : vector<256x256xi1>, vector<256x256xf32>
    %swap3A = arith.constant 0 : index
    %swap3A_172 = arith.constant 0 : index
    %swap3A_173 = vector.load %arg5[%swap3A, %swap3A_172] : memref<256x256xf32, #tpu.memory_space<vmem>>, vector<256x256xf32>
    tpu.vector_store %arg5[%swap3A, %swap3A_172], %select_n3A {strides = array<i32>} : memref<256x256xf32, #tpu.memory_space<vmem>>, vector<256x256xf32>,
    return
  }
  func.func @transform_0(%arg0: i32) -> (i32, i32, i32) {
    %c0_i32 = arith.constant 0 : i32
    %c0_i32_0 = arith.constant 0 : i32
    %c0_i32_1 = arith.constant 0 : i32
    return %c0_i32, %arg0, %c0_i32_0 : i32, i32, i32
  }
  func.func @transform_1(%arg0: i32) -> (i32, i32) {
    %add3A = arith.constant 0 : i32
    %add3A_0 = arith.addi %arg0, %add3A : i32
    %c0_i32 = arith.constant 0 : i32
    %c0_i32_1 = arith.constant 0 : i32
    return %add3A_0, %c0_i32 : i32, i32
  }
  func.func @transform_2(%arg0: i32) -> (i32, i32) {
    %c0_i32 = arith.constant 0 : i32
    %c0_i32_0 = arith.constant 0 : i32
    %c0_i32_1 = arith.constant 0 : i32
    return %c0_i32, %c0_i32_0 : i32, i32
  }
  func.func @transform_3(%arg0: i32) -> (i32, i32) {
    %c0_i32 = arith.constant 0 : i32
    %c0_i32_0 = arith.constant 0 : i32
    %c0_i32_1 = arith.constant 0 : i32
    return %c0_i32, %c0_i32_0 : i32, i32
  }
  func.func @transform_4(%arg0: i32) -> (i32, i32) {
    %c0_i32 = arith.constant 0 : i32
    %c0_i32_0 = arith.constant 0 : i32
    return %arg0, %c0_i32 : i32, i32
  }
}

module attributes {stable_mosaic.version = 14 : i64} {
  func.func @_edgeconv_body(%arg0: i32, %arg1: memref<16x256x128xf32, #tpu.memory_space<vmem>>, %arg2: memref<256x128xf32, #tpu.memory_space<vmem>>, %arg3: memref<256x128xf32, #tpu.memory_space<vmem>>, %arg4: memref<256x128xf32, #tpu.memory_space<vmem>>, %arg5: memref<256x256xf32, #tpu.memory_space<vmem>>) attributes {dimension_semantics = [#tpu.dimension_semantics<arbitrary>], iteration_bounds = array<i64: 64>, scalar_prefetch = 0 : i64, scratch_operands = 0 : i64, tpu.core_type = #tpu.core_type<tc>, window_params = [{transform_indices = @transform_0, window_bounds = array<i64: 16, 256, 128>}, {transform_indices = @transform_1, window_bounds = array<i64: 256, 128>}, {pipeline_mode = #tpu.pipeline_mode<synchronous>, transform_indices = @transform_2, window_bounds = array<i64: 256, 128>}, {pipeline_mode = #tpu.pipeline_mode<synchronous>, transform_indices = @transform_3, window_bounds = array<i64: 256, 128>}, {transform_indices = @transform_4, window_bounds = array<i64: 256, 256>}]} {
    %get3A = arith.constant 0 : index
    %get3A_0 = arith.constant 0 : index
    %get3A_1 = vector.load %arg2[%get3A, %get3A_0] : memref<256x128xf32, #tpu.memory_space<vmem>>, vector<256x128xf32>
    %get3A_2 = arith.constant 0 : index
    %get3A_3 = arith.constant 0 : index
    %get3A_4 = vector.load %arg3[%get3A_2, %get3A_3] : memref<256x128xf32, #tpu.memory_space<vmem>>, vector<256x128xf32>
    %convert_element_type3A = arith.truncf %get3A_4 : vector<256x128xf32> to vector<256x128xbf16>
    %get3A_5 = arith.constant 0 : index
    %get3A_6 = arith.constant 0 : index
    %get3A_7 = vector.load %arg4[%get3A_5, %get3A_6] : memref<256x128xf32, #tpu.memory_space<vmem>>, vector<256x128xf32>
    %convert_element_type3A_8 = arith.truncf %get3A_7 : vector<256x128xf32> to vector<256x128xbf16>
    %convert_element_type3A_9 = arith.truncf %get3A_1 : vector<256x128xf32> to vector<256x128xbf16>
    %dot_general3A = arith.constant dense<0.000000e+00> : vector<256x256xf32>
    %dot_general3A_10 = tpu.matmul %convert_element_type3A_9, %convert_element_type3A_8, %dot_general3A {dimension_numbers = #tpu.dot_dimension_numbers<[1], [1], [0], [0], [0, 0, 1, 0], [], []>, transpose_lhs_hint = false} : vector<256x128xbf16>, vector<256x128xbf16>, vector<256x256xf32> -> vector<256x256xf32>
    %get3A_11 = arith.constant 0 : index
    %get3A_12 = arith.constant 0 : index
    %get3A_13 = arith.constant 0 : index
    %get3A_14 = vector.load %arg1[%get3A_11, %get3A_12, %get3A_13] : memref<16x256x128xf32, #tpu.memory_space<vmem>>, vector<1x256x128xf32>
    %get3A_15 = vector.shape_cast %get3A_14 : vector<1x256x128xf32> to vector<256x128xf32>
    %sub3A = arith.subf %get3A_15, %get3A_1 : vector<256x128xf32>
    %convert_element_type3A_16 = arith.truncf %sub3A : vector<256x128xf32> to vector<256x128xbf16>
    %dot_general3A_17 = arith.constant dense<0.000000e+00> : vector<256x256xf32>
    %dot_general3A_18 = tpu.matmul %convert_element_type3A_16, %convert_element_type3A, %dot_general3A_17 {dimension_numbers = #tpu.dot_dimension_numbers<[1], [1], [0], [0], [0, 0, 1, 0], [], []>, transpose_lhs_hint = false} : vector<256x128xbf16>, vector<256x128xbf16>, vector<256x256xf32> -> vector<256x256xf32>
    %get3A_19 = arith.constant 1 : index
    %get3A_20 = arith.constant 0 : index
    %get3A_21 = arith.constant 0 : index
    %get3A_22 = vector.load %arg1[%get3A_19, %get3A_20, %get3A_21] : memref<16x256x128xf32, #tpu.memory_space<vmem>>, vector<1x256x128xf32>
    %get3A_23 = vector.shape_cast %get3A_22 : vector<1x256x128xf32> to vector<256x128xf32>
    %sub3A_24 = arith.subf %get3A_23, %get3A_1 : vector<256x128xf32>
    %convert_element_type3A_25 = arith.truncf %sub3A_24 : vector<256x128xf32> to vector<256x128xbf16>
    %dot_general3A_26 = arith.constant dense<0.000000e+00> : vector<256x256xf32>
    %dot_general3A_27 = tpu.matmul %convert_element_type3A_25, %convert_element_type3A, %dot_general3A_26 {dimension_numbers = #tpu.dot_dimension_numbers<[1], [1], [0], [0], [0, 0, 1, 0], [], []>, transpose_lhs_hint = false} : vector<256x128xbf16>, vector<256x128xbf16>, vector<256x256xf32> -> vector<256x256xf32>
    %max3A = arith.maximumf %dot_general3A_18, %dot_general3A_27 : vector<256x256xf32>
    %get3A_28 = arith.constant 2 : index
    %get3A_29 = arith.constant 0 : index
    %get3A_30 = arith.constant 0 : index
    %get3A_31 = vector.load %arg1[%get3A_28, %get3A_29, %get3A_30] : memref<16x256x128xf32, #tpu.memory_space<vmem>>, vector<1x256x128xf32>
    %get3A_32 = vector.shape_cast %get3A_31 : vector<1x256x128xf32> to vector<256x128xf32>
    %sub3A_33 = arith.subf %get3A_32, %get3A_1 : vector<256x128xf32>
    %convert_element_type3A_34 = arith.truncf %sub3A_33 : vector<256x128xf32> to vector<256x128xbf16>
    %dot_general3A_35 = arith.constant dense<0.000000e+00> : vector<256x256xf32>
    %dot_general3A_36 = tpu.matmul %convert_element_type3A_34, %convert_element_type3A, %dot_general3A_35 {dimension_numbers = #tpu.dot_dimension_numbers<[1], [1], [0], [0], [0, 0, 1, 0], [], []>, transpose_lhs_hint = false} : vector<256x128xbf16>, vector<256x128xbf16>, vector<256x256xf32> -> vector<256x256xf32>
    %max3A_37 = arith.maximumf %max3A, %dot_general3A_36 : vector<256x256xf32>
    %get3A_38 = arith.constant 3 : index
    %get3A_39 = arith.constant 0 : index
    %get3A_40 = arith.constant 0 : index
    %get3A_41 = vector.load %arg1[%get3A_38, %get3A_39, %get3A_40] : memref<16x256x128xf32, #tpu.memory_space<vmem>>, vector<1x256x128xf32>
    %get3A_42 = vector.shape_cast %get3A_41 : vector<1x256x128xf32> to vector<256x128xf32>
    %sub3A_43 = arith.subf %get3A_42, %get3A_1 : vector<256x128xf32>
    %convert_element_type3A_44 = arith.truncf %sub3A_43 : vector<256x128xf32> to vector<256x128xbf16>
    %dot_general3A_45 = arith.constant dense<0.000000e+00> : vector<256x256xf32>
    %dot_general3A_46 = tpu.matmul %convert_element_type3A_44, %convert_element_type3A, %dot_general3A_45 {dimension_numbers = #tpu.dot_dimension_numbers<[1], [1], [0], [0], [0, 0, 1, 0], [], []>, transpose_lhs_hint = false} : vector<256x128xbf16>, vector<256x128xbf16>, vector<256x256xf32> -> vector<256x256xf32>
    %max3A_47 = arith.maximumf %max3A_37, %dot_general3A_46 : vector<256x256xf32>
    %get3A_48 = arith.constant 4 : index
    %get3A_49 = arith.constant 0 : index
    %get3A_50 = arith.constant 0 : index
    %get3A_51 = vector.load %arg1[%get3A_48, %get3A_49, %get3A_50] : memref<16x256x128xf32, #tpu.memory_space<vmem>>, vector<1x256x128xf32>
    %get3A_52 = vector.shape_cast %get3A_51 : vector<1x256x128xf32> to vector<256x128xf32>
    %sub3A_53 = arith.subf %get3A_52, %get3A_1 : vector<256x128xf32>
    %convert_element_type3A_54 = arith.truncf %sub3A_53 : vector<256x128xf32> to vector<256x128xbf16>
    %dot_general3A_55 = arith.constant dense<0.000000e+00> : vector<256x256xf32>
    %dot_general3A_56 = tpu.matmul %convert_element_type3A_54, %convert_element_type3A, %dot_general3A_55 {dimension_numbers = #tpu.dot_dimension_numbers<[1], [1], [0], [0], [0, 0, 1, 0], [], []>, transpose_lhs_hint = false} : vector<256x128xbf16>, vector<256x128xbf16>, vector<256x256xf32> -> vector<256x256xf32>
    %max3A_57 = arith.maximumf %max3A_47, %dot_general3A_56 : vector<256x256xf32>
    %get3A_58 = arith.constant 5 : index
    %get3A_59 = arith.constant 0 : index
    %get3A_60 = arith.constant 0 : index
    %get3A_61 = vector.load %arg1[%get3A_58, %get3A_59, %get3A_60] : memref<16x256x128xf32, #tpu.memory_space<vmem>>, vector<1x256x128xf32>
    %get3A_62 = vector.shape_cast %get3A_61 : vector<1x256x128xf32> to vector<256x128xf32>
    %sub3A_63 = arith.subf %get3A_62, %get3A_1 : vector<256x128xf32>
    %convert_element_type3A_64 = arith.truncf %sub3A_63 : vector<256x128xf32> to vector<256x128xbf16>
    %dot_general3A_65 = arith.constant dense<0.000000e+00> : vector<256x256xf32>
    %dot_general3A_66 = tpu.matmul %convert_element_type3A_64, %convert_element_type3A, %dot_general3A_65 {dimension_numbers = #tpu.dot_dimension_numbers<[1], [1], [0], [0], [0, 0, 1, 0], [], []>, transpose_lhs_hint = false} : vector<256x128xbf16>, vector<256x128xbf16>, vector<256x256xf32> -> vector<256x256xf32>
    %max3A_67 = arith.maximumf %max3A_57, %dot_general3A_66 : vector<256x256xf32>
    %get3A_68 = arith.constant 6 : index
    %get3A_69 = arith.constant 0 : index
    %get3A_70 = arith.constant 0 : index
    %get3A_71 = vector.load %arg1[%get3A_68, %get3A_69, %get3A_70] : memref<16x256x128xf32, #tpu.memory_space<vmem>>, vector<1x256x128xf32>
    %get3A_72 = vector.shape_cast %get3A_71 : vector<1x256x128xf32> to vector<256x128xf32>
    %sub3A_73 = arith.subf %get3A_72, %get3A_1 : vector<256x128xf32>
    %convert_element_type3A_74 = arith.truncf %sub3A_73 : vector<256x128xf32> to vector<256x128xbf16>
    %dot_general3A_75 = arith.constant dense<0.000000e+00> : vector<256x256xf32>
    %dot_general3A_76 = tpu.matmul %convert_element_type3A_74, %convert_element_type3A, %dot_general3A_75 {dimension_numbers = #tpu.dot_dimension_numbers<[1], [1], [0], [0], [0, 0, 1, 0], [], []>, transpose_lhs_hint = false} : vector<256x128xbf16>, vector<256x128xbf16>, vector<256x256xf32> -> vector<256x256xf32>
    %max3A_77 = arith.maximumf %max3A_67, %dot_general3A_76 : vector<256x256xf32>
    %get3A_78 = arith.constant 7 : index
    %get3A_79 = arith.constant 0 : index
    %get3A_80 = arith.constant 0 : index
    %get3A_81 = vector.load %arg1[%get3A_78, %get3A_79, %get3A_80] : memref<16x256x128xf32, #tpu.memory_space<vmem>>, vector<1x256x128xf32>
    %get3A_82 = vector.shape_cast %get3A_81 : vector<1x256x128xf32> to vector<256x128xf32>
    %sub3A_83 = arith.subf %get3A_82, %get3A_1 : vector<256x128xf32>
    %convert_element_type3A_84 = arith.truncf %sub3A_83 : vector<256x128xf32> to vector<256x128xbf16>
    %dot_general3A_85 = arith.constant dense<0.000000e+00> : vector<256x256xf32>
    %dot_general3A_86 = tpu.matmul %convert_element_type3A_84, %convert_element_type3A, %dot_general3A_85 {dimension_numbers = #tpu.dot_dimension_numbers<[1], [1], [0], [0], [0, 0, 1, 0], [], []>, transpose_lhs_hint = false} : vector<256x128xbf16>, vector<256x128xbf16>, vector<256x256xf32> -> vector<256x256xf32>
    %max3A_87 = arith.maximumf %max3A_77, %dot_general3A_86 : vector<256x256xf32>
    %get3A_88 = arith.constant 8 : index
    %get3A_89 = arith.constant 0 : index
    %get3A_90 = arith.constant 0 : index
    %get3A_91 = vector.load %arg1[%get3A_88, %get3A_89, %get3A_90] : memref<16x256x128xf32, #tpu.memory_space<vmem>>, vector<1x256x128xf32>
    %get3A_92 = vector.shape_cast %get3A_91 : vector<1x256x128xf32> to vector<256x128xf32>
    %sub3A_93 = arith.subf %get3A_92, %get3A_1 : vector<256x128xf32>
    %convert_element_type3A_94 = arith.truncf %sub3A_93 : vector<256x128xf32> to vector<256x128xbf16>
    %dot_general3A_95 = arith.constant dense<0.000000e+00> : vector<256x256xf32>
    %dot_general3A_96 = tpu.matmul %convert_element_type3A_94, %convert_element_type3A, %dot_general3A_95 {dimension_numbers = #tpu.dot_dimension_numbers<[1], [1], [0], [0], [0, 0, 1, 0], [], []>, transpose_lhs_hint = false} : vector<256x128xbf16>, vector<256x128xbf16>, vector<256x256xf32> -> vector<256x256xf32>
    %max3A_97 = arith.maximumf %max3A_87, %dot_general3A_96 : vector<256x256xf32>
    %get3A_98 = arith.constant 9 : index
    %get3A_99 = arith.constant 0 : index
    %get3A_100 = arith.constant 0 : index
    %get3A_101 = vector.load %arg1[%get3A_98, %get3A_99, %get3A_100] : memref<16x256x128xf32, #tpu.memory_space<vmem>>, vector<1x256x128xf32>
    %get3A_102 = vector.shape_cast %get3A_101 : vector<1x256x128xf32> to vector<256x128xf32>
    %sub3A_103 = arith.subf %get3A_102, %get3A_1 : vector<256x128xf32>
    %convert_element_type3A_104 = arith.truncf %sub3A_103 : vector<256x128xf32> to vector<256x128xbf16>
    %dot_general3A_105 = arith.constant dense<0.000000e+00> : vector<256x256xf32>
    %dot_general3A_106 = tpu.matmul %convert_element_type3A_104, %convert_element_type3A, %dot_general3A_105 {dimension_numbers = #tpu.dot_dimension_numbers<[1], [1], [0], [0], [0, 0, 1, 0], [], []>, transpose_lhs_hint = false} : vector<256x128xbf16>, vector<256x128xbf16>, vector<256x256xf32> -> vector<256x256xf32>
    %max3A_107 = arith.maximumf %max3A_97, %dot_general3A_106 : vector<256x256xf32>
    %get3A_108 = arith.constant 10 : index
    %get3A_109 = arith.constant 0 : index
    %get3A_110 = arith.constant 0 : index
    %get3A_111 = vector.load %arg1[%get3A_108, %get3A_109, %get3A_110] : memref<16x256x128xf32, #tpu.memory_space<vmem>>, vector<1x256x128xf32>
    %get3A_112 = vector.shape_cast %get3A_111 : vector<1x256x128xf32> to vector<256x128xf32>
    %sub3A_113 = arith.subf %get3A_112, %get3A_1 : vector<256x128xf32>
    %convert_element_type3A_114 = arith.truncf %sub3A_113 : vector<256x128xf32> to vector<256x128xbf16>
    %dot_general3A_115 = arith.constant dense<0.000000e+00> : vector<256x256xf32>
    %dot_general3A_116 = tpu.matmul %convert_element_type3A_114, %convert_element_type3A, %dot_general3A_115 {dimension_numbers = #tpu.dot_dimension_numbers<[1], [1], [0], [0], [0, 0, 1, 0], [], []>, transpose_lhs_hint = false} : vector<256x128xbf16>, vector<256x128xbf16>, vector<256x256xf32> -> vector<256x256xf32>
    %max3A_117 = arith.maximumf %max3A_107, %dot_general3A_116 : vector<256x256xf32>
    %get3A_118 = arith.constant 11 : index
    %get3A_119 = arith.constant 0 : index
    %get3A_120 = arith.constant 0 : index
    %get3A_121 = vector.load %arg1[%get3A_118, %get3A_119, %get3A_120] : memref<16x256x128xf32, #tpu.memory_space<vmem>>, vector<1x256x128xf32>
    %get3A_122 = vector.shape_cast %get3A_121 : vector<1x256x128xf32> to vector<256x128xf32>
    %sub3A_123 = arith.subf %get3A_122, %get3A_1 : vector<256x128xf32>
    %convert_element_type3A_124 = arith.truncf %sub3A_123 : vector<256x128xf32> to vector<256x128xbf16>
    %dot_general3A_125 = arith.constant dense<0.000000e+00> : vector<256x256xf32>
    %dot_general3A_126 = tpu.matmul %convert_element_type3A_124, %convert_element_type3A, %dot_general3A_125 {dimension_numbers = #tpu.dot_dimension_numbers<[1], [1], [0], [0], [0, 0, 1, 0], [], []>, transpose_lhs_hint = false} : vector<256x128xbf16>, vector<256x128xbf16>, vector<256x256xf32> -> vector<256x256xf32>
    %max3A_127 = arith.maximumf %max3A_117, %dot_general3A_126 : vector<256x256xf32>
    %get3A_128 = arith.constant 12 : index
    %get3A_129 = arith.constant 0 : index
    %get3A_130 = arith.constant 0 : index
    %get3A_131 = vector.load %arg1[%get3A_128, %get3A_129, %get3A_130] : memref<16x256x128xf32, #tpu.memory_space<vmem>>, vector<1x256x128xf32>
    %get3A_132 = vector.shape_cast %get3A_131 : vector<1x256x128xf32> to vector<256x128xf32>
    %sub3A_133 = arith.subf %get3A_132, %get3A_1 : vector<256x128xf32>
    %convert_element_type3A_134 = arith.truncf %sub3A_133 : vector<256x128xf32> to vector<256x128xbf16>
    %dot_general3A_135 = arith.constant dense<0.000000e+00> : vector<256x256xf32>
    %dot_general3A_136 = tpu.matmul %convert_element_type3A_134, %convert_element_type3A, %dot_general3A_135 {dimension_numbers = #tpu.dot_dimension_numbers<[1], [1], [0], [0], [0, 0, 1, 0], [], []>, transpose_lhs_hint = false} : vector<256x128xbf16>, vector<256x128xbf16>, vector<256x256xf32> -> vector<256x256xf32>
    %max3A_137 = arith.maximumf %max3A_127, %dot_general3A_136 : vector<256x256xf32>
    %get3A_138 = arith.constant 13 : index
    %get3A_139 = arith.constant 0 : index
    %get3A_140 = arith.constant 0 : index
    %get3A_141 = vector.load %arg1[%get3A_138, %get3A_139, %get3A_140] : memref<16x256x128xf32, #tpu.memory_space<vmem>>, vector<1x256x128xf32>
    %get3A_142 = vector.shape_cast %get3A_141 : vector<1x256x128xf32> to vector<256x128xf32>
    %sub3A_143 = arith.subf %get3A_142, %get3A_1 : vector<256x128xf32>
    %convert_element_type3A_144 = arith.truncf %sub3A_143 : vector<256x128xf32> to vector<256x128xbf16>
    %dot_general3A_145 = arith.constant dense<0.000000e+00> : vector<256x256xf32>
    %dot_general3A_146 = tpu.matmul %convert_element_type3A_144, %convert_element_type3A, %dot_general3A_145 {dimension_numbers = #tpu.dot_dimension_numbers<[1], [1], [0], [0], [0, 0, 1, 0], [], []>, transpose_lhs_hint = false} : vector<256x128xbf16>, vector<256x128xbf16>, vector<256x256xf32> -> vector<256x256xf32>
    %max3A_147 = arith.maximumf %max3A_137, %dot_general3A_146 : vector<256x256xf32>
    %get3A_148 = arith.constant 14 : index
    %get3A_149 = arith.constant 0 : index
    %get3A_150 = arith.constant 0 : index
    %get3A_151 = vector.load %arg1[%get3A_148, %get3A_149, %get3A_150] : memref<16x256x128xf32, #tpu.memory_space<vmem>>, vector<1x256x128xf32>
    %get3A_152 = vector.shape_cast %get3A_151 : vector<1x256x128xf32> to vector<256x128xf32>
    %sub3A_153 = arith.subf %get3A_152, %get3A_1 : vector<256x128xf32>
    %convert_element_type3A_154 = arith.truncf %sub3A_153 : vector<256x128xf32> to vector<256x128xbf16>
    %dot_general3A_155 = arith.constant dense<0.000000e+00> : vector<256x256xf32>
    %dot_general3A_156 = tpu.matmul %convert_element_type3A_154, %convert_element_type3A, %dot_general3A_155 {dimension_numbers = #tpu.dot_dimension_numbers<[1], [1], [0], [0], [0, 0, 1, 0], [], []>, transpose_lhs_hint = false} : vector<256x128xbf16>, vector<256x128xbf16>, vector<256x256xf32> -> vector<256x256xf32>
    %max3A_157 = arith.maximumf %max3A_147, %dot_general3A_156 : vector<256x256xf32>
    %get3A_158 = arith.constant 15 : index
    %get3A_159 = arith.constant 0 : index
    %get3A_160 = arith.constant 0 : index
    %get3A_161 = vector.load %arg1[%get3A_158, %get3A_159, %get3A_160] : memref<16x256x128xf32, #tpu.memory_space<vmem>>, vector<1x256x128xf32>
    %get3A_162 = vector.shape_cast %get3A_161 : vector<1x256x128xf32> to vector<256x128xf32>
    %sub3A_163 = arith.subf %get3A_162, %get3A_1 : vector<256x128xf32>
    %convert_element_type3A_164 = arith.truncf %sub3A_163 : vector<256x128xf32> to vector<256x128xbf16>
    %dot_general3A_165 = arith.constant dense<0.000000e+00> : vector<256x256xf32>
    %dot_general3A_166 = tpu.matmul %convert_element_type3A_164, %convert_element_type3A, %dot_general3A_165 {dimension_numbers = #tpu.dot_dimension_numbers<[1], [1], [0], [0], [0, 0, 1, 0], [], []>, transpose_lhs_hint = false} : vector<256x128xbf16>, vector<256x128xbf16>, vector<256x256xf32> -> vector<256x256xf32>
    %max3A_167 = arith.maximumf %max3A_157, %dot_general3A_166 : vector<256x256xf32>
    %add3A = arith.addf %max3A_167, %dot_general3A_10 : vector<256x256xf32>
    %ge3A = arith.constant 0.000000e+00 : f32
    %ge3A_168 = vector.broadcast %ge3A : f32 to vector<256x256xf32>
    %ge3A_169 = arith.cmpf oge, %add3A, %ge3A_168 : vector<256x256xf32>
    %mul3A = arith.constant 2.000000e-01 : f32
    %mul3A_170 = vector.broadcast %mul3A : f32 to vector<256x256xf32>
    %mul3A_171 = arith.mulf %mul3A_170, %add3A : vector<256x256xf32>
    %select_n3A = arith.select %ge3A_169, %add3A, %mul3A_171 : vector<256x256xi1>, vector<256x256xf32>
    %swap3A = arith.constant 0 : index
    %swap3A_172 = arith.constant 0 : index
    %swap3A_173 = vector.load %arg5[%swap3A, %swap3A_172] : memref<256x256xf32, #tpu.memory_space<vmem>>, vector<256x256xf32>
    tpu.vector_store %arg5[%swap3A, %swap3A_172], %select_n3A {strides = array<i32>} : memref<256x256xf32, #tpu.memory_space<vmem>>, vector<256x256xf32>,
    return
  }
  func.func @transform_0(%arg0: i32) -> (i32, i32, i32) {
    %c0_i32 = arith.constant 0 : i32
    %c0_i32_0 = arith.constant 0 : i32
    %c0_i32_1 = arith.constant 0 : i32
    return %c0_i32, %arg0, %c0_i32_0 : i32, i32, i32
  }
  func.func @transform_1(%arg0: i32) -> (i32, i32) {
    %add3A = arith.constant 64 : i32
    %add3A_0 = arith.addi %arg0, %add3A : i32
    %c0_i32 = arith.constant 0 : i32
    %c0_i32_1 = arith.constant 0 : i32
    return %add3A_0, %c0_i32 : i32, i32
  }
  func.func @transform_2(%arg0: i32) -> (i32, i32) {
    %c0_i32 = arith.constant 0 : i32
    %c0_i32_0 = arith.constant 0 : i32
    %c0_i32_1 = arith.constant 0 : i32
    return %c0_i32, %c0_i32_0 : i32, i32
  }
  func.func @transform_3(%arg0: i32) -> (i32, i32) {
    %c0_i32 = arith.constant 0 : i32
    %c0_i32_0 = arith.constant 0 : i32
    %c0_i32_1 = arith.constant 0 : i32
    return %c0_i32, %c0_i32_0 : i32, i32
  }
  func.func @transform_4(%arg0: i32) -> (i32, i32) {
    %c0_i32 = arith.constant 0 : i32
    %c0_i32_0 = arith.constant 0 : i32
    return %arg0, %c0_i32 : i32, i32
  }
}

module attributes {stable_mosaic.version = 14 : i64} {
  func.func @_proj_pool_body(%arg0: i32, %arg1: memref<1x1024x128xf32, #tpu.memory_space<vmem>>, %arg2: memref<1x1024x128xf32, #tpu.memory_space<vmem>>, %arg3: memref<1x1024x128xf32, #tpu.memory_space<vmem>>, %arg4: memref<1x1024x256xf32, #tpu.memory_space<vmem>>, %arg5: memref<1024x512xf32, #tpu.memory_space<vmem>>, %arg6: memref<1x1024xf32, #tpu.memory_space<vmem>>, %arg7: memref<1x1x1024xf32, #tpu.memory_space<vmem>>, %arg8: memref<1x1x1024xf32, #tpu.memory_space<vmem>>) attributes {dimension_semantics = [#tpu.dimension_semantics<arbitrary>], iteration_bounds = array<i64: 32>, scalar_prefetch = 0 : i64, scratch_operands = 0 : i64, tpu.core_type = #tpu.core_type<tc>, window_params = [{transform_indices = @transform_0, window_bounds = array<i64: 1, 1024, 128>}, {transform_indices = @transform_1, window_bounds = array<i64: 1, 1024, 128>}, {transform_indices = @transform_2, window_bounds = array<i64: 1, 1024, 128>}, {transform_indices = @transform_3, window_bounds = array<i64: 1, 1024, 256>}, {pipeline_mode = #tpu.pipeline_mode<synchronous>, transform_indices = @transform_4, window_bounds = array<i64: 1024, 512>}, {pipeline_mode = #tpu.pipeline_mode<synchronous>, transform_indices = @transform_5, window_bounds = array<i64: 1, 1024>}, {transform_indices = @transform_6, window_bounds = array<i64: 1, 1, 1024>}, {transform_indices = @transform_7, window_bounds = array<i64: 1, 1, 1024>}]} {
    %get3A = arith.constant 0 : index
    %get3A_0 = arith.constant 0 : index
    %get3A_1 = arith.constant 0 : index
    %get3A_2 = vector.load %arg1[%get3A, %get3A_0, %get3A_1] : memref<1x1024x128xf32, #tpu.memory_space<vmem>>, vector<1x1024x128xf32>
    %get3A_3 = vector.shape_cast %get3A_2 : vector<1x1024x128xf32> to vector<1024x128xf32>
    %slice3A = vector.extract_strided_slice %get3A_3 {offsets = [0, 0], sizes = [1024, 64], strides = [1, 1]} : vector<1024x128xf32> to vector<1024x64xf32>
    %get3A_4 = arith.constant 0 : index
    %get3A_5 = arith.constant 0 : index
    %get3A_6 = arith.constant 0 : index
    %get3A_7 = vector.load %arg2[%get3A_4, %get3A_5, %get3A_6] : memref<1x1024x128xf32, #tpu.memory_space<vmem>>, vector<1x1024x128xf32>
    %get3A_8 = vector.shape_cast %get3A_7 : vector<1x1024x128xf32> to vector<1024x128xf32>
    %slice3A_9 = vector.extract_strided_slice %get3A_8 {offsets = [0, 0], sizes = [1024, 64], strides = [1, 1]} : vector<1024x128xf32> to vector<1024x64xf32>
    %get3A_10 = arith.constant 0 : index
    %get3A_11 = arith.constant 0 : index
    %get3A_12 = arith.constant 0 : index
    %get3A_13 = vector.load %arg3[%get3A_10, %get3A_11, %get3A_12] : memref<1x1024x128xf32, #tpu.memory_space<vmem>>, vector<1x1024x128xf32>
    %get3A_14 = vector.shape_cast %get3A_13 : vector<1x1024x128xf32> to vector<1024x128xf32>
    %get3A_15 = arith.constant 0 : index
    %get3A_16 = arith.constant 0 : index
    %get3A_17 = arith.constant 0 : index
    %get3A_18 = vector.load %arg4[%get3A_15, %get3A_16, %get3A_17] : memref<1x1024x256xf32, #tpu.memory_space<vmem>>, vector<1x1024x256xf32>
    %get3A_19 = vector.shape_cast %get3A_18 : vector<1x1024x256xf32> to vector<1024x256xf32>
    %concatenate3A = tpu.concatenate %slice3A, %slice3A_9, %get3A_14, %get3A_19 in 1 : vector<1024x64xf32>, vector<1024x64xf32>, vector<1024x128xf32>, vector<1024x256xf32> -> vector<1024x512xf32>
    %convert_element_type3A = arith.truncf %concatenate3A : vector<1024x512xf32> to vector<1024x512xbf16>
    %get3A_20 = arith.constant 0 : index
    %get3A_21 = arith.constant 0 : index
    %get3A_22 = vector.load %arg5[%get3A_20, %get3A_21] : memref<1024x512xf32, #tpu.memory_space<vmem>>, vector<1024x512xf32>
    %convert_element_type3A_23 = arith.truncf %get3A_22 : vector<1024x512xf32> to vector<1024x512xbf16>
    %dot_general3A = arith.constant dense<0.000000e+00> : vector<1024x1024xf32>
    %dot_general3A_24 = tpu.matmul %convert_element_type3A, %convert_element_type3A_23, %dot_general3A {dimension_numbers = #tpu.dot_dimension_numbers<[1], [1], [0], [0], [0, 0, 1, 0], [], []>, transpose_lhs_hint = false} : vector<1024x512xbf16>, vector<1024x512xbf16>, vector<1024x1024xf32> -> vector<1024x1024xf32>
    %get3A_25 = arith.constant 0 : index
    %get3A_26 = arith.constant 0 : index
    %get3A_27 = vector.load %arg6[%get3A_25, %get3A_26] : memref<1x1024xf32, #tpu.memory_space<vmem>>, vector<1x1024xf32>
    %add3A = vector.broadcast %get3A_27 : vector<1x1024xf32> to vector<1024x1024xf32>
    %add3A_28 = arith.addf %dot_general3A_24, %add3A : vector<1024x1024xf32>
    %reduce_max3A = arith.constant dense<0xFF800000> : vector<1024xf32>
    %reduce_max3A_29 = vector.multi_reduction <maximumf>, %add3A_28, %reduce_max3A [0] : vector<1024x1024xf32> to vector<1024xf32>
    %broadcast_in_dim3A = vector.shape_cast %reduce_max3A_29 : vector<1024xf32> to vector<1x1024xf32>
    %swap3A = arith.constant 0 : index
    %swap3A_30 = arith.constant 0 : index
    %swap3A_31 = arith.constant 0 : index
    %swap3A_32 = vector.load %arg7[%swap3A, %swap3A_30, %swap3A_31] : memref<1x1x1024xf32, #tpu.memory_space<vmem>>, vector<1x1x1024xf32>
    %swap3A_33 = vector.shape_cast %swap3A_32 : vector<1x1x1024xf32> to vector<1x1024xf32>
    %swap3A_34 = vector.shape_cast %broadcast_in_dim3A : vector<1x1024xf32> to vector<1x1x1024xf32>
    tpu.vector_store %arg7[%swap3A, %swap3A_30, %swap3A_31], %swap3A_34 {strides = array<i32>} : memref<1x1x1024xf32, #tpu.memory_space<vmem>>, vector<1x1x1024xf32>,
    %reduce_sum3A = arith.constant dense<0.000000e+00> : vector<1024xf32>
    %reduce_sum3A_35 = vector.multi_reduction <add>, %add3A_28, %reduce_sum3A [0] : vector<1024x1024xf32> to vector<1024xf32>
    %broadcast_in_dim3A_36 = vector.shape_cast %reduce_sum3A_35 : vector<1024xf32> to vector<1x1024xf32>
    %mul3A = arith.constant 9.765625E-4 : f32
    %mul3A_37 = vector.broadcast %mul3A : f32 to vector<1x1024xf32>
    %mul3A_38 = arith.mulf %broadcast_in_dim3A_36, %mul3A_37 : vector<1x1024xf32>
    %swap3A_39 = arith.constant 0 : index
    %swap3A_40 = arith.constant 0 : index
    %swap3A_41 = arith.constant 0 : index
    %swap3A_42 = vector.load %arg8[%swap3A_39, %swap3A_40, %swap3A_41] : memref<1x1x1024xf32, #tpu.memory_space<vmem>>, vector<1x1x1024xf32>
    %swap3A_43 = vector.shape_cast %swap3A_42 : vector<1x1x1024xf32> to vector<1x1024xf32>
    %swap3A_44 = vector.shape_cast %mul3A_38 : vector<1x1024xf32> to vector<1x1x1024xf32>
    tpu.vector_store %arg8[%swap3A_39, %swap3A_40, %swap3A_41], %swap3A_44 {strides = array<i32>} : memref<1x1x1024xf32, #tpu.memory_space<vmem>>, vector<1x1x1024xf32>,
    return
  }
  func.func @transform_0(%arg0: i32) -> (i32, i32, i32) {
    %c0_i32 = arith.constant 0 : i32
    %c0_i32_0 = arith.constant 0 : i32
    %c0_i32_1 = arith.constant 0 : i32
    return %arg0, %c0_i32, %c0_i32_0 : i32, i32, i32
  }
  func.func @transform_1(%arg0: i32) -> (i32, i32, i32) {
    %c0_i32 = arith.constant 0 : i32
    %c0_i32_0 = arith.constant 0 : i32
    %c0_i32_1 = arith.constant 0 : i32
    return %arg0, %c0_i32, %c0_i32_0 : i32, i32, i32
  }
  func.func @transform_2(%arg0: i32) -> (i32, i32, i32) {
    %c0_i32 = arith.constant 0 : i32
    %c0_i32_0 = arith.constant 0 : i32
    %c0_i32_1 = arith.constant 0 : i32
    return %arg0, %c0_i32, %c0_i32_0 : i32, i32, i32
  }
  func.func @transform_3(%arg0: i32) -> (i32, i32, i32) {
    %c0_i32 = arith.constant 0 : i32
    %c0_i32_0 = arith.constant 0 : i32
    %c0_i32_1 = arith.constant 0 : i32
    return %arg0, %c0_i32, %c0_i32_0 : i32, i32, i32
  }
  func.func @transform_4(%arg0: i32) -> (i32, i32) {
    %c0_i32 = arith.constant 0 : i32
    %c0_i32_0 = arith.constant 0 : i32
    %c0_i32_1 = arith.constant 0 : i32
    return %c0_i32, %c0_i32_0 : i32, i32
  }
  func.func @transform_5(%arg0: i32) -> (i32, i32) {
    %c0_i32 = arith.constant 0 : i32
    %c0_i32_0 = arith.constant 0 : i32
    %c0_i32_1 = arith.constant 0 : i32
    return %c0_i32, %c0_i32_0 : i32, i32
  }
  func.func @transform_6(%arg0: i32) -> (i32, i32, i32) {
    %c0_i32 = arith.constant 0 : i32
    %c0_i32_0 = arith.constant 0 : i32
    %c0_i32_1 = arith.constant 0 : i32
    return %arg0, %c0_i32, %c0_i32_0 : i32, i32, i32
  }
  func.func @transform_7(%arg0: i32) -> (i32, i32, i32) {
    %c0_i32 = arith.constant 0 : i32
    %c0_i32_0 = arith.constant 0 : i32
    %c0_i32_1 = arith.constant 0 : i32
    return %arg0, %c0_i32, %c0_i32_0 : i32, i32, i32
  }
}

module attributes {stable_mosaic.version = 14 : i64} {
  func.func @_mlp_body(%arg0: memref<32x1024xf32, #tpu.memory_space<vmem>>, %arg1: memref<32x1024xf32, #tpu.memory_space<vmem>>, %arg2: memref<512x2048xf32, #tpu.memory_space<vmem>>, %arg3: memref<1x512xf32, #tpu.memory_space<vmem>>, %arg4: memref<1x512xf32, #tpu.memory_space<vmem>>, %arg5: memref<1x512xf32, #tpu.memory_space<vmem>>, %arg6: memref<256x512xf32, #tpu.memory_space<vmem>>, %arg7: memref<1x256xf32, #tpu.memory_space<vmem>>, %arg8: memref<1x256xf32, #tpu.memory_space<vmem>>, %arg9: memref<1x256xf32, #tpu.memory_space<vmem>>, %arg10: memref<40x256xf32, #tpu.memory_space<vmem>>, %arg11: memref<1x40xf32, #tpu.memory_space<vmem>>, %arg12: memref<32x40xf32, #tpu.memory_space<vmem>>) attributes {dimension_semantics = [], scalar_prefetch = 0 : i64, scratch_operands = 0 : i64, tpu.core_type = #tpu.core_type<tc>} {
    %get3A = arith.constant 0 : index
    %get3A_0 = arith.constant 0 : index
    %get3A_1 = vector.load %arg0[%get3A, %get3A_0] : memref<32x1024xf32, #tpu.memory_space<vmem>>, vector<32x1024xf32>
    %get3A_2 = arith.constant 0 : index
    %get3A_3 = arith.constant 0 : index
    %get3A_4 = vector.load %arg1[%get3A_2, %get3A_3] : memref<32x1024xf32, #tpu.memory_space<vmem>>, vector<32x1024xf32>
    %concatenate3A = tpu.concatenate %get3A_1, %get3A_4 in 1 : vector<32x1024xf32>, vector<32x1024xf32> -> vector<32x2048xf32>
    %convert_element_type3A = arith.truncf %concatenate3A : vector<32x2048xf32> to vector<32x2048xbf16>
    %get3A_5 = arith.constant 0 : index
    %get3A_6 = arith.constant 0 : index
    %get3A_7 = vector.load %arg2[%get3A_5, %get3A_6] : memref<512x2048xf32, #tpu.memory_space<vmem>>, vector<512x2048xf32>
    %convert_element_type3A_8 = arith.truncf %get3A_7 : vector<512x2048xf32> to vector<512x2048xbf16>
    %dot_general3A = arith.constant dense<0.000000e+00> : vector<32x512xf32>
    %dot_general3A_9 = tpu.matmul %convert_element_type3A, %convert_element_type3A_8, %dot_general3A {dimension_numbers = #tpu.dot_dimension_numbers<[1], [1], [0], [0], [0, 0, 1, 0], [], []>, transpose_lhs_hint = false} : vector<32x2048xbf16>, vector<512x2048xbf16>, vector<32x512xf32> -> vector<32x512xf32>
    %get3A_10 = arith.constant 0 : index
    %get3A_11 = arith.constant 0 : index
    %get3A_12 = vector.load %arg3[%get3A_10, %get3A_11] : memref<1x512xf32, #tpu.memory_space<vmem>>, vector<1x512xf32>
    %add3A = vector.broadcast %get3A_12 : vector<1x512xf32> to vector<32x512xf32>
    %add3A_13 = arith.addf %dot_general3A_9, %add3A : vector<32x512xf32>
    %reduce_sum3A = arith.constant dense<0.000000e+00> : vector<512xf32>
    %reduce_sum3A_14 = vector.multi_reduction <add>, %add3A_13, %reduce_sum3A [0] : vector<32x512xf32> to vector<512xf32>
    %broadcast_in_dim3A = vector.shape_cast %reduce_sum3A_14 : vector<512xf32> to vector<1x512xf32>
    %mul3A = arith.constant 3.125000e-02 : f32
    %mul3A_15 = vector.broadcast %mul3A : f32 to vector<1x512xf32>
    %mul3A_16 = arith.mulf %broadcast_in_dim3A, %mul3A_15 : vector<1x512xf32>
    %sub3A = vector.broadcast %mul3A_16 : vector<1x512xf32> to vector<32x512xf32>
    %sub3A_17 = arith.subf %add3A_13, %sub3A : vector<32x512xf32>
    %mul3A_18 = arith.mulf %sub3A_17, %sub3A_17 : vector<32x512xf32>
    %reduce_sum3A_19 = arith.constant dense<0.000000e+00> : vector<512xf32>
    %reduce_sum3A_20 = vector.multi_reduction <add>, %mul3A_18, %reduce_sum3A_19 [0] : vector<32x512xf32> to vector<512xf32>
    %broadcast_in_dim3A_21 = vector.shape_cast %reduce_sum3A_20 : vector<512xf32> to vector<1x512xf32>
    %mul3A_22 = arith.constant 3.125000e-02 : f32
    %mul3A_23 = vector.broadcast %mul3A_22 : f32 to vector<1x512xf32>
    %mul3A_24 = arith.mulf %broadcast_in_dim3A_21, %mul3A_23 : vector<1x512xf32>
    %add3A_25 = arith.constant 9.99999974E-6 : f32
    %add3A_26 = vector.broadcast %add3A_25 : f32 to vector<1x512xf32>
    %add3A_27 = arith.addf %mul3A_24, %add3A_26 : vector<1x512xf32>
    %sqrt3A = math.sqrt %add3A_27 : vector<1x512xf32>
    %div3A = vector.broadcast %sqrt3A : vector<1x512xf32> to vector<32x512xf32>
    %div3A_28 = arith.divf %sub3A_17, %div3A : vector<32x512xf32>
    %get3A_29 = arith.constant 0 : index
    %get3A_30 = arith.constant 0 : index
    %get3A_31 = vector.load %arg4[%get3A_29, %get3A_30] : memref<1x512xf32, #tpu.memory_space<vmem>>, vector<1x512xf32>
    %mul3A_32 = vector.broadcast %get3A_31 : vector<1x512xf32> to vector<32x512xf32>
    %mul3A_33 = arith.mulf %div3A_28, %mul3A_32 : vector<32x512xf32>
    %get3A_34 = arith.constant 0 : index
    %get3A_35 = arith.constant 0 : index
    %get3A_36 = vector.load %arg5[%get3A_34, %get3A_35] : memref<1x512xf32, #tpu.memory_space<vmem>>, vector<1x512xf32>
    %add3A_37 = vector.broadcast %get3A_36 : vector<1x512xf32> to vector<32x512xf32>
    %add3A_38 = arith.addf %mul3A_33, %add3A_37 : vector<32x512xf32>
    %ge3A = arith.constant 0.000000e+00 : f32
    %ge3A_39 = vector.broadcast %ge3A : f32 to vector<32x512xf32>
    %ge3A_40 = arith.cmpf oge, %add3A_38, %ge3A_39 : vector<32x512xf32>
    %mul3A_41 = arith.constant 2.000000e-01 : f32
    %mul3A_42 = vector.broadcast %mul3A_41 : f32 to vector<32x512xf32>
    %mul3A_43 = arith.mulf %mul3A_42, %add3A_38 : vector<32x512xf32>
    %select_n3A = arith.select %ge3A_40, %add3A_38, %mul3A_43 : vector<32x512xi1>, vector<32x512xf32>
    %convert_element_type3A_44 = arith.truncf %select_n3A : vector<32x512xf32> to vector<32x512xbf16>
    %get3A_45 = arith.constant 0 : index
    %get3A_46 = arith.constant 0 : index
    %get3A_47 = vector.load %arg6[%get3A_45, %get3A_46] : memref<256x512xf32, #tpu.memory_space<vmem>>, vector<256x512xf32>
    %convert_element_type3A_48 = arith.truncf %get3A_47 : vector<256x512xf32> to vector<256x512xbf16>
    %dot_general3A_49 = arith.constant dense<0.000000e+00> : vector<32x256xf32>
    %dot_general3A_50 = tpu.matmul %convert_element_type3A_44, %convert_element_type3A_48, %dot_general3A_49 {dimension_numbers = #tpu.dot_dimension_numbers<[1], [1], [0], [0], [0, 0, 1, 0], [], []>, transpose_lhs_hint = false} : vector<32x512xbf16>, vector<256x512xbf16>, vector<32x256xf32> -> vector<32x256xf32>
    %get3A_51 = arith.constant 0 : index
    %get3A_52 = arith.constant 0 : index
    %get3A_53 = vector.load %arg7[%get3A_51, %get3A_52] : memref<1x256xf32, #tpu.memory_space<vmem>>, vector<1x256xf32>
    %add3A_54 = vector.broadcast %get3A_53 : vector<1x256xf32> to vector<32x256xf32>
    %add3A_55 = arith.addf %dot_general3A_50, %add3A_54 : vector<32x256xf32>
    %reduce_sum3A_56 = arith.constant dense<0.000000e+00> : vector<256xf32>
    %reduce_sum3A_57 = vector.multi_reduction <add>, %add3A_55, %reduce_sum3A_56 [0] : vector<32x256xf32> to vector<256xf32>
    %broadcast_in_dim3A_58 = vector.shape_cast %reduce_sum3A_57 : vector<256xf32> to vector<1x256xf32>
    %mul3A_59 = arith.constant 3.125000e-02 : f32
    %mul3A_60 = vector.broadcast %mul3A_59 : f32 to vector<1x256xf32>
    %mul3A_61 = arith.mulf %broadcast_in_dim3A_58, %mul3A_60 : vector<1x256xf32>
    %sub3A_62 = vector.broadcast %mul3A_61 : vector<1x256xf32> to vector<32x256xf32>
    %sub3A_63 = arith.subf %add3A_55, %sub3A_62 : vector<32x256xf32>
    %mul3A_64 = arith.mulf %sub3A_63, %sub3A_63 : vector<32x256xf32>
    %reduce_sum3A_65 = arith.constant dense<0.000000e+00> : vector<256xf32>
    %reduce_sum3A_66 = vector.multi_reduction <add>, %mul3A_64, %reduce_sum3A_65 [0] : vector<32x256xf32> to vector<256xf32>
    %broadcast_in_dim3A_67 = vector.shape_cast %reduce_sum3A_66 : vector<256xf32> to vector<1x256xf32>
    %mul3A_68 = arith.constant 3.125000e-02 : f32
    %mul3A_69 = vector.broadcast %mul3A_68 : f32 to vector<1x256xf32>
    %mul3A_70 = arith.mulf %broadcast_in_dim3A_67, %mul3A_69 : vector<1x256xf32>
    %add3A_71 = arith.constant 9.99999974E-6 : f32
    %add3A_72 = vector.broadcast %add3A_71 : f32 to vector<1x256xf32>
    %add3A_73 = arith.addf %mul3A_70, %add3A_72 : vector<1x256xf32>
    %sqrt3A_74 = math.sqrt %add3A_73 : vector<1x256xf32>
    %div3A_75 = vector.broadcast %sqrt3A_74 : vector<1x256xf32> to vector<32x256xf32>
    %div3A_76 = arith.divf %sub3A_63, %div3A_75 : vector<32x256xf32>
    %get3A_77 = arith.constant 0 : index
    %get3A_78 = arith.constant 0 : index
    %get3A_79 = vector.load %arg8[%get3A_77, %get3A_78] : memref<1x256xf32, #tpu.memory_space<vmem>>, vector<1x256xf32>
    %mul3A_80 = vector.broadcast %get3A_79 : vector<1x256xf32> to vector<32x256xf32>
    %mul3A_81 = arith.mulf %div3A_76, %mul3A_80 : vector<32x256xf32>
    %get3A_82 = arith.constant 0 : index
    %get3A_83 = arith.constant 0 : index
    %get3A_84 = vector.load %arg9[%get3A_82, %get3A_83] : memref<1x256xf32, #tpu.memory_space<vmem>>, vector<1x256xf32>
    %add3A_85 = vector.broadcast %get3A_84 : vector<1x256xf32> to vector<32x256xf32>
    %add3A_86 = arith.addf %mul3A_81, %add3A_85 : vector<32x256xf32>
    %ge3A_87 = arith.constant 0.000000e+00 : f32
    %ge3A_88 = vector.broadcast %ge3A_87 : f32 to vector<32x256xf32>
    %ge3A_89 = arith.cmpf oge, %add3A_86, %ge3A_88 : vector<32x256xf32>
    %mul3A_90 = arith.constant 2.000000e-01 : f32
    %mul3A_91 = vector.broadcast %mul3A_90 : f32 to vector<32x256xf32>
    %mul3A_92 = arith.mulf %mul3A_91, %add3A_86 : vector<32x256xf32>
    %select_n3A_93 = arith.select %ge3A_89, %add3A_86, %mul3A_92 : vector<32x256xi1>, vector<32x256xf32>
    %convert_element_type3A_94 = arith.truncf %select_n3A_93 : vector<32x256xf32> to vector<32x256xbf16>
    %get3A_95 = arith.constant 0 : index
    %get3A_96 = arith.constant 0 : index
    %get3A_97 = vector.load %arg10[%get3A_95, %get3A_96] : memref<40x256xf32, #tpu.memory_space<vmem>>, vector<40x256xf32>
    %convert_element_type3A_98 = arith.truncf %get3A_97 : vector<40x256xf32> to vector<40x256xbf16>
    %dot_general3A_99 = arith.constant dense<0.000000e+00> : vector<32x40xf32>
    %dot_general3A_100 = tpu.matmul %convert_element_type3A_94, %convert_element_type3A_98, %dot_general3A_99 {dimension_numbers = #tpu.dot_dimension_numbers<[1], [1], [0], [0], [0, 0, 1, 0], [], []>, transpose_lhs_hint = false} : vector<32x256xbf16>, vector<40x256xbf16>, vector<32x40xf32> -> vector<32x40xf32>
    %get3A_101 = arith.constant 0 : index
    %get3A_102 = arith.constant 0 : index
    %get3A_103 = vector.load %arg11[%get3A_101, %get3A_102] : memref<1x40xf32, #tpu.memory_space<vmem>>, vector<1x40xf32>
    %add3A_104 = vector.broadcast %get3A_103 : vector<1x40xf32> to vector<32x40xf32>
    %add3A_105 = arith.addf %dot_general3A_100, %add3A_104 : vector<32x40xf32>
    %swap3A = arith.constant 0 : index
    %swap3A_106 = arith.constant 0 : index
    %swap3A_107 = vector.load %arg12[%swap3A, %swap3A_106] : memref<32x40xf32, #tpu.memory_space<vmem>>, vector<32x40xf32>
    tpu.vector_store %arg12[%swap3A, %swap3A_106], %add3A_105 {strides = array<i32>} : memref<32x40xf32, #tpu.memory_space<vmem>>, vector<32x40xf32>,
    return
  }
}

</mosaic_0001>

<sc_bundles>
// kernel: kernel.28.cloned.1.call-start
scs
__scs_entry_jumppad:
0x0: {  	(pc) =	sbr.rel $0x88, $3  }
0x1: {  	(tag) =	ssettag $0x0;
	lr =	simm.s32 $0x1  }
0x2: {  	[smem:$0x3F8C] =	sst lr;
	_ =	strace $0xD0000000  }
0x3: {  	_ = 	snop  }
0x4: {  	_ = 	snop  }
0x5: {  	_ = 	snop  }
0x6: {  	_ = 	snop  }
0x7: {  	_ = 	snop  }
__scs_overlays_trampoline_lowered:
0x8: {  	[smem:$0x3F9B] =	sst s0  }
0x9: {  	[smem:$0x3F9C] =	sst s1  }
0xa: {  	[smem:$0x3F9D] =	sst s2  }
0xb: {  	[smem:$0x3F9E] =	sst s3  }
0xc: {  	[smem:$0x3F9F] =	sst s4  }
0xd: {  	[smem:$0x3FA0] =	sst s5  }
0xe: {  	[smem:$0x3FA1] =	sst s6  }
0xf: {  	[smem:$0x3FA2] =	sst s7  }
0x10: {  	[smem:$0x3FA3] =	sst s8  }
0x11: {  	[smem:$0x3FA4] =	sst s9;
	s0 =	simm.s32 @!p0 $0x0  }
0x12: {  	s1 =	sld [smem:$0x3F8A];
	s0 =	simm.s32 @p0 $0x1  }
0x13: {  	[smem:$0x3FA5] =	sst s0;
	s0 =	simm.s32 @!p1 $0x0  }
0x14: {  	s2 =	sld [smem:$0x3F89];
	s0 =	simm.s32 @p1 $0x1  }
0x15: {  	[smem:$0x3FA6] =	sst s0;
	s0 =	simm.s32 @!p2 $0x0  }
0x16: {  	s3 =	sld [smem:$0x3FDB];
	s0 =	simm.s32 @p2 $0x1  }
0x17: {  	s4 =	simm.s32 $0x1BF5;
	[smem:$0x3FA8] =	sst s0  }
0x18: {  	s0 =	sld [smem:$0x3F8B];
	_ =	swait.ge [sflag:s4], $0x0  }
0x19: {  	s7 =	sld [smem:$0x3F8C]  }
0x1a: {  	s8 =	sadd.s32 $0xFFFFE003, lr  }
0x1b: {  	s9 =	sadd.s32 $0xFFFFFEF7, lr;
	s5 =	simm.s32 $0xFFFFFFFF;
	p2 =	slt.u32 s8, $0xFFFFF086  }
0x1c: {  	p1 =	slt.u32 s9, $0xF7A;
	s5 =	simm.s32 @!p2 $0x0  }
0x1d: {  	s5 =	simm.s32 @p1 $0x1;
	p0 =	seq.s32 s7, s2  }
0x1e: {  	s7 =	smul.u32 @!p0 $0xF7A, s2;
	p2 =	seq.s32 @!p0 s5, $0x0  }
0x1f: {  	s9 =	smul.u32 $0xF7A, s1;
	s8 =	simm.s32 @!p0 $0x1BF5;
	p2 =	por !p2, p0  }
0x20: {  	[sflag:s8] =	ssyncset.s32 @!p0 $0xFFFFF086;
	s6 =	sadd.s32 @!p0 s3, s7;
	s7 =	simm.s32 @!p0 $0x108  }
0x21: {  	s3 =	sadd.s32 s3, s9;
	s6 =	sadd.s32 @!p0 $0x88, s6;
	s7 =	simm.s32 @p2 $0x1082  }
0x22: {  	[simem:s7], [sflag:s8] =	dma.local @!p0 [hbm:s6], $0xF7A  }
0x23: {  	s9 =	sor.u32 $0xD0000000, s2;
	s6 =	simm.s32 $0x108;
	_ =	swait.ge @!p0 [sflag:s8], $0x0  }
0x24: {  	s3 =	sadd.s32 $0x88, s3;
	s6 =	simm.s32 @!p1 $0x1082;
	[sflag:s4] =	ssyncset.s32 $0xFFFFF086  }
0x25: {  	[simem:s6], [sflag:s4] =	dma.local [hbm:s3], $0xF7A  }
0x26: {  	[smem:$0x3F8C] =	sst s1;
	(tag) =	ssettag s2;
	_ =	strace s9  }
0x27: {  	s1 =	sld [smem:$0x3F9C]  }
0x28: {  	s2 =	sld [smem:$0x3F9D]  }
0x29: {  	s4 =	sld [smem:$0x3F9F]  }
0x2a: {  	p0 =	seq.s32 s5, $0x0;
	s5 =	sld [smem:$0x3FA0]  }
0x2b: {  	s6 =	sld [smem:$0x3FA1]  }
0x2c: {  	s7 =	sld [smem:$0x3FA2]  }
0x2d: {  	s3 =	simm.s32 $0x108;
	s8 =	sld [smem:$0x3FA3]  }
0x2e: {  	s3 =	simm.s32 @!p0 $0x1082;
	s9 =	sld [smem:$0x3FA4]  }
0x2f: {  	lr =	sadd.s32 s0, s3;
	s0 =	sld [smem:$0x3F9B]  }
0x30: {  	s3 =	sld [smem:$0x3F9E]  }
0x31: {  	[smem:$0x3FA7] =	sst s10  }
0x32: {  	s10 =	sld [smem:$0x3FA5];
	_ =	sdelay $0x3  }
0x33: {  	p0 =	seq.s32 s10, $0x1;
	s10 =	sld [smem:$0x3FA7];
	_ =	sdelay $0x3  }
0x34: {  	[smem:$0x3FA7] =	sst s10  }
0x35: {  	s10 =	sld [smem:$0x3FA6];
	_ =	sdelay $0x3  }
0x36: {  	p1 =	seq.s32 s10, $0x1;
	s10 =	sld [smem:$0x3FA7];
	_ =	sdelay $0x3  }
0x37: {  	[smem:$0x3FA7] =	sst s10  }
0x38: {  	s10 =	sld [smem:$0x3FA8]  }
0x39: {  	_ = 	snop;
	(pc) =	sbr.ind lr, $3  }
0x3a: {  	_ = 	snop  }
0x3b: {  	_ = 	snop  }
0x3c: {  	p2 =	seq.s32 s10, $0x1;
	s10 =	sld [smem:$0x3FA7]  }
0x3d: {  	_ =	shalt  }
0x3e: {  	_ =	shalt  }
0x3f: {  	_ =	shalt  }
0x40: {  	_ =	shalt  }
0x41: {  	_ =	shalt  }
0x42: {  	_ =	shalt  }
0x43: {  	_ =	shalt  }
0x44: {  	_ =	shalt  }
0x45: {  	_ =	shalt  }
0x46: {  	_ =	shalt  }
0x47: {  	_ =	shalt  }
0x48: {  	_ =	shalt  }
0x49: {  	_ =	shalt  }
0x4a: {  	_ =	shalt  }
0x4b: {  	_ =	shalt  }
0x4c: {  	_ =	shalt  }
0x4d: {  	_ =	shalt  }
0x4e: {  	_ =	shalt  }
0x4f: {  	_ =	shalt  }
0x50: {  	_ =	shalt  }
0x51: {  	_ =	shalt  }
0x52: {  	_ =	shalt  }
0x53: {  	_ =	shalt  }
0x54: {  	_ =	shalt  }
0x55: {  	_ =	shalt  }
0x56: {  	_ =	shalt  }
0x57: {  	_ =	shalt  }
0x58: {  	_ =	shalt  }
0x59: {  	_ =	shalt  }
0x5a: {  	_ =	shalt  }
0x5b: {  	_ =	shalt  }
0x5c: {  	_ =	shalt  }
0x5d: {  	_ =	shalt  }
0x5e: {  	_ =	shalt  }
0x5f: {  	_ =	shalt  }
0x60: {  	_ =	shalt  }
0x61: {  	_ =	shalt  }
0x62: {  	_ =	shalt  }
0x63: {  	_ =	shalt  }
0x64: {  	_ =	shalt  }
0x65: {  	_ =	shalt  }
0x66: {  	_ =	shalt  }
0x67: {  	_ =	shalt  }
0x68: {  	_ =	shalt  }
0x69: {  	_ =	shalt  }
0x6a: {  	_ =	shalt  }
0x6b: {  	_ =	shalt  }
0x6c: {  	_ =	shalt  }
0x6d: {  	_ =	shalt  }
0x6e: {  	_ =	shalt  }
0x6f: {  	_ =	shalt  }
0x70: {  	_ =	shalt  }
0x71: {  	_ =	shalt  }
0x72: {  	_ =	shalt  }
0x73: {  	_ =	shalt  }
0x74: {  	_ =	shalt  }
0x75: {  	_ =	shalt  }
0x76: {  	_ =	shalt  }
0x77: {  	_ =	shalt  }
0x78: {  	_ =	shalt  }
0x79: {  	_ =	shalt  }
0x7a: {  	_ =	shalt  }
0x7b: {  	_ =	shalt  }
0x7c: {  	_ =	shalt  }
0x7d: {  	_ =	shalt  }
0x7e: {  	_ =	shalt  }
0x7f: {  	_ =	shalt  }
0x80: {  	_ =	shalt  }
0x81: {  	_ =	shalt  }
0x82: {  	_ =	shalt  }
0x83: {  	_ =	shalt  }
0x84: {  	_ =	shalt  }
0x85: {  	_ =	shalt  }
0x86: {  	_ =	shalt  }
0x87: {  	_ =	shalt  }
.Lfunc_end0:
.L_simem_size_0:
called_computation_lowered:
.L_overlay_start_0:
0x88: {  	s2 =	sld [smem:$0x3FD9]  }
0x89: {  	s3 =	sld [smem:$0x3FFE];
	_ =	sdelay $0x1  }
0x8a: {  	s1 =	srdreg.scid  }
0x8b: {  	s0 =	sand.u32 $0x1, s1  }
0x8c: {  	s16 =	sshll.u32 s0, $0xA;
	s2 =	sadd.s32 s3, s2  }
0x8d: {  	s2 =	sadd.s32 s2, s16  }
0x8e: {  	[smem:$0x3FB3] =	sst s2  }
0x8f: {  	_ = 	snop  }
0x90: {  	(tm) =	ssettm $0x1  }
0x91: {  	s17 =	sld [smem:$0x3FFB];
	_ =	sdelay $0x3  }
0x92: {  	_ =	strace s17  }
0x93: {  	s2 =	sld [smem:$0x3FFC];
	_ =	sdelay $0x3  }
0x94: {  	_ =	strace s2  }
0x95: {  	s2 =	sld [smem:$0x3FFD];
	_ =	sdelay $0x3  }
0x96: {  	_ =	strace s2  }
0x97: {  	_ =	strace $0x8FFFFFFF  }
0x98: {  	s18 =	sld [smem:$0x3FDB];
	_ =	sdelay $0x1  }
0x99: {  	s19 =	simm.s32 $_scs_section_size  }
0x9a: {  	s4 =	simm.s32 $_size__tile_overlayer_lowered;
	s5 =	simm.s32 $_tile_overlayer_lowered  }
0x9b: {  	s22 =	simm.s32 $0x1BFF;
	s21 =	sshll.u32 s5, $0x1;
	s2 =	sadd.s32 s19, s18  }
0x9c: {  	s6 =	simm.s32 $0x0;
	s20 =	sshll.u32 s4, $0x1;
	s4 =	sadd.s32 s21, s2  }
0x9d: {  	[timem:s6], [sflag:s22] =	dma.local [hbm:s4], s20  }
0x9e: {  	_ =	swait.ge [sflag:s22], s20  }
0x9f: {  	s3 =	ssub.s32 $0x0, s20;
	[sflag:s22] =	ssyncset.done $0x0  }
0xa0: {  	[sflag:s22] =	ssyncadd.s32 s3;
	_ =	sdelay $0x1  }
0xa1: {  	s23 =	simm.s32 $0x1B8B  }
0xa2: {  	_ =	swait.ge [sflag:s23], $0x1  }
0xa3: {  	[sflag:s23] =	ssyncset.done $0x0  }
0xa4: {  	s25 =	simm.s32 $0x1B8E;
	s24 =	sld [smem:$0x3FFE];
	[sflag:s23] =	ssyncadd.s32 $0xFFFFFFFF  }
0xa5: {  	s26 =	simm.s32 $execute0_lowered;
	[smem:$0x3FD2] =	sst s25  }
0xa6: {  	s4 =	sshll.u32 s26, $0x1;
	_ =	strace $0x80000046;
	[dreg:$0x1] =	wrdreg $0xFFFFFFFF  }
0xa7: {  	s28 =	simm.s32 $_size_execute0_lowered;
	s2 =	sadd.s32 s2, s4;
	[dreg:$0x0] =	wrdreg $0x0  }
0xa8: {  	s4 =	sshll.u32 s28, $0x1;
	[dreg:$0x2] =	wrdreg s2  }
0xa9: {  	[dreg:$0x3] =	wrdreg s4  }
0xaa: {  	[dreg:$0x4] =	wrdreg $0xC0  }
0xab: {  	_ =	task [dreg:s6], $0x5FFFF  }
0xac: {  	[dreg:$0x1] =	wrdreg $0xFFFFFFFF  }
0xad: {  	[dreg:$0x0] =	wrdreg $0x60  }
0xae: {  	[dreg:$0x2] =	wrdreg s24  }
0xaf: {  	[dreg:$0x3] =	wrdreg $0x9  }
0xb0: {  	_ =	task.clear_ibuf [dreg:s6], $0x4FFFF;
	_ =	strace $0x90000046  }
0xb1: {  	s29 =	simm.s32 $0x9;
	_ =	strace $0x80000048  }
0xb2: {  	_ =	swait.ge [sflag:s29], $0x1  }
0xb3: {  	[sflag:s29] =	ssyncadd.s32 $0xFFFFFFFF  }
0xb4: {  	_ =	strace $0x90000048  }
0xb5: {  	_ =	sfence  }
0xb6: {  	s30 =	sld [smem:$0x0];
	_ =	sdelay $0x2  }
0xb7: {  	s31 =	sshll.u32 s1, $0xD;
	s1 =	sshrl.u32 s1, $0x2  }
0xb8: {  	s3 =	sand.u32 $0x4000, s31;
	s1 =	sadd.s32 s1, s30  }
0xb9: {  	s0 =	sor.u32 s3, s0;
	s1 =	sshll.u32 s1, $0x11  }
0xba: {  	s0 =	sor.u32 s1, s0  }
0xbb: {  	s0 =	sadd.s32 $0x8F2B, s0  }
0xbc: {  	[sflag:s0] =	ssyncadd.remote.s32 $0x1  }
0xbd: {  	_ =	sfence.sel $0xFFFF  }
0xbe: {  	[dreg:$0x0] =	wrdreg $0xFFFFFFFF;
	(pc) =	sbr.abs _section_cstart, $3  }
0xbf: {  	[dreg:$0x1] =	wrdreg $0xFFFFFFFF  }
0xc0: {  	_ =	task.clear_ibuf [dreg:s6], $0x2FFFF;
	_ =	strace $0x9FFFFFFF  }
0xc1: {  	(tm) =	ssettm $0x7FFFFFFF  }
tec
execute0_lowered:
.L_overlay_start_1:
0x0: {  	(tag) =	ssettag $0x1  }
0x1: {  	s4 =	rddreg [dreg:$0x0]  }
0x2: {  	s0 =	rddreg [dreg:$0x1];
	s1 =	simm.s32 $0x0  }
0x3: {  	s5 =	srdreg.scid;
	s2 =	stileid.u32;
	s15 =	simm.s32 $0x4100  }
0x4: {  	s16 =	simm.s32 $0x1;
	s17 =	simm.s32 $0x2;
	s18 =	simm.s32 $0x0  }
0x5: {  	[smem:$0x7FF] =	sst s1;
	s3 =	sadd.s32 $0x5000, s4;
	s10 =	sand.u32 $0x1, s5  }
0x6: {  	s11 =	sadd.s32 $0x85000, s4;
	s29 =	sshll.u32 s2, $0xE;
	s12 =	sadd.s32 $0x8D000, s4  }
0x7: {  	s14 =	sshll.u32 s2, $0x12;
	_ =	strace $0x80000047;
	s6 =	sshll.u32 s10, $0xD  }
0x8: {  	s30 =	ssub.s32 $0x2, s10;
	s10 =	sshll.u32 s10, $0x11;
	s13 =	sor.u32 s6, s29  }
0x9: {  	s31 =	sshrl.u32 s30, $0x1;
	s6 =	sshrl.u32 s13, $0x3;
	s7 =	sshll.u32 s13, $0x4  }
0xa: {  	s5 =	ssub.s32 s30, s31;
	s9 =	sor.u32 $0x100, s13;
	s13 =	sor.u32 $0x80, s13  }
0xb: {  	s4 =	sadd.s32 s11, s6;
	s8 =	sadd.s32 s12, s7;
	s5 =	smax.u32 s5, $0x1  }
0xc: {  	s9 =	sshrl.u32 s9, $0x3;
	s12 =	sadd.s32 s14, s12;
	s13 =	sshrl.u32 s13, $0x3  }
0xd: {  	s14 =	simm.s32 $0x100;
	s6 =	sadd.s32 $0x3F0, s4;
	s7 =	sadd.s32 $0x1F000, s8  }
0xe: {  	s8 =	sadd.s32 $0x1F800, s8;
	s9 =	sadd.s32 s9, s11;
	s10 =	sadd.s32 s10, s12  }
0xf: {  	s11 =	sadd.s32 s13, s11;
	s12 =	simm.s32 $0x3;
	s13 =	simm.s32 $0x80  }
.LBB2_1:
0x10: {  	[tilespmem:s1], [sflag:$0x3] =	stream.linear.gather [hbm4b:s4+s1], $0x80, $0x38;
	[tilespmem:$0x8100] =	vst v63  }
0x11: {  	_ =	swait.ge [sflag:s12], $0x80  }
0x12: {  	[sflag:s12] =	ssyncset.done $0x0  }
0x13: {  	[sflag:s12] =	ssyncadd.s32 $0xFFFFFF80  }
0x14: {  	[tilespmem:s14], [sflag:$0x1] =	stream.indirect.gather [hbm4b:s3+s13], $0x80, s1, s13, $0xb8;
	[tilespmem:$0x8100] =	vst v63  }
0x15: {  	s19 =	sadd.s32 $0x0, s11  }
0x16: {  	[tilespmem:s13], [sflag:$0x3] =	stream.linear.gather [hbm4b:s19+s1], $0x80, $0x38;
	[tilespmem:$0x8100] =	vst v63  }
0x17: {  	_ =	swait.ge [sflag:s12], $0x80  }
0x18: {  	[sflag:s12] =	ssyncset.done $0x0  }
0x19: {  	[sflag:s12] =	ssyncadd.s32 $0xFFFFFF80  }
0x1a: {  	[tilespmem:s15], [sflag:$0x2] =	stream.indirect.gather [hbm4b:s3+s13], $0x80, s13, s13, $0xb8;
	[tilespmem:$0x8100] =	vst v63  }
0x1b: {  	_ =	swait.ge [sflag:s16], $0x4000  }
0x1c: {  	[sflag:s16] =	ssyncset.done $0x0  }
0x1d: {  	[sflag:s16] =	ssyncadd.s32 $0xFFFFC000  }
0x1e: {  	[hbm4b:s10+s1] =	stream.linear.scatter [tilespmem:s14], [sflag:$0x3], $0x4000, $0x38;
	[tilespmem:$0x8100] =	vst v63  }
0x1f: {  	_ =	swait.ge [sflag:s12], $0x4000  }
0x20: {  	[sflag:s12] =	ssyncset.done $0x0  }
0x21: {  	s30 =	sadd.s32 $0x0, s9;
	[sflag:s12] =	ssyncadd.s32 $0xFFFFC000  }
0x22: {  	[tilespmem:s1], [sflag:$0x3] =	stream.linear.gather [hbm4b:s30+s1], $0x80, $0x38;
	[tilespmem:$0x8100] =	vst v63  }
0x23: {  	_ =	swait.ge [sflag:s12], $0x80  }
0x24: {  	[sflag:s12] =	ssyncset.done $0x0  }
0x25: {  	[sflag:s12] =	ssyncadd.s32 $0xFFFFFF80  }
0x26: {  	[tilespmem:s14], [sflag:$0x1] =	stream.indirect.gather [hbm4b:s3+s13], $0x80, s1, s13, $0xb8;
	[tilespmem:$0x8100] =	vst v63  }
0x27: {  	_ =	swait.ge [sflag:s17], $0x4000  }
0x28: {  	[sflag:s17] =	ssyncset.done $0x0  }
0x29: {  	s31 =	sadd.s32 $0x800, s10;
	[sflag:s17] =	ssyncadd.s32 $0xFFFFC000  }
0x2a: {  	[hbm4b:s31+s1] =	stream.linear.scatter [tilespmem:s15], [sflag:$0x3], $0x4000, $0x38;
	[tilespmem:$0x8100] =	vst v63  }
0x2b: {  	s20 =	simm.s32 $0x20;
	_ =	swait.ge [sflag:s12], $0x4000  }
0x2c: {  	s21 =	simm.s32 $0x40;
	s19 =	sadd.s32 $0x1000, s10;
	[sflag:s12] =	ssyncset.done $0x0  }
.LBB2_2:
0x2d: {  	s22 =	sadd.s32 s20, s11  }
0x2e: {  	[sflag:s12] =	ssyncadd.s32 $0xFFFFC000;
	s23 =	smov.u32 s21;
	s24 =	sadd.s32 $0x20, s21  }
0x2f: {  	[tilespmem:s13], [sflag:$0x3] =	stream.linear.gather [hbm4b:s22+s1], $0x80, $0x38;
	[tilespmem:$0x8100] =	vst v63  }
0x30: {  	p0 =	sne.s32 s21, $0x3C0;
	_ =	swait.ge [sflag:s12], $0x80  }
0x31: {  	[sflag:s12] =	ssyncset.done $0x0  }
0x32: {  	[sflag:s12] =	ssyncadd.s32 $0xFFFFFF80  }
0x33: {  	[tilespmem:s15], [sflag:$0x2] =	stream.indirect.gather [hbm4b:s3+s13], $0x80, s13, s13, $0xb8;
	[tilespmem:$0x8100] =	vst v63  }
0x34: {  	_ =	swait.ge [sflag:s16], $0x4000  }
0x35: {  	[sflag:s16] =	ssyncset.done $0x0  }
0x36: {  	[sflag:s16] =	ssyncadd.s32 $0xFFFFC000  }
0x37: {  	[hbm4b:s19+s1] =	stream.linear.scatter [tilespmem:s14], [sflag:$0x3], $0x4000, $0x38;
	[tilespmem:$0x8100] =	vst v63  }
0x38: {  	_ =	swait.ge [sflag:s12], $0x4000  }
0x39: {  	[sflag:s12] =	ssyncset.done $0x0  }
0x3a: {  	s21 =	sadd.s32 s20, s9;
	s20 =	smov.u32 s23;
	[sflag:s12] =	ssyncadd.s32 $0xFFFFC000  }
0x3b: {  	[tilespmem:s1], [sflag:$0x3] =	stream.linear.gather [hbm4b:s21+s1], $0x80, $0x38;
	[tilespmem:$0x8100] =	vst v63  }
0x3c: {  	_ =	swait.ge [sflag:s12], $0x80  }
0x3d: {  	[sflag:s12] =	ssyncset.done $0x0  }
0x3e: {  	[sflag:s12] =	ssyncadd.s32 $0xFFFFFF80  }
0x3f: {  	[tilespmem:s14], [sflag:$0x1] =	stream.indirect.gather [hbm4b:s3+s13], $0x80, s1, s13, $0xb8;
	[tilespmem:$0x8100] =	vst v63  }
0x40: {  	_ =	swait.ge [sflag:s17], $0x4000  }
.Ltmp0:
0x41: {  	[sflag:s17] =	ssyncset.done $0x0;
	(pc) =	sbr.rel @p0 .LBB2_2-.Ltmp0, $4  }
0x42: {  	s21 =	sadd.s32 $0x800, s19;
	[sflag:s17] =	ssyncadd.s32 $0xFFFFC000  }
0x43: {  	[hbm4b:s21+s1] =	stream.linear.scatter [tilespmem:s15], [sflag:$0x3], $0x4000, $0x38;
	[tilespmem:$0x8100] =	vst v63  }
0x44: {  	_ =	swait.ge [sflag:s12], $0x4000  }
0x45: {  	s19 =	sadd.s32 $0x1000, s19;
	s21 =	smov.u32 s24;
	[sflag:s12] =	ssyncset.done $0x0  }
0x46: {  	s21 =	sadd.s32 s20, s11;
	[sflag:s12] =	ssyncadd.s32 $0xFFFFC000  }
0x47: {  	[tilespmem:s13], [sflag:$0x3] =	stream.linear.gather [hbm4b:s21+s1], $0x80, $0x38;
	[tilespmem:$0x8100] =	vst v63  }
0x48: {  	_ =	swait.ge [sflag:s12], $0x80  }
0x49: {  	[sflag:s12] =	ssyncset.done $0x0  }
0x4a: {  	[sflag:s12] =	ssyncadd.s32 $0xFFFFFF80  }
0x4b: {  	[tilespmem:s15], [sflag:$0x2] =	stream.indirect.gather [hbm4b:s3+s13], $0x80, s13, s13, $0xb8;
	[tilespmem:$0x8100] =	vst v63  }
0x4c: {  	_ =	swait.ge [sflag:s16], $0x4000  }
0x4d: {  	[sflag:s16] =	ssyncset.done $0x0  }
0x4e: {  	[sflag:s16] =	ssyncadd.s32 $0xFFFFC000  }
0x4f: {  	[hbm4b:s19+s1] =	stream.linear.scatter [tilespmem:s14], [sflag:$0x3], $0x4000, $0x38;
	[tilespmem:$0x8100] =	vst v63  }
0x50: {  	_ =	swait.ge [sflag:s12], $0x4000  }
0x51: {  	[sflag:s12] =	ssyncset.done $0x0  }
0x52: {  	s30 =	sadd.s32 s20, s9;
	[sflag:s12] =	ssyncadd.s32 $0xFFFFC000  }
0x53: {  	[tilespmem:s1], [sflag:$0x3] =	stream.linear.gather [hbm4b:s30+s1], $0x80, $0x38;
	[tilespmem:$0x8100] =	vst v63  }
0x54: {  	_ =	swait.ge [sflag:s12], $0x80  }
0x55: {  	[sflag:s12] =	ssyncset.done $0x0  }
0x56: {  	[sflag:s12] =	ssyncadd.s32 $0xFFFFFF80  }
0x57: {  	[tilespmem:s14], [sflag:$0x1] =	stream.indirect.gather [hbm4b:s3+s13], $0x80, s1, s13, $0xb8;
	[tilespmem:$0x8100] =	vst v63  }
0x58: {  	_ =	swait.ge [sflag:s17], $0x4000  }
0x59: {  	[sflag:s17] =	ssyncset.done $0x0  }
0x5a: {  	s31 =	sadd.s32 $0x800, s19;
	[sflag:s17] =	ssyncadd.s32 $0xFFFFC000  }
0x5b: {  	[hbm4b:s31+s1] =	stream.linear.scatter [tilespmem:s15], [sflag:$0x3], $0x4000, $0x38;
	[tilespmem:$0x8100] =	vst v63  }
0x5c: {  	_ =	swait.ge [sflag:s12], $0x4000  }
0x5d: {  	[sflag:s12] =	ssyncset.done $0x0  }
0x5e: {  	[sflag:s12] =	ssyncadd.s32 $0xFFFFC000  }
0x5f: {  	[tilespmem:s13], [sflag:$0x3] =	stream.linear.gather [hbm4b:s6+s1], $0x80, $0x38;
	[tilespmem:$0x8100] =	vst v63  }
0x60: {  	_ =	swait.ge [sflag:s12], $0x80  }
0x61: {  	[sflag:s12] =	ssyncset.done $0x0  }
0x62: {  	[sflag:s12] =	ssyncadd.s32 $0xFFFFFF80  }
0x63: {  	[tilespmem:s15], [sflag:$0x2] =	stream.indirect.gather [hbm4b:s3+s13], $0x80, s13, s13, $0xb8;
	[tilespmem:$0x8100] =	vst v63  }
0x64: {  	_ =	swait.ge [sflag:s16], $0x4000  }
0x65: {  	[sflag:s16] =	ssyncset.done $0x0  }
0x66: {  	[sflag:s16] =	ssyncadd.s32 $0xFFFFC000  }
0x67: {  	[hbm4b:s7+s1] =	stream.linear.scatter [tilespmem:s14], [sflag:$0x3], $0x4000, $0x38;
	[tilespmem:$0x8100] =	vst v63  }
0x68: {  	_ =	swait.ge [sflag:s12], $0x4000  }
0x69: {  	[sflag:s12] =	ssyncset.done $0x0  }
0x6a: {  	[sflag:s12] =	ssyncadd.s32 $0xFFFFC000  }
0x6b: {  	s18 =	sadd.s32 $0x1, s18;
	_ =	swait.ge [sflag:s17], $0x4000  }
0x6c: {  	p0 =	sne.s32 s18, s5;
	[sflag:s17] =	ssyncset.done $0x0  }
.Ltmp1:
0x6d: {  	[sflag:s17] =	ssyncadd.s32 $0xFFFFC000;
	(pc) =	sbr.rel @p0 .LBB2_1-.Ltmp1, $4  }
0x6e: {  	[hbm4b:s8+s1] =	stream.linear.scatter [tilespmem:s15], [sflag:$0x3], $0x4000, $0x38;
	[tilespmem:$0x8100] =	vst v63  }
0x6f: {  	_ =	swait.ge [sflag:s12], $0x4000  }
0x70: {  	[sflag:s12] =	ssyncset.done $0x0  }
0x71: {  	[sflag:s12] =	ssyncadd.s32 $0xFFFFC000  }
0x72: {  	_ =	sfence.sel $0x180000  }
0x73: {  	[bflag:$0x0] =	sbarrier.arrive $0xFFFF  }
0x74: {  	p0 =	sne.s32 s2, $0x0;
	_ =	strace $0x90000047  }
0x75: {  	s0 =	sadd.s32 @!p0 $0x100000, s0;
	[bflag:$0x2] =	sbarrier.arrive $0xFFFF  }
0x76: {  	[sflag:s0] =	ssyncadd.tile.s32 @!p0 $0x1;
	_ =	shalt  }
.Lfunc_end2:
_tile_overlayer_lowered:
.L_overlay_start_2:
0x77: {  	(tag) =	ssettag $0x2  }
0x78: {  	s0 =	rddreg [dreg:$0x0];
	s2 =	stileid.u32  }
0x79: {  	s1 =	rddreg [dreg:$0x1];
	p0 =	sne.s32 s2, $0x0  }
0x7a: {  	s3 =	rddreg [dreg:$0x2];
	[bflag:$0x3] =	sbarrier.arrive $0xFFFF;
	s2 =	simm.s32 @!p0 $0x1C03  }
0x7b: {  	[timem:s3], [sflag:s2] =	dma.local @!p0 [hbm:s0], s1  }
0x7c: {  	s0 =	simm.s32 @!p0 $0x3  }
0x7d: {  	_ =	swait.ge @!p0 [sflag:s0], s1  }
0x7e: {  	s1 =	ssub.s32 @!p0 $0x0, s1;
	[sflag:s0] =	ssyncset.done @!p0 $0x0  }
0x7f: {  	[sflag:s0] =	ssyncadd.s32 @!p0 s1  }
0x80: {  	[bflag:$0x3] =	sbarrier.arrive $0xFFFF  }
0x81: {  	_ =	shalt  }

// kernel: kernel.31.cloned.1.call-start
scs
__scs_entry_jumppad:
0x0: {  	(pc) =	sbr.rel $0x88, $3  }
0x1: {  	(tag) =	ssettag $0x0;
	lr =	simm.s32 $0x1  }
0x2: {  	[smem:$0x3F8C] =	sst lr;
	_ =	strace $0xD0000000  }
0x3: {  	_ = 	snop  }
0x4: {  	_ = 	snop  }
0x5: {  	_ = 	snop  }
0x6: {  	_ = 	snop  }
0x7: {  	_ = 	snop  }
__scs_overlays_trampoline_lowered:
0x8: {  	[smem:$0x3F9B] =	sst s0  }
0x9: {  	[smem:$0x3F9C] =	sst s1  }
0xa: {  	[smem:$0x3F9D] =	sst s2  }
0xb: {  	[smem:$0x3F9E] =	sst s3  }
0xc: {  	[smem:$0x3F9F] =	sst s4  }
0xd: {  	[smem:$0x3FA0] =	sst s5  }
0xe: {  	[smem:$0x3FA1] =	sst s6  }
0xf: {  	[smem:$0x3FA2] =	sst s7  }
0x10: {  	[smem:$0x3FA3] =	sst s8  }
0x11: {  	[smem:$0x3FA4] =	sst s9;
	s0 =	simm.s32 @!p0 $0x0  }
0x12: {  	s1 =	sld [smem:$0x3F8A];
	s0 =	simm.s32 @p0 $0x1  }
0x13: {  	[smem:$0x3FA5] =	sst s0;
	s0 =	simm.s32 @!p1 $0x0  }
0x14: {  	s2 =	sld [smem:$0x3F89];
	s0 =	simm.s32 @p1 $0x1  }
0x15: {  	[smem:$0x3FA6] =	sst s0;
	s0 =	simm.s32 @!p2 $0x0  }
0x16: {  	s3 =	sld [smem:$0x3FDB];
	s0 =	simm.s32 @p2 $0x1  }
0x17: {  	s4 =	simm.s32 $0x1BF5;
	[smem:$0x3FA8] =	sst s0  }
0x18: {  	s0 =	sld [smem:$0x3F8B];
	_ =	swait.ge [sflag:s4], $0x0  }
0x19: {  	s7 =	sld [smem:$0x3F8C]  }
0x1a: {  	s8 =	sadd.s32 $0xFFFFE003, lr  }
0x1b: {  	s9 =	sadd.s32 $0xFFFFFEF7, lr;
	s5 =	simm.s32 $0xFFFFFFFF;
	p2 =	slt.u32 s8, $0xFFFFF086  }
0x1c: {  	p1 =	slt.u32 s9, $0xF7A;
	s5 =	simm.s32 @!p2 $0x0  }
0x1d: {  	s5 =	simm.s32 @p1 $0x1;
	p0 =	seq.s32 s7, s2  }
0x1e: {  	s7 =	smul.u32 @!p0 $0xF7A, s2;
	p2 =	seq.s32 @!p0 s5, $0x0  }
0x1f: {  	s9 =	smul.u32 $0xF7A, s1;
	s8 =	simm.s32 @!p0 $0x1BF5;
	p2 =	por !p2, p0  }
0x20: {  	[sflag:s8] =	ssyncset.s32 @!p0 $0xFFFFF086;
	s6 =	sadd.s32 @!p0 s3, s7;
	s7 =	simm.s32 @!p0 $0x108  }
0x21: {  	s3 =	sadd.s32 s3, s9;
	s6 =	sadd.s32 @!p0 $0x88, s6;
	s7 =	simm.s32 @p2 $0x1082  }
0x22: {  	[simem:s7], [sflag:s8] =	dma.local @!p0 [hbm:s6], $0xF7A  }
0x23: {  	s9 =	sor.u32 $0xD0000000, s2;
	s6 =	simm.s32 $0x108;
	_ =	swait.ge @!p0 [sflag:s8], $0x0  }
0x24: {  	s3 =	sadd.s32 $0x88, s3;
	s6 =	simm.s32 @!p1 $0x1082;
	[sflag:s4] =	ssyncset.s32 $0xFFFFF086  }
0x25: {  	[simem:s6], [sflag:s4] =	dma.local [hbm:s3], $0xF7A  }
0x26: {  	[smem:$0x3F8C] =	sst s1;
	(tag) =	ssettag s2;
	_ =	strace s9  }
0x27: {  	s1 =	sld [smem:$0x3F9C]  }
0x28: {  	s2 =	sld [smem:$0x3F9D]  }
0x29: {  	s4 =	sld [smem:$0x3F9F]  }
0x2a: {  	p0 =	seq.s32 s5, $0x0;
	s5 =	sld [smem:$0x3FA0]  }
0x2b: {  	s6 =	sld [smem:$0x3FA1]  }
0x2c: {  	s7 =	sld [smem:$0x3FA2]  }
0x2d: {  	s3 =	simm.s32 $0x108;
	s8 =	sld [smem:$0x3FA3]  }
0x2e: {  	s3 =	simm.s32 @!p0 $0x1082;
	s9 =	sld [smem:$0x3FA4]  }
0x2f: {  	lr =	sadd.s32 s0, s3;
	s0 =	sld [smem:$0x3F9B]  }
0x30: {  	s3 =	sld [smem:$0x3F9E]  }
0x31: {  	[smem:$0x3FA7] =	sst s10  }
0x32: {  	s10 =	sld [smem:$0x3FA5];
	_ =	sdelay $0x3  }
0x33: {  	p0 =	seq.s32 s10, $0x1;
	s10 =	sld [smem:$0x3FA7];
	_ =	sdelay $0x3  }
0x34: {  	[smem:$0x3FA7] =	sst s10  }
0x35: {  	s10 =	sld [smem:$0x3FA6];
	_ =	sdelay $0x3  }
0x36: {  	p1 =	seq.s32 s10, $0x1;
	s10 =	sld [smem:$0x3FA7];
	_ =	sdelay $0x3  }
0x37: {  	[smem:$0x3FA7] =	sst s10  }
0x38: {  	s10 =	sld [smem:$0x3FA8]  }
0x39: {  	_ = 	snop;
	(pc) =	sbr.ind lr, $3  }
0x3a: {  	_ = 	snop  }
0x3b: {  	_ = 	snop  }
0x3c: {  	p2 =	seq.s32 s10, $0x1;
	s10 =	sld [smem:$0x3FA7]  }
0x3d: {  	_ =	shalt  }
0x3e: {  	_ =	shalt  }
0x3f: {  	_ =	shalt  }
0x40: {  	_ =	shalt  }
0x41: {  	_ =	shalt  }
0x42: {  	_ =	shalt  }
0x43: {  	_ =	shalt  }
0x44: {  	_ =	shalt  }
0x45: {  	_ =	shalt  }
0x46: {  	_ =	shalt  }
0x47: {  	_ =	shalt  }
0x48: {  	_ =	shalt  }
0x49: {  	_ =	shalt  }
0x4a: {  	_ =	shalt  }
0x4b: {  	_ =	shalt  }
0x4c: {  	_ =	shalt  }
0x4d: {  	_ =	shalt  }
0x4e: {  	_ =	shalt  }
0x4f: {  	_ =	shalt  }
0x50: {  	_ =	shalt  }
0x51: {  	_ =	shalt  }
0x52: {  	_ =	shalt  }
0x53: {  	_ =	shalt  }
0x54: {  	_ =	shalt  }
0x55: {  	_ =	shalt  }
0x56: {  	_ =	shalt  }
0x57: {  	_ =	shalt  }
0x58: {  	_ =	shalt  }
0x59: {  	_ =	shalt  }
0x5a: {  	_ =	shalt  }
0x5b: {  	_ =	shalt  }
0x5c: {  	_ =	shalt  }
0x5d: {  	_ =	shalt  }
0x5e: {  	_ =	shalt  }
0x5f: {  	_ =	shalt  }
0x60: {  	_ =	shalt  }
0x61: {  	_ =	shalt  }
0x62: {  	_ =	shalt  }
0x63: {  	_ =	shalt  }
0x64: {  	_ =	shalt  }
0x65: {  	_ =	shalt  }
0x66: {  	_ =	shalt  }
0x67: {  	_ =	shalt  }
0x68: {  	_ =	shalt  }
0x69: {  	_ =	shalt  }
0x6a: {  	_ =	shalt  }
0x6b: {  	_ =	shalt  }
0x6c: {  	_ =	shalt  }
0x6d: {  	_ =	shalt  }
0x6e: {  	_ =	shalt  }
0x6f: {  	_ =	shalt  }
0x70: {  	_ =	shalt  }
0x71: {  	_ =	shalt  }
0x72: {  	_ =	shalt  }
0x73: {  	_ =	shalt  }
0x74: {  	_ =	shalt  }
0x75: {  	_ =	shalt  }
0x76: {  	_ =	shalt  }
0x77: {  	_ =	shalt  }
0x78: {  	_ =	shalt  }
0x79: {  	_ =	shalt  }
0x7a: {  	_ =	shalt  }
0x7b: {  	_ =	shalt  }
0x7c: {  	_ =	shalt  }
0x7d: {  	_ =	shalt  }
0x7e: {  	_ =	shalt  }
0x7f: {  	_ =	shalt  }
0x80: {  	_ =	shalt  }
0x81: {  	_ =	shalt  }
0x82: {  	_ =	shalt  }
0x83: {  	_ =	shalt  }
0x84: {  	_ =	shalt  }
0x85: {  	_ =	shalt  }
0x86: {  	_ =	shalt  }
0x87: {  	_ =	shalt  }
.Lfunc_end0:
.L_simem_size_0:
called_computation.1_lowered:
.L_overlay_start_0:
0x88: {  	s2 =	sld [smem:$0x3FD9]  }
0x89: {  	s3 =	sld [smem:$0x3FFE];
	_ =	sdelay $0x1  }
0x8a: {  	s1 =	srdreg.scid  }
0x8b: {  	s0 =	sand.u32 $0x1, s1  }
0x8c: {  	s17 =	sshll.u32 s0, $0xA;
	s2 =	sadd.s32 s3, s2  }
0x8d: {  	s2 =	sadd.s32 s2, s17  }
0x8e: {  	[smem:$0x3FB3] =	sst s2  }
0x8f: {  	_ = 	snop  }
0x90: {  	(tm) =	ssettm $0x1  }
0x91: {  	s18 =	sld [smem:$0x3FFB];
	_ =	sdelay $0x3  }
0x92: {  	_ =	strace s18  }
0x93: {  	s2 =	sld [smem:$0x3FFC];
	_ =	sdelay $0x3  }
0x94: {  	_ =	strace s2  }
0x95: {  	s2 =	sld [smem:$0x3FFD];
	_ =	sdelay $0x3  }
0x96: {  	_ =	strace s2  }
0x97: {  	_ =	strace $0x8FFFFFFF  }
0x98: {  	s19 =	sld [smem:$0x3FDB];
	_ =	sdelay $0x1  }
0x99: {  	s20 =	simm.s32 $_scs_section_size  }
0x9a: {  	s4 =	simm.s32 $_size__tile_overlayer_lowered;
	s5 =	simm.s32 $_tile_overlayer_lowered  }
0x9b: {  	s6 =	simm.s32 $0x1BFF;
	s21 =	sshll.u32 s5, $0x1;
	s3 =	sadd.s32 s20, s19  }
0x9c: {  	s22 =	simm.s32 $0x0;
	s4 =	sshll.u32 s4, $0x1;
	s5 =	sadd.s32 s21, s3  }
0x9d: {  	[timem:s22], [sflag:s6] =	dma.local [hbm:s5], s4  }
0x9e: {  	_ =	swait.ge [sflag:s6], s4  }
0x9f: {  	s4 =	ssub.s32 $0x0, s4;
	[sflag:s6] =	ssyncset.done $0x0  }
0xa0: {  	[sflag:s6] =	ssyncadd.s32 s4;
	_ =	sdelay $0x1  }
0xa1: {  	s23 =	simm.s32 $0x1B8B  }
0xa2: {  	_ =	swait.ge [sflag:s23], $0x1  }
0xa3: {  	[sflag:s23] =	ssyncset.done $0x0  }
0xa4: {  	[sflag:s23] =	ssyncadd.s32 $0xFFFFFFFF  }
0xa5: {  	s4 =	sld [smem:$0x0]  }
0xa6: {  	s5 =	sand.u32 $0xFFFFFFFE, s1  }
0xa7: {  	p0 =	sne.s32 s1, s5  }
0xa8: {  	s5 =	sshll.u32 @p0 s5, $0xE  }
0xa9: {  	s5 =	sadd.s32 @p0 $0x11B8D, s5;
	s6 =	sshll.u32 @p0 s4, $0x11  }
0xaa: {  	s5 =	sor.u32 @p0 s6, s5  }
0xab: {  	[sflag:s5] =	ssyncadd.remote.s32 @p0 $0x1;
	_ =	sdelay $0x1  }
0xac: {  	s5 =	simm.s32 @p0 $0x1B8D  }
0xad: {  	_ =	swait.eq @p0 [sflag:s5], $0x1  }
0xae: {  	[sflag:s5] =	ssyncadd.s32 @p0 $0xFFFFFFFF  }
0xaf: {  	s6 =	sshll.u32 @!p0 s1, $0xE  }
0xb0: {  	s6 =	sor.u32 @!p0 $0x4000, s6;
	s5 =	simm.s32 @!p0 $0x1B8D  }
0xb1: {  	s4 =	sshll.u32 @!p0 s4, $0x11;
	s6 =	sadd.s32 @!p0 $0x11B8D, s6;
	_ =	swait.eq @!p0 [sflag:s5], $0x1  }
0xb2: {  	s4 =	sor.u32 @!p0 s4, s6;
	[sflag:s5] =	ssyncadd.s32 @!p0 $0xFFFFFFFF  }
0xb3: {  	s25 =	simm.s32 $0x1B8E;
	s24 =	sld [smem:$0x3FFE];
	[sflag:s4] =	ssyncadd.remote.s32 @!p0 $0x1  }
0xb4: {  	s26 =	simm.s32 $execute0_lowered;
	[smem:$0x3FD2] =	sst s25  }
0xb5: {  	s5 =	sshll.u32 s26, $0x1;
	_ =	strace $0x80000049;
	[dreg:$0x1] =	wrdreg $0xFFFFFFFF  }
0xb6: {  	s28 =	simm.s32 $_size_execute0_lowered;
	s3 =	sadd.s32 s3, s5;
	[dreg:$0x0] =	wrdreg $0x0  }
0xb7: {  	s5 =	sshll.u32 s28, $0x1;
	[dreg:$0x2] =	wrdreg s3  }
0xb8: {  	[dreg:$0x3] =	wrdreg s5  }
0xb9: {  	[dreg:$0x4] =	wrdreg $0xC0  }
0xba: {  	_ =	task [dreg:s22], $0x5FFFF  }
0xbb: {  	[dreg:$0x1] =	wrdreg $0xFFFFFFFF  }
0xbc: {  	[dreg:$0x0] =	wrdreg $0x60  }
0xbd: {  	[dreg:$0x2] =	wrdreg s24  }
0xbe: {  	[dreg:$0x3] =	wrdreg $0xA  }
0xbf: {  	_ =	task.clear_ibuf [dreg:s22], $0x4FFFF;
	_ =	strace $0x90000049  }
0xc0: {  	s29 =	simm.s32 $0xA;
	_ =	strace $0x8000004B  }
0xc1: {  	_ =	swait.ge [sflag:s29], $0x1  }
0xc2: {  	[sflag:s29] =	ssyncadd.s32 $0xFFFFFFFF  }
0xc3: {  	_ =	strace $0x9000004B  }
0xc4: {  	_ =	sfence  }
0xc5: {  	s30 =	sld [smem:$0x0];
	_ =	sdelay $0x2  }
0xc6: {  	s31 =	sshll.u32 s1, $0xD;
	s1 =	sshrl.u32 s1, $0x2  }
0xc7: {  	s4 =	sand.u32 $0x4000, s31;
	s1 =	sadd.s32 s1, s30  }
0xc8: {  	s0 =	sor.u32 s4, s0;
	s1 =	sshll.u32 s1, $0x11  }
0xc9: {  	s0 =	sor.u32 s1, s0  }
0xca: {  	s0 =	sadd.s32 $0x8F2B, s0  }
0xcb: {  	[sflag:s0] =	ssyncadd.remote.s32 $0x1  }
0xcc: {  	_ =	sfence.sel $0xFFFF  }
0xcd: {  	[dreg:$0x0] =	wrdreg $0xFFFFFFFF;
	(pc) =	sbr.abs _section_cstart, $3  }
0xce: {  	[dreg:$0x1] =	wrdreg $0xFFFFFFFF  }
0xcf: {  	_ =	task.clear_ibuf [dreg:s22], $0x2FFFF;
	_ =	strace $0x9FFFFFFF  }
0xd0: {  	(tm) =	ssettm $0x7FFFFFFF  }
0xd1: {  	_ =	shalt  }
tec
execute0_lowered:
.L_overlay_start_1:
0x0: {  	(tag) =	ssettag $0x1  }
0x1: {  	s4 =	rddreg [dreg:$0x0]  }
0x2: {  	s0 =	rddreg [dreg:$0x1];
	s1 =	simm.s32 $0x0  }
0x3: {  	s5 =	srdreg.scid;
	s2 =	stileid.u32;
	s15 =	simm.s32 $0x4100  }
0x4: {  	s16 =	simm.s32 $0x1;
	s17 =	simm.s32 $0x2;
	s18 =	simm.s32 $0x0  }
0x5: {  	[smem:$0x7FF] =	sst s1;
	s3 =	sadd.s32 $0x5000, s4;
	s10 =	sand.u32 $0x1, s5  }
0x6: {  	s11 =	sadd.s32 $0x48D000, s4;
	s29 =	sshll.u32 s2, $0xE;
	s12 =	sadd.s32 $0x495000, s4  }
0x7: {  	s14 =	sshll.u32 s2, $0x12;
	_ =	strace $0x8000004A;
	s6 =	sshll.u32 s10, $0xD  }
0x8: {  	s30 =	ssub.s32 $0x2, s10;
	s10 =	sshll.u32 s10, $0x11;
	s13 =	sor.u32 s6, s29  }
0x9: {  	s31 =	sshrl.u32 s30, $0x1;
	s6 =	sshrl.u32 s13, $0x3;
	s7 =	sshll.u32 s13, $0x4  }
0xa: {  	s5 =	ssub.s32 s30, s31;
	s9 =	sor.u32 $0x100, s13;
	s13 =	sor.u32 $0x80, s13  }
0xb: {  	s4 =	sadd.s32 s11, s6;
	s8 =	sadd.s32 s12, s7;
	s5 =	smax.u32 s5, $0x1  }
0xc: {  	s9 =	sshrl.u32 s9, $0x3;
	s12 =	sadd.s32 s14, s12;
	s13 =	sshrl.u32 s13, $0x3  }
0xd: {  	s14 =	simm.s32 $0x100;
	s6 =	sadd.s32 $0x3F0, s4;
	s7 =	sadd.s32 $0x1F000, s8  }
0xe: {  	s8 =	sadd.s32 $0x1F800, s8;
	s9 =	sadd.s32 s9, s11;
	s10 =	sadd.s32 s10, s12  }
0xf: {  	s11 =	sadd.s32 s13, s11;
	s12 =	simm.s32 $0x3;
	s13 =	simm.s32 $0x80  }
.LBB2_1:
0x10: {  	[tilespmem:s1], [sflag:$0x3] =	stream.linear.gather [hbm4b:s4+s1], $0x80, $0x38;
	[tilespmem:$0x8100] =	vst v63  }
0x11: {  	_ =	swait.ge [sflag:s12], $0x80  }
0x12: {  	[sflag:s12] =	ssyncset.done $0x0  }
0x13: {  	[sflag:s12] =	ssyncadd.s32 $0xFFFFFF80  }
0x14: {  	[tilespmem:s14], [sflag:$0x1] =	stream.indirect.gather [hbm4b:s3+s13], $0x80, s1, s13, $0xb8;
	[tilespmem:$0x8100] =	vst v63  }
0x15: {  	s19 =	sadd.s32 $0x0, s11  }
0x16: {  	[tilespmem:s13], [sflag:$0x3] =	stream.linear.gather [hbm4b:s19+s1], $0x80, $0x38;
	[tilespmem:$0x8100] =	vst v63  }
0x17: {  	_ =	swait.ge [sflag:s12], $0x80  }
0x18: {  	[sflag:s12] =	ssyncset.done $0x0  }
0x19: {  	[sflag:s12] =	ssyncadd.s32 $0xFFFFFF80  }
0x1a: {  	[tilespmem:s15], [sflag:$0x2] =	stream.indirect.gather [hbm4b:s3+s13], $0x80, s13, s13, $0xb8;
	[tilespmem:$0x8100] =	vst v63  }
0x1b: {  	_ =	swait.ge [sflag:s16], $0x4000  }
0x1c: {  	[sflag:s16] =	ssyncset.done $0x0  }
0x1d: {  	[sflag:s16] =	ssyncadd.s32 $0xFFFFC000  }
0x1e: {  	[hbm4b:s10+s1] =	stream.linear.scatter [tilespmem:s14], [sflag:$0x3], $0x4000, $0x38;
	[tilespmem:$0x8100] =	vst v63  }
0x1f: {  	_ =	swait.ge [sflag:s12], $0x4000  }
0x20: {  	[sflag:s12] =	ssyncset.done $0x0  }
0x21: {  	s30 =	sadd.s32 $0x0, s9;
	[sflag:s12] =	ssyncadd.s32 $0xFFFFC000  }
0x22: {  	[tilespmem:s1], [sflag:$0x3] =	stream.linear.gather [hbm4b:s30+s1], $0x80, $0x38;
	[tilespmem:$0x8100] =	vst v63  }
0x23: {  	_ =	swait.ge [sflag:s12], $0x80  }
0x24: {  	[sflag:s12] =	ssyncset.done $0x0  }
0x25: {  	[sflag:s12] =	ssyncadd.s32 $0xFFFFFF80  }
0x26: {  	[tilespmem:s14], [sflag:$0x1] =	stream.indirect.gather [hbm4b:s3+s13], $0x80, s1, s13, $0xb8;
	[tilespmem:$0x8100] =	vst v63  }
0x27: {  	_ =	swait.ge [sflag:s17], $0x4000  }
0x28: {  	[sflag:s17] =	ssyncset.done $0x0  }
0x29: {  	s31 =	sadd.s32 $0x800, s10;
	[sflag:s17] =	ssyncadd.s32 $0xFFFFC000  }
0x2a: {  	[hbm4b:s31+s1] =	stream.linear.scatter [tilespmem:s15], [sflag:$0x3], $0x4000, $0x38;
	[tilespmem:$0x8100] =	vst v63  }
0x2b: {  	s20 =	simm.s32 $0x20;
	_ =	swait.ge [sflag:s12], $0x4000  }
0x2c: {  	s21 =	simm.s32 $0x40;
	s19 =	sadd.s32 $0x1000, s10;
	[sflag:s12] =	ssyncset.done $0x0  }
.LBB2_2:
0x2d: {  	s22 =	sadd.s32 s20, s11  }
0x2e: {  	[sflag:s12] =	ssyncadd.s32 $0xFFFFC000;
	s23 =	smov.u32 s21;
	s24 =	sadd.s32 $0x20, s21  }
0x2f: {  	[tilespmem:s13], [sflag:$0x3] =	stream.linear.gather [hbm4b:s22+s1], $0x80, $0x38;
	[tilespmem:$0x8100] =	vst v63  }
0x30: {  	p0 =	sne.s32 s21, $0x3C0;
	_ =	swait.ge [sflag:s12], $0x80  }
0x31: {  	[sflag:s12] =	ssyncset.done $0x0  }
0x32: {  	[sflag:s12] =	ssyncadd.s32 $0xFFFFFF80  }
0x33: {  	[tilespmem:s15], [sflag:$0x2] =	stream.indirect.gather [hbm4b:s3+s13], $0x80, s13, s13, $0xb8;
	[tilespmem:$0x8100] =	vst v63  }
0x34: {  	_ =	swait.ge [sflag:s16], $0x4000  }
0x35: {  	[sflag:s16] =	ssyncset.done $0x0  }
0x36: {  	[sflag:s16] =	ssyncadd.s32 $0xFFFFC000  }
0x37: {  	[hbm4b:s19+s1] =	stream.linear.scatter [tilespmem:s14], [sflag:$0x3], $0x4000, $0x38;
	[tilespmem:$0x8100] =	vst v63  }
0x38: {  	_ =	swait.ge [sflag:s12], $0x4000  }
0x39: {  	[sflag:s12] =	ssyncset.done $0x0  }
0x3a: {  	s21 =	sadd.s32 s20, s9;
	s20 =	smov.u32 s23;
	[sflag:s12] =	ssyncadd.s32 $0xFFFFC000  }
0x3b: {  	[tilespmem:s1], [sflag:$0x3] =	stream.linear.gather [hbm4b:s21+s1], $0x80, $0x38;
	[tilespmem:$0x8100] =	vst v63  }
0x3c: {  	_ =	swait.ge [sflag:s12], $0x80  }
0x3d: {  	[sflag:s12] =	ssyncset.done $0x0  }
0x3e: {  	[sflag:s12] =	ssyncadd.s32 $0xFFFFFF80  }
0x3f: {  	[tilespmem:s14], [sflag:$0x1] =	stream.indirect.gather [hbm4b:s3+s13], $0x80, s1, s13, $0xb8;
	[tilespmem:$0x8100] =	vst v63  }
0x40: {  	_ =	swait.ge [sflag:s17], $0x4000  }
.Ltmp0:
0x41: {  	[sflag:s17] =	ssyncset.done $0x0;
	(pc) =	sbr.rel @p0 .LBB2_2-.Ltmp0, $4  }
0x42: {  	s21 =	sadd.s32 $0x800, s19;
	[sflag:s17] =	ssyncadd.s32 $0xFFFFC000  }
0x43: {  	[hbm4b:s21+s1] =	stream.linear.scatter [tilespmem:s15], [sflag:$0x3], $0x4000, $0x38;
	[tilespmem:$0x8100] =	vst v63  }
0x44: {  	_ =	swait.ge [sflag:s12], $0x4000  }
0x45: {  	s19 =	sadd.s32 $0x1000, s19;
	s21 =	smov.u32 s24;
	[sflag:s12] =	ssyncset.done $0x0  }
0x46: {  	s21 =	sadd.s32 s20, s11;
	[sflag:s12] =	ssyncadd.s32 $0xFFFFC000  }
0x47: {  	[tilespmem:s13], [sflag:$0x3] =	stream.linear.gather [hbm4b:s21+s1], $0x80, $0x38;
	[tilespmem:$0x8100] =	vst v63  }
0x48: {  	_ =	swait.ge [sflag:s12], $0x80  }
0x49: {  	[sflag:s12] =	ssyncset.done $0x0  }
0x4a: {  	[sflag:s12] =	ssyncadd.s32 $0xFFFFFF80  }
0x4b: {  	[tilespmem:s15], [sflag:$0x2] =	stream.indirect.gather [hbm4b:s3+s13], $0x80, s13, s13, $0xb8;
	[tilespmem:$0x8100] =	vst v63  }
0x4c: {  	_ =	swait.ge [sflag:s16], $0x4000  }
0x4d: {  	[sflag:s16] =	ssyncset.done $0x0  }
0x4e: {  	[sflag:s16] =	ssyncadd.s32 $0xFFFFC000  }
0x4f: {  	[hbm4b:s19+s1] =	stream.linear.scatter [tilespmem:s14], [sflag:$0x3], $0x4000, $0x38;
	[tilespmem:$0x8100] =	vst v63  }
0x50: {  	_ =	swait.ge [sflag:s12], $0x4000  }
0x51: {  	[sflag:s12] =	ssyncset.done $0x0  }
0x52: {  	s30 =	sadd.s32 s20, s9;
	[sflag:s12] =	ssyncadd.s32 $0xFFFFC000  }
0x53: {  	[tilespmem:s1], [sflag:$0x3] =	stream.linear.gather [hbm4b:s30+s1], $0x80, $0x38;
	[tilespmem:$0x8100] =	vst v63  }
0x54: {  	_ =	swait.ge [sflag:s12], $0x80  }
0x55: {  	[sflag:s12] =	ssyncset.done $0x0  }
0x56: {  	[sflag:s12] =	ssyncadd.s32 $0xFFFFFF80  }
0x57: {  	[tilespmem:s14], [sflag:$0x1] =	stream.indirect.gather [hbm4b:s3+s13], $0x80, s1, s13, $0xb8;
	[tilespmem:$0x8100] =	vst v63  }
0x58: {  	_ =	swait.ge [sflag:s17], $0x4000  }
0x59: {  	[sflag:s17] =	ssyncset.done $0x0  }
0x5a: {  	s31 =	sadd.s32 $0x800, s19;
	[sflag:s17] =	ssyncadd.s32 $0xFFFFC000  }
0x5b: {  	[hbm4b:s31+s1] =	stream.linear.scatter [tilespmem:s15], [sflag:$0x3], $0x4000, $0x38;
	[tilespmem:$0x8100] =	vst v63  }
0x5c: {  	_ =	swait.ge [sflag:s12], $0x4000  }
0x5d: {  	[sflag:s12] =	ssyncset.done $0x0  }
0x5e: {  	[sflag:s12] =	ssyncadd.s32 $0xFFFFC000  }
0x5f: {  	[tilespmem:s13], [sflag:$0x3] =	stream.linear.gather [hbm4b:s6+s1], $0x80, $0x38;
	[tilespmem:$0x8100] =	vst v63  }
0x60: {  	_ =	swait.ge [sflag:s12], $0x80  }
0x61: {  	[sflag:s12] =	ssyncset.done $0x0  }
0x62: {  	[sflag:s12] =	ssyncadd.s32 $0xFFFFFF80  }
0x63: {  	[tilespmem:s15], [sflag:$0x2] =	stream.indirect.gather [hbm4b:s3+s13], $0x80, s13, s13, $0xb8;
	[tilespmem:$0x8100] =	vst v63  }
0x64: {  	_ =	swait.ge [sflag:s16], $0x4000  }
0x65: {  	[sflag:s16] =	ssyncset.done $0x0  }
0x66: {  	[sflag:s16] =	ssyncadd.s32 $0xFFFFC000  }
0x67: {  	[hbm4b:s7+s1] =	stream.linear.scatter [tilespmem:s14], [sflag:$0x3], $0x4000, $0x38;
	[tilespmem:$0x8100] =	vst v63  }
0x68: {  	_ =	swait.ge [sflag:s12], $0x4000  }
0x69: {  	[sflag:s12] =	ssyncset.done $0x0  }
0x6a: {  	[sflag:s12] =	ssyncadd.s32 $0xFFFFC000  }
0x6b: {  	s18 =	sadd.s32 $0x1, s18;
	_ =	swait.ge [sflag:s17], $0x4000  }
0x6c: {  	p0 =	sne.s32 s18, s5;
	[sflag:s17] =	ssyncset.done $0x0  }
.Ltmp1:
0x6d: {  	[sflag:s17] =	ssyncadd.s32 $0xFFFFC000;
	(pc) =	sbr.rel @p0 .LBB2_1-.Ltmp1, $4  }
0x6e: {  	[hbm4b:s8+s1] =	stream.linear.scatter [tilespmem:s15], [sflag:$0x3], $0x4000, $0x38;
	[tilespmem:$0x8100] =	vst v63  }
0x6f: {  	_ =	swait.ge [sflag:s12], $0x4000  }
0x70: {  	[sflag:s12] =	ssyncset.done $0x0  }
0x71: {  	[sflag:s12] =	ssyncadd.s32 $0xFFFFC000  }
0x72: {  	_ =	sfence.sel $0x180000  }
0x73: {  	[bflag:$0x0] =	sbarrier.arrive $0xFFFF  }
0x74: {  	p0 =	sne.s32 s2, $0x0;
	_ =	strace $0x9000004A  }
0x75: {  	s0 =	sadd.s32 @!p0 $0x100000, s0;
	[bflag:$0x2] =	sbarrier.arrive $0xFFFF  }
0x76: {  	[sflag:s0] =	ssyncadd.tile.s32 @!p0 $0x1;
	_ =	shalt  }
.Lfunc_end2:
_tile_overlayer_lowered:
.L_overlay_start_2:
0x77: {  	(tag) =	ssettag $0x2  }
0x78: {  	s0 =	rddreg [dreg:$0x0];
	s2 =	stileid.u32  }
0x79: {  	s1 =	rddreg [dreg:$0x1];
	p0 =	sne.s32 s2, $0x0  }
0x7a: {  	s3 =	rddreg [dreg:$0x2];
	[bflag:$0x3] =	sbarrier.arrive $0xFFFF;
	s2 =	simm.s32 @!p0 $0x1C03  }
0x7b: {  	[timem:s3], [sflag:s2] =	dma.local @!p0 [hbm:s0], s1  }
0x7c: {  	s0 =	simm.s32 @!p0 $0x3  }
0x7d: {  	_ =	swait.ge @!p0 [sflag:s0], s1  }
0x7e: {  	s1 =	ssub.s32 @!p0 $0x0, s1;
	[sflag:s0] =	ssyncset.done @!p0 $0x0  }
0x7f: {  	[sflag:s0] =	ssyncadd.s32 @!p0 s1  }
0x80: {  	[bflag:$0x3] =	sbarrier.arrive $0xFFFF  }
0x81: {  	_ =	shalt  }

// kernel: kernel.34.cloned.1.call-start
scs
__scs_entry_jumppad:
0x0: {  	(pc) =	sbr.rel $0x88, $3  }
0x1: {  	(tag) =	ssettag $0x0;
	lr =	simm.s32 $0x1  }
0x2: {  	[smem:$0x3F8C] =	sst lr;
	_ =	strace $0xD0000000  }
0x3: {  	_ = 	snop  }
0x4: {  	_ = 	snop  }
0x5: {  	_ = 	snop  }
0x6: {  	_ = 	snop  }
0x7: {  	_ = 	snop  }
__scs_overlays_trampoline_lowered:
0x8: {  	[smem:$0x3F9B] =	sst s0  }
0x9: {  	[smem:$0x3F9C] =	sst s1  }
0xa: {  	[smem:$0x3F9D] =	sst s2  }
0xb: {  	[smem:$0x3F9E] =	sst s3  }
0xc: {  	[smem:$0x3F9F] =	sst s4  }
0xd: {  	[smem:$0x3FA0] =	sst s5  }
0xe: {  	[smem:$0x3FA1] =	sst s6  }
0xf: {  	[smem:$0x3FA2] =	sst s7  }
0x10: {  	[smem:$0x3FA3] =	sst s8  }
0x11: {  	[smem:$0x3FA4] =	sst s9;
	s0 =	simm.s32 @!p0 $0x0  }
0x12: {  	s1 =	sld [smem:$0x3F8A];
	s0 =	simm.s32 @p0 $0x1  }
0x13: {  	[smem:$0x3FA5] =	sst s0;
	s0 =	simm.s32 @!p1 $0x0  }
0x14: {  	s2 =	sld [smem:$0x3F89];
	s0 =	simm.s32 @p1 $0x1  }
0x15: {  	[smem:$0x3FA6] =	sst s0;
	s0 =	simm.s32 @!p2 $0x0  }
0x16: {  	s3 =	sld [smem:$0x3FDB];
	s0 =	simm.s32 @p2 $0x1  }
0x17: {  	s4 =	simm.s32 $0x1BF5;
	[smem:$0x3FA8] =	sst s0  }
0x18: {  	s0 =	sld [smem:$0x3F8B];
	_ =	swait.ge [sflag:s4], $0x0  }
0x19: {  	s7 =	sld [smem:$0x3F8C]  }
0x1a: {  	s8 =	sadd.s32 $0xFFFFE003, lr  }
0x1b: {  	s9 =	sadd.s32 $0xFFFFFEF7, lr;
	s5 =	simm.s32 $0xFFFFFFFF;
	p2 =	slt.u32 s8, $0xFFFFF086  }
0x1c: {  	p1 =	slt.u32 s9, $0xF7A;
	s5 =	simm.s32 @!p2 $0x0  }
0x1d: {  	s5 =	simm.s32 @p1 $0x1;
	p0 =	seq.s32 s7, s2  }
0x1e: {  	s7 =	smul.u32 @!p0 $0xF7A, s2;
	p2 =	seq.s32 @!p0 s5, $0x0  }
0x1f: {  	s9 =	smul.u32 $0xF7A, s1;
	s8 =	simm.s32 @!p0 $0x1BF5;
	p2 =	por !p2, p0  }
0x20: {  	[sflag:s8] =	ssyncset.s32 @!p0 $0xFFFFF086;
	s6 =	sadd.s32 @!p0 s3, s7;
	s7 =	simm.s32 @!p0 $0x108  }
0x21: {  	s3 =	sadd.s32 s3, s9;
	s6 =	sadd.s32 @!p0 $0x88, s6;
	s7 =	simm.s32 @p2 $0x1082  }
0x22: {  	[simem:s7], [sflag:s8] =	dma.local @!p0 [hbm:s6], $0xF7A  }
0x23: {  	s9 =	sor.u32 $0xD0000000, s2;
	s6 =	simm.s32 $0x108;
	_ =	swait.ge @!p0 [sflag:s8], $0x0  }
0x24: {  	s3 =	sadd.s32 $0x88, s3;
	s6 =	simm.s32 @!p1 $0x1082;
	[sflag:s4] =	ssyncset.s32 $0xFFFFF086  }
0x25: {  	[simem:s6], [sflag:s4] =	dma.local [hbm:s3], $0xF7A  }
0x26: {  	[smem:$0x3F8C] =	sst s1;
	(tag) =	ssettag s2;
	_ =	strace s9  }
0x27: {  	s1 =	sld [smem:$0x3F9C]  }
0x28: {  	s2 =	sld [smem:$0x3F9D]  }
0x29: {  	s4 =	sld [smem:$0x3F9F]  }
0x2a: {  	p0 =	seq.s32 s5, $0x0;
	s5 =	sld [smem:$0x3FA0]  }
0x2b: {  	s6 =	sld [smem:$0x3FA1]  }
0x2c: {  	s7 =	sld [smem:$0x3FA2]  }
0x2d: {  	s3 =	simm.s32 $0x108;
	s8 =	sld [smem:$0x3FA3]  }
0x2e: {  	s3 =	simm.s32 @!p0 $0x1082;
	s9 =	sld [smem:$0x3FA4]  }
0x2f: {  	lr =	sadd.s32 s0, s3;
	s0 =	sld [smem:$0x3F9B]  }
0x30: {  	s3 =	sld [smem:$0x3F9E]  }
0x31: {  	[smem:$0x3FA7] =	sst s10  }
0x32: {  	s10 =	sld [smem:$0x3FA5];
	_ =	sdelay $0x3  }
0x33: {  	p0 =	seq.s32 s10, $0x1;
	s10 =	sld [smem:$0x3FA7];
	_ =	sdelay $0x3  }
0x34: {  	[smem:$0x3FA7] =	sst s10  }
0x35: {  	s10 =	sld [smem:$0x3FA6];
	_ =	sdelay $0x3  }
0x36: {  	p1 =	seq.s32 s10, $0x1;
	s10 =	sld [smem:$0x3FA7];
	_ =	sdelay $0x3  }
0x37: {  	[smem:$0x3FA7] =	sst s10  }
0x38: {  	s10 =	sld [smem:$0x3FA8]  }
0x39: {  	_ = 	snop;
	(pc) =	sbr.ind lr, $3  }
0x3a: {  	_ = 	snop  }
0x3b: {  	_ = 	snop  }
0x3c: {  	p2 =	seq.s32 s10, $0x1;
	s10 =	sld [smem:$0x3FA7]  }
0x3d: {  	_ =	shalt  }
0x3e: {  	_ =	shalt  }
0x3f: {  	_ =	shalt  }
0x40: {  	_ =	shalt  }
0x41: {  	_ =	shalt  }
0x42: {  	_ =	shalt  }
0x43: {  	_ =	shalt  }
0x44: {  	_ =	shalt  }
0x45: {  	_ =	shalt  }
0x46: {  	_ =	shalt  }
0x47: {  	_ =	shalt  }
0x48: {  	_ =	shalt  }
0x49: {  	_ =	shalt  }
0x4a: {  	_ =	shalt  }
0x4b: {  	_ =	shalt  }
0x4c: {  	_ =	shalt  }
0x4d: {  	_ =	shalt  }
0x4e: {  	_ =	shalt  }
0x4f: {  	_ =	shalt  }
0x50: {  	_ =	shalt  }
0x51: {  	_ =	shalt  }
0x52: {  	_ =	shalt  }
0x53: {  	_ =	shalt  }
0x54: {  	_ =	shalt  }
0x55: {  	_ =	shalt  }
0x56: {  	_ =	shalt  }
0x57: {  	_ =	shalt  }
0x58: {  	_ =	shalt  }
0x59: {  	_ =	shalt  }
0x5a: {  	_ =	shalt  }
0x5b: {  	_ =	shalt  }
0x5c: {  	_ =	shalt  }
0x5d: {  	_ =	shalt  }
0x5e: {  	_ =	shalt  }
0x5f: {  	_ =	shalt  }
0x60: {  	_ =	shalt  }
0x61: {  	_ =	shalt  }
0x62: {  	_ =	shalt  }
0x63: {  	_ =	shalt  }
0x64: {  	_ =	shalt  }
0x65: {  	_ =	shalt  }
0x66: {  	_ =	shalt  }
0x67: {  	_ =	shalt  }
0x68: {  	_ =	shalt  }
0x69: {  	_ =	shalt  }
0x6a: {  	_ =	shalt  }
0x6b: {  	_ =	shalt  }
0x6c: {  	_ =	shalt  }
0x6d: {  	_ =	shalt  }
0x6e: {  	_ =	shalt  }
0x6f: {  	_ =	shalt  }
0x70: {  	_ =	shalt  }
0x71: {  	_ =	shalt  }
0x72: {  	_ =	shalt  }
0x73: {  	_ =	shalt  }
0x74: {  	_ =	shalt  }
0x75: {  	_ =	shalt  }
0x76: {  	_ =	shalt  }
0x77: {  	_ =	shalt  }
0x78: {  	_ =	shalt  }
0x79: {  	_ =	shalt  }
0x7a: {  	_ =	shalt  }
0x7b: {  	_ =	shalt  }
0x7c: {  	_ =	shalt  }
0x7d: {  	_ =	shalt  }
0x7e: {  	_ =	shalt  }
0x7f: {  	_ =	shalt  }
0x80: {  	_ =	shalt  }
0x81: {  	_ =	shalt  }
0x82: {  	_ =	shalt  }
0x83: {  	_ =	shalt  }
0x84: {  	_ =	shalt  }
0x85: {  	_ =	shalt  }
0x86: {  	_ =	shalt  }
0x87: {  	_ =	shalt  }
.Lfunc_end0:
.L_simem_size_0:
called_computation.2_lowered:
.L_overlay_start_0:
0x88: {  	s2 =	sld [smem:$0x3FD9]  }
0x89: {  	s3 =	sld [smem:$0x3FFE];
	_ =	sdelay $0x1  }
0x8a: {  	s1 =	srdreg.scid  }
0x8b: {  	s0 =	sand.u32 $0x1, s1  }
0x8c: {  	s16 =	sshll.u32 s0, $0xA;
	s2 =	sadd.s32 s3, s2  }
0x8d: {  	s2 =	sadd.s32 s2, s16  }
0x8e: {  	[smem:$0x3FB3] =	sst s2  }
0x8f: {  	_ = 	snop  }
0x90: {  	(tm) =	ssettm $0x1  }
0x91: {  	s17 =	sld [smem:$0x3FFB];
	_ =	sdelay $0x3  }
0x92: {  	_ =	strace s17  }
0x93: {  	s2 =	sld [smem:$0x3FFC];
	_ =	sdelay $0x3  }
0x94: {  	_ =	strace s2  }
0x95: {  	s2 =	sld [smem:$0x3FFD];
	_ =	sdelay $0x3  }
0x96: {  	_ =	strace s2  }
0x97: {  	_ =	strace $0x8FFFFFFF  }
0x98: {  	s18 =	sld [smem:$0x3FDB];
	_ =	sdelay $0x1  }
0x99: {  	s19 =	simm.s32 $_scs_section_size  }
0x9a: {  	s4 =	simm.s32 $_size__tile_overlayer_lowered;
	s5 =	simm.s32 $_tile_overlayer_lowered  }
0x9b: {  	s22 =	simm.s32 $0x1BFF;
	s21 =	sshll.u32 s5, $0x1;
	s2 =	sadd.s32 s19, s18  }
0x9c: {  	s6 =	simm.s32 $0x0;
	s20 =	sshll.u32 s4, $0x1;
	s4 =	sadd.s32 s21, s2  }
0x9d: {  	[timem:s6], [sflag:s22] =	dma.local [hbm:s4], s20  }
0x9e: {  	_ =	swait.ge [sflag:s22], s20  }
0x9f: {  	s3 =	ssub.s32 $0x0, s20;
	[sflag:s22] =	ssyncset.done $0x0  }
0xa0: {  	[sflag:s22] =	ssyncadd.s32 s3;
	_ =	sdelay $0x1  }
0xa1: {  	s23 =	simm.s32 $0x1B8B  }
0xa2: {  	_ =	swait.ge [sflag:s23], $0x1  }
0xa3: {  	[sflag:s23] =	ssyncset.done $0x0  }
0xa4: {  	s25 =	simm.s32 $0x1B8E;
	s24 =	sld [smem:$0x3FFE];
	[sflag:s23] =	ssyncadd.s32 $0xFFFFFFFF  }
0xa5: {  	s26 =	simm.s32 $execute0_lowered;
	[smem:$0x3FD2] =	sst s25  }
0xa6: {  	s4 =	sshll.u32 s26, $0x1;
	_ =	strace $0x8000004C;
	[dreg:$0x1] =	wrdreg $0xFFFFFFFF  }
0xa7: {  	s28 =	simm.s32 $_size_execute0_lowered;
	s2 =	sadd.s32 s2, s4;
	[dreg:$0x0] =	wrdreg $0x0  }
0xa8: {  	s4 =	sshll.u32 s28, $0x1;
	[dreg:$0x2] =	wrdreg s2  }
0xa9: {  	[dreg:$0x3] =	wrdreg s4  }
0xaa: {  	[dreg:$0x4] =	wrdreg $0xC0  }
0xab: {  	_ =	task [dreg:s6], $0x5FFFF  }
0xac: {  	[dreg:$0x1] =	wrdreg $0xFFFFFFFF  }
0xad: {  	[dreg:$0x0] =	wrdreg $0x60  }
0xae: {  	[dreg:$0x2] =	wrdreg s24  }
0xaf: {  	[dreg:$0x3] =	wrdreg $0x9  }
0xb0: {  	_ =	task.clear_ibuf [dreg:s6], $0x4FFFF;
	_ =	strace $0x9000004C  }
0xb1: {  	s29 =	simm.s32 $0x9;
	_ =	strace $0x8000004E  }
0xb2: {  	_ =	swait.ge [sflag:s29], $0x1  }
0xb3: {  	[sflag:s29] =	ssyncadd.s32 $0xFFFFFFFF  }
0xb4: {  	_ =	strace $0x9000004E  }
0xb5: {  	_ =	sfence  }
0xb6: {  	s30 =	sld [smem:$0x0];
	_ =	sdelay $0x2  }
0xb7: {  	s31 =	sshll.u32 s1, $0xD;
	s1 =	sshrl.u32 s1, $0x2  }
0xb8: {  	s3 =	sand.u32 $0x4000, s31;
	s1 =	sadd.s32 s1, s30  }
0xb9: {  	s0 =	sor.u32 s3, s0;
	s1 =	sshll.u32 s1, $0x11  }
0xba: {  	s0 =	sor.u32 s1, s0  }
0xbb: {  	s0 =	sadd.s32 $0x8F2B, s0  }
0xbc: {  	[sflag:s0] =	ssyncadd.remote.s32 $0x1  }
0xbd: {  	_ =	sfence.sel $0xFFFF  }
0xbe: {  	[dreg:$0x0] =	wrdreg $0xFFFFFFFF;
	(pc) =	sbr.abs _section_cstart, $3  }
0xbf: {  	[dreg:$0x1] =	wrdreg $0xFFFFFFFF  }
0xc0: {  	_ =	task.clear_ibuf [dreg:s6], $0x2FFFF;
	_ =	strace $0x9FFFFFFF  }
0xc1: {  	(tm) =	ssettm $0x7FFFFFFF  }
tec
execute0_lowered:
.L_overlay_start_1:
0x0: {  	(tag) =	ssettag $0x1  }
0x1: {  	s4 =	rddreg [dreg:$0x0]  }
0x2: {  	s0 =	rddreg [dreg:$0x1];
	s1 =	simm.s32 $0x0  }
0x3: {  	s5 =	srdreg.scid;
	s2 =	stileid.u32;
	s15 =	simm.s32 $0x4100  }
0x4: {  	s16 =	simm.s32 $0x1;
	s17 =	simm.s32 $0x2;
	s18 =	simm.s32 $0x0  }
0x5: {  	[smem:$0x7FF] =	sst s1;
	s3 =	sadd.s32 $0x5000, s4;
	s10 =	sand.u32 $0x1, s5  }
0x6: {  	s11 =	sadd.s32 $0x85000, s4;
	s29 =	sshll.u32 s2, $0xE;
	s12 =	sadd.s32 $0x8D000, s4  }
0x7: {  	s14 =	sshll.u32 s2, $0x12;
	_ =	strace $0x8000004D;
	s6 =	sshll.u32 s10, $0xD  }
0x8: {  	s30 =	ssub.s32 $0x2, s10;
	s10 =	sshll.u32 s10, $0x11;
	s13 =	sor.u32 s6, s29  }
0x9: {  	s31 =	sshrl.u32 s30, $0x1;
	s6 =	sshrl.u32 s13, $0x3;
	s7 =	sshll.u32 s13, $0x4  }
0xa: {  	s5 =	ssub.s32 s30, s31;
	s9 =	sor.u32 $0x100, s13;
	s13 =	sor.u32 $0x80, s13  }
0xb: {  	s4 =	sadd.s32 s11, s6;
	s8 =	sadd.s32 s12, s7;
	s5 =	smax.u32 s5, $0x1  }
0xc: {  	s9 =	sshrl.u32 s9, $0x3;
	s12 =	sadd.s32 s14, s12;
	s13 =	sshrl.u32 s13, $0x3  }
0xd: {  	s14 =	simm.s32 $0x100;
	s6 =	sadd.s32 $0x3F0, s4;
	s7 =	sadd.s32 $0x1F000, s8  }
0xe: {  	s8 =	sadd.s32 $0x1F800, s8;
	s9 =	sadd.s32 s9, s11;
	s10 =	sadd.s32 s10, s12  }
0xf: {  	s11 =	sadd.s32 s13, s11;
	s12 =	simm.s32 $0x3;
	s13 =	simm.s32 $0x80  }
.LBB2_1:
0x10: {  	[tilespmem:s1], [sflag:$0x3] =	stream.linear.gather [hbm4b:s4+s1], $0x80, $0x38;
	[tilespmem:$0x8100] =	vst v63  }
0x11: {  	_ =	swait.ge [sflag:s12], $0x80  }
0x12: {  	[sflag:s12] =	ssyncset.done $0x0  }
0x13: {  	[sflag:s12] =	ssyncadd.s32 $0xFFFFFF80  }
0x14: {  	[tilespmem:s14], [sflag:$0x1] =	stream.indirect.gather [hbm4b:s3+s13], $0x80, s1, s13, $0xb8;
	[tilespmem:$0x8100] =	vst v63  }
0x15: {  	s19 =	sadd.s32 $0x0, s11  }
0x16: {  	[tilespmem:s13], [sflag:$0x3] =	stream.linear.gather [hbm4b:s19+s1], $0x80, $0x38;
	[tilespmem:$0x8100] =	vst v63  }
0x17: {  	_ =	swait.ge [sflag:s12], $0x80  }
0x18: {  	[sflag:s12] =	ssyncset.done $0x0  }
0x19: {  	[sflag:s12] =	ssyncadd.s32 $0xFFFFFF80  }
0x1a: {  	[tilespmem:s15], [sflag:$0x2] =	stream.indirect.gather [hbm4b:s3+s13], $0x80, s13, s13, $0xb8;
	[tilespmem:$0x8100] =	vst v63  }
0x1b: {  	_ =	swait.ge [sflag:s16], $0x4000  }
0x1c: {  	[sflag:s16] =	ssyncset.done $0x0  }
0x1d: {  	[sflag:s16] =	ssyncadd.s32 $0xFFFFC000  }
0x1e: {  	[hbm4b:s10+s1] =	stream.linear.scatter [tilespmem:s14], [sflag:$0x3], $0x4000, $0x38;
	[tilespmem:$0x8100] =	vst v63  }
0x1f: {  	_ =	swait.ge [sflag:s12], $0x4000  }
0x20: {  	[sflag:s12] =	ssyncset.done $0x0  }
0x21: {  	s30 =	sadd.s32 $0x0, s9;
	[sflag:s12] =	ssyncadd.s32 $0xFFFFC000  }
0x22: {  	[tilespmem:s1], [sflag:$0x3] =	stream.linear.gather [hbm4b:s30+s1], $0x80, $0x38;
	[tilespmem:$0x8100] =	vst v63  }
0x23: {  	_ =	swait.ge [sflag:s12], $0x80  }
0x24: {  	[sflag:s12] =	ssyncset.done $0x0  }
0x25: {  	[sflag:s12] =	ssyncadd.s32 $0xFFFFFF80  }
0x26: {  	[tilespmem:s14], [sflag:$0x1] =	stream.indirect.gather [hbm4b:s3+s13], $0x80, s1, s13, $0xb8;
	[tilespmem:$0x8100] =	vst v63  }
0x27: {  	_ =	swait.ge [sflag:s17], $0x4000  }
0x28: {  	[sflag:s17] =	ssyncset.done $0x0  }
0x29: {  	s31 =	sadd.s32 $0x800, s10;
	[sflag:s17] =	ssyncadd.s32 $0xFFFFC000  }
0x2a: {  	[hbm4b:s31+s1] =	stream.linear.scatter [tilespmem:s15], [sflag:$0x3], $0x4000, $0x38;
	[tilespmem:$0x8100] =	vst v63  }
0x2b: {  	s20 =	simm.s32 $0x20;
	_ =	swait.ge [sflag:s12], $0x4000  }
0x2c: {  	s21 =	simm.s32 $0x40;
	s19 =	sadd.s32 $0x1000, s10;
	[sflag:s12] =	ssyncset.done $0x0  }
.LBB2_2:
0x2d: {  	s22 =	sadd.s32 s20, s11  }
0x2e: {  	[sflag:s12] =	ssyncadd.s32 $0xFFFFC000;
	s23 =	smov.u32 s21;
	s24 =	sadd.s32 $0x20, s21  }
0x2f: {  	[tilespmem:s13], [sflag:$0x3] =	stream.linear.gather [hbm4b:s22+s1], $0x80, $0x38;
	[tilespmem:$0x8100] =	vst v63  }
0x30: {  	p0 =	sne.s32 s21, $0x3C0;
	_ =	swait.ge [sflag:s12], $0x80  }
0x31: {  	[sflag:s12] =	ssyncset.done $0x0  }
0x32: {  	[sflag:s12] =	ssyncadd.s32 $0xFFFFFF80  }
0x33: {  	[tilespmem:s15], [sflag:$0x2] =	stream.indirect.gather [hbm4b:s3+s13], $0x80, s13, s13, $0xb8;
	[tilespmem:$0x8100] =	vst v63  }
0x34: {  	_ =	swait.ge [sflag:s16], $0x4000  }
0x35: {  	[sflag:s16] =	ssyncset.done $0x0  }
0x36: {  	[sflag:s16] =	ssyncadd.s32 $0xFFFFC000  }
0x37: {  	[hbm4b:s19+s1] =	stream.linear.scatter [tilespmem:s14], [sflag:$0x3], $0x4000, $0x38;
	[tilespmem:$0x8100] =	vst v63  }
0x38: {  	_ =	swait.ge [sflag:s12], $0x4000  }
0x39: {  	[sflag:s12] =	ssyncset.done $0x0  }
0x3a: {  	s21 =	sadd.s32 s20, s9;
	s20 =	smov.u32 s23;
	[sflag:s12] =	ssyncadd.s32 $0xFFFFC000  }
0x3b: {  	[tilespmem:s1], [sflag:$0x3] =	stream.linear.gather [hbm4b:s21+s1], $0x80, $0x38;
	[tilespmem:$0x8100] =	vst v63  }
0x3c: {  	_ =	swait.ge [sflag:s12], $0x80  }
0x3d: {  	[sflag:s12] =	ssyncset.done $0x0  }
0x3e: {  	[sflag:s12] =	ssyncadd.s32 $0xFFFFFF80  }
0x3f: {  	[tilespmem:s14], [sflag:$0x1] =	stream.indirect.gather [hbm4b:s3+s13], $0x80, s1, s13, $0xb8;
	[tilespmem:$0x8100] =	vst v63  }
0x40: {  	_ =	swait.ge [sflag:s17], $0x4000  }
.Ltmp0:
0x41: {  	[sflag:s17] =	ssyncset.done $0x0;
	(pc) =	sbr.rel @p0 .LBB2_2-.Ltmp0, $4  }
0x42: {  	s21 =	sadd.s32 $0x800, s19;
	[sflag:s17] =	ssyncadd.s32 $0xFFFFC000  }
0x43: {  	[hbm4b:s21+s1] =	stream.linear.scatter [tilespmem:s15], [sflag:$0x3], $0x4000, $0x38;
	[tilespmem:$0x8100] =	vst v63  }
0x44: {  	_ =	swait.ge [sflag:s12], $0x4000  }
0x45: {  	s19 =	sadd.s32 $0x1000, s19;
	s21 =	smov.u32 s24;
	[sflag:s12] =	ssyncset.done $0x0  }
0x46: {  	s21 =	sadd.s32 s20, s11;
	[sflag:s12] =	ssyncadd.s32 $0xFFFFC000  }
0x47: {  	[tilespmem:s13], [sflag:$0x3] =	stream.linear.gather [hbm4b:s21+s1], $0x80, $0x38;
	[tilespmem:$0x8100] =	vst v63  }
0x48: {  	_ =	swait.ge [sflag:s12], $0x80  }
0x49: {  	[sflag:s12] =	ssyncset.done $0x0  }
0x4a: {  	[sflag:s12] =	ssyncadd.s32 $0xFFFFFF80  }
0x4b: {  	[tilespmem:s15], [sflag:$0x2] =	stream.indirect.gather [hbm4b:s3+s13], $0x80, s13, s13, $0xb8;
	[tilespmem:$0x8100] =	vst v63  }
0x4c: {  	_ =	swait.ge [sflag:s16], $0x4000  }
0x4d: {  	[sflag:s16] =	ssyncset.done $0x0  }
0x4e: {  	[sflag:s16] =	ssyncadd.s32 $0xFFFFC000  }
0x4f: {  	[hbm4b:s19+s1] =	stream.linear.scatter [tilespmem:s14], [sflag:$0x3], $0x4000, $0x38;
	[tilespmem:$0x8100] =	vst v63  }
0x50: {  	_ =	swait.ge [sflag:s12], $0x4000  }
0x51: {  	[sflag:s12] =	ssyncset.done $0x0  }
0x52: {  	s30 =	sadd.s32 s20, s9;
	[sflag:s12] =	ssyncadd.s32 $0xFFFFC000  }
0x53: {  	[tilespmem:s1], [sflag:$0x3] =	stream.linear.gather [hbm4b:s30+s1], $0x80, $0x38;
	[tilespmem:$0x8100] =	vst v63  }
0x54: {  	_ =	swait.ge [sflag:s12], $0x80  }
0x55: {  	[sflag:s12] =	ssyncset.done $0x0  }
0x56: {  	[sflag:s12] =	ssyncadd.s32 $0xFFFFFF80  }
0x57: {  	[tilespmem:s14], [sflag:$0x1] =	stream.indirect.gather [hbm4b:s3+s13], $0x80, s1, s13, $0xb8;
	[tilespmem:$0x8100] =	vst v63  }
0x58: {  	_ =	swait.ge [sflag:s17], $0x4000  }
0x59: {  	[sflag:s17] =	ssyncset.done $0x0  }
0x5a: {  	s31 =	sadd.s32 $0x800, s19;
	[sflag:s17] =	ssyncadd.s32 $0xFFFFC000  }
0x5b: {  	[hbm4b:s31+s1] =	stream.linear.scatter [tilespmem:s15], [sflag:$0x3], $0x4000, $0x38;
	[tilespmem:$0x8100] =	vst v63  }
0x5c: {  	_ =	swait.ge [sflag:s12], $0x4000  }
0x5d: {  	[sflag:s12] =	ssyncset.done $0x0  }
0x5e: {  	[sflag:s12] =	ssyncadd.s32 $0xFFFFC000  }
0x5f: {  	[tilespmem:s13], [sflag:$0x3] =	stream.linear.gather [hbm4b:s6+s1], $0x80, $0x38;
	[tilespmem:$0x8100] =	vst v63  }
0x60: {  	_ =	swait.ge [sflag:s12], $0x80  }
0x61: {  	[sflag:s12] =	ssyncset.done $0x0  }
0x62: {  	[sflag:s12] =	ssyncadd.s32 $0xFFFFFF80  }
0x63: {  	[tilespmem:s15], [sflag:$0x2] =	stream.indirect.gather [hbm4b:s3+s13], $0x80, s13, s13, $0xb8;
	[tilespmem:$0x8100] =	vst v63  }
0x64: {  	_ =	swait.ge [sflag:s16], $0x4000  }
0x65: {  	[sflag:s16] =	ssyncset.done $0x0  }
0x66: {  	[sflag:s16] =	ssyncadd.s32 $0xFFFFC000  }
0x67: {  	[hbm4b:s7+s1] =	stream.linear.scatter [tilespmem:s14], [sflag:$0x3], $0x4000, $0x38;
	[tilespmem:$0x8100] =	vst v63  }
0x68: {  	_ =	swait.ge [sflag:s12], $0x4000  }
0x69: {  	[sflag:s12] =	ssyncset.done $0x0  }
0x6a: {  	[sflag:s12] =	ssyncadd.s32 $0xFFFFC000  }
0x6b: {  	s18 =	sadd.s32 $0x1, s18;
	_ =	swait.ge [sflag:s17], $0x4000  }
0x6c: {  	p0 =	sne.s32 s18, s5;
	[sflag:s17] =	ssyncset.done $0x0  }
.Ltmp1:
0x6d: {  	[sflag:s17] =	ssyncadd.s32 $0xFFFFC000;
	(pc) =	sbr.rel @p0 .LBB2_1-.Ltmp1, $4  }
0x6e: {  	[hbm4b:s8+s1] =	stream.linear.scatter [tilespmem:s15], [sflag:$0x3], $0x4000, $0x38;
	[tilespmem:$0x8100] =	vst v63  }
0x6f: {  	_ =	swait.ge [sflag:s12], $0x4000  }
0x70: {  	[sflag:s12] =	ssyncset.done $0x0  }
0x71: {  	[sflag:s12] =	ssyncadd.s32 $0xFFFFC000  }
0x72: {  	_ =	sfence.sel $0x180000  }
0x73: {  	[bflag:$0x0] =	sbarrier.arrive $0xFFFF  }
0x74: {  	p0 =	sne.s32 s2, $0x0;
	_ =	strace $0x9000004D  }
0x75: {  	s0 =	sadd.s32 @!p0 $0x100000, s0;
	[bflag:$0x2] =	sbarrier.arrive $0xFFFF  }
0x76: {  	[sflag:s0] =	ssyncadd.tile.s32 @!p0 $0x1;
	_ =	shalt  }
.Lfunc_end2:
_tile_overlayer_lowered:
.L_overlay_start_2:
0x77: {  	(tag) =	ssettag $0x2  }
0x78: {  	s0 =	rddreg [dreg:$0x0];
	s2 =	stileid.u32  }
0x79: {  	s1 =	rddreg [dreg:$0x1];
	p0 =	sne.s32 s2, $0x0  }
0x7a: {  	s3 =	rddreg [dreg:$0x2];
	[bflag:$0x3] =	sbarrier.arrive $0xFFFF;
	s2 =	simm.s32 @!p0 $0x1C03  }
0x7b: {  	[timem:s3], [sflag:s2] =	dma.local @!p0 [hbm:s0], s1  }
0x7c: {  	s0 =	simm.s32 @!p0 $0x3  }
0x7d: {  	_ =	swait.ge @!p0 [sflag:s0], s1  }
0x7e: {  	s1 =	ssub.s32 @!p0 $0x0, s1;
	[sflag:s0] =	ssyncset.done @!p0 $0x0  }
0x7f: {  	[sflag:s0] =	ssyncadd.s32 @!p0 s1  }
0x80: {  	[bflag:$0x3] =	sbarrier.arrive $0xFFFF  }
0x81: {  	_ =	shalt  }

// kernel: kernel.37.cloned.1.call-start
scs
__scs_entry_jumppad:
0x0: {  	(pc) =	sbr.rel $0x88, $3  }
0x1: {  	(tag) =	ssettag $0x0;
	lr =	simm.s32 $0x1  }
0x2: {  	[smem:$0x3F8C] =	sst lr;
	_ =	strace $0xD0000000  }
0x3: {  	_ = 	snop  }
0x4: {  	_ = 	snop  }
0x5: {  	_ = 	snop  }
0x6: {  	_ = 	snop  }
0x7: {  	_ = 	snop  }
__scs_overlays_trampoline_lowered:
0x8: {  	[smem:$0x3F9B] =	sst s0  }
0x9: {  	[smem:$0x3F9C] =	sst s1  }
0xa: {  	[smem:$0x3F9D] =	sst s2  }
0xb: {  	[smem:$0x3F9E] =	sst s3  }
0xc: {  	[smem:$0x3F9F] =	sst s4  }
0xd: {  	[smem:$0x3FA0] =	sst s5  }
0xe: {  	[smem:$0x3FA1] =	sst s6  }
0xf: {  	[smem:$0x3FA2] =	sst s7  }
0x10: {  	[smem:$0x3FA3] =	sst s8  }
0x11: {  	[smem:$0x3FA4] =	sst s9;
	s0 =	simm.s32 @!p0 $0x0  }
0x12: {  	s1 =	sld [smem:$0x3F8A];
	s0 =	simm.s32 @p0 $0x1  }
0x13: {  	[smem:$0x3FA5] =	sst s0;
	s0 =	simm.s32 @!p1 $0x0  }
0x14: {  	s2 =	sld [smem:$0x3F89];
	s0 =	simm.s32 @p1 $0x1  }
0x15: {  	[smem:$0x3FA6] =	sst s0;
	s0 =	simm.s32 @!p2 $0x0  }
0x16: {  	s3 =	sld [smem:$0x3FDB];
	s0 =	simm.s32 @p2 $0x1  }
0x17: {  	s4 =	simm.s32 $0x1BF5;
	[smem:$0x3FA8] =	sst s0  }
0x18: {  	s0 =	sld [smem:$0x3F8B];
	_ =	swait.ge [sflag:s4], $0x0  }
0x19: {  	s7 =	sld [smem:$0x3F8C]  }
0x1a: {  	s8 =	sadd.s32 $0xFFFFE003, lr  }
0x1b: {  	s9 =	sadd.s32 $0xFFFFFEF7, lr;
	s5 =	simm.s32 $0xFFFFFFFF;
	p2 =	slt.u32 s8, $0xFFFFF086  }
0x1c: {  	p1 =	slt.u32 s9, $0xF7A;
	s5 =	simm.s32 @!p2 $0x0  }
0x1d: {  	s5 =	simm.s32 @p1 $0x1;
	p0 =	seq.s32 s7, s2  }
0x1e: {  	s7 =	smul.u32 @!p0 $0xF7A, s2;
	p2 =	seq.s32 @!p0 s5, $0x0  }
0x1f: {  	s9 =	smul.u32 $0xF7A, s1;
	s8 =	simm.s32 @!p0 $0x1BF5;
	p2 =	por !p2, p0  }
0x20: {  	[sflag:s8] =	ssyncset.s32 @!p0 $0xFFFFF086;
	s6 =	sadd.s32 @!p0 s3, s7;
	s7 =	simm.s32 @!p0 $0x108  }
0x21: {  	s3 =	sadd.s32 s3, s9;
	s6 =	sadd.s32 @!p0 $0x88, s6;
	s7 =	simm.s32 @p2 $0x1082  }
0x22: {  	[simem:s7], [sflag:s8] =	dma.local @!p0 [hbm:s6], $0xF7A  }
0x23: {  	s9 =	sor.u32 $0xD0000000, s2;
	s6 =	simm.s32 $0x108;
	_ =	swait.ge @!p0 [sflag:s8], $0x0  }
0x24: {  	s3 =	sadd.s32 $0x88, s3;
	s6 =	simm.s32 @!p1 $0x1082;
	[sflag:s4] =	ssyncset.s32 $0xFFFFF086  }
0x25: {  	[simem:s6], [sflag:s4] =	dma.local [hbm:s3], $0xF7A  }
0x26: {  	[smem:$0x3F8C] =	sst s1;
	(tag) =	ssettag s2;
	_ =	strace s9  }
0x27: {  	s1 =	sld [smem:$0x3F9C]  }
0x28: {  	s2 =	sld [smem:$0x3F9D]  }
0x29: {  	s4 =	sld [smem:$0x3F9F]  }
0x2a: {  	p0 =	seq.s32 s5, $0x0;
	s5 =	sld [smem:$0x3FA0]  }
0x2b: {  	s6 =	sld [smem:$0x3FA1]  }
0x2c: {  	s7 =	sld [smem:$0x3FA2]  }
0x2d: {  	s3 =	simm.s32 $0x108;
	s8 =	sld [smem:$0x3FA3]  }
0x2e: {  	s3 =	simm.s32 @!p0 $0x1082;
	s9 =	sld [smem:$0x3FA4]  }
0x2f: {  	lr =	sadd.s32 s0, s3;
	s0 =	sld [smem:$0x3F9B]  }
0x30: {  	s3 =	sld [smem:$0x3F9E]  }
0x31: {  	[smem:$0x3FA7] =	sst s10  }
0x32: {  	s10 =	sld [smem:$0x3FA5];
	_ =	sdelay $0x3  }
0x33: {  	p0 =	seq.s32 s10, $0x1;
	s10 =	sld [smem:$0x3FA7];
	_ =	sdelay $0x3  }
0x34: {  	[smem:$0x3FA7] =	sst s10  }
0x35: {  	s10 =	sld [smem:$0x3FA6];
	_ =	sdelay $0x3  }
0x36: {  	p1 =	seq.s32 s10, $0x1;
	s10 =	sld [smem:$0x3FA7];
	_ =	sdelay $0x3  }
0x37: {  	[smem:$0x3FA7] =	sst s10  }
0x38: {  	s10 =	sld [smem:$0x3FA8]  }
0x39: {  	_ = 	snop;
	(pc) =	sbr.ind lr, $3  }
0x3a: {  	_ = 	snop  }
0x3b: {  	_ = 	snop  }
0x3c: {  	p2 =	seq.s32 s10, $0x1;
	s10 =	sld [smem:$0x3FA7]  }
0x3d: {  	_ =	shalt  }
0x3e: {  	_ =	shalt  }
0x3f: {  	_ =	shalt  }
0x40: {  	_ =	shalt  }
0x41: {  	_ =	shalt  }
0x42: {  	_ =	shalt  }
0x43: {  	_ =	shalt  }
0x44: {  	_ =	shalt  }
0x45: {  	_ =	shalt  }
0x46: {  	_ =	shalt  }
0x47: {  	_ =	shalt  }
0x48: {  	_ =	shalt  }
0x49: {  	_ =	shalt  }
0x4a: {  	_ =	shalt  }
0x4b: {  	_ =	shalt  }
0x4c: {  	_ =	shalt  }
0x4d: {  	_ =	shalt  }
0x4e: {  	_ =	shalt  }
0x4f: {  	_ =	shalt  }
0x50: {  	_ =	shalt  }
0x51: {  	_ =	shalt  }
0x52: {  	_ =	shalt  }
0x53: {  	_ =	shalt  }
0x54: {  	_ =	shalt  }
0x55: {  	_ =	shalt  }
0x56: {  	_ =	shalt  }
0x57: {  	_ =	shalt  }
0x58: {  	_ =	shalt  }
0x59: {  	_ =	shalt  }
0x5a: {  	_ =	shalt  }
0x5b: {  	_ =	shalt  }
0x5c: {  	_ =	shalt  }
0x5d: {  	_ =	shalt  }
0x5e: {  	_ =	shalt  }
0x5f: {  	_ =	shalt  }
0x60: {  	_ =	shalt  }
0x61: {  	_ =	shalt  }
0x62: {  	_ =	shalt  }
0x63: {  	_ =	shalt  }
0x64: {  	_ =	shalt  }
0x65: {  	_ =	shalt  }
0x66: {  	_ =	shalt  }
0x67: {  	_ =	shalt  }
0x68: {  	_ =	shalt  }
0x69: {  	_ =	shalt  }
0x6a: {  	_ =	shalt  }
0x6b: {  	_ =	shalt  }
0x6c: {  	_ =	shalt  }
0x6d: {  	_ =	shalt  }
0x6e: {  	_ =	shalt  }
0x6f: {  	_ =	shalt  }
0x70: {  	_ =	shalt  }
0x71: {  	_ =	shalt  }
0x72: {  	_ =	shalt  }
0x73: {  	_ =	shalt  }
0x74: {  	_ =	shalt  }
0x75: {  	_ =	shalt  }
0x76: {  	_ =	shalt  }
0x77: {  	_ =	shalt  }
0x78: {  	_ =	shalt  }
0x79: {  	_ =	shalt  }
0x7a: {  	_ =	shalt  }
0x7b: {  	_ =	shalt  }
0x7c: {  	_ =	shalt  }
0x7d: {  	_ =	shalt  }
0x7e: {  	_ =	shalt  }
0x7f: {  	_ =	shalt  }
0x80: {  	_ =	shalt  }
0x81: {  	_ =	shalt  }
0x82: {  	_ =	shalt  }
0x83: {  	_ =	shalt  }
0x84: {  	_ =	shalt  }
0x85: {  	_ =	shalt  }
0x86: {  	_ =	shalt  }
0x87: {  	_ =	shalt  }
.Lfunc_end0:
.L_simem_size_0:
called_computation.3_lowered:
.L_overlay_start_0:
0x88: {  	s2 =	sld [smem:$0x3FD9]  }
0x89: {  	s3 =	sld [smem:$0x3FFE];
	_ =	sdelay $0x1  }
0x8a: {  	s1 =	srdreg.scid  }
0x8b: {  	s0 =	sand.u32 $0x1, s1  }
0x8c: {  	s17 =	sshll.u32 s0, $0xA;
	s2 =	sadd.s32 s3, s2  }
0x8d: {  	s2 =	sadd.s32 s2, s17  }
0x8e: {  	[smem:$0x3FB3] =	sst s2  }
0x8f: {  	_ = 	snop  }
0x90: {  	(tm) =	ssettm $0x1  }
0x91: {  	s18 =	sld [smem:$0x3FFB];
	_ =	sdelay $0x3  }
0x92: {  	_ =	strace s18  }
0x93: {  	s2 =	sld [smem:$0x3FFC];
	_ =	sdelay $0x3  }
0x94: {  	_ =	strace s2  }
0x95: {  	s2 =	sld [smem:$0x3FFD];
	_ =	sdelay $0x3  }
0x96: {  	_ =	strace s2  }
0x97: {  	_ =	strace $0x8FFFFFFF  }
0x98: {  	s19 =	sld [smem:$0x3FDB];
	_ =	sdelay $0x1  }
0x99: {  	s20 =	simm.s32 $_scs_section_size  }
0x9a: {  	s4 =	simm.s32 $_size__tile_overlayer_lowered;
	s5 =	simm.s32 $_tile_overlayer_lowered  }
0x9b: {  	s6 =	simm.s32 $0x1BFF;
	s21 =	sshll.u32 s5, $0x1;
	s3 =	sadd.s32 s20, s19  }
0x9c: {  	s22 =	simm.s32 $0x0;
	s4 =	sshll.u32 s4, $0x1;
	s5 =	sadd.s32 s21, s3  }
0x9d: {  	[timem:s22], [sflag:s6] =	dma.local [hbm:s5], s4  }
0x9e: {  	_ =	swait.ge [sflag:s6], s4  }
0x9f: {  	s4 =	ssub.s32 $0x0, s4;
	[sflag:s6] =	ssyncset.done $0x0  }
0xa0: {  	[sflag:s6] =	ssyncadd.s32 s4;
	_ =	sdelay $0x1  }
0xa1: {  	s23 =	simm.s32 $0x1B8B  }
0xa2: {  	_ =	swait.ge [sflag:s23], $0x1  }
0xa3: {  	[sflag:s23] =	ssyncset.done $0x0  }
0xa4: {  	[sflag:s23] =	ssyncadd.s32 $0xFFFFFFFF  }
0xa5: {  	s4 =	sld [smem:$0x0]  }
0xa6: {  	s5 =	sand.u32 $0xFFFFFFFE, s1  }
0xa7: {  	p0 =	sne.s32 s1, s5  }
0xa8: {  	s5 =	sshll.u32 @p0 s5, $0xE  }
0xa9: {  	s5 =	sadd.s32 @p0 $0x11B8D, s5;
	s6 =	sshll.u32 @p0 s4, $0x11  }
0xaa: {  	s5 =	sor.u32 @p0 s6, s5  }
0xab: {  	[sflag:s5] =	ssyncadd.remote.s32 @p0 $0x1;
	_ =	sdelay $0x1  }
0xac: {  	s5 =	simm.s32 @p0 $0x1B8D  }
0xad: {  	_ =	swait.eq @p0 [sflag:s5], $0x1  }
0xae: {  	[sflag:s5] =	ssyncadd.s32 @p0 $0xFFFFFFFF  }
0xaf: {  	s6 =	sshll.u32 @!p0 s1, $0xE  }
0xb0: {  	s6 =	sor.u32 @!p0 $0x4000, s6;
	s5 =	simm.s32 @!p0 $0x1B8D  }
0xb1: {  	s4 =	sshll.u32 @!p0 s4, $0x11;
	s6 =	sadd.s32 @!p0 $0x11B8D, s6;
	_ =	swait.eq @!p0 [sflag:s5], $0x1  }
0xb2: {  	s4 =	sor.u32 @!p0 s4, s6;
	[sflag:s5] =	ssyncadd.s32 @!p0 $0xFFFFFFFF  }
0xb3: {  	s25 =	simm.s32 $0x1B8E;
	s24 =	sld [smem:$0x3FFE];
	[sflag:s4] =	ssyncadd.remote.s32 @!p0 $0x1  }
0xb4: {  	s26 =	simm.s32 $execute0_lowered;
	[smem:$0x3FD2] =	sst s25  }
0xb5: {  	s5 =	sshll.u32 s26, $0x1;
	_ =	strace $0x8000004F;
	[dreg:$0x1] =	wrdreg $0xFFFFFFFF  }
0xb6: {  	s28 =	simm.s32 $_size_execute0_lowered;
	s3 =	sadd.s32 s3, s5;
	[dreg:$0x0] =	wrdreg $0x0  }
0xb7: {  	s5 =	sshll.u32 s28, $0x1;
	[dreg:$0x2] =	wrdreg s3  }
0xb8: {  	[dreg:$0x3] =	wrdreg s5  }
0xb9: {  	[dreg:$0x4] =	wrdreg $0xC0  }
0xba: {  	_ =	task [dreg:s22], $0x5FFFF  }
0xbb: {  	[dreg:$0x1] =	wrdreg $0xFFFFFFFF  }
0xbc: {  	[dreg:$0x0] =	wrdreg $0x60  }
0xbd: {  	[dreg:$0x2] =	wrdreg s24  }
0xbe: {  	[dreg:$0x3] =	wrdreg $0xA  }
0xbf: {  	_ =	task.clear_ibuf [dreg:s22], $0x4FFFF;
	_ =	strace $0x9000004F  }
0xc0: {  	s29 =	simm.s32 $0xA;
	_ =	strace $0x80000051  }
0xc1: {  	_ =	swait.ge [sflag:s29], $0x1  }
0xc2: {  	[sflag:s29] =	ssyncadd.s32 $0xFFFFFFFF  }
0xc3: {  	_ =	strace $0x90000051  }
0xc4: {  	_ =	sfence  }
0xc5: {  	s30 =	sld [smem:$0x0];
	_ =	sdelay $0x2  }
0xc6: {  	s31 =	sshll.u32 s1, $0xD;
	s1 =	sshrl.u32 s1, $0x2  }
0xc7: {  	s4 =	sand.u32 $0x4000, s31;
	s1 =	sadd.s32 s1, s30  }
0xc8: {  	s0 =	sor.u32 s4, s0;
	s1 =	sshll.u32 s1, $0x11  }
0xc9: {  	s0 =	sor.u32 s1, s0  }
0xca: {  	s0 =	sadd.s32 $0x8F2B, s0  }
0xcb: {  	[sflag:s0] =	ssyncadd.remote.s32 $0x1  }
0xcc: {  	_ =	sfence.sel $0xFFFF  }
0xcd: {  	[dreg:$0x0] =	wrdreg $0xFFFFFFFF;
	(pc) =	sbr.abs _section_cstart, $3  }
0xce: {  	[dreg:$0x1] =	wrdreg $0xFFFFFFFF  }
0xcf: {  	_ =	task.clear_ibuf [dreg:s22], $0x2FFFF;
	_ =	strace $0x9FFFFFFF  }
0xd0: {  	(tm) =	ssettm $0x7FFFFFFF  }
0xd1: {  	_ =	shalt  }
tec
execute0_lowered:
.L_overlay_start_1:
0x0: {  	(tag) =	ssettag $0x1  }
0x1: {  	s4 =	rddreg [dreg:$0x0]  }
0x2: {  	s0 =	rddreg [dreg:$0x1];
	s1 =	simm.s32 $0x0  }
0x3: {  	s5 =	srdreg.scid;
	s2 =	stileid.u32;
	s15 =	simm.s32 $0x4100  }
0x4: {  	s16 =	simm.s32 $0x1;
	s17 =	simm.s32 $0x2;
	s18 =	simm.s32 $0x0  }
0x5: {  	[smem:$0x7FF] =	sst s1;
	s3 =	sadd.s32 $0x5000, s4;
	s10 =	sand.u32 $0x1, s5  }
0x6: {  	s11 =	sadd.s32 $0x48D000, s4;
	s29 =	sshll.u32 s2, $0xE;
	s12 =	sadd.s32 $0x495000, s4  }
0x7: {  	s14 =	sshll.u32 s2, $0x12;
	_ =	strace $0x80000050;
	s6 =	sshll.u32 s10, $0xD  }
0x8: {  	s30 =	ssub.s32 $0x2, s10;
	s10 =	sshll.u32 s10, $0x11;
	s13 =	sor.u32 s6, s29  }
0x9: {  	s31 =	sshrl.u32 s30, $0x1;
	s6 =	sshrl.u32 s13, $0x3;
	s7 =	sshll.u32 s13, $0x4  }
0xa: {  	s5 =	ssub.s32 s30, s31;
	s9 =	sor.u32 $0x100, s13;
	s13 =	sor.u32 $0x80, s13  }
0xb: {  	s4 =	sadd.s32 s11, s6;
	s8 =	sadd.s32 s12, s7;
	s5 =	smax.u32 s5, $0x1  }
0xc: {  	s9 =	sshrl.u32 s9, $0x3;
	s12 =	sadd.s32 s14, s12;
	s13 =	sshrl.u32 s13, $0x3  }
0xd: {  	s14 =	simm.s32 $0x100;
	s6 =	sadd.s32 $0x3F0, s4;
	s7 =	sadd.s32 $0x1F000, s8  }
0xe: {  	s8 =	sadd.s32 $0x1F800, s8;
	s9 =	sadd.s32 s9, s11;
	s10 =	sadd.s32 s10, s12  }
0xf: {  	s11 =	sadd.s32 s13, s11;
	s12 =	simm.s32 $0x3;
	s13 =	simm.s32 $0x80  }
.LBB2_1:
0x10: {  	[tilespmem:s1], [sflag:$0x3] =	stream.linear.gather [hbm4b:s4+s1], $0x80, $0x38;
	[tilespmem:$0x8100] =	vst v63  }
0x11: {  	_ =	swait.ge [sflag:s12], $0x80  }
0x12: {  	[sflag:s12] =	ssyncset.done $0x0  }
0x13: {  	[sflag:s12] =	ssyncadd.s32 $0xFFFFFF80  }
0x14: {  	[tilespmem:s14], [sflag:$0x1] =	stream.indirect.gather [hbm4b:s3+s13], $0x80, s1, s13, $0xb8;
	[tilespmem:$0x8100] =	vst v63  }
0x15: {  	s19 =	sadd.s32 $0x0, s11  }
0x16: {  	[tilespmem:s13], [sflag:$0x3] =	stream.linear.gather [hbm4b:s19+s1], $0x80, $0x38;
	[tilespmem:$0x8100] =	vst v63  }
0x17: {  	_ =	swait.ge [sflag:s12], $0x80  }
0x18: {  	[sflag:s12] =	ssyncset.done $0x0  }
0x19: {  	[sflag:s12] =	ssyncadd.s32 $0xFFFFFF80  }
0x1a: {  	[tilespmem:s15], [sflag:$0x2] =	stream.indirect.gather [hbm4b:s3+s13], $0x80, s13, s13, $0xb8;
	[tilespmem:$0x8100] =	vst v63  }
0x1b: {  	_ =	swait.ge [sflag:s16], $0x4000  }
0x1c: {  	[sflag:s16] =	ssyncset.done $0x0  }
0x1d: {  	[sflag:s16] =	ssyncadd.s32 $0xFFFFC000  }
0x1e: {  	[hbm4b:s10+s1] =	stream.linear.scatter [tilespmem:s14], [sflag:$0x3], $0x4000, $0x38;
	[tilespmem:$0x8100] =	vst v63  }
0x1f: {  	_ =	swait.ge [sflag:s12], $0x4000  }
0x20: {  	[sflag:s12] =	ssyncset.done $0x0  }
0x21: {  	s30 =	sadd.s32 $0x0, s9;
	[sflag:s12] =	ssyncadd.s32 $0xFFFFC000  }
0x22: {  	[tilespmem:s1], [sflag:$0x3] =	stream.linear.gather [hbm4b:s30+s1], $0x80, $0x38;
	[tilespmem:$0x8100] =	vst v63  }
0x23: {  	_ =	swait.ge [sflag:s12], $0x80  }
0x24: {  	[sflag:s12] =	ssyncset.done $0x0  }
0x25: {  	[sflag:s12] =	ssyncadd.s32 $0xFFFFFF80  }
0x26: {  	[tilespmem:s14], [sflag:$0x1] =	stream.indirect.gather [hbm4b:s3+s13], $0x80, s1, s13, $0xb8;
	[tilespmem:$0x8100] =	vst v63  }
0x27: {  	_ =	swait.ge [sflag:s17], $0x4000  }
0x28: {  	[sflag:s17] =	ssyncset.done $0x0  }
0x29: {  	s31 =	sadd.s32 $0x800, s10;
	[sflag:s17] =	ssyncadd.s32 $0xFFFFC000  }
0x2a: {  	[hbm4b:s31+s1] =	stream.linear.scatter [tilespmem:s15], [sflag:$0x3], $0x4000, $0x38;
	[tilespmem:$0x8100] =	vst v63  }
0x2b: {  	s20 =	simm.s32 $0x20;
	_ =	swait.ge [sflag:s12], $0x4000  }
0x2c: {  	s21 =	simm.s32 $0x40;
	s19 =	sadd.s32 $0x1000, s10;
	[sflag:s12] =	ssyncset.done $0x0  }
.LBB2_2:
0x2d: {  	s22 =	sadd.s32 s20, s11  }
0x2e: {  	[sflag:s12] =	ssyncadd.s32 $0xFFFFC000;
	s23 =	smov.u32 s21;
	s24 =	sadd.s32 $0x20, s21  }
0x2f: {  	[tilespmem:s13], [sflag:$0x3] =	stream.linear.gather [hbm4b:s22+s1], $0x80, $0x38;
	[tilespmem:$0x8100] =	vst v63  }
0x30: {  	p0 =	sne.s32 s21, $0x3C0;
	_ =	swait.ge [sflag:s12], $0x80  }
0x31: {  	[sflag:s12] =	ssyncset.done $0x0  }
0x32: {  	[sflag:s12] =	ssyncadd.s32 $0xFFFFFF80  }
0x33: {  	[tilespmem:s15], [sflag:$0x2] =	stream.indirect.gather [hbm4b:s3+s13], $0x80, s13, s13, $0xb8;
	[tilespmem:$0x8100] =	vst v63  }
0x34: {  	_ =	swait.ge [sflag:s16], $0x4000  }
0x35: {  	[sflag:s16] =	ssyncset.done $0x0  }
0x36: {  	[sflag:s16] =	ssyncadd.s32 $0xFFFFC000  }
0x37: {  	[hbm4b:s19+s1] =	stream.linear.scatter [tilespmem:s14], [sflag:$0x3], $0x4000, $0x38;
	[tilespmem:$0x8100] =	vst v63  }
0x38: {  	_ =	swait.ge [sflag:s12], $0x4000  }
0x39: {  	[sflag:s12] =	ssyncset.done $0x0  }
0x3a: {  	s21 =	sadd.s32 s20, s9;
	s20 =	smov.u32 s23;
	[sflag:s12] =	ssyncadd.s32 $0xFFFFC000  }
0x3b: {  	[tilespmem:s1], [sflag:$0x3] =	stream.linear.gather [hbm4b:s21+s1], $0x80, $0x38;
	[tilespmem:$0x8100] =	vst v63  }
0x3c: {  	_ =	swait.ge [sflag:s12], $0x80  }
0x3d: {  	[sflag:s12] =	ssyncset.done $0x0  }
0x3e: {  	[sflag:s12] =	ssyncadd.s32 $0xFFFFFF80  }
0x3f: {  	[tilespmem:s14], [sflag:$0x1] =	stream.indirect.gather [hbm4b:s3+s13], $0x80, s1, s13, $0xb8;
	[tilespmem:$0x8100] =	vst v63  }
0x40: {  	_ =	swait.ge [sflag:s17], $0x4000  }
.Ltmp0:
0x41: {  	[sflag:s17] =	ssyncset.done $0x0;
	(pc) =	sbr.rel @p0 .LBB2_2-.Ltmp0, $4  }
0x42: {  	s21 =	sadd.s32 $0x800, s19;
	[sflag:s17] =	ssyncadd.s32 $0xFFFFC000  }
0x43: {  	[hbm4b:s21+s1] =	stream.linear.scatter [tilespmem:s15], [sflag:$0x3], $0x4000, $0x38;
	[tilespmem:$0x8100] =	vst v63  }
0x44: {  	_ =	swait.ge [sflag:s12], $0x4000  }
0x45: {  	s19 =	sadd.s32 $0x1000, s19;
	s21 =	smov.u32 s24;
	[sflag:s12] =	ssyncset.done $0x0  }
0x46: {  	s21 =	sadd.s32 s20, s11;
	[sflag:s12] =	ssyncadd.s32 $0xFFFFC000  }
0x47: {  	[tilespmem:s13], [sflag:$0x3] =	stream.linear.gather [hbm4b:s21+s1], $0x80, $0x38;
	[tilespmem:$0x8100] =	vst v63  }
0x48: {  	_ =	swait.ge [sflag:s12], $0x80  }
0x49: {  	[sflag:s12] =	ssyncset.done $0x0  }
0x4a: {  	[sflag:s12] =	ssyncadd.s32 $0xFFFFFF80  }
0x4b: {  	[tilespmem:s15], [sflag:$0x2] =	stream.indirect.gather [hbm4b:s3+s13], $0x80, s13, s13, $0xb8;
	[tilespmem:$0x8100] =	vst v63  }
0x4c: {  	_ =	swait.ge [sflag:s16], $0x4000  }
0x4d: {  	[sflag:s16] =	ssyncset.done $0x0  }
0x4e: {  	[sflag:s16] =	ssyncadd.s32 $0xFFFFC000  }
0x4f: {  	[hbm4b:s19+s1] =	stream.linear.scatter [tilespmem:s14], [sflag:$0x3], $0x4000, $0x38;
	[tilespmem:$0x8100] =	vst v63  }
0x50: {  	_ =	swait.ge [sflag:s12], $0x4000  }
0x51: {  	[sflag:s12] =	ssyncset.done $0x0  }
0x52: {  	s30 =	sadd.s32 s20, s9;
	[sflag:s12] =	ssyncadd.s32 $0xFFFFC000  }
0x53: {  	[tilespmem:s1], [sflag:$0x3] =	stream.linear.gather [hbm4b:s30+s1], $0x80, $0x38;
	[tilespmem:$0x8100] =	vst v63  }
0x54: {  	_ =	swait.ge [sflag:s12], $0x80  }
0x55: {  	[sflag:s12] =	ssyncset.done $0x0  }
0x56: {  	[sflag:s12] =	ssyncadd.s32 $0xFFFFFF80  }
0x57: {  	[tilespmem:s14], [sflag:$0x1] =	stream.indirect.gather [hbm4b:s3+s13], $0x80, s1, s13, $0xb8;
	[tilespmem:$0x8100] =	vst v63  }
0x58: {  	_ =	swait.ge [sflag:s17], $0x4000  }
0x59: {  	[sflag:s17] =	ssyncset.done $0x0  }
0x5a: {  	s31 =	sadd.s32 $0x800, s19;
	[sflag:s17] =	ssyncadd.s32 $0xFFFFC000  }
0x5b: {  	[hbm4b:s31+s1] =	stream.linear.scatter [tilespmem:s15], [sflag:$0x3], $0x4000, $0x38;
	[tilespmem:$0x8100] =	vst v63  }
0x5c: {  	_ =	swait.ge [sflag:s12], $0x4000  }
0x5d: {  	[sflag:s12] =	ssyncset.done $0x0  }
0x5e: {  	[sflag:s12] =	ssyncadd.s32 $0xFFFFC000  }
0x5f: {  	[tilespmem:s13], [sflag:$0x3] =	stream.linear.gather [hbm4b:s6+s1], $0x80, $0x38;
	[tilespmem:$0x8100] =	vst v63  }
0x60: {  	_ =	swait.ge [sflag:s12], $0x80  }
0x61: {  	[sflag:s12] =	ssyncset.done $0x0  }
0x62: {  	[sflag:s12] =	ssyncadd.s32 $0xFFFFFF80  }
0x63: {  	[tilespmem:s15], [sflag:$0x2] =	stream.indirect.gather [hbm4b:s3+s13], $0x80, s13, s13, $0xb8;
	[tilespmem:$0x8100] =	vst v63  }
0x64: {  	_ =	swait.ge [sflag:s16], $0x4000  }
0x65: {  	[sflag:s16] =	ssyncset.done $0x0  }
0x66: {  	[sflag:s16] =	ssyncadd.s32 $0xFFFFC000  }
0x67: {  	[hbm4b:s7+s1] =	stream.linear.scatter [tilespmem:s14], [sflag:$0x3], $0x4000, $0x38;
	[tilespmem:$0x8100] =	vst v63  }
0x68: {  	_ =	swait.ge [sflag:s12], $0x4000  }
0x69: {  	[sflag:s12] =	ssyncset.done $0x0  }
0x6a: {  	[sflag:s12] =	ssyncadd.s32 $0xFFFFC000  }
0x6b: {  	s18 =	sadd.s32 $0x1, s18;
	_ =	swait.ge [sflag:s17], $0x4000  }
0x6c: {  	p0 =	sne.s32 s18, s5;
	[sflag:s17] =	ssyncset.done $0x0  }
.Ltmp1:
0x6d: {  	[sflag:s17] =	ssyncadd.s32 $0xFFFFC000;
	(pc) =	sbr.rel @p0 .LBB2_1-.Ltmp1, $4  }
0x6e: {  	[hbm4b:s8+s1] =	stream.linear.scatter [tilespmem:s15], [sflag:$0x3], $0x4000, $0x38;
	[tilespmem:$0x8100] =	vst v63  }
0x6f: {  	_ =	swait.ge [sflag:s12], $0x4000  }
0x70: {  	[sflag:s12] =	ssyncset.done $0x0  }
0x71: {  	[sflag:s12] =	ssyncadd.s32 $0xFFFFC000  }
0x72: {  	_ =	sfence.sel $0x180000  }
0x73: {  	[bflag:$0x0] =	sbarrier.arrive $0xFFFF  }
0x74: {  	p0 =	sne.s32 s2, $0x0;
	_ =	strace $0x90000050  }
0x75: {  	s0 =	sadd.s32 @!p0 $0x100000, s0;
	[bflag:$0x2] =	sbarrier.arrive $0xFFFF  }
0x76: {  	[sflag:s0] =	ssyncadd.tile.s32 @!p0 $0x1;
	_ =	shalt  }
.Lfunc_end2:
_tile_overlayer_lowered:
.L_overlay_start_2:
0x77: {  	(tag) =	ssettag $0x2  }
0x78: {  	s0 =	rddreg [dreg:$0x0];
	s2 =	stileid.u32  }
0x79: {  	s1 =	rddreg [dreg:$0x1];
	p0 =	sne.s32 s2, $0x0  }
0x7a: {  	s3 =	rddreg [dreg:$0x2];
	[bflag:$0x3] =	sbarrier.arrive $0xFFFF;
	s2 =	simm.s32 @!p0 $0x1C03  }
0x7b: {  	[timem:s3], [sflag:s2] =	dma.local @!p0 [hbm:s0], s1  }
0x7c: {  	s0 =	simm.s32 @!p0 $0x3  }
0x7d: {  	_ =	swait.ge @!p0 [sflag:s0], s1  }
0x7e: {  	s1 =	ssub.s32 @!p0 $0x0, s1;
	[sflag:s0] =	ssyncset.done @!p0 $0x0  }
0x7f: {  	[sflag:s0] =	ssyncadd.s32 @!p0 s1  }
0x80: {  	[bflag:$0x3] =	sbarrier.arrive $0xFFFF  }
0x81: {  	_ =	shalt  }

// kernel: kernel.40.cloned.1.call-start
scs
__scs_entry_jumppad:
0x0: {  	(pc) =	sbr.rel $0x88, $3  }
0x1: {  	(tag) =	ssettag $0x0;
	lr =	simm.s32 $0x1  }
0x2: {  	[smem:$0x3F8C] =	sst lr;
	_ =	strace $0xD0000000  }
0x3: {  	_ = 	snop  }
0x4: {  	_ = 	snop  }
0x5: {  	_ = 	snop  }
0x6: {  	_ = 	snop  }
0x7: {  	_ = 	snop  }
__scs_overlays_trampoline_lowered:
0x8: {  	[smem:$0x3F9B] =	sst s0  }
0x9: {  	[smem:$0x3F9C] =	sst s1  }
0xa: {  	[smem:$0x3F9D] =	sst s2  }
0xb: {  	[smem:$0x3F9E] =	sst s3  }
0xc: {  	[smem:$0x3F9F] =	sst s4  }
0xd: {  	[smem:$0x3FA0] =	sst s5  }
0xe: {  	[smem:$0x3FA1] =	sst s6  }
0xf: {  	[smem:$0x3FA2] =	sst s7  }
0x10: {  	[smem:$0x3FA3] =	sst s8  }
0x11: {  	[smem:$0x3FA4] =	sst s9;
	s0 =	simm.s32 @!p0 $0x0  }
0x12: {  	s1 =	sld [smem:$0x3F8A];
	s0 =	simm.s32 @p0 $0x1  }
0x13: {  	[smem:$0x3FA5] =	sst s0;
	s0 =	simm.s32 @!p1 $0x0  }
0x14: {  	s2 =	sld [smem:$0x3F89];
	s0 =	simm.s32 @p1 $0x1  }
0x15: {  	[smem:$0x3FA6] =	sst s0;
	s0 =	simm.s32 @!p2 $0x0  }
0x16: {  	s3 =	sld [smem:$0x3FDB];
	s0 =	simm.s32 @p2 $0x1  }
0x17: {  	s4 =	simm.s32 $0x1BF5;
	[smem:$0x3FA8] =	sst s0  }
0x18: {  	s0 =	sld [smem:$0x3F8B];
	_ =	swait.ge [sflag:s4], $0x0  }
0x19: {  	s7 =	sld [smem:$0x3F8C]  }
0x1a: {  	s8 =	sadd.s32 $0xFFFFE003, lr  }
0x1b: {  	s9 =	sadd.s32 $0xFFFFFEF7, lr;
	s5 =	simm.s32 $0xFFFFFFFF;
	p2 =	slt.u32 s8, $0xFFFFF086  }
0x1c: {  	p1 =	slt.u32 s9, $0xF7A;
	s5 =	simm.s32 @!p2 $0x0  }
0x1d: {  	s5 =	simm.s32 @p1 $0x1;
	p0 =	seq.s32 s7, s2  }
0x1e: {  	s7 =	smul.u32 @!p0 $0xF7A, s2;
	p2 =	seq.s32 @!p0 s5, $0x0  }
0x1f: {  	s9 =	smul.u32 $0xF7A, s1;
	s8 =	simm.s32 @!p0 $0x1BF5;
	p2 =	por !p2, p0  }
0x20: {  	[sflag:s8] =	ssyncset.s32 @!p0 $0xFFFFF086;
	s6 =	sadd.s32 @!p0 s3, s7;
	s7 =	simm.s32 @!p0 $0x108  }
0x21: {  	s3 =	sadd.s32 s3, s9;
	s6 =	sadd.s32 @!p0 $0x88, s6;
	s7 =	simm.s32 @p2 $0x1082  }
0x22: {  	[simem:s7], [sflag:s8] =	dma.local @!p0 [hbm:s6], $0xF7A  }
0x23: {  	s9 =	sor.u32 $0xD0000000, s2;
	s6 =	simm.s32 $0x108;
	_ =	swait.ge @!p0 [sflag:s8], $0x0  }
0x24: {  	s3 =	sadd.s32 $0x88, s3;
	s6 =	simm.s32 @!p1 $0x1082;
	[sflag:s4] =	ssyncset.s32 $0xFFFFF086  }
0x25: {  	[simem:s6], [sflag:s4] =	dma.local [hbm:s3], $0xF7A  }
0x26: {  	[smem:$0x3F8C] =	sst s1;
	(tag) =	ssettag s2;
	_ =	strace s9  }
0x27: {  	s1 =	sld [smem:$0x3F9C]  }
0x28: {  	s2 =	sld [smem:$0x3F9D]  }
0x29: {  	s4 =	sld [smem:$0x3F9F]  }
0x2a: {  	p0 =	seq.s32 s5, $0x0;
	s5 =	sld [smem:$0x3FA0]  }
0x2b: {  	s6 =	sld [smem:$0x3FA1]  }
0x2c: {  	s7 =	sld [smem:$0x3FA2]  }
0x2d: {  	s3 =	simm.s32 $0x108;
	s8 =	sld [smem:$0x3FA3]  }
0x2e: {  	s3 =	simm.s32 @!p0 $0x1082;
	s9 =	sld [smem:$0x3FA4]  }
0x2f: {  	lr =	sadd.s32 s0, s3;
	s0 =	sld [smem:$0x3F9B]  }
0x30: {  	s3 =	sld [smem:$0x3F9E]  }
0x31: {  	[smem:$0x3FA7] =	sst s10  }
0x32: {  	s10 =	sld [smem:$0x3FA5];
	_ =	sdelay $0x3  }
0x33: {  	p0 =	seq.s32 s10, $0x1;
	s10 =	sld [smem:$0x3FA7];
	_ =	sdelay $0x3  }
0x34: {  	[smem:$0x3FA7] =	sst s10  }
0x35: {  	s10 =	sld [smem:$0x3FA6];
	_ =	sdelay $0x3  }
0x36: {  	p1 =	seq.s32 s10, $0x1;
	s10 =	sld [smem:$0x3FA7];
	_ =	sdelay $0x3  }
0x37: {  	[smem:$0x3FA7] =	sst s10  }
0x38: {  	s10 =	sld [smem:$0x3FA8]  }
0x39: {  	_ = 	snop;
	(pc) =	sbr.ind lr, $3  }
0x3a: {  	_ = 	snop  }
0x3b: {  	_ = 	snop  }
0x3c: {  	p2 =	seq.s32 s10, $0x1;
	s10 =	sld [smem:$0x3FA7]  }
0x3d: {  	_ =	shalt  }
0x3e: {  	_ =	shalt  }
0x3f: {  	_ =	shalt  }
0x40: {  	_ =	shalt  }
0x41: {  	_ =	shalt  }
0x42: {  	_ =	shalt  }
0x43: {  	_ =	shalt  }
0x44: {  	_ =	shalt  }
0x45: {  	_ =	shalt  }
0x46: {  	_ =	shalt  }
0x47: {  	_ =	shalt  }
0x48: {  	_ =	shalt  }
0x49: {  	_ =	shalt  }
0x4a: {  	_ =	shalt  }
0x4b: {  	_ =	shalt  }
0x4c: {  	_ =	shalt  }
0x4d: {  	_ =	shalt  }
0x4e: {  	_ =	shalt  }
0x4f: {  	_ =	shalt  }
0x50: {  	_ =	shalt  }
0x51: {  	_ =	shalt  }
0x52: {  	_ =	shalt  }
0x53: {  	_ =	shalt  }
0x54: {  	_ =	shalt  }
0x55: {  	_ =	shalt  }
0x56: {  	_ =	shalt  }
0x57: {  	_ =	shalt  }
0x58: {  	_ =	shalt  }
0x59: {  	_ =	shalt  }
0x5a: {  	_ =	shalt  }
0x5b: {  	_ =	shalt  }
0x5c: {  	_ =	shalt  }
0x5d: {  	_ =	shalt  }
0x5e: {  	_ =	shalt  }
0x5f: {  	_ =	shalt  }
0x60: {  	_ =	shalt  }
0x61: {  	_ =	shalt  }
0x62: {  	_ =	shalt  }
0x63: {  	_ =	shalt  }
0x64: {  	_ =	shalt  }
0x65: {  	_ =	shalt  }
0x66: {  	_ =	shalt  }
0x67: {  	_ =	shalt  }
0x68: {  	_ =	shalt  }
0x69: {  	_ =	shalt  }
0x6a: {  	_ =	shalt  }
0x6b: {  	_ =	shalt  }
0x6c: {  	_ =	shalt  }
0x6d: {  	_ =	shalt  }
0x6e: {  	_ =	shalt  }
0x6f: {  	_ =	shalt  }
0x70: {  	_ =	shalt  }
0x71: {  	_ =	shalt  }
0x72: {  	_ =	shalt  }
0x73: {  	_ =	shalt  }
0x74: {  	_ =	shalt  }
0x75: {  	_ =	shalt  }
0x76: {  	_ =	shalt  }
0x77: {  	_ =	shalt  }
0x78: {  	_ =	shalt  }
0x79: {  	_ =	shalt  }
0x7a: {  	_ =	shalt  }
0x7b: {  	_ =	shalt  }
0x7c: {  	_ =	shalt  }
0x7d: {  	_ =	shalt  }
0x7e: {  	_ =	shalt  }
0x7f: {  	_ =	shalt  }
0x80: {  	_ =	shalt  }
0x81: {  	_ =	shalt  }
0x82: {  	_ =	shalt  }
0x83: {  	_ =	shalt  }
0x84: {  	_ =	shalt  }
0x85: {  	_ =	shalt  }
0x86: {  	_ =	shalt  }
0x87: {  	_ =	shalt  }
.Lfunc_end0:
.L_simem_size_0:
called_computation.4_lowered:
.L_overlay_start_0:
0x88: {  	s2 =	sld [smem:$0x3FD9]  }
0x89: {  	s3 =	sld [smem:$0x3FFE];
	_ =	sdelay $0x1  }
0x8a: {  	s1 =	srdreg.scid  }
0x8b: {  	s0 =	sand.u32 $0x1, s1  }
0x8c: {  	s16 =	sshll.u32 s0, $0xA;
	s2 =	sadd.s32 s3, s2  }
0x8d: {  	s2 =	sadd.s32 s2, s16  }
0x8e: {  	[smem:$0x3FB3] =	sst s2  }
0x8f: {  	_ = 	snop  }
0x90: {  	(tm) =	ssettm $0x1  }
0x91: {  	s17 =	sld [smem:$0x3FFB];
	_ =	sdelay $0x3  }
0x92: {  	_ =	strace s17  }
0x93: {  	s2 =	sld [smem:$0x3FFC];
	_ =	sdelay $0x3  }
0x94: {  	_ =	strace s2  }
0x95: {  	s2 =	sld [smem:$0x3FFD];
	_ =	sdelay $0x3  }
0x96: {  	_ =	strace s2  }
0x97: {  	_ =	strace $0x8FFFFFFF  }
0x98: {  	s18 =	sld [smem:$0x3FDB];
	_ =	sdelay $0x1  }
0x99: {  	s19 =	simm.s32 $_scs_section_size  }
0x9a: {  	s4 =	simm.s32 $_size__tile_overlayer_lowered;
	s5 =	simm.s32 $_tile_overlayer_lowered  }
0x9b: {  	s22 =	simm.s32 $0x1BFF;
	s21 =	sshll.u32 s5, $0x1;
	s2 =	sadd.s32 s19, s18  }
0x9c: {  	s6 =	simm.s32 $0x0;
	s20 =	sshll.u32 s4, $0x1;
	s4 =	sadd.s32 s21, s2  }
0x9d: {  	[timem:s6], [sflag:s22] =	dma.local [hbm:s4], s20  }
0x9e: {  	_ =	swait.ge [sflag:s22], s20  }
0x9f: {  	s3 =	ssub.s32 $0x0, s20;
	[sflag:s22] =	ssyncset.done $0x0  }
0xa0: {  	[sflag:s22] =	ssyncadd.s32 s3;
	_ =	sdelay $0x1  }
0xa1: {  	s23 =	simm.s32 $0x1B8B  }
0xa2: {  	_ =	swait.ge [sflag:s23], $0x1  }
0xa3: {  	[sflag:s23] =	ssyncset.done $0x0  }
0xa4: {  	s25 =	simm.s32 $0x1B8E;
	s24 =	sld [smem:$0x3FFE];
	[sflag:s23] =	ssyncadd.s32 $0xFFFFFFFF  }
0xa5: {  	s26 =	simm.s32 $execute0_lowered;
	[smem:$0x3FD2] =	sst s25  }
0xa6: {  	s4 =	sshll.u32 s26, $0x1;
	_ =	strace $0x80000052;
	[dreg:$0x1] =	wrdreg $0xFFFFFFFF  }
0xa7: {  	s28 =	simm.s32 $_size_execute0_lowered;
	s2 =	sadd.s32 s2, s4;
	[dreg:$0x0] =	wrdreg $0x0  }
0xa8: {  	s4 =	sshll.u32 s28, $0x1;
	[dreg:$0x2] =	wrdreg s2  }
0xa9: {  	[dreg:$0x3] =	wrdreg s4  }
0xaa: {  	[dreg:$0x4] =	wrdreg $0xC0  }
0xab: {  	_ =	task [dreg:s6], $0x5FFFF  }
0xac: {  	[dreg:$0x1] =	wrdreg $0xFFFFFFFF  }
0xad: {  	[dreg:$0x0] =	wrdreg $0x60  }
0xae: {  	[dreg:$0x2] =	wrdreg s24  }
0xaf: {  	[dreg:$0x3] =	wrdreg $0x9  }
0xb0: {  	_ =	task.clear_ibuf [dreg:s6], $0x4FFFF;
	_ =	strace $0x90000052  }
0xb1: {  	s29 =	simm.s32 $0x9;
	_ =	strace $0x80000054  }
0xb2: {  	_ =	swait.ge [sflag:s29], $0x1  }
0xb3: {  	[sflag:s29] =	ssyncadd.s32 $0xFFFFFFFF  }
0xb4: {  	_ =	strace $0x90000054  }
0xb5: {  	_ =	sfence  }
0xb6: {  	s30 =	sld [smem:$0x0];
	_ =	sdelay $0x2  }
0xb7: {  	s31 =	sshll.u32 s1, $0xD;
	s1 =	sshrl.u32 s1, $0x2  }
0xb8: {  	s3 =	sand.u32 $0x4000, s31;
	s1 =	sadd.s32 s1, s30  }
0xb9: {  	s0 =	sor.u32 s3, s0;
	s1 =	sshll.u32 s1, $0x11  }
0xba: {  	s0 =	sor.u32 s1, s0  }
0xbb: {  	s0 =	sadd.s32 $0x8F2B, s0  }
0xbc: {  	[sflag:s0] =	ssyncadd.remote.s32 $0x1  }
0xbd: {  	_ =	sfence.sel $0xFFFF  }
0xbe: {  	[dreg:$0x0] =	wrdreg $0xFFFFFFFF;
	(pc) =	sbr.abs _section_cstart, $3  }
0xbf: {  	[dreg:$0x1] =	wrdreg $0xFFFFFFFF  }
0xc0: {  	_ =	task.clear_ibuf [dreg:s6], $0x2FFFF;
	_ =	strace $0x9FFFFFFF  }
0xc1: {  	(tm) =	ssettm $0x7FFFFFFF  }
tec
execute0_lowered:
.L_overlay_start_1:
0x0: {  	(tag) =	ssettag $0x1  }
0x1: {  	s4 =	rddreg [dreg:$0x0]  }
0x2: {  	s0 =	rddreg [dreg:$0x1];
	s1 =	simm.s32 $0x0  }
0x3: {  	s5 =	srdreg.scid;
	s2 =	stileid.u32;
	s15 =	simm.s32 $0x4100  }
0x4: {  	s16 =	simm.s32 $0x1;
	s17 =	simm.s32 $0x2;
	s18 =	simm.s32 $0x0  }
0x5: {  	[smem:$0x7FF] =	sst s1;
	s3 =	sadd.s32 $0x85000, s4;
	s10 =	sand.u32 $0x1, s5  }
0x6: {  	s11 =	sadd.s32 $0x105000, s4;
	s29 =	sshll.u32 s2, $0xE;
	s12 =	sadd.s32 $0x10D000, s4  }
0x7: {  	s14 =	sshll.u32 s2, $0x12;
	_ =	strace $0x80000053;
	s6 =	sshll.u32 s10, $0xD  }
0x8: {  	s30 =	ssub.s32 $0x2, s10;
	s10 =	sshll.u32 s10, $0x11;
	s13 =	sor.u32 s6, s29  }
0x9: {  	s31 =	sshrl.u32 s30, $0x1;
	s6 =	sshrl.u32 s13, $0x3;
	s7 =	sshll.u32 s13, $0x4  }
0xa: {  	s5 =	ssub.s32 s30, s31;
	s9 =	sor.u32 $0x100, s13;
	s13 =	sor.u32 $0x80, s13  }
0xb: {  	s4 =	sadd.s32 s11, s6;
	s8 =	sadd.s32 s12, s7;
	s5 =	smax.u32 s5, $0x1  }
0xc: {  	s9 =	sshrl.u32 s9, $0x3;
	s12 =	sadd.s32 s14, s12;
	s13 =	sshrl.u32 s13, $0x3  }
0xd: {  	s14 =	simm.s32 $0x100;
	s6 =	sadd.s32 $0x3F0, s4;
	s7 =	sadd.s32 $0x1F000, s8  }
0xe: {  	s8 =	sadd.s32 $0x1F800, s8;
	s9 =	sadd.s32 s9, s11;
	s10 =	sadd.s32 s10, s12  }
0xf: {  	s11 =	sadd.s32 s13, s11;
	s12 =	simm.s32 $0x3;
	s13 =	simm.s32 $0x80  }
.LBB2_1:
0x10: {  	[tilespmem:s1], [sflag:$0x3] =	stream.linear.gather [hbm4b:s4+s1], $0x80, $0x38;
	[tilespmem:$0x8100] =	vst v63  }
0x11: {  	_ =	swait.ge [sflag:s12], $0x80  }
0x12: {  	[sflag:s12] =	ssyncset.done $0x0  }
0x13: {  	[sflag:s12] =	ssyncadd.s32 $0xFFFFFF80  }
0x14: {  	[tilespmem:s14], [sflag:$0x1] =	stream.indirect.gather [hbm4b:s3+s13], $0x80, s1, s13, $0xb8;
	[tilespmem:$0x8100] =	vst v63  }
0x15: {  	s19 =	sadd.s32 $0x0, s11  }
0x16: {  	[tilespmem:s13], [sflag:$0x3] =	stream.linear.gather [hbm4b:s19+s1], $0x80, $0x38;
	[tilespmem:$0x8100] =	vst v63  }
0x17: {  	_ =	swait.ge [sflag:s12], $0x80  }
0x18: {  	[sflag:s12] =	ssyncset.done $0x0  }
0x19: {  	[sflag:s12] =	ssyncadd.s32 $0xFFFFFF80  }
0x1a: {  	[tilespmem:s15], [sflag:$0x2] =	stream.indirect.gather [hbm4b:s3+s13], $0x80, s13, s13, $0xb8;
	[tilespmem:$0x8100] =	vst v63  }
0x1b: {  	_ =	swait.ge [sflag:s16], $0x4000  }
0x1c: {  	[sflag:s16] =	ssyncset.done $0x0  }
0x1d: {  	[sflag:s16] =	ssyncadd.s32 $0xFFFFC000  }
0x1e: {  	[hbm4b:s10+s1] =	stream.linear.scatter [tilespmem:s14], [sflag:$0x3], $0x4000, $0x38;
	[tilespmem:$0x8100] =	vst v63  }
0x1f: {  	_ =	swait.ge [sflag:s12], $0x4000  }
0x20: {  	[sflag:s12] =	ssyncset.done $0x0  }
0x21: {  	s30 =	sadd.s32 $0x0, s9;
	[sflag:s12] =	ssyncadd.s32 $0xFFFFC000  }
0x22: {  	[tilespmem:s1], [sflag:$0x3] =	stream.linear.gather [hbm4b:s30+s1], $0x80, $0x38;
	[tilespmem:$0x8100] =	vst v63  }
0x23: {  	_ =	swait.ge [sflag:s12], $0x80  }
0x24: {  	[sflag:s12] =	ssyncset.done $0x0  }
0x25: {  	[sflag:s12] =	ssyncadd.s32 $0xFFFFFF80  }
0x26: {  	[tilespmem:s14], [sflag:$0x1] =	stream.indirect.gather [hbm4b:s3+s13], $0x80, s1, s13, $0xb8;
	[tilespmem:$0x8100] =	vst v63  }
0x27: {  	_ =	swait.ge [sflag:s17], $0x4000  }
0x28: {  	[sflag:s17] =	ssyncset.done $0x0  }
0x29: {  	s31 =	sadd.s32 $0x800, s10;
	[sflag:s17] =	ssyncadd.s32 $0xFFFFC000  }
0x2a: {  	[hbm4b:s31+s1] =	stream.linear.scatter [tilespmem:s15], [sflag:$0x3], $0x4000, $0x38;
	[tilespmem:$0x8100] =	vst v63  }
0x2b: {  	s20 =	simm.s32 $0x20;
	_ =	swait.ge [sflag:s12], $0x4000  }
0x2c: {  	s21 =	simm.s32 $0x40;
	s19 =	sadd.s32 $0x1000, s10;
	[sflag:s12] =	ssyncset.done $0x0  }
.LBB2_2:
0x2d: {  	s22 =	sadd.s32 s20, s11  }
0x2e: {  	[sflag:s12] =	ssyncadd.s32 $0xFFFFC000;
	s23 =	smov.u32 s21;
	s24 =	sadd.s32 $0x20, s21  }
0x2f: {  	[tilespmem:s13], [sflag:$0x3] =	stream.linear.gather [hbm4b:s22+s1], $0x80, $0x38;
	[tilespmem:$0x8100] =	vst v63  }
0x30: {  	p0 =	sne.s32 s21, $0x3C0;
	_ =	swait.ge [sflag:s12], $0x80  }
0x31: {  	[sflag:s12] =	ssyncset.done $0x0  }
0x32: {  	[sflag:s12] =	ssyncadd.s32 $0xFFFFFF80  }
0x33: {  	[tilespmem:s15], [sflag:$0x2] =	stream.indirect.gather [hbm4b:s3+s13], $0x80, s13, s13, $0xb8;
	[tilespmem:$0x8100] =	vst v63  }
0x34: {  	_ =	swait.ge [sflag:s16], $0x4000  }
0x35: {  	[sflag:s16] =	ssyncset.done $0x0  }
0x36: {  	[sflag:s16] =	ssyncadd.s32 $0xFFFFC000  }
0x37: {  	[hbm4b:s19+s1] =	stream.linear.scatter [tilespmem:s14], [sflag:$0x3], $0x4000, $0x38;
	[tilespmem:$0x8100] =	vst v63  }
0x38: {  	_ =	swait.ge [sflag:s12], $0x4000  }
0x39: {  	[sflag:s12] =	ssyncset.done $0x0  }
0x3a: {  	s21 =	sadd.s32 s20, s9;
	s20 =	smov.u32 s23;
	[sflag:s12] =	ssyncadd.s32 $0xFFFFC000  }
0x3b: {  	[tilespmem:s1], [sflag:$0x3] =	stream.linear.gather [hbm4b:s21+s1], $0x80, $0x38;
	[tilespmem:$0x8100] =	vst v63  }
0x3c: {  	_ =	swait.ge [sflag:s12], $0x80  }
0x3d: {  	[sflag:s12] =	ssyncset.done $0x0  }
0x3e: {  	[sflag:s12] =	ssyncadd.s32 $0xFFFFFF80  }
0x3f: {  	[tilespmem:s14], [sflag:$0x1] =	stream.indirect.gather [hbm4b:s3+s13], $0x80, s1, s13, $0xb8;
	[tilespmem:$0x8100] =	vst v63  }
0x40: {  	_ =	swait.ge [sflag:s17], $0x4000  }
.Ltmp0:
0x41: {  	[sflag:s17] =	ssyncset.done $0x0;
	(pc) =	sbr.rel @p0 .LBB2_2-.Ltmp0, $4  }
0x42: {  	s21 =	sadd.s32 $0x800, s19;
	[sflag:s17] =	ssyncadd.s32 $0xFFFFC000  }
0x43: {  	[hbm4b:s21+s1] =	stream.linear.scatter [tilespmem:s15], [sflag:$0x3], $0x4000, $0x38;
	[tilespmem:$0x8100] =	vst v63  }
0x44: {  	_ =	swait.ge [sflag:s12], $0x4000  }
0x45: {  	s19 =	sadd.s32 $0x1000, s19;
	s21 =	smov.u32 s24;
	[sflag:s12] =	ssyncset.done $0x0  }
0x46: {  	s21 =	sadd.s32 s20, s11;
	[sflag:s12] =	ssyncadd.s32 $0xFFFFC000  }
0x47: {  	[tilespmem:s13], [sflag:$0x3] =	stream.linear.gather [hbm4b:s21+s1], $0x80, $0x38;
	[tilespmem:$0x8100] =	vst v63  }
0x48: {  	_ =	swait.ge [sflag:s12], $0x80  }
0x49: {  	[sflag:s12] =	ssyncset.done $0x0  }
0x4a: {  	[sflag:s12] =	ssyncadd.s32 $0xFFFFFF80  }
0x4b: {  	[tilespmem:s15], [sflag:$0x2] =	stream.indirect.gather [hbm4b:s3+s13], $0x80, s13, s13, $0xb8;
	[tilespmem:$0x8100] =	vst v63  }
0x4c: {  	_ =	swait.ge [sflag:s16], $0x4000  }
0x4d: {  	[sflag:s16] =	ssyncset.done $0x0  }
0x4e: {  	[sflag:s16] =	ssyncadd.s32 $0xFFFFC000  }
0x4f: {  	[hbm4b:s19+s1] =	stream.linear.scatter [tilespmem:s14], [sflag:$0x3], $0x4000, $0x38;
	[tilespmem:$0x8100] =	vst v63  }
0x50: {  	_ =	swait.ge [sflag:s12], $0x4000  }
0x51: {  	[sflag:s12] =	ssyncset.done $0x0  }
0x52: {  	s30 =	sadd.s32 s20, s9;
	[sflag:s12] =	ssyncadd.s32 $0xFFFFC000  }
0x53: {  	[tilespmem:s1], [sflag:$0x3] =	stream.linear.gather [hbm4b:s30+s1], $0x80, $0x38;
	[tilespmem:$0x8100] =	vst v63  }
0x54: {  	_ =	swait.ge [sflag:s12], $0x80  }
0x55: {  	[sflag:s12] =	ssyncset.done $0x0  }
0x56: {  	[sflag:s12] =	ssyncadd.s32 $0xFFFFFF80  }
0x57: {  	[tilespmem:s14], [sflag:$0x1] =	stream.indirect.gather [hbm4b:s3+s13], $0x80, s1, s13, $0xb8;
	[tilespmem:$0x8100] =	vst v63  }
0x58: {  	_ =	swait.ge [sflag:s17], $0x4000  }
0x59: {  	[sflag:s17] =	ssyncset.done $0x0  }
0x5a: {  	s31 =	sadd.s32 $0x800, s19;
	[sflag:s17] =	ssyncadd.s32 $0xFFFFC000  }
0x5b: {  	[hbm4b:s31+s1] =	stream.linear.scatter [tilespmem:s15], [sflag:$0x3], $0x4000, $0x38;
	[tilespmem:$0x8100] =	vst v63  }
0x5c: {  	_ =	swait.ge [sflag:s12], $0x4000  }
0x5d: {  	[sflag:s12] =	ssyncset.done $0x0  }
0x5e: {  	[sflag:s12] =	ssyncadd.s32 $0xFFFFC000  }
0x5f: {  	[tilespmem:s13], [sflag:$0x3] =	stream.linear.gather [hbm4b:s6+s1], $0x80, $0x38;
	[tilespmem:$0x8100] =	vst v63  }
0x60: {  	_ =	swait.ge [sflag:s12], $0x80  }
0x61: {  	[sflag:s12] =	ssyncset.done $0x0  }
0x62: {  	[sflag:s12] =	ssyncadd.s32 $0xFFFFFF80  }
0x63: {  	[tilespmem:s15], [sflag:$0x2] =	stream.indirect.gather [hbm4b:s3+s13], $0x80, s13, s13, $0xb8;
	[tilespmem:$0x8100] =	vst v63  }
0x64: {  	_ =	swait.ge [sflag:s16], $0x4000  }
0x65: {  	[sflag:s16] =	ssyncset.done $0x0  }
0x66: {  	[sflag:s16] =	ssyncadd.s32 $0xFFFFC000  }
0x67: {  	[hbm4b:s7+s1] =	stream.linear.scatter [tilespmem:s14], [sflag:$0x3], $0x4000, $0x38;
	[tilespmem:$0x8100] =	vst v63  }
0x68: {  	_ =	swait.ge [sflag:s12], $0x4000  }
0x69: {  	[sflag:s12] =	ssyncset.done $0x0  }
0x6a: {  	[sflag:s12] =	ssyncadd.s32 $0xFFFFC000  }
0x6b: {  	s18 =	sadd.s32 $0x1, s18;
	_ =	swait.ge [sflag:s17], $0x4000  }
0x6c: {  	p0 =	sne.s32 s18, s5;
	[sflag:s17] =	ssyncset.done $0x0  }
.Ltmp1:
0x6d: {  	[sflag:s17] =	ssyncadd.s32 $0xFFFFC000;
	(pc) =	sbr.rel @p0 .LBB2_1-.Ltmp1, $4  }
0x6e: {  	[hbm4b:s8+s1] =	stream.linear.scatter [tilespmem:s15], [sflag:$0x3], $0x4000, $0x38;
	[tilespmem:$0x8100] =	vst v63  }
0x6f: {  	_ =	swait.ge [sflag:s12], $0x4000  }
0x70: {  	[sflag:s12] =	ssyncset.done $0x0  }
0x71: {  	[sflag:s12] =	ssyncadd.s32 $0xFFFFC000  }
0x72: {  	_ =	sfence.sel $0x180000  }
0x73: {  	[bflag:$0x0] =	sbarrier.arrive $0xFFFF  }
0x74: {  	p0 =	sne.s32 s2, $0x0;
	_ =	strace $0x90000053  }
0x75: {  	s0 =	sadd.s32 @!p0 $0x100000, s0;
	[bflag:$0x2] =	sbarrier.arrive $0xFFFF  }
0x76: {  	[sflag:s0] =	ssyncadd.tile.s32 @!p0 $0x1;
	_ =	shalt  }
.Lfunc_end2:
_tile_overlayer_lowered:
.L_overlay_start_2:
0x77: {  	(tag) =	ssettag $0x2  }
0x78: {  	s0 =	rddreg [dreg:$0x0];
	s2 =	stileid.u32  }
0x79: {  	s1 =	rddreg [dreg:$0x1];
	p0 =	sne.s32 s2, $0x0  }
0x7a: {  	s3 =	rddreg [dreg:$0x2];
	[bflag:$0x3] =	sbarrier.arrive $0xFFFF;
	s2 =	simm.s32 @!p0 $0x1C03  }
0x7b: {  	[timem:s3], [sflag:s2] =	dma.local @!p0 [hbm:s0], s1  }
0x7c: {  	s0 =	simm.s32 @!p0 $0x3  }
0x7d: {  	_ =	swait.ge @!p0 [sflag:s0], s1  }
0x7e: {  	s1 =	ssub.s32 @!p0 $0x0, s1;
	[sflag:s0] =	ssyncset.done @!p0 $0x0  }
0x7f: {  	[sflag:s0] =	ssyncadd.s32 @!p0 s1  }
0x80: {  	[bflag:$0x3] =	sbarrier.arrive $0xFFFF  }
0x81: {  	_ =	shalt  }

// kernel: kernel.43.cloned.1.call-start
scs
__scs_entry_jumppad:
0x0: {  	(pc) =	sbr.rel $0x88, $3  }
0x1: {  	(tag) =	ssettag $0x0;
	lr =	simm.s32 $0x1  }
0x2: {  	[smem:$0x3F8C] =	sst lr;
	_ =	strace $0xD0000000  }
0x3: {  	_ = 	snop  }
0x4: {  	_ = 	snop  }
0x5: {  	_ = 	snop  }
0x6: {  	_ = 	snop  }
0x7: {  	_ = 	snop  }
__scs_overlays_trampoline_lowered:
0x8: {  	[smem:$0x3F9B] =	sst s0  }
0x9: {  	[smem:$0x3F9C] =	sst s1  }
0xa: {  	[smem:$0x3F9D] =	sst s2  }
0xb: {  	[smem:$0x3F9E] =	sst s3  }
0xc: {  	[smem:$0x3F9F] =	sst s4  }
0xd: {  	[smem:$0x3FA0] =	sst s5  }
0xe: {  	[smem:$0x3FA1] =	sst s6  }
0xf: {  	[smem:$0x3FA2] =	sst s7  }
0x10: {  	[smem:$0x3FA3] =	sst s8  }
0x11: {  	[smem:$0x3FA4] =	sst s9;
	s0 =	simm.s32 @!p0 $0x0  }
0x12: {  	s1 =	sld [smem:$0x3F8A];
	s0 =	simm.s32 @p0 $0x1  }
0x13: {  	[smem:$0x3FA5] =	sst s0;
	s0 =	simm.s32 @!p1 $0x0  }
0x14: {  	s2 =	sld [smem:$0x3F89];
	s0 =	simm.s32 @p1 $0x1  }
0x15: {  	[smem:$0x3FA6] =	sst s0;
	s0 =	simm.s32 @!p2 $0x0  }
0x16: {  	s3 =	sld [smem:$0x3FDB];
	s0 =	simm.s32 @p2 $0x1  }
0x17: {  	s4 =	simm.s32 $0x1BF5;
	[smem:$0x3FA8] =	sst s0  }
0x18: {  	s0 =	sld [smem:$0x3F8B];
	_ =	swait.ge [sflag:s4], $0x0  }
0x19: {  	s7 =	sld [smem:$0x3F8C]  }
0x1a: {  	s8 =	sadd.s32 $0xFFFFE003, lr  }
0x1b: {  	s9 =	sadd.s32 $0xFFFFFEF7, lr;
	s5 =	simm.s32 $0xFFFFFFFF;
	p2 =	slt.u32 s8, $0xFFFFF086  }
0x1c: {  	p1 =	slt.u32 s9, $0xF7A;
	s5 =	simm.s32 @!p2 $0x0  }
0x1d: {  	s5 =	simm.s32 @p1 $0x1;
	p0 =	seq.s32 s7, s2  }
0x1e: {  	s7 =	smul.u32 @!p0 $0xF7A, s2;
	p2 =	seq.s32 @!p0 s5, $0x0  }
0x1f: {  	s9 =	smul.u32 $0xF7A, s1;
	s8 =	simm.s32 @!p0 $0x1BF5;
	p2 =	por !p2, p0  }
0x20: {  	[sflag:s8] =	ssyncset.s32 @!p0 $0xFFFFF086;
	s6 =	sadd.s32 @!p0 s3, s7;
	s7 =	simm.s32 @!p0 $0x108  }
0x21: {  	s3 =	sadd.s32 s3, s9;
	s6 =	sadd.s32 @!p0 $0x88, s6;
	s7 =	simm.s32 @p2 $0x1082  }
0x22: {  	[simem:s7], [sflag:s8] =	dma.local @!p0 [hbm:s6], $0xF7A  }
0x23: {  	s9 =	sor.u32 $0xD0000000, s2;
	s6 =	simm.s32 $0x108;
	_ =	swait.ge @!p0 [sflag:s8], $0x0  }
0x24: {  	s3 =	sadd.s32 $0x88, s3;
	s6 =	simm.s32 @!p1 $0x1082;
	[sflag:s4] =	ssyncset.s32 $0xFFFFF086  }
0x25: {  	[simem:s6], [sflag:s4] =	dma.local [hbm:s3], $0xF7A  }
0x26: {  	[smem:$0x3F8C] =	sst s1;
	(tag) =	ssettag s2;
	_ =	strace s9  }
0x27: {  	s1 =	sld [smem:$0x3F9C]  }
0x28: {  	s2 =	sld [smem:$0x3F9D]  }
0x29: {  	s4 =	sld [smem:$0x3F9F]  }
0x2a: {  	p0 =	seq.s32 s5, $0x0;
	s5 =	sld [smem:$0x3FA0]  }
0x2b: {  	s6 =	sld [smem:$0x3FA1]  }
0x2c: {  	s7 =	sld [smem:$0x3FA2]  }
0x2d: {  	s3 =	simm.s32 $0x108;
	s8 =	sld [smem:$0x3FA3]  }
0x2e: {  	s3 =	simm.s32 @!p0 $0x1082;
	s9 =	sld [smem:$0x3FA4]  }
0x2f: {  	lr =	sadd.s32 s0, s3;
	s0 =	sld [smem:$0x3F9B]  }
0x30: {  	s3 =	sld [smem:$0x3F9E]  }
0x31: {  	[smem:$0x3FA7] =	sst s10  }
0x32: {  	s10 =	sld [smem:$0x3FA5];
	_ =	sdelay $0x3  }
0x33: {  	p0 =	seq.s32 s10, $0x1;
	s10 =	sld [smem:$0x3FA7];
	_ =	sdelay $0x3  }
0x34: {  	[smem:$0x3FA7] =	sst s10  }
0x35: {  	s10 =	sld [smem:$0x3FA6];
	_ =	sdelay $0x3  }
0x36: {  	p1 =	seq.s32 s10, $0x1;
	s10 =	sld [smem:$0x3FA7];
	_ =	sdelay $0x3  }
0x37: {  	[smem:$0x3FA7] =	sst s10  }
0x38: {  	s10 =	sld [smem:$0x3FA8]  }
0x39: {  	_ = 	snop;
	(pc) =	sbr.ind lr, $3  }
0x3a: {  	_ = 	snop  }
0x3b: {  	_ = 	snop  }
0x3c: {  	p2 =	seq.s32 s10, $0x1;
	s10 =	sld [smem:$0x3FA7]  }
0x3d: {  	_ =	shalt  }
0x3e: {  	_ =	shalt  }
0x3f: {  	_ =	shalt  }
0x40: {  	_ =	shalt  }
0x41: {  	_ =	shalt  }
0x42: {  	_ =	shalt  }
0x43: {  	_ =	shalt  }
0x44: {  	_ =	shalt  }
0x45: {  	_ =	shalt  }
0x46: {  	_ =	shalt  }
0x47: {  	_ =	shalt  }
0x48: {  	_ =	shalt  }
0x49: {  	_ =	shalt  }
0x4a: {  	_ =	shalt  }
0x4b: {  	_ =	shalt  }
0x4c: {  	_ =	shalt  }
0x4d: {  	_ =	shalt  }
0x4e: {  	_ =	shalt  }
0x4f: {  	_ =	shalt  }
0x50: {  	_ =	shalt  }
0x51: {  	_ =	shalt  }
0x52: {  	_ =	shalt  }
0x53: {  	_ =	shalt  }
0x54: {  	_ =	shalt  }
0x55: {  	_ =	shalt  }
0x56: {  	_ =	shalt  }
0x57: {  	_ =	shalt  }
0x58: {  	_ =	shalt  }
0x59: {  	_ =	shalt  }
0x5a: {  	_ =	shalt  }
0x5b: {  	_ =	shalt  }
0x5c: {  	_ =	shalt  }
0x5d: {  	_ =	shalt  }
0x5e: {  	_ =	shalt  }
0x5f: {  	_ =	shalt  }
0x60: {  	_ =	shalt  }
0x61: {  	_ =	shalt  }
0x62: {  	_ =	shalt  }
0x63: {  	_ =	shalt  }
0x64: {  	_ =	shalt  }
0x65: {  	_ =	shalt  }
0x66: {  	_ =	shalt  }
0x67: {  	_ =	shalt  }
0x68: {  	_ =	shalt  }
0x69: {  	_ =	shalt  }
0x6a: {  	_ =	shalt  }
0x6b: {  	_ =	shalt  }
0x6c: {  	_ =	shalt  }
0x6d: {  	_ =	shalt  }
0x6e: {  	_ =	shalt  }
0x6f: {  	_ =	shalt  }
0x70: {  	_ =	shalt  }
0x71: {  	_ =	shalt  }
0x72: {  	_ =	shalt  }
0x73: {  	_ =	shalt  }
0x74: {  	_ =	shalt  }
0x75: {  	_ =	shalt  }
0x76: {  	_ =	shalt  }
0x77: {  	_ =	shalt  }
0x78: {  	_ =	shalt  }
0x79: {  	_ =	shalt  }
0x7a: {  	_ =	shalt  }
0x7b: {  	_ =	shalt  }
0x7c: {  	_ =	shalt  }
0x7d: {  	_ =	shalt  }
0x7e: {  	_ =	shalt  }
0x7f: {  	_ =	shalt  }
0x80: {  	_ =	shalt  }
0x81: {  	_ =	shalt  }
0x82: {  	_ =	shalt  }
0x83: {  	_ =	shalt  }
0x84: {  	_ =	shalt  }
0x85: {  	_ =	shalt  }
0x86: {  	_ =	shalt  }
0x87: {  	_ =	shalt  }
.Lfunc_end0:
.L_simem_size_0:
called_computation.5_lowered:
.L_overlay_start_0:
0x88: {  	s2 =	sld [smem:$0x3FD9]  }
0x89: {  	s3 =	sld [smem:$0x3FFE];
	_ =	sdelay $0x1  }
0x8a: {  	s1 =	srdreg.scid  }
0x8b: {  	s0 =	sand.u32 $0x1, s1  }
0x8c: {  	s17 =	sshll.u32 s0, $0xA;
	s2 =	sadd.s32 s3, s2  }
0x8d: {  	s2 =	sadd.s32 s2, s17  }
0x8e: {  	[smem:$0x3FB3] =	sst s2  }
0x8f: {  	_ = 	snop  }
0x90: {  	(tm) =	ssettm $0x1  }
0x91: {  	s18 =	sld [smem:$0x3FFB];
	_ =	sdelay $0x3  }
0x92: {  	_ =	strace s18  }
0x93: {  	s2 =	sld [smem:$0x3FFC];
	_ =	sdelay $0x3  }
0x94: {  	_ =	strace s2  }
0x95: {  	s2 =	sld [smem:$0x3FFD];
	_ =	sdelay $0x3  }
0x96: {  	_ =	strace s2  }
0x97: {  	_ =	strace $0x8FFFFFFF  }
0x98: {  	s19 =	sld [smem:$0x3FDB];
	_ =	sdelay $0x1  }
0x99: {  	s20 =	simm.s32 $_scs_section_size  }
0x9a: {  	s4 =	simm.s32 $_size__tile_overlayer_lowered;
	s5 =	simm.s32 $_tile_overlayer_lowered  }
0x9b: {  	s6 =	simm.s32 $0x1BFF;
	s21 =	sshll.u32 s5, $0x1;
	s3 =	sadd.s32 s20, s19  }
0x9c: {  	s22 =	simm.s32 $0x0;
	s4 =	sshll.u32 s4, $0x1;
	s5 =	sadd.s32 s21, s3  }
0x9d: {  	[timem:s22], [sflag:s6] =	dma.local [hbm:s5], s4  }
0x9e: {  	_ =	swait.ge [sflag:s6], s4  }
0x9f: {  	s4 =	ssub.s32 $0x0, s4;
	[sflag:s6] =	ssyncset.done $0x0  }
0xa0: {  	[sflag:s6] =	ssyncadd.s32 s4;
	_ =	sdelay $0x1  }
0xa1: {  	s23 =	simm.s32 $0x1B8B  }
0xa2: {  	_ =	swait.ge [sflag:s23], $0x1  }
0xa3: {  	[sflag:s23] =	ssyncset.done $0x0  }
0xa4: {  	[sflag:s23] =	ssyncadd.s32 $0xFFFFFFFF  }
0xa5: {  	s4 =	sld [smem:$0x0]  }
0xa6: {  	s5 =	sand.u32 $0xFFFFFFFE, s1  }
0xa7: {  	p0 =	sne.s32 s1, s5  }
0xa8: {  	s5 =	sshll.u32 @p0 s5, $0xE  }
0xa9: {  	s5 =	sadd.s32 @p0 $0x11B8D, s5;
	s6 =	sshll.u32 @p0 s4, $0x11  }
0xaa: {  	s5 =	sor.u32 @p0 s6, s5  }
0xab: {  	[sflag:s5] =	ssyncadd.remote.s32 @p0 $0x1;
	_ =	sdelay $0x1  }
0xac: {  	s5 =	simm.s32 @p0 $0x1B8D  }
0xad: {  	_ =	swait.eq @p0 [sflag:s5], $0x1  }
0xae: {  	[sflag:s5] =	ssyncadd.s32 @p0 $0xFFFFFFFF  }
0xaf: {  	s6 =	sshll.u32 @!p0 s1, $0xE  }
0xb0: {  	s6 =	sor.u32 @!p0 $0x4000, s6;
	s5 =	simm.s32 @!p0 $0x1B8D  }
0xb1: {  	s4 =	sshll.u32 @!p0 s4, $0x11;
	s6 =	sadd.s32 @!p0 $0x11B8D, s6;
	_ =	swait.eq @!p0 [sflag:s5], $0x1  }
0xb2: {  	s4 =	sor.u32 @!p0 s4, s6;
	[sflag:s5] =	ssyncadd.s32 @!p0 $0xFFFFFFFF  }
0xb3: {  	s25 =	simm.s32 $0x1B8E;
	s24 =	sld [smem:$0x3FFE];
	[sflag:s4] =	ssyncadd.remote.s32 @!p0 $0x1  }
0xb4: {  	s26 =	simm.s32 $execute0_lowered;
	[smem:$0x3FD2] =	sst s25  }
0xb5: {  	s5 =	sshll.u32 s26, $0x1;
	_ =	strace $0x80000055;
	[dreg:$0x1] =	wrdreg $0xFFFFFFFF  }
0xb6: {  	s28 =	simm.s32 $_size_execute0_lowered;
	s3 =	sadd.s32 s3, s5;
	[dreg:$0x0] =	wrdreg $0x0  }
0xb7: {  	s5 =	sshll.u32 s28, $0x1;
	[dreg:$0x2] =	wrdreg s3  }
0xb8: {  	[dreg:$0x3] =	wrdreg s5  }
0xb9: {  	[dreg:$0x4] =	wrdreg $0xC0  }
0xba: {  	_ =	task [dreg:s22], $0x5FFFF  }
0xbb: {  	[dreg:$0x1] =	wrdreg $0xFFFFFFFF  }
0xbc: {  	[dreg:$0x0] =	wrdreg $0x60  }
0xbd: {  	[dreg:$0x2] =	wrdreg s24  }
0xbe: {  	[dreg:$0x3] =	wrdreg $0xA  }
0xbf: {  	_ =	task.clear_ibuf [dreg:s22], $0x4FFFF;
	_ =	strace $0x90000055  }
0xc0: {  	s29 =	simm.s32 $0xA;
	_ =	strace $0x80000057  }
0xc1: {  	_ =	swait.ge [sflag:s29], $0x1  }
0xc2: {  	[sflag:s29] =	ssyncadd.s32 $0xFFFFFFFF  }
0xc3: {  	_ =	strace $0x90000057  }
0xc4: {  	_ =	sfence  }
0xc5: {  	s30 =	sld [smem:$0x0];
	_ =	sdelay $0x2  }
0xc6: {  	s31 =	sshll.u32 s1, $0xD;
	s1 =	sshrl.u32 s1, $0x2  }
0xc7: {  	s4 =	sand.u32 $0x4000, s31;
	s1 =	sadd.s32 s1, s30  }
0xc8: {  	s0 =	sor.u32 s4, s0;
	s1 =	sshll.u32 s1, $0x11  }
0xc9: {  	s0 =	sor.u32 s1, s0  }
0xca: {  	s0 =	sadd.s32 $0x8F2B, s0  }
0xcb: {  	[sflag:s0] =	ssyncadd.remote.s32 $0x1  }
0xcc: {  	_ =	sfence.sel $0xFFFF  }
0xcd: {  	[dreg:$0x0] =	wrdreg $0xFFFFFFFF;
	(pc) =	sbr.abs _section_cstart, $3  }
0xce: {  	[dreg:$0x1] =	wrdreg $0xFFFFFFFF  }
0xcf: {  	_ =	task.clear_ibuf [dreg:s22], $0x2FFFF;
	_ =	strace $0x9FFFFFFF  }
0xd0: {  	(tm) =	ssettm $0x7FFFFFFF  }
0xd1: {  	_ =	shalt  }
tec
execute0_lowered:
.L_overlay_start_1:
0x0: {  	(tag) =	ssettag $0x1  }
0x1: {  	s4 =	rddreg [dreg:$0x0]  }
0x2: {  	s0 =	rddreg [dreg:$0x1];
	s1 =	simm.s32 $0x0  }
0x3: {  	s5 =	srdreg.scid;
	s2 =	stileid.u32;
	s15 =	simm.s32 $0x4100  }
0x4: {  	s16 =	simm.s32 $0x1;
	s17 =	simm.s32 $0x2;
	s18 =	simm.s32 $0x0  }
0x5: {  	[smem:$0x7FF] =	sst s1;
	s3 =	sadd.s32 $0x85000, s4;
	s10 =	sand.u32 $0x1, s5  }
0x6: {  	s11 =	sadd.s32 $0x50D000, s4;
	s29 =	sshll.u32 s2, $0xE;
	s12 =	sadd.s32 $0x515000, s4  }
0x7: {  	s14 =	sshll.u32 s2, $0x12;
	_ =	strace $0x80000056;
	s6 =	sshll.u32 s10, $0xD  }
0x8: {  	s30 =	ssub.s32 $0x2, s10;
	s10 =	sshll.u32 s10, $0x11;
	s13 =	sor.u32 s6, s29  }
0x9: {  	s31 =	sshrl.u32 s30, $0x1;
	s6 =	sshrl.u32 s13, $0x3;
	s7 =	sshll.u32 s13, $0x4  }
0xa: {  	s5 =	ssub.s32 s30, s31;
	s9 =	sor.u32 $0x100, s13;
	s13 =	sor.u32 $0x80, s13  }
0xb: {  	s4 =	sadd.s32 s11, s6;
	s8 =	sadd.s32 s12, s7;
	s5 =	smax.u32 s5, $0x1  }
0xc: {  	s9 =	sshrl.u32 s9, $0x3;
	s12 =	sadd.s32 s14, s12;
	s13 =	sshrl.u32 s13, $0x3  }
0xd: {  	s14 =	simm.s32 $0x100;
	s6 =	sadd.s32 $0x3F0, s4;
	s7 =	sadd.s32 $0x1F000, s8  }
0xe: {  	s8 =	sadd.s32 $0x1F800, s8;
	s9 =	sadd.s32 s9, s11;
	s10 =	sadd.s32 s10, s12  }
0xf: {  	s11 =	sadd.s32 s13, s11;
	s12 =	simm.s32 $0x3;
	s13 =	simm.s32 $0x80  }
.LBB2_1:
0x10: {  	[tilespmem:s1], [sflag:$0x3] =	stream.linear.gather [hbm4b:s4+s1], $0x80, $0x38;
	[tilespmem:$0x8100] =	vst v63  }
0x11: {  	_ =	swait.ge [sflag:s12], $0x80  }
0x12: {  	[sflag:s12] =	ssyncset.done $0x0  }
0x13: {  	[sflag:s12] =	ssyncadd.s32 $0xFFFFFF80  }
0x14: {  	[tilespmem:s14], [sflag:$0x1] =	stream.indirect.gather [hbm4b:s3+s13], $0x80, s1, s13, $0xb8;
	[tilespmem:$0x8100] =	vst v63  }
0x15: {  	s19 =	sadd.s32 $0x0, s11  }
0x16: {  	[tilespmem:s13], [sflag:$0x3] =	stream.linear.gather [hbm4b:s19+s1], $0x80, $0x38;
	[tilespmem:$0x8100] =	vst v63  }
0x17: {  	_ =	swait.ge [sflag:s12], $0x80  }
0x18: {  	[sflag:s12] =	ssyncset.done $0x0  }
0x19: {  	[sflag:s12] =	ssyncadd.s32 $0xFFFFFF80  }
0x1a: {  	[tilespmem:s15], [sflag:$0x2] =	stream.indirect.gather [hbm4b:s3+s13], $0x80, s13, s13, $0xb8;
	[tilespmem:$0x8100] =	vst v63  }
0x1b: {  	_ =	swait.ge [sflag:s16], $0x4000  }
0x1c: {  	[sflag:s16] =	ssyncset.done $0x0  }
0x1d: {  	[sflag:s16] =	ssyncadd.s32 $0xFFFFC000  }
0x1e: {  	[hbm4b:s10+s1] =	stream.linear.scatter [tilespmem:s14], [sflag:$0x3], $0x4000, $0x38;
	[tilespmem:$0x8100] =	vst v63  }
0x1f: {  	_ =	swait.ge [sflag:s12], $0x4000  }
0x20: {  	[sflag:s12] =	ssyncset.done $0x0  }
0x21: {  	s30 =	sadd.s32 $0x0, s9;
	[sflag:s12] =	ssyncadd.s32 $0xFFFFC000  }
0x22: {  	[tilespmem:s1], [sflag:$0x3] =	stream.linear.gather [hbm4b:s30+s1], $0x80, $0x38;
	[tilespmem:$0x8100] =	vst v63  }
0x23: {  	_ =	swait.ge [sflag:s12], $0x80  }
0x24: {  	[sflag:s12] =	ssyncset.done $0x0  }
0x25: {  	[sflag:s12] =	ssyncadd.s32 $0xFFFFFF80  }
0x26: {  	[tilespmem:s14], [sflag:$0x1] =	stream.indirect.gather [hbm4b:s3+s13], $0x80, s1, s13, $0xb8;
	[tilespmem:$0x8100] =	vst v63  }
0x27: {  	_ =	swait.ge [sflag:s17], $0x4000  }
0x28: {  	[sflag:s17] =	ssyncset.done $0x0  }
0x29: {  	s31 =	sadd.s32 $0x800, s10;
	[sflag:s17] =	ssyncadd.s32 $0xFFFFC000  }
0x2a: {  	[hbm4b:s31+s1] =	stream.linear.scatter [tilespmem:s15], [sflag:$0x3], $0x4000, $0x38;
	[tilespmem:$0x8100] =	vst v63  }
0x2b: {  	s20 =	simm.s32 $0x20;
	_ =	swait.ge [sflag:s12], $0x4000  }
0x2c: {  	s21 =	simm.s32 $0x40;
	s19 =	sadd.s32 $0x1000, s10;
	[sflag:s12] =	ssyncset.done $0x0  }
.LBB2_2:
0x2d: {  	s22 =	sadd.s32 s20, s11  }
0x2e: {  	[sflag:s12] =	ssyncadd.s32 $0xFFFFC000;
	s23 =	smov.u32 s21;
	s24 =	sadd.s32 $0x20, s21  }
0x2f: {  	[tilespmem:s13], [sflag:$0x3] =	stream.linear.gather [hbm4b:s22+s1], $0x80, $0x38;
	[tilespmem:$0x8100] =	vst v63  }
0x30: {  	p0 =	sne.s32 s21, $0x3C0;
	_ =	swait.ge [sflag:s12], $0x80  }
0x31: {  	[sflag:s12] =	ssyncset.done $0x0  }
0x32: {  	[sflag:s12] =	ssyncadd.s32 $0xFFFFFF80  }
0x33: {  	[tilespmem:s15], [sflag:$0x2] =	stream.indirect.gather [hbm4b:s3+s13], $0x80, s13, s13, $0xb8;
	[tilespmem:$0x8100] =	vst v63  }
0x34: {  	_ =	swait.ge [sflag:s16], $0x4000  }
0x35: {  	[sflag:s16] =	ssyncset.done $0x0  }
0x36: {  	[sflag:s16] =	ssyncadd.s32 $0xFFFFC000  }
0x37: {  	[hbm4b:s19+s1] =	stream.linear.scatter [tilespmem:s14], [sflag:$0x3], $0x4000, $0x38;
	[tilespmem:$0x8100] =	vst v63  }
0x38: {  	_ =	swait.ge [sflag:s12], $0x4000  }
0x39: {  	[sflag:s12] =	ssyncset.done $0x0  }
0x3a: {  	s21 =	sadd.s32 s20, s9;
	s20 =	smov.u32 s23;
	[sflag:s12] =	ssyncadd.s32 $0xFFFFC000  }
0x3b: {  	[tilespmem:s1], [sflag:$0x3] =	stream.linear.gather [hbm4b:s21+s1], $0x80, $0x38;
	[tilespmem:$0x8100] =	vst v63  }
0x3c: {  	_ =	swait.ge [sflag:s12], $0x80  }
0x3d: {  	[sflag:s12] =	ssyncset.done $0x0  }
0x3e: {  	[sflag:s12] =	ssyncadd.s32 $0xFFFFFF80  }
0x3f: {  	[tilespmem:s14], [sflag:$0x1] =	stream.indirect.gather [hbm4b:s3+s13], $0x80, s1, s13, $0xb8;
	[tilespmem:$0x8100] =	vst v63  }
0x40: {  	_ =	swait.ge [sflag:s17], $0x4000  }
.Ltmp0:
0x41: {  	[sflag:s17] =	ssyncset.done $0x0;
	(pc) =	sbr.rel @p0 .LBB2_2-.Ltmp0, $4  }
0x42: {  	s21 =	sadd.s32 $0x800, s19;
	[sflag:s17] =	ssyncadd.s32 $0xFFFFC000  }
0x43: {  	[hbm4b:s21+s1] =	stream.linear.scatter [tilespmem:s15], [sflag:$0x3], $0x4000, $0x38;
	[tilespmem:$0x8100] =	vst v63  }
0x44: {  	_ =	swait.ge [sflag:s12], $0x4000  }
0x45: {  	s19 =	sadd.s32 $0x1000, s19;
	s21 =	smov.u32 s24;
	[sflag:s12] =	ssyncset.done $0x0  }
0x46: {  	s21 =	sadd.s32 s20, s11;
	[sflag:s12] =	ssyncadd.s32 $0xFFFFC000  }
0x47: {  	[tilespmem:s13], [sflag:$0x3] =	stream.linear.gather [hbm4b:s21+s1], $0x80, $0x38;
	[tilespmem:$0x8100] =	vst v63  }
0x48: {  	_ =	swait.ge [sflag:s12], $0x80  }
0x49: {  	[sflag:s12] =	ssyncset.done $0x0  }
0x4a: {  	[sflag:s12] =	ssyncadd.s32 $0xFFFFFF80  }
0x4b: {  	[tilespmem:s15], [sflag:$0x2] =	stream.indirect.gather [hbm4b:s3+s13], $0x80, s13, s13, $0xb8;
	[tilespmem:$0x8100] =	vst v63  }
0x4c: {  	_ =	swait.ge [sflag:s16], $0x4000  }
0x4d: {  	[sflag:s16] =	ssyncset.done $0x0  }
0x4e: {  	[sflag:s16] =	ssyncadd.s32 $0xFFFFC000  }
0x4f: {  	[hbm4b:s19+s1] =	stream.linear.scatter [tilespmem:s14], [sflag:$0x3], $0x4000, $0x38;
	[tilespmem:$0x8100] =	vst v63  }
0x50: {  	_ =	swait.ge [sflag:s12], $0x4000  }
0x51: {  	[sflag:s12] =	ssyncset.done $0x0  }
0x52: {  	s30 =	sadd.s32 s20, s9;
	[sflag:s12] =	ssyncadd.s32 $0xFFFFC000  }
0x53: {  	[tilespmem:s1], [sflag:$0x3] =	stream.linear.gather [hbm4b:s30+s1], $0x80, $0x38;
	[tilespmem:$0x8100] =	vst v63  }
0x54: {  	_ =	swait.ge [sflag:s12], $0x80  }
0x55: {  	[sflag:s12] =	ssyncset.done $0x0  }
0x56: {  	[sflag:s12] =	ssyncadd.s32 $0xFFFFFF80  }
0x57: {  	[tilespmem:s14], [sflag:$0x1] =	stream.indirect.gather [hbm4b:s3+s13], $0x80, s1, s13, $0xb8;
	[tilespmem:$0x8100] =	vst v63  }
0x58: {  	_ =	swait.ge [sflag:s17], $0x4000  }
0x59: {  	[sflag:s17] =	ssyncset.done $0x0  }
0x5a: {  	s31 =	sadd.s32 $0x800, s19;
	[sflag:s17] =	ssyncadd.s32 $0xFFFFC000  }
0x5b: {  	[hbm4b:s31+s1] =	stream.linear.scatter [tilespmem:s15], [sflag:$0x3], $0x4000, $0x38;
	[tilespmem:$0x8100] =	vst v63  }
0x5c: {  	_ =	swait.ge [sflag:s12], $0x4000  }
0x5d: {  	[sflag:s12] =	ssyncset.done $0x0  }
0x5e: {  	[sflag:s12] =	ssyncadd.s32 $0xFFFFC000  }
0x5f: {  	[tilespmem:s13], [sflag:$0x3] =	stream.linear.gather [hbm4b:s6+s1], $0x80, $0x38;
	[tilespmem:$0x8100] =	vst v63  }
0x60: {  	_ =	swait.ge [sflag:s12], $0x80  }
0x61: {  	[sflag:s12] =	ssyncset.done $0x0  }
0x62: {  	[sflag:s12] =	ssyncadd.s32 $0xFFFFFF80  }
0x63: {  	[tilespmem:s15], [sflag:$0x2] =	stream.indirect.gather [hbm4b:s3+s13], $0x80, s13, s13, $0xb8;
	[tilespmem:$0x8100] =	vst v63  }
0x64: {  	_ =	swait.ge [sflag:s16], $0x4000  }
0x65: {  	[sflag:s16] =	ssyncset.done $0x0  }
0x66: {  	[sflag:s16] =	ssyncadd.s32 $0xFFFFC000  }
0x67: {  	[hbm4b:s7+s1] =	stream.linear.scatter [tilespmem:s14], [sflag:$0x3], $0x4000, $0x38;
	[tilespmem:$0x8100] =	vst v63  }
0x68: {  	_ =	swait.ge [sflag:s12], $0x4000  }
0x69: {  	[sflag:s12] =	ssyncset.done $0x0  }
0x6a: {  	[sflag:s12] =	ssyncadd.s32 $0xFFFFC000  }
0x6b: {  	s18 =	sadd.s32 $0x1, s18;
	_ =	swait.ge [sflag:s17], $0x4000  }
0x6c: {  	p0 =	sne.s32 s18, s5;
	[sflag:s17] =	ssyncset.done $0x0  }
.Ltmp1:
0x6d: {  	[sflag:s17] =	ssyncadd.s32 $0xFFFFC000;
	(pc) =	sbr.rel @p0 .LBB2_1-.Ltmp1, $4  }
0x6e: {  	[hbm4b:s8+s1] =	stream.linear.scatter [tilespmem:s15], [sflag:$0x3], $0x4000, $0x38;
	[tilespmem:$0x8100] =	vst v63  }
0x6f: {  	_ =	swait.ge [sflag:s12], $0x4000  }
0x70: {  	[sflag:s12] =	ssyncset.done $0x0  }
0x71: {  	[sflag:s12] =	ssyncadd.s32 $0xFFFFC000  }
0x72: {  	_ =	sfence.sel $0x180000  }
0x73: {  	[bflag:$0x0] =	sbarrier.arrive $0xFFFF  }
0x74: {  	p0 =	sne.s32 s2, $0x0;
	_ =	strace $0x90000056  }
0x75: {  	s0 =	sadd.s32 @!p0 $0x100000, s0;
	[bflag:$0x2] =	sbarrier.arrive $0xFFFF  }
0x76: {  	[sflag:s0] =	ssyncadd.tile.s32 @!p0 $0x1;
	_ =	shalt  }
.Lfunc_end2:
_tile_overlayer_lowered:
.L_overlay_start_2:
0x77: {  	(tag) =	ssettag $0x2  }
0x78: {  	s0 =	rddreg [dreg:$0x0];
	s2 =	stileid.u32  }
0x79: {  	s1 =	rddreg [dreg:$0x1];
	p0 =	sne.s32 s2, $0x0  }
0x7a: {  	s3 =	rddreg [dreg:$0x2];
	[bflag:$0x3] =	sbarrier.arrive $0xFFFF;
	s2 =	simm.s32 @!p0 $0x1C03  }
0x7b: {  	[timem:s3], [sflag:s2] =	dma.local @!p0 [hbm:s0], s1  }
0x7c: {  	s0 =	simm.s32 @!p0 $0x3  }
0x7d: {  	_ =	swait.ge @!p0 [sflag:s0], s1  }
0x7e: {  	s1 =	ssub.s32 @!p0 $0x0, s1;
	[sflag:s0] =	ssyncset.done @!p0 $0x0  }
0x7f: {  	[sflag:s0] =	ssyncadd.s32 @!p0 s1  }
0x80: {  	[bflag:$0x3] =	sbarrier.arrive $0xFFFF  }
0x81: {  	_ =	shalt  }

// kernel: kernel.46.cloned.1.call-start
scs
__scs_entry_jumppad:
0x0: {  	(pc) =	sbr.rel $0x88, $3  }
0x1: {  	(tag) =	ssettag $0x0;
	lr =	simm.s32 $0x1  }
0x2: {  	[smem:$0x3F8C] =	sst lr;
	_ =	strace $0xD0000000  }
0x3: {  	_ = 	snop  }
0x4: {  	_ = 	snop  }
0x5: {  	_ = 	snop  }
0x6: {  	_ = 	snop  }
0x7: {  	_ = 	snop  }
__scs_overlays_trampoline_lowered:
0x8: {  	[smem:$0x3F9B] =	sst s0  }
0x9: {  	[smem:$0x3F9C] =	sst s1  }
0xa: {  	[smem:$0x3F9D] =	sst s2  }
0xb: {  	[smem:$0x3F9E] =	sst s3  }
0xc: {  	[smem:$0x3F9F] =	sst s4  }
0xd: {  	[smem:$0x3FA0] =	sst s5  }
0xe: {  	[smem:$0x3FA1] =	sst s6  }
0xf: {  	[smem:$0x3FA2] =	sst s7  }
0x10: {  	[smem:$0x3FA3] =	sst s8  }
0x11: {  	[smem:$0x3FA4] =	sst s9;
	s0 =	simm.s32 @!p0 $0x0  }
0x12: {  	s1 =	sld [smem:$0x3F8A];
	s0 =	simm.s32 @p0 $0x1  }
0x13: {  	[smem:$0x3FA5] =	sst s0;
	s0 =	simm.s32 @!p1 $0x0  }
0x14: {  	s2 =	sld [smem:$0x3F89];
	s0 =	simm.s32 @p1 $0x1  }
0x15: {  	[smem:$0x3FA6] =	sst s0;
	s0 =	simm.s32 @!p2 $0x0  }
0x16: {  	s3 =	sld [smem:$0x3FDB];
	s0 =	simm.s32 @p2 $0x1  }
0x17: {  	s4 =	simm.s32 $0x1BF5;
	[smem:$0x3FA8] =	sst s0  }
0x18: {  	s0 =	sld [smem:$0x3F8B];
	_ =	swait.ge [sflag:s4], $0x0  }
0x19: {  	s7 =	sld [smem:$0x3F8C]  }
0x1a: {  	s8 =	sadd.s32 $0xFFFFE003, lr  }
0x1b: {  	s9 =	sadd.s32 $0xFFFFFEF7, lr;
	s5 =	simm.s32 $0xFFFFFFFF;
	p2 =	slt.u32 s8, $0xFFFFF086  }
0x1c: {  	p1 =	slt.u32 s9, $0xF7A;
	s5 =	simm.s32 @!p2 $0x0  }
0x1d: {  	s5 =	simm.s32 @p1 $0x1;
	p0 =	seq.s32 s7, s2  }
0x1e: {  	s7 =	smul.u32 @!p0 $0xF7A, s2;
	p2 =	seq.s32 @!p0 s5, $0x0  }
0x1f: {  	s9 =	smul.u32 $0xF7A, s1;
	s8 =	simm.s32 @!p0 $0x1BF5;
	p2 =	por !p2, p0  }
0x20: {  	[sflag:s8] =	ssyncset.s32 @!p0 $0xFFFFF086;
	s6 =	sadd.s32 @!p0 s3, s7;
	s7 =	simm.s32 @!p0 $0x108  }
0x21: {  	s3 =	sadd.s32 s3, s9;
	s6 =	sadd.s32 @!p0 $0x88, s6;
	s7 =	simm.s32 @p2 $0x1082  }
0x22: {  	[simem:s7], [sflag:s8] =	dma.local @!p0 [hbm:s6], $0xF7A  }
0x23: {  	s9 =	sor.u32 $0xD0000000, s2;
	s6 =	simm.s32 $0x108;
	_ =	swait.ge @!p0 [sflag:s8], $0x0  }
0x24: {  	s3 =	sadd.s32 $0x88, s3;
	s6 =	simm.s32 @!p1 $0x1082;
	[sflag:s4] =	ssyncset.s32 $0xFFFFF086  }
0x25: {  	[simem:s6], [sflag:s4] =	dma.local [hbm:s3], $0xF7A  }
0x26: {  	[smem:$0x3F8C] =	sst s1;
	(tag) =	ssettag s2;
	_ =	strace s9  }
0x27: {  	s1 =	sld [smem:$0x3F9C]  }
0x28: {  	s2 =	sld [smem:$0x3F9D]  }
0x29: {  	s4 =	sld [smem:$0x3F9F]  }
0x2a: {  	p0 =	seq.s32 s5, $0x0;
	s5 =	sld [smem:$0x3FA0]  }
0x2b: {  	s6 =	sld [smem:$0x3FA1]  }
0x2c: {  	s7 =	sld [smem:$0x3FA2]  }
0x2d: {  	s3 =	simm.s32 $0x108;
	s8 =	sld [smem:$0x3FA3]  }
0x2e: {  	s3 =	simm.s32 @!p0 $0x1082;
	s9 =	sld [smem:$0x3FA4]  }
0x2f: {  	lr =	sadd.s32 s0, s3;
	s0 =	sld [smem:$0x3F9B]  }
0x30: {  	s3 =	sld [smem:$0x3F9E]  }
0x31: {  	[smem:$0x3FA7] =	sst s10  }
0x32: {  	s10 =	sld [smem:$0x3FA5];
	_ =	sdelay $0x3  }
0x33: {  	p0 =	seq.s32 s10, $0x1;
	s10 =	sld [smem:$0x3FA7];
	_ =	sdelay $0x3  }
0x34: {  	[smem:$0x3FA7] =	sst s10  }
0x35: {  	s10 =	sld [smem:$0x3FA6];
	_ =	sdelay $0x3  }
0x36: {  	p1 =	seq.s32 s10, $0x1;
	s10 =	sld [smem:$0x3FA7];
	_ =	sdelay $0x3  }
0x37: {  	[smem:$0x3FA7] =	sst s10  }
0x38: {  	s10 =	sld [smem:$0x3FA8]  }
0x39: {  	_ = 	snop;
	(pc) =	sbr.ind lr, $3  }
0x3a: {  	_ = 	snop  }
0x3b: {  	_ = 	snop  }
0x3c: {  	p2 =	seq.s32 s10, $0x1;
	s10 =	sld [smem:$0x3FA7]  }
0x3d: {  	_ =	shalt  }
0x3e: {  	_ =	shalt  }
0x3f: {  	_ =	shalt  }
0x40: {  	_ =	shalt  }
0x41: {  	_ =	shalt  }
0x42: {  	_ =	shalt  }
0x43: {  	_ =	shalt  }
0x44: {  	_ =	shalt  }
0x45: {  	_ =	shalt  }
0x46: {  	_ =	shalt  }
0x47: {  	_ =	shalt  }
0x48: {  	_ =	shalt  }
0x49: {  	_ =	shalt  }
0x4a: {  	_ =	shalt  }
0x4b: {  	_ =	shalt  }
0x4c: {  	_ =	shalt  }
0x4d: {  	_ =	shalt  }
0x4e: {  	_ =	shalt  }
0x4f: {  	_ =	shalt  }
0x50: {  	_ =	shalt  }
0x51: {  	_ =	shalt  }
0x52: {  	_ =	shalt  }
0x53: {  	_ =	shalt  }
0x54: {  	_ =	shalt  }
0x55: {  	_ =	shalt  }
0x56: {  	_ =	shalt  }
0x57: {  	_ =	shalt  }
0x58: {  	_ =	shalt  }
0x59: {  	_ =	shalt  }
0x5a: {  	_ =	shalt  }
0x5b: {  	_ =	shalt  }
0x5c: {  	_ =	shalt  }
0x5d: {  	_ =	shalt  }
0x5e: {  	_ =	shalt  }
0x5f: {  	_ =	shalt  }
0x60: {  	_ =	shalt  }
0x61: {  	_ =	shalt  }
0x62: {  	_ =	shalt  }
0x63: {  	_ =	shalt  }
0x64: {  	_ =	shalt  }
0x65: {  	_ =	shalt  }
0x66: {  	_ =	shalt  }
0x67: {  	_ =	shalt  }
0x68: {  	_ =	shalt  }
0x69: {  	_ =	shalt  }
0x6a: {  	_ =	shalt  }
0x6b: {  	_ =	shalt  }
0x6c: {  	_ =	shalt  }
0x6d: {  	_ =	shalt  }
0x6e: {  	_ =	shalt  }
0x6f: {  	_ =	shalt  }
0x70: {  	_ =	shalt  }
0x71: {  	_ =	shalt  }
0x72: {  	_ =	shalt  }
0x73: {  	_ =	shalt  }
0x74: {  	_ =	shalt  }
0x75: {  	_ =	shalt  }
0x76: {  	_ =	shalt  }
0x77: {  	_ =	shalt  }
0x78: {  	_ =	shalt  }
0x79: {  	_ =	shalt  }
0x7a: {  	_ =	shalt  }
0x7b: {  	_ =	shalt  }
0x7c: {  	_ =	shalt  }
0x7d: {  	_ =	shalt  }
0x7e: {  	_ =	shalt  }
0x7f: {  	_ =	shalt  }
0x80: {  	_ =	shalt  }
0x81: {  	_ =	shalt  }
0x82: {  	_ =	shalt  }
0x83: {  	_ =	shalt  }
0x84: {  	_ =	shalt  }
0x85: {  	_ =	shalt  }
0x86: {  	_ =	shalt  }
0x87: {  	_ =	shalt  }
.Lfunc_end0:
.L_simem_size_0:
called_computation.6_lowered:
.L_overlay_start_0:
0x88: {  	s2 =	sld [smem:$0x3FD9]  }
0x89: {  	s3 =	sld [smem:$0x3FFE];
	_ =	sdelay $0x1  }
0x8a: {  	s1 =	srdreg.scid  }
0x8b: {  	s0 =	sand.u32 $0x1, s1  }
0x8c: {  	s16 =	sshll.u32 s0, $0xA;
	s2 =	sadd.s32 s3, s2  }
0x8d: {  	s2 =	sadd.s32 s2, s16  }
0x8e: {  	[smem:$0x3FB3] =	sst s2  }
0x8f: {  	_ = 	snop  }
0x90: {  	(tm) =	ssettm $0x1  }
0x91: {  	s17 =	sld [smem:$0x3FFB];
	_ =	sdelay $0x3  }
0x92: {  	_ =	strace s17  }
0x93: {  	s2 =	sld [smem:$0x3FFC];
	_ =	sdelay $0x3  }
0x94: {  	_ =	strace s2  }
0x95: {  	s2 =	sld [smem:$0x3FFD];
	_ =	sdelay $0x3  }
0x96: {  	_ =	strace s2  }
0x97: {  	_ =	strace $0x8FFFFFFF  }
0x98: {  	s18 =	sld [smem:$0x3FDB];
	_ =	sdelay $0x1  }
0x99: {  	s19 =	simm.s32 $_scs_section_size  }
0x9a: {  	s4 =	simm.s32 $_size__tile_overlayer_lowered;
	s5 =	simm.s32 $_tile_overlayer_lowered  }
0x9b: {  	s22 =	simm.s32 $0x1BFF;
	s21 =	sshll.u32 s5, $0x1;
	s2 =	sadd.s32 s19, s18  }
0x9c: {  	s6 =	simm.s32 $0x0;
	s20 =	sshll.u32 s4, $0x1;
	s4 =	sadd.s32 s21, s2  }
0x9d: {  	[timem:s6], [sflag:s22] =	dma.local [hbm:s4], s20  }
0x9e: {  	_ =	swait.ge [sflag:s22], s20  }
0x9f: {  	s3 =	ssub.s32 $0x0, s20;
	[sflag:s22] =	ssyncset.done $0x0  }
0xa0: {  	[sflag:s22] =	ssyncadd.s32 s3;
	_ =	sdelay $0x1  }
0xa1: {  	s23 =	simm.s32 $0x1B8B  }
0xa2: {  	_ =	swait.ge [sflag:s23], $0x1  }
0xa3: {  	[sflag:s23] =	ssyncset.done $0x0  }
0xa4: {  	s25 =	simm.s32 $0x1B8E;
	s24 =	sld [smem:$0x3FFE];
	[sflag:s23] =	ssyncadd.s32 $0xFFFFFFFF  }
0xa5: {  	s26 =	simm.s32 $execute0_lowered;
	[smem:$0x3FD2] =	sst s25  }
0xa6: {  	s4 =	sshll.u32 s26, $0x1;
	_ =	strace $0x80000058;
	[dreg:$0x1] =	wrdreg $0xFFFFFFFF  }
0xa7: {  	s28 =	simm.s32 $_size_execute0_lowered;
	s2 =	sadd.s32 s2, s4;
	[dreg:$0x0] =	wrdreg $0x0  }
0xa8: {  	s4 =	sshll.u32 s28, $0x1;
	[dreg:$0x2] =	wrdreg s2  }
0xa9: {  	[dreg:$0x3] =	wrdreg s4  }
0xaa: {  	[dreg:$0x4] =	wrdreg $0xC0  }
0xab: {  	_ =	task [dreg:s6], $0x5FFFF  }
0xac: {  	[dreg:$0x1] =	wrdreg $0xFFFFFFFF  }
0xad: {  	[dreg:$0x0] =	wrdreg $0x60  }
0xae: {  	[dreg:$0x2] =	wrdreg s24  }
0xaf: {  	[dreg:$0x3] =	wrdreg $0x9  }
0xb0: {  	_ =	task.clear_ibuf [dreg:s6], $0x4FFFF;
	_ =	strace $0x90000058  }
0xb1: {  	s29 =	simm.s32 $0x9;
	_ =	strace $0x8000005A  }
0xb2: {  	_ =	swait.ge [sflag:s29], $0x1  }
0xb3: {  	[sflag:s29] =	ssyncadd.s32 $0xFFFFFFFF  }
0xb4: {  	_ =	strace $0x9000005A  }
0xb5: {  	_ =	sfence  }
0xb6: {  	s30 =	sld [smem:$0x0];
	_ =	sdelay $0x2  }
0xb7: {  	s31 =	sshll.u32 s1, $0xD;
	s1 =	sshrl.u32 s1, $0x2  }
0xb8: {  	s3 =	sand.u32 $0x4000, s31;
	s1 =	sadd.s32 s1, s30  }
0xb9: {  	s0 =	sor.u32 s3, s0;
	s1 =	sshll.u32 s1, $0x11  }
0xba: {  	s0 =	sor.u32 s1, s0  }
0xbb: {  	s0 =	sadd.s32 $0x8F2B, s0  }
0xbc: {  	[sflag:s0] =	ssyncadd.remote.s32 $0x1  }
0xbd: {  	_ =	sfence.sel $0xFFFF  }
0xbe: {  	[dreg:$0x0] =	wrdreg $0xFFFFFFFF;
	(pc) =	sbr.abs _section_cstart, $3  }
0xbf: {  	[dreg:$0x1] =	wrdreg $0xFFFFFFFF  }
0xc0: {  	_ =	task.clear_ibuf [dreg:s6], $0x2FFFF;
	_ =	strace $0x9FFFFFFF  }
0xc1: {  	(tm) =	ssettm $0x7FFFFFFF  }
tec
execute0_lowered:
.L_overlay_start_1:
0x0: {  	(tag) =	ssettag $0x1  }
0x1: {  	s4 =	rddreg [dreg:$0x0]  }
0x2: {  	s0 =	rddreg [dreg:$0x1];
	s1 =	simm.s32 $0x0  }
0x3: {  	s5 =	srdreg.scid;
	s2 =	stileid.u32;
	s15 =	simm.s32 $0x4100  }
0x4: {  	s16 =	simm.s32 $0x1;
	s17 =	simm.s32 $0x2;
	s18 =	simm.s32 $0x0  }
0x5: {  	[smem:$0x7FF] =	sst s1;
	s3 =	sadd.s32 $0x105000, s4;
	s10 =	sand.u32 $0x1, s5  }
0x6: {  	s11 =	sadd.s32 $0x185000, s4;
	s29 =	sshll.u32 s2, $0xE;
	s12 =	sadd.s32 $0x18D000, s4  }
0x7: {  	s14 =	sshll.u32 s2, $0x12;
	_ =	strace $0x80000059;
	s6 =	sshll.u32 s10, $0xD  }
0x8: {  	s30 =	ssub.s32 $0x2, s10;
	s10 =	sshll.u32 s10, $0x11;
	s13 =	sor.u32 s6, s29  }
0x9: {  	s31 =	sshrl.u32 s30, $0x1;
	s6 =	sshrl.u32 s13, $0x3;
	s7 =	sshll.u32 s13, $0x4  }
0xa: {  	s5 =	ssub.s32 s30, s31;
	s9 =	sor.u32 $0x100, s13;
	s13 =	sor.u32 $0x80, s13  }
0xb: {  	s4 =	sadd.s32 s11, s6;
	s8 =	sadd.s32 s12, s7;
	s5 =	smax.u32 s5, $0x1  }
0xc: {  	s9 =	sshrl.u32 s9, $0x3;
	s12 =	sadd.s32 s14, s12;
	s13 =	sshrl.u32 s13, $0x3  }
0xd: {  	s14 =	simm.s32 $0x100;
	s6 =	sadd.s32 $0x3F0, s4;
	s7 =	sadd.s32 $0x1F000, s8  }
0xe: {  	s8 =	sadd.s32 $0x1F800, s8;
	s9 =	sadd.s32 s9, s11;
	s10 =	sadd.s32 s10, s12  }
0xf: {  	s11 =	sadd.s32 s13, s11;
	s12 =	simm.s32 $0x3;
	s13 =	simm.s32 $0x80  }
.LBB2_1:
0x10: {  	[tilespmem:s1], [sflag:$0x3] =	stream.linear.gather [hbm4b:s4+s1], $0x80, $0x38;
	[tilespmem:$0x8100] =	vst v63  }
0x11: {  	_ =	swait.ge [sflag:s12], $0x80  }
0x12: {  	[sflag:s12] =	ssyncset.done $0x0  }
0x13: {  	[sflag:s12] =	ssyncadd.s32 $0xFFFFFF80  }
0x14: {  	[tilespmem:s14], [sflag:$0x1] =	stream.indirect.gather [hbm4b:s3+s13], $0x80, s1, s13, $0xb8;
	[tilespmem:$0x8100] =	vst v63  }
0x15: {  	s19 =	sadd.s32 $0x0, s11  }
0x16: {  	[tilespmem:s13], [sflag:$0x3] =	stream.linear.gather [hbm4b:s19+s1], $0x80, $0x38;
	[tilespmem:$0x8100] =	vst v63  }
0x17: {  	_ =	swait.ge [sflag:s12], $0x80  }
0x18: {  	[sflag:s12] =	ssyncset.done $0x0  }
0x19: {  	[sflag:s12] =	ssyncadd.s32 $0xFFFFFF80  }
0x1a: {  	[tilespmem:s15], [sflag:$0x2] =	stream.indirect.gather [hbm4b:s3+s13], $0x80, s13, s13, $0xb8;
	[tilespmem:$0x8100] =	vst v63  }
0x1b: {  	_ =	swait.ge [sflag:s16], $0x4000  }
0x1c: {  	[sflag:s16] =	ssyncset.done $0x0  }
0x1d: {  	[sflag:s16] =	ssyncadd.s32 $0xFFFFC000  }
0x1e: {  	[hbm4b:s10+s1] =	stream.linear.scatter [tilespmem:s14], [sflag:$0x3], $0x4000, $0x38;
	[tilespmem:$0x8100] =	vst v63  }
0x1f: {  	_ =	swait.ge [sflag:s12], $0x4000  }
0x20: {  	[sflag:s12] =	ssyncset.done $0x0  }
0x21: {  	s30 =	sadd.s32 $0x0, s9;
	[sflag:s12] =	ssyncadd.s32 $0xFFFFC000  }
0x22: {  	[tilespmem:s1], [sflag:$0x3] =	stream.linear.gather [hbm4b:s30+s1], $0x80, $0x38;
	[tilespmem:$0x8100] =	vst v63  }
0x23: {  	_ =	swait.ge [sflag:s12], $0x80  }
0x24: {  	[sflag:s12] =	ssyncset.done $0x0  }
0x25: {  	[sflag:s12] =	ssyncadd.s32 $0xFFFFFF80  }
0x26: {  	[tilespmem:s14], [sflag:$0x1] =	stream.indirect.gather [hbm4b:s3+s13], $0x80, s1, s13, $0xb8;
	[tilespmem:$0x8100] =	vst v63  }
0x27: {  	_ =	swait.ge [sflag:s17], $0x4000  }
0x28: {  	[sflag:s17] =	ssyncset.done $0x0  }
0x29: {  	s31 =	sadd.s32 $0x800, s10;
	[sflag:s17] =	ssyncadd.s32 $0xFFFFC000  }
0x2a: {  	[hbm4b:s31+s1] =	stream.linear.scatter [tilespmem:s15], [sflag:$0x3], $0x4000, $0x38;
	[tilespmem:$0x8100] =	vst v63  }
0x2b: {  	s20 =	simm.s32 $0x20;
	_ =	swait.ge [sflag:s12], $0x4000  }
0x2c: {  	s21 =	simm.s32 $0x40;
	s19 =	sadd.s32 $0x1000, s10;
	[sflag:s12] =	ssyncset.done $0x0  }
.LBB2_2:
0x2d: {  	s22 =	sadd.s32 s20, s11  }
0x2e: {  	[sflag:s12] =	ssyncadd.s32 $0xFFFFC000;
	s23 =	smov.u32 s21;
	s24 =	sadd.s32 $0x20, s21  }
0x2f: {  	[tilespmem:s13], [sflag:$0x3] =	stream.linear.gather [hbm4b:s22+s1], $0x80, $0x38;
	[tilespmem:$0x8100] =	vst v63  }
0x30: {  	p0 =	sne.s32 s21, $0x3C0;
	_ =	swait.ge [sflag:s12], $0x80  }
0x31: {  	[sflag:s12] =	ssyncset.done $0x0  }
0x32: {  	[sflag:s12] =	ssyncadd.s32 $0xFFFFFF80  }
0x33: {  	[tilespmem:s15], [sflag:$0x2] =	stream.indirect.gather [hbm4b:s3+s13], $0x80, s13, s13, $0xb8;
	[tilespmem:$0x8100] =	vst v63  }
0x34: {  	_ =	swait.ge [sflag:s16], $0x4000  }
0x35: {  	[sflag:s16] =	ssyncset.done $0x0  }
0x36: {  	[sflag:s16] =	ssyncadd.s32 $0xFFFFC000  }
0x37: {  	[hbm4b:s19+s1] =	stream.linear.scatter [tilespmem:s14], [sflag:$0x3], $0x4000, $0x38;
	[tilespmem:$0x8100] =	vst v63  }
0x38: {  	_ =	swait.ge [sflag:s12], $0x4000  }
0x39: {  	[sflag:s12] =	ssyncset.done $0x0  }
0x3a: {  	s21 =	sadd.s32 s20, s9;
	s20 =	smov.u32 s23;
	[sflag:s12] =	ssyncadd.s32 $0xFFFFC000  }
0x3b: {  	[tilespmem:s1], [sflag:$0x3] =	stream.linear.gather [hbm4b:s21+s1], $0x80, $0x38;
	[tilespmem:$0x8100] =	vst v63  }
0x3c: {  	_ =	swait.ge [sflag:s12], $0x80  }
0x3d: {  	[sflag:s12] =	ssyncset.done $0x0  }
0x3e: {  	[sflag:s12] =	ssyncadd.s32 $0xFFFFFF80  }
0x3f: {  	[tilespmem:s14], [sflag:$0x1] =	stream.indirect.gather [hbm4b:s3+s13], $0x80, s1, s13, $0xb8;
	[tilespmem:$0x8100] =	vst v63  }
0x40: {  	_ =	swait.ge [sflag:s17], $0x4000  }
.Ltmp0:
0x41: {  	[sflag:s17] =	ssyncset.done $0x0;
	(pc) =	sbr.rel @p0 .LBB2_2-.Ltmp0, $4  }
0x42: {  	s21 =	sadd.s32 $0x800, s19;
	[sflag:s17] =	ssyncadd.s32 $0xFFFFC000  }
0x43: {  	[hbm4b:s21+s1] =	stream.linear.scatter [tilespmem:s15], [sflag:$0x3], $0x4000, $0x38;
	[tilespmem:$0x8100] =	vst v63  }
0x44: {  	_ =	swait.ge [sflag:s12], $0x4000  }
0x45: {  	s19 =	sadd.s32 $0x1000, s19;
	s21 =	smov.u32 s24;
	[sflag:s12] =	ssyncset.done $0x0  }
0x46: {  	s21 =	sadd.s32 s20, s11;
	[sflag:s12] =	ssyncadd.s32 $0xFFFFC000  }
0x47: {  	[tilespmem:s13], [sflag:$0x3] =	stream.linear.gather [hbm4b:s21+s1], $0x80, $0x38;
	[tilespmem:$0x8100] =	vst v63  }
0x48: {  	_ =	swait.ge [sflag:s12], $0x80  }
0x49: {  	[sflag:s12] =	ssyncset.done $0x0  }
0x4a: {  	[sflag:s12] =	ssyncadd.s32 $0xFFFFFF80  }
0x4b: {  	[tilespmem:s15], [sflag:$0x2] =	stream.indirect.gather [hbm4b:s3+s13], $0x80, s13, s13, $0xb8;
	[tilespmem:$0x8100] =	vst v63  }
0x4c: {  	_ =	swait.ge [sflag:s16], $0x4000  }
0x4d: {  	[sflag:s16] =	ssyncset.done $0x0  }
0x4e: {  	[sflag:s16] =	ssyncadd.s32 $0xFFFFC000  }
0x4f: {  	[hbm4b:s19+s1] =	stream.linear.scatter [tilespmem:s14], [sflag:$0x3], $0x4000, $0x38;
	[tilespmem:$0x8100] =	vst v63  }
0x50: {  	_ =	swait.ge [sflag:s12], $0x4000  }
0x51: {  	[sflag:s12] =	ssyncset.done $0x0  }
0x52: {  	s30 =	sadd.s32 s20, s9;
	[sflag:s12] =	ssyncadd.s32 $0xFFFFC000  }
0x53: {  	[tilespmem:s1], [sflag:$0x3] =	stream.linear.gather [hbm4b:s30+s1], $0x80, $0x38;
	[tilespmem:$0x8100] =	vst v63  }
0x54: {  	_ =	swait.ge [sflag:s12], $0x80  }
0x55: {  	[sflag:s12] =	ssyncset.done $0x0  }
0x56: {  	[sflag:s12] =	ssyncadd.s32 $0xFFFFFF80  }
0x57: {  	[tilespmem:s14], [sflag:$0x1] =	stream.indirect.gather [hbm4b:s3+s13], $0x80, s1, s13, $0xb8;
	[tilespmem:$0x8100] =	vst v63  }
0x58: {  	_ =	swait.ge [sflag:s17], $0x4000  }
0x59: {  	[sflag:s17] =	ssyncset.done $0x0  }
0x5a: {  	s31 =	sadd.s32 $0x800, s19;
	[sflag:s17] =	ssyncadd.s32 $0xFFFFC000  }
0x5b: {  	[hbm4b:s31+s1] =	stream.linear.scatter [tilespmem:s15], [sflag:$0x3], $0x4000, $0x38;
	[tilespmem:$0x8100] =	vst v63  }
0x5c: {  	_ =	swait.ge [sflag:s12], $0x4000  }
0x5d: {  	[sflag:s12] =	ssyncset.done $0x0  }
0x5e: {  	[sflag:s12] =	ssyncadd.s32 $0xFFFFC000  }
0x5f: {  	[tilespmem:s13], [sflag:$0x3] =	stream.linear.gather [hbm4b:s6+s1], $0x80, $0x38;
	[tilespmem:$0x8100] =	vst v63  }
0x60: {  	_ =	swait.ge [sflag:s12], $0x80  }
0x61: {  	[sflag:s12] =	ssyncset.done $0x0  }
0x62: {  	[sflag:s12] =	ssyncadd.s32 $0xFFFFFF80  }
0x63: {  	[tilespmem:s15], [sflag:$0x2] =	stream.indirect.gather [hbm4b:s3+s13], $0x80, s13, s13, $0xb8;
	[tilespmem:$0x8100] =	vst v63  }
0x64: {  	_ =	swait.ge [sflag:s16], $0x4000  }
0x65: {  	[sflag:s16] =	ssyncset.done $0x0  }
0x66: {  	[sflag:s16] =	ssyncadd.s32 $0xFFFFC000  }
0x67: {  	[hbm4b:s7+s1] =	stream.linear.scatter [tilespmem:s14], [sflag:$0x3], $0x4000, $0x38;
	[tilespmem:$0x8100] =	vst v63  }
0x68: {  	_ =	swait.ge [sflag:s12], $0x4000  }
0x69: {  	[sflag:s12] =	ssyncset.done $0x0  }
0x6a: {  	[sflag:s12] =	ssyncadd.s32 $0xFFFFC000  }
0x6b: {  	s18 =	sadd.s32 $0x1, s18;
	_ =	swait.ge [sflag:s17], $0x4000  }
0x6c: {  	p0 =	sne.s32 s18, s5;
	[sflag:s17] =	ssyncset.done $0x0  }
.Ltmp1:
0x6d: {  	[sflag:s17] =	ssyncadd.s32 $0xFFFFC000;
	(pc) =	sbr.rel @p0 .LBB2_1-.Ltmp1, $4  }
0x6e: {  	[hbm4b:s8+s1] =	stream.linear.scatter [tilespmem:s15], [sflag:$0x3], $0x4000, $0x38;
	[tilespmem:$0x8100] =	vst v63  }
0x6f: {  	_ =	swait.ge [sflag:s12], $0x4000  }
0x70: {  	[sflag:s12] =	ssyncset.done $0x0  }
0x71: {  	[sflag:s12] =	ssyncadd.s32 $0xFFFFC000  }
0x72: {  	_ =	sfence.sel $0x180000  }
0x73: {  	[bflag:$0x0] =	sbarrier.arrive $0xFFFF  }
0x74: {  	p0 =	sne.s32 s2, $0x0;
	_ =	strace $0x90000059  }
0x75: {  	s0 =	sadd.s32 @!p0 $0x100000, s0;
	[bflag:$0x2] =	sbarrier.arrive $0xFFFF  }
0x76: {  	[sflag:s0] =	ssyncadd.tile.s32 @!p0 $0x1;
	_ =	shalt  }
.Lfunc_end2:
_tile_overlayer_lowered:
.L_overlay_start_2:
0x77: {  	(tag) =	ssettag $0x2  }
0x78: {  	s0 =	rddreg [dreg:$0x0];
	s2 =	stileid.u32  }
0x79: {  	s1 =	rddreg [dreg:$0x1];
	p0 =	sne.s32 s2, $0x0  }
0x7a: {  	s3 =	rddreg [dreg:$0x2];
	[bflag:$0x3] =	sbarrier.arrive $0xFFFF;
	s2 =	simm.s32 @!p0 $0x1C03  }
0x7b: {  	[timem:s3], [sflag:s2] =	dma.local @!p0 [hbm:s0], s1  }
0x7c: {  	s0 =	simm.s32 @!p0 $0x3  }
0x7d: {  	_ =	swait.ge @!p0 [sflag:s0], s1  }
0x7e: {  	s1 =	ssub.s32 @!p0 $0x0, s1;
	[sflag:s0] =	ssyncset.done @!p0 $0x0  }
0x7f: {  	[sflag:s0] =	ssyncadd.s32 @!p0 s1  }
0x80: {  	[bflag:$0x3] =	sbarrier.arrive $0xFFFF  }
0x81: {  	_ =	shalt  }

// kernel: kernel.49.cloned.1.call-start
scs
__scs_entry_jumppad:
0x0: {  	(pc) =	sbr.rel $0x88, $3  }
0x1: {  	(tag) =	ssettag $0x0;
	lr =	simm.s32 $0x1  }
0x2: {  	[smem:$0x3F8C] =	sst lr;
	_ =	strace $0xD0000000  }
0x3: {  	_ = 	snop  }
0x4: {  	_ = 	snop  }
0x5: {  	_ = 	snop  }
0x6: {  	_ = 	snop  }
0x7: {  	_ = 	snop  }
__scs_overlays_trampoline_lowered:
0x8: {  	[smem:$0x3F9B] =	sst s0  }
0x9: {  	[smem:$0x3F9C] =	sst s1  }
0xa: {  	[smem:$0x3F9D] =	sst s2  }
0xb: {  	[smem:$0x3F9E] =	sst s3  }
0xc: {  	[smem:$0x3F9F] =	sst s4  }
0xd: {  	[smem:$0x3FA0] =	sst s5  }
0xe: {  	[smem:$0x3FA1] =	sst s6  }
0xf: {  	[smem:$0x3FA2] =	sst s7  }
0x10: {  	[smem:$0x3FA3] =	sst s8  }
0x11: {  	[smem:$0x3FA4] =	sst s9;
	s0 =	simm.s32 @!p0 $0x0  }
0x12: {  	s1 =	sld [smem:$0x3F8A];
	s0 =	simm.s32 @p0 $0x1  }
0x13: {  	[smem:$0x3FA5] =	sst s0;
	s0 =	simm.s32 @!p1 $0x0  }
0x14: {  	s2 =	sld [smem:$0x3F89];
	s0 =	simm.s32 @p1 $0x1  }
0x15: {  	[smem:$0x3FA6] =	sst s0;
	s0 =	simm.s32 @!p2 $0x0  }
0x16: {  	s3 =	sld [smem:$0x3FDB];
	s0 =	simm.s32 @p2 $0x1  }
0x17: {  	s4 =	simm.s32 $0x1BF5;
	[smem:$0x3FA8] =	sst s0  }
0x18: {  	s0 =	sld [smem:$0x3F8B];
	_ =	swait.ge [sflag:s4], $0x0  }
0x19: {  	s7 =	sld [smem:$0x3F8C]  }
0x1a: {  	s8 =	sadd.s32 $0xFFFFE003, lr  }
0x1b: {  	s9 =	sadd.s32 $0xFFFFFEF7, lr;
	s5 =	simm.s32 $0xFFFFFFFF;
	p2 =	slt.u32 s8, $0xFFFFF086  }
0x1c: {  	p1 =	slt.u32 s9, $0xF7A;
	s5 =	simm.s32 @!p2 $0x0  }
0x1d: {  	s5 =	simm.s32 @p1 $0x1;
	p0 =	seq.s32 s7, s2  }
0x1e: {  	s7 =	smul.u32 @!p0 $0xF7A, s2;
	p2 =	seq.s32 @!p0 s5, $0x0  }
0x1f: {  	s9 =	smul.u32 $0xF7A, s1;
	s8 =	simm.s32 @!p0 $0x1BF5;
	p2 =	por !p2, p0  }
0x20: {  	[sflag:s8] =	ssyncset.s32 @!p0 $0xFFFFF086;
	s6 =	sadd.s32 @!p0 s3, s7;
	s7 =	simm.s32 @!p0 $0x108  }
0x21: {  	s3 =	sadd.s32 s3, s9;
	s6 =	sadd.s32 @!p0 $0x88, s6;
	s7 =	simm.s32 @p2 $0x1082  }
0x22: {  	[simem:s7], [sflag:s8] =	dma.local @!p0 [hbm:s6], $0xF7A  }
0x23: {  	s9 =	sor.u32 $0xD0000000, s2;
	s6 =	simm.s32 $0x108;
	_ =	swait.ge @!p0 [sflag:s8], $0x0  }
0x24: {  	s3 =	sadd.s32 $0x88, s3;
	s6 =	simm.s32 @!p1 $0x1082;
	[sflag:s4] =	ssyncset.s32 $0xFFFFF086  }
0x25: {  	[simem:s6], [sflag:s4] =	dma.local [hbm:s3], $0xF7A  }
0x26: {  	[smem:$0x3F8C] =	sst s1;
	(tag) =	ssettag s2;
	_ =	strace s9  }
0x27: {  	s1 =	sld [smem:$0x3F9C]  }
0x28: {  	s2 =	sld [smem:$0x3F9D]  }
0x29: {  	s4 =	sld [smem:$0x3F9F]  }
0x2a: {  	p0 =	seq.s32 s5, $0x0;
	s5 =	sld [smem:$0x3FA0]  }
0x2b: {  	s6 =	sld [smem:$0x3FA1]  }
0x2c: {  	s7 =	sld [smem:$0x3FA2]  }
0x2d: {  	s3 =	simm.s32 $0x108;
	s8 =	sld [smem:$0x3FA3]  }
0x2e: {  	s3 =	simm.s32 @!p0 $0x1082;
	s9 =	sld [smem:$0x3FA4]  }
0x2f: {  	lr =	sadd.s32 s0, s3;
	s0 =	sld [smem:$0x3F9B]  }
0x30: {  	s3 =	sld [smem:$0x3F9E]  }
0x31: {  	[smem:$0x3FA7] =	sst s10  }
0x32: {  	s10 =	sld [smem:$0x3FA5];
	_ =	sdelay $0x3  }
0x33: {  	p0 =	seq.s32 s10, $0x1;
	s10 =	sld [smem:$0x3FA7];
	_ =	sdelay $0x3  }
0x34: {  	[smem:$0x3FA7] =	sst s10  }
0x35: {  	s10 =	sld [smem:$0x3FA6];
	_ =	sdelay $0x3  }
0x36: {  	p1 =	seq.s32 s10, $0x1;
	s10 =	sld [smem:$0x3FA7];
	_ =	sdelay $0x3  }
0x37: {  	[smem:$0x3FA7] =	sst s10  }
0x38: {  	s10 =	sld [smem:$0x3FA8]  }
0x39: {  	_ = 	snop;
	(pc) =	sbr.ind lr, $3  }
0x3a: {  	_ = 	snop  }
0x3b: {  	_ = 	snop  }
0x3c: {  	p2 =	seq.s32 s10, $0x1;
	s10 =	sld [smem:$0x3FA7]  }
0x3d: {  	_ =	shalt  }
0x3e: {  	_ =	shalt  }
0x3f: {  	_ =	shalt  }
0x40: {  	_ =	shalt  }
0x41: {  	_ =	shalt  }
0x42: {  	_ =	shalt  }
0x43: {  	_ =	shalt  }
0x44: {  	_ =	shalt  }
0x45: {  	_ =	shalt  }
0x46: {  	_ =	shalt  }
0x47: {  	_ =	shalt  }
0x48: {  	_ =	shalt  }
0x49: {  	_ =	shalt  }
0x4a: {  	_ =	shalt  }
0x4b: {  	_ =	shalt  }
0x4c: {  	_ =	shalt  }
0x4d: {  	_ =	shalt  }
0x4e: {  	_ =	shalt  }
0x4f: {  	_ =	shalt  }
0x50: {  	_ =	shalt  }
0x51: {  	_ =	shalt  }
0x52: {  	_ =	shalt  }
0x53: {  	_ =	shalt  }
0x54: {  	_ =	shalt  }
0x55: {  	_ =	shalt  }
0x56: {  	_ =	shalt  }
0x57: {  	_ =	shalt  }
0x58: {  	_ =	shalt  }
0x59: {  	_ =	shalt  }
0x5a: {  	_ =	shalt  }
0x5b: {  	_ =	shalt  }
0x5c: {  	_ =	shalt  }
0x5d: {  	_ =	shalt  }
0x5e: {  	_ =	shalt  }
0x5f: {  	_ =	shalt  }
0x60: {  	_ =	shalt  }
0x61: {  	_ =	shalt  }
0x62: {  	_ =	shalt  }
0x63: {  	_ =	shalt  }
0x64: {  	_ =	shalt  }
0x65: {  	_ =	shalt  }
0x66: {  	_ =	shalt  }
0x67: {  	_ =	shalt  }
0x68: {  	_ =	shalt  }
0x69: {  	_ =	shalt  }
0x6a: {  	_ =	shalt  }
0x6b: {  	_ =	shalt  }
0x6c: {  	_ =	shalt  }
0x6d: {  	_ =	shalt  }
0x6e: {  	_ =	shalt  }
0x6f: {  	_ =	shalt  }
0x70: {  	_ =	shalt  }
0x71: {  	_ =	shalt  }
0x72: {  	_ =	shalt  }
0x73: {  	_ =	shalt  }
0x74: {  	_ =	shalt  }
0x75: {  	_ =	shalt  }
0x76: {  	_ =	shalt  }
0x77: {  	_ =	shalt  }
0x78: {  	_ =	shalt  }
0x79: {  	_ =	shalt  }
0x7a: {  	_ =	shalt  }
0x7b: {  	_ =	shalt  }
0x7c: {  	_ =	shalt  }
0x7d: {  	_ =	shalt  }
0x7e: {  	_ =	shalt  }
0x7f: {  	_ =	shalt  }
0x80: {  	_ =	shalt  }
0x81: {  	_ =	shalt  }
0x82: {  	_ =	shalt  }
0x83: {  	_ =	shalt  }
0x84: {  	_ =	shalt  }
0x85: {  	_ =	shalt  }
0x86: {  	_ =	shalt  }
0x87: {  	_ =	shalt  }
.Lfunc_end0:
.L_simem_size_0:
called_computation.7_lowered:
.L_overlay_start_0:
0x88: {  	s2 =	sld [smem:$0x3FD9]  }
0x89: {  	s3 =	sld [smem:$0x3FFE];
	_ =	sdelay $0x1  }
0x8a: {  	s1 =	srdreg.scid  }
0x8b: {  	s0 =	sand.u32 $0x1, s1  }
0x8c: {  	s17 =	sshll.u32 s0, $0xA;
	s2 =	sadd.s32 s3, s2  }
0x8d: {  	s2 =	sadd.s32 s2, s17  }
0x8e: {  	[smem:$0x3FB3] =	sst s2  }
0x8f: {  	_ = 	snop  }
0x90: {  	(tm) =	ssettm $0x1  }
0x91: {  	s18 =	sld [smem:$0x3FFB];
	_ =	sdelay $0x3  }
0x92: {  	_ =	strace s18  }
0x93: {  	s2 =	sld [smem:$0x3FFC];
	_ =	sdelay $0x3  }
0x94: {  	_ =	strace s2  }
0x95: {  	s2 =	sld [smem:$0x3FFD];
	_ =	sdelay $0x3  }
0x96: {  	_ =	strace s2  }
0x97: {  	_ =	strace $0x8FFFFFFF  }
0x98: {  	s19 =	sld [smem:$0x3FDB];
	_ =	sdelay $0x1  }
0x99: {  	s20 =	simm.s32 $_scs_section_size  }
0x9a: {  	s4 =	simm.s32 $_size__tile_overlayer_lowered;
	s5 =	simm.s32 $_tile_overlayer_lowered  }
0x9b: {  	s6 =	simm.s32 $0x1BFF;
	s21 =	sshll.u32 s5, $0x1;
	s3 =	sadd.s32 s20, s19  }
0x9c: {  	s22 =	simm.s32 $0x0;
	s4 =	sshll.u32 s4, $0x1;
	s5 =	sadd.s32 s21, s3  }
0x9d: {  	[timem:s22], [sflag:s6] =	dma.local [hbm:s5], s4  }
0x9e: {  	_ =	swait.ge [sflag:s6], s4  }
0x9f: {  	s4 =	ssub.s32 $0x0, s4;
	[sflag:s6] =	ssyncset.done $0x0  }
0xa0: {  	[sflag:s6] =	ssyncadd.s32 s4;
	_ =	sdelay $0x1  }
0xa1: {  	s23 =	simm.s32 $0x1B8B  }
0xa2: {  	_ =	swait.ge [sflag:s23], $0x1  }
0xa3: {  	[sflag:s23] =	ssyncset.done $0x0  }
0xa4: {  	[sflag:s23] =	ssyncadd.s32 $0xFFFFFFFF  }
0xa5: {  	s4 =	sld [smem:$0x0]  }
0xa6: {  	s5 =	sand.u32 $0xFFFFFFFE, s1  }
0xa7: {  	p0 =	sne.s32 s1, s5  }
0xa8: {  	s5 =	sshll.u32 @p0 s5, $0xE  }
0xa9: {  	s5 =	sadd.s32 @p0 $0x11B8D, s5;
	s6 =	sshll.u32 @p0 s4, $0x11  }
0xaa: {  	s5 =	sor.u32 @p0 s6, s5  }
0xab: {  	[sflag:s5] =	ssyncadd.remote.s32 @p0 $0x1;
	_ =	sdelay $0x1  }
0xac: {  	s5 =	simm.s32 @p0 $0x1B8D  }
0xad: {  	_ =	swait.eq @p0 [sflag:s5], $0x1  }
0xae: {  	[sflag:s5] =	ssyncadd.s32 @p0 $0xFFFFFFFF  }
0xaf: {  	s6 =	sshll.u32 @!p0 s1, $0xE  }
0xb0: {  	s6 =	sor.u32 @!p0 $0x4000, s6;
	s5 =	simm.s32 @!p0 $0x1B8D  }
0xb1: {  	s4 =	sshll.u32 @!p0 s4, $0x11;
	s6 =	sadd.s32 @!p0 $0x11B8D, s6;
	_ =	swait.eq @!p0 [sflag:s5], $0x1  }
0xb2: {  	s4 =	sor.u32 @!p0 s4, s6;
	[sflag:s5] =	ssyncadd.s32 @!p0 $0xFFFFFFFF  }
0xb3: {  	s25 =	simm.s32 $0x1B8E;
	s24 =	sld [smem:$0x3FFE];
	[sflag:s4] =	ssyncadd.remote.s32 @!p0 $0x1  }
0xb4: {  	s26 =	simm.s32 $execute0_lowered;
	[smem:$0x3FD2] =	sst s25  }
0xb5: {  	s5 =	sshll.u32 s26, $0x1;
	_ =	strace $0x8000005B;
	[dreg:$0x1] =	wrdreg $0xFFFFFFFF  }
0xb6: {  	s28 =	simm.s32 $_size_execute0_lowered;
	s3 =	sadd.s32 s3, s5;
	[dreg:$0x0] =	wrdreg $0x0  }
0xb7: {  	s5 =	sshll.u32 s28, $0x1;
	[dreg:$0x2] =	wrdreg s3  }
0xb8: {  	[dreg:$0x3] =	wrdreg s5  }
0xb9: {  	[dreg:$0x4] =	wrdreg $0xC0  }
0xba: {  	_ =	task [dreg:s22], $0x5FFFF  }
0xbb: {  	[dreg:$0x1] =	wrdreg $0xFFFFFFFF  }
0xbc: {  	[dreg:$0x0] =	wrdreg $0x60  }
0xbd: {  	[dreg:$0x2] =	wrdreg s24  }
0xbe: {  	[dreg:$0x3] =	wrdreg $0xA  }
0xbf: {  	_ =	task.clear_ibuf [dreg:s22], $0x4FFFF;
	_ =	strace $0x9000005B  }
0xc0: {  	s29 =	simm.s32 $0xA;
	_ =	strace $0x8000005D  }
0xc1: {  	_ =	swait.ge [sflag:s29], $0x1  }
0xc2: {  	[sflag:s29] =	ssyncadd.s32 $0xFFFFFFFF  }
0xc3: {  	_ =	strace $0x9000005D  }
0xc4: {  	_ =	sfence  }
0xc5: {  	s30 =	sld [smem:$0x0];
	_ =	sdelay $0x2  }
0xc6: {  	s31 =	sshll.u32 s1, $0xD;
	s1 =	sshrl.u32 s1, $0x2  }
0xc7: {  	s4 =	sand.u32 $0x4000, s31;
	s1 =	sadd.s32 s1, s30  }
0xc8: {  	s0 =	sor.u32 s4, s0;
	s1 =	sshll.u32 s1, $0x11  }
0xc9: {  	s0 =	sor.u32 s1, s0  }
0xca: {  	s0 =	sadd.s32 $0x8F2B, s0  }
0xcb: {  	[sflag:s0] =	ssyncadd.remote.s32 $0x1  }
0xcc: {  	_ =	sfence.sel $0xFFFF  }
0xcd: {  	[dreg:$0x0] =	wrdreg $0xFFFFFFFF;
	(pc) =	sbr.abs _section_cstart, $3  }
0xce: {  	[dreg:$0x1] =	wrdreg $0xFFFFFFFF  }
0xcf: {  	_ =	task.clear_ibuf [dreg:s22], $0x2FFFF;
	_ =	strace $0x9FFFFFFF  }
0xd0: {  	(tm) =	ssettm $0x7FFFFFFF  }
0xd1: {  	_ =	shalt  }
tec
execute0_lowered:
.L_overlay_start_1:
0x0: {  	(tag) =	ssettag $0x1  }
0x1: {  	s4 =	rddreg [dreg:$0x0]  }
0x2: {  	s0 =	rddreg [dreg:$0x1];
	s1 =	simm.s32 $0x0  }
0x3: {  	s5 =	srdreg.scid;
	s2 =	stileid.u32;
	s15 =	simm.s32 $0x4100  }
0x4: {  	s16 =	simm.s32 $0x1;
	s17 =	simm.s32 $0x2;
	s18 =	simm.s32 $0x0  }
0x5: {  	[smem:$0x7FF] =	sst s1;
	s3 =	sadd.s32 $0x105000, s4;
	s10 =	sand.u32 $0x1, s5  }
0x6: {  	s11 =	sadd.s32 $0x58D000, s4;
	s29 =	sshll.u32 s2, $0xE;
	s12 =	sadd.s32 $0x595000, s4  }
0x7: {  	s14 =	sshll.u32 s2, $0x12;
	_ =	strace $0x8000005C;
	s6 =	sshll.u32 s10, $0xD  }
0x8: {  	s30 =	ssub.s32 $0x2, s10;
	s10 =	sshll.u32 s10, $0x11;
	s13 =	sor.u32 s6, s29  }
0x9: {  	s31 =	sshrl.u32 s30, $0x1;
	s6 =	sshrl.u32 s13, $0x3;
	s7 =	sshll.u32 s13, $0x4  }
0xa: {  	s5 =	ssub.s32 s30, s31;
	s9 =	sor.u32 $0x100, s13;
	s13 =	sor.u32 $0x80, s13  }
0xb: {  	s4 =	sadd.s32 s11, s6;
	s8 =	sadd.s32 s12, s7;
	s5 =	smax.u32 s5, $0x1  }
0xc: {  	s9 =	sshrl.u32 s9, $0x3;
	s12 =	sadd.s32 s14, s12;
	s13 =	sshrl.u32 s13, $0x3  }
0xd: {  	s14 =	simm.s32 $0x100;
	s6 =	sadd.s32 $0x3F0, s4;
	s7 =	sadd.s32 $0x1F000, s8  }
0xe: {  	s8 =	sadd.s32 $0x1F800, s8;
	s9 =	sadd.s32 s9, s11;
	s10 =	sadd.s32 s10, s12  }
0xf: {  	s11 =	sadd.s32 s13, s11;
	s12 =	simm.s32 $0x3;
	s13 =	simm.s32 $0x80  }
.LBB2_1:
0x10: {  	[tilespmem:s1], [sflag:$0x3] =	stream.linear.gather [hbm4b:s4+s1], $0x80, $0x38;
	[tilespmem:$0x8100] =	vst v63  }
0x11: {  	_ =	swait.ge [sflag:s12], $0x80  }
0x12: {  	[sflag:s12] =	ssyncset.done $0x0  }
0x13: {  	[sflag:s12] =	ssyncadd.s32 $0xFFFFFF80  }
0x14: {  	[tilespmem:s14], [sflag:$0x1] =	stream.indirect.gather [hbm4b:s3+s13], $0x80, s1, s13, $0xb8;
	[tilespmem:$0x8100] =	vst v63  }
0x15: {  	s19 =	sadd.s32 $0x0, s11  }
0x16: {  	[tilespmem:s13], [sflag:$0x3] =	stream.linear.gather [hbm4b:s19+s1], $0x80, $0x38;
	[tilespmem:$0x8100] =	vst v63  }
0x17: {  	_ =	swait.ge [sflag:s12], $0x80  }
0x18: {  	[sflag:s12] =	ssyncset.done $0x0  }
0x19: {  	[sflag:s12] =	ssyncadd.s32 $0xFFFFFF80  }
0x1a: {  	[tilespmem:s15], [sflag:$0x2] =	stream.indirect.gather [hbm4b:s3+s13], $0x80, s13, s13, $0xb8;
	[tilespmem:$0x8100] =	vst v63  }
0x1b: {  	_ =	swait.ge [sflag:s16], $0x4000  }
0x1c: {  	[sflag:s16] =	ssyncset.done $0x0  }
0x1d: {  	[sflag:s16] =	ssyncadd.s32 $0xFFFFC000  }
0x1e: {  	[hbm4b:s10+s1] =	stream.linear.scatter [tilespmem:s14], [sflag:$0x3], $0x4000, $0x38;
	[tilespmem:$0x8100] =	vst v63  }
0x1f: {  	_ =	swait.ge [sflag:s12], $0x4000  }
0x20: {  	[sflag:s12] =	ssyncset.done $0x0  }
0x21: {  	s30 =	sadd.s32 $0x0, s9;
	[sflag:s12] =	ssyncadd.s32 $0xFFFFC000  }
0x22: {  	[tilespmem:s1], [sflag:$0x3] =	stream.linear.gather [hbm4b:s30+s1], $0x80, $0x38;
	[tilespmem:$0x8100] =	vst v63  }
0x23: {  	_ =	swait.ge [sflag:s12], $0x80  }
0x24: {  	[sflag:s12] =	ssyncset.done $0x0  }
0x25: {  	[sflag:s12] =	ssyncadd.s32 $0xFFFFFF80  }
0x26: {  	[tilespmem:s14], [sflag:$0x1] =	stream.indirect.gather [hbm4b:s3+s13], $0x80, s1, s13, $0xb8;
	[tilespmem:$0x8100] =	vst v63  }
0x27: {  	_ =	swait.ge [sflag:s17], $0x4000  }
0x28: {  	[sflag:s17] =	ssyncset.done $0x0  }
0x29: {  	s31 =	sadd.s32 $0x800, s10;
	[sflag:s17] =	ssyncadd.s32 $0xFFFFC000  }
0x2a: {  	[hbm4b:s31+s1] =	stream.linear.scatter [tilespmem:s15], [sflag:$0x3], $0x4000, $0x38;
	[tilespmem:$0x8100] =	vst v63  }
0x2b: {  	s20 =	simm.s32 $0x20;
	_ =	swait.ge [sflag:s12], $0x4000  }
0x2c: {  	s21 =	simm.s32 $0x40;
	s19 =	sadd.s32 $0x1000, s10;
	[sflag:s12] =	ssyncset.done $0x0  }
.LBB2_2:
0x2d: {  	s22 =	sadd.s32 s20, s11  }
0x2e: {  	[sflag:s12] =	ssyncadd.s32 $0xFFFFC000;
	s23 =	smov.u32 s21;
	s24 =	sadd.s32 $0x20, s21  }
0x2f: {  	[tilespmem:s13], [sflag:$0x3] =	stream.linear.gather [hbm4b:s22+s1], $0x80, $0x38;
	[tilespmem:$0x8100] =	vst v63  }
0x30: {  	p0 =	sne.s32 s21, $0x3C0;
	_ =	swait.ge [sflag:s12], $0x80  }
0x31: {  	[sflag:s12] =	ssyncset.done $0x0  }
0x32: {  	[sflag:s12] =	ssyncadd.s32 $0xFFFFFF80  }
0x33: {  	[tilespmem:s15], [sflag:$0x2] =	stream.indirect.gather [hbm4b:s3+s13], $0x80, s13, s13, $0xb8;
	[tilespmem:$0x8100] =	vst v63  }
0x34: {  	_ =	swait.ge [sflag:s16], $0x4000  }
0x35: {  	[sflag:s16] =	ssyncset.done $0x0  }
0x36: {  	[sflag:s16] =	ssyncadd.s32 $0xFFFFC000  }
0x37: {  	[hbm4b:s19+s1] =	stream.linear.scatter [tilespmem:s14], [sflag:$0x3], $0x4000, $0x38;
	[tilespmem:$0x8100] =	vst v63  }
0x38: {  	_ =	swait.ge [sflag:s12], $0x4000  }
0x39: {  	[sflag:s12] =	ssyncset.done $0x0  }
0x3a: {  	s21 =	sadd.s32 s20, s9;
	s20 =	smov.u32 s23;
	[sflag:s12] =	ssyncadd.s32 $0xFFFFC000  }
0x3b: {  	[tilespmem:s1], [sflag:$0x3] =	stream.linear.gather [hbm4b:s21+s1], $0x80, $0x38;
	[tilespmem:$0x8100] =	vst v63  }
0x3c: {  	_ =	swait.ge [sflag:s12], $0x80  }
0x3d: {  	[sflag:s12] =	ssyncset.done $0x0  }
0x3e: {  	[sflag:s12] =	ssyncadd.s32 $0xFFFFFF80  }
0x3f: {  	[tilespmem:s14], [sflag:$0x1] =	stream.indirect.gather [hbm4b:s3+s13], $0x80, s1, s13, $0xb8;
	[tilespmem:$0x8100] =	vst v63  }
0x40: {  	_ =	swait.ge [sflag:s17], $0x4000  }
.Ltmp0:
0x41: {  	[sflag:s17] =	ssyncset.done $0x0;
	(pc) =	sbr.rel @p0 .LBB2_2-.Ltmp0, $4  }
0x42: {  	s21 =	sadd.s32 $0x800, s19;
	[sflag:s17] =	ssyncadd.s32 $0xFFFFC000  }
0x43: {  	[hbm4b:s21+s1] =	stream.linear.scatter [tilespmem:s15], [sflag:$0x3], $0x4000, $0x38;
	[tilespmem:$0x8100] =	vst v63  }
0x44: {  	_ =	swait.ge [sflag:s12], $0x4000  }
0x45: {  	s19 =	sadd.s32 $0x1000, s19;
	s21 =	smov.u32 s24;
	[sflag:s12] =	ssyncset.done $0x0  }
0x46: {  	s21 =	sadd.s32 s20, s11;
	[sflag:s12] =	ssyncadd.s32 $0xFFFFC000  }
0x47: {  	[tilespmem:s13], [sflag:$0x3] =	stream.linear.gather [hbm4b:s21+s1], $0x80, $0x38;
	[tilespmem:$0x8100] =	vst v63  }
0x48: {  	_ =	swait.ge [sflag:s12], $0x80  }
0x49: {  	[sflag:s12] =	ssyncset.done $0x0  }
0x4a: {  	[sflag:s12] =	ssyncadd.s32 $0xFFFFFF80  }
0x4b: {  	[tilespmem:s15], [sflag:$0x2] =	stream.indirect.gather [hbm4b:s3+s13], $0x80, s13, s13, $0xb8;
	[tilespmem:$0x8100] =	vst v63  }
0x4c: {  	_ =	swait.ge [sflag:s16], $0x4000  }
0x4d: {  	[sflag:s16] =	ssyncset.done $0x0  }
0x4e: {  	[sflag:s16] =	ssyncadd.s32 $0xFFFFC000  }
0x4f: {  	[hbm4b:s19+s1] =	stream.linear.scatter [tilespmem:s14], [sflag:$0x3], $0x4000, $0x38;
	[tilespmem:$0x8100] =	vst v63  }
0x50: {  	_ =	swait.ge [sflag:s12], $0x4000  }
0x51: {  	[sflag:s12] =	ssyncset.done $0x0  }
0x52: {  	s30 =	sadd.s32 s20, s9;
	[sflag:s12] =	ssyncadd.s32 $0xFFFFC000  }
0x53: {  	[tilespmem:s1], [sflag:$0x3] =	stream.linear.gather [hbm4b:s30+s1], $0x80, $0x38;
	[tilespmem:$0x8100] =	vst v63  }
0x54: {  	_ =	swait.ge [sflag:s12], $0x80  }
0x55: {  	[sflag:s12] =	ssyncset.done $0x0  }
0x56: {  	[sflag:s12] =	ssyncadd.s32 $0xFFFFFF80  }
0x57: {  	[tilespmem:s14], [sflag:$0x1] =	stream.indirect.gather [hbm4b:s3+s13], $0x80, s1, s13, $0xb8;
	[tilespmem:$0x8100] =	vst v63  }
0x58: {  	_ =	swait.ge [sflag:s17], $0x4000  }
0x59: {  	[sflag:s17] =	ssyncset.done $0x0  }
0x5a: {  	s31 =	sadd.s32 $0x800, s19;
	[sflag:s17] =	ssyncadd.s32 $0xFFFFC000  }
0x5b: {  	[hbm4b:s31+s1] =	stream.linear.scatter [tilespmem:s15], [sflag:$0x3], $0x4000, $0x38;
	[tilespmem:$0x8100] =	vst v63  }
0x5c: {  	_ =	swait.ge [sflag:s12], $0x4000  }
0x5d: {  	[sflag:s12] =	ssyncset.done $0x0  }
0x5e: {  	[sflag:s12] =	ssyncadd.s32 $0xFFFFC000  }
0x5f: {  	[tilespmem:s13], [sflag:$0x3] =	stream.linear.gather [hbm4b:s6+s1], $0x80, $0x38;
	[tilespmem:$0x8100] =	vst v63  }
0x60: {  	_ =	swait.ge [sflag:s12], $0x80  }
0x61: {  	[sflag:s12] =	ssyncset.done $0x0  }
0x62: {  	[sflag:s12] =	ssyncadd.s32 $0xFFFFFF80  }
0x63: {  	[tilespmem:s15], [sflag:$0x2] =	stream.indirect.gather [hbm4b:s3+s13], $0x80, s13, s13, $0xb8;
	[tilespmem:$0x8100] =	vst v63  }
0x64: {  	_ =	swait.ge [sflag:s16], $0x4000  }
0x65: {  	[sflag:s16] =	ssyncset.done $0x0  }
0x66: {  	[sflag:s16] =	ssyncadd.s32 $0xFFFFC000  }
0x67: {  	[hbm4b:s7+s1] =	stream.linear.scatter [tilespmem:s14], [sflag:$0x3], $0x4000, $0x38;
	[tilespmem:$0x8100] =	vst v63  }
0x68: {  	_ =	swait.ge [sflag:s12], $0x4000  }
0x69: {  	[sflag:s12] =	ssyncset.done $0x0  }
0x6a: {  	[sflag:s12] =	ssyncadd.s32 $0xFFFFC000  }
0x6b: {  	s18 =	sadd.s32 $0x1, s18;
	_ =	swait.ge [sflag:s17], $0x4000  }
0x6c: {  	p0 =	sne.s32 s18, s5;
	[sflag:s17] =	ssyncset.done $0x0  }
.Ltmp1:
0x6d: {  	[sflag:s17] =	ssyncadd.s32 $0xFFFFC000;
	(pc) =	sbr.rel @p0 .LBB2_1-.Ltmp1, $4  }
0x6e: {  	[hbm4b:s8+s1] =	stream.linear.scatter [tilespmem:s15], [sflag:$0x3], $0x4000, $0x38;
	[tilespmem:$0x8100] =	vst v63  }
0x6f: {  	_ =	swait.ge [sflag:s12], $0x4000  }
0x70: {  	[sflag:s12] =	ssyncset.done $0x0  }
0x71: {  	[sflag:s12] =	ssyncadd.s32 $0xFFFFC000  }
0x72: {  	_ =	sfence.sel $0x180000  }
0x73: {  	[bflag:$0x0] =	sbarrier.arrive $0xFFFF  }
0x74: {  	p0 =	sne.s32 s2, $0x0;
	_ =	strace $0x9000005C  }
0x75: {  	s0 =	sadd.s32 @!p0 $0x100000, s0;
	[bflag:$0x2] =	sbarrier.arrive $0xFFFF  }
0x76: {  	[sflag:s0] =	ssyncadd.tile.s32 @!p0 $0x1;
	_ =	shalt  }
.Lfunc_end2:
_tile_overlayer_lowered:
.L_overlay_start_2:
0x77: {  	(tag) =	ssettag $0x2  }
0x78: {  	s0 =	rddreg [dreg:$0x0];
	s2 =	stileid.u32  }
0x79: {  	s1 =	rddreg [dreg:$0x1];
	p0 =	sne.s32 s2, $0x0  }
0x7a: {  	s3 =	rddreg [dreg:$0x2];
	[bflag:$0x3] =	sbarrier.arrive $0xFFFF;
	s2 =	simm.s32 @!p0 $0x1C03  }
0x7b: {  	[timem:s3], [sflag:s2] =	dma.local @!p0 [hbm:s0], s1  }
0x7c: {  	s0 =	simm.s32 @!p0 $0x3  }
0x7d: {  	_ =	swait.ge @!p0 [sflag:s0], s1  }
0x7e: {  	s1 =	ssub.s32 @!p0 $0x0, s1;
	[sflag:s0] =	ssyncset.done @!p0 $0x0  }
0x7f: {  	[sflag:s0] =	ssyncadd.s32 @!p0 s1  }
0x80: {  	[bflag:$0x3] =	sbarrier.arrive $0xFFFF  }
0x81: {  	_ =	shalt  }

</sc_bundles>
